<compile_context>
chip_gen: v7x
topology: tpu7x:2x2x1
jax: 0.10.2.dev20260603
libtpu: 0.0.44.dev20260713+nightly
codegen_flags: <defaults>
</compile_context>

<pallas_src>
import functools

import jax
import jax.numpy as jnp
from jax import lax
from jax.experimental import pallas as pl
from jax.experimental.pallas import tpu as pltpu
from jax.experimental.pallas import tpu_sc as plsc

_N = 8192
_K = 16
_R = 256
_RM = 256


_C = 512
_BIG = 1 << 20


def _topk_body(c0b_ref, nact_ref, xb_ref, xfc_ref, brow_ref, bcolc_ref,
               idx_ref, cval_ref, cgid_ref, *, d):
    i = pl.program_id(0)
    j = pl.program_id(1)
    active = (j == 0) | (j - 1 < nact_ref[i])

    @pl.when(active)
    def _():
        chunk = jnp.where(j == 0, 0,
                          jnp.minimum(c0b_ref[i] + j - 1,
                                      c0b_ref[i] + nact_ref[i] - 1))
        xb = xb_ref[...]
        xfc = xfc_ref[...]
        sqc = lax.dot_general(
            jnp.ones((8, d), jnp.float32), xfc * xfc,
            (((1,), (1,)), ((), ())),
            precision=lax.Precision.HIGHEST,
            preferred_element_type=jnp.float32)[0:1, :]
        score = lax.dot_general(xb.astype(jnp.bfloat16),
                                xfc.astype(jnp.bfloat16),
                                (((1,), (1,)), ((), ())),
                                preferred_element_type=jnp.float32)
        score = sqc - 2.0 * score
        same = brow_ref[...] == bcolc_ref[...]
        score = jnp.where(same, score, jnp.inf)
        fbig = jnp.float32(_BIG)
        gid = ((chunk * _C).astype(jnp.float32) +
               lax.broadcasted_iota(jnp.int32, score.shape, 1
                                    ).astype(jnp.float32))

        cv = jnp.where(j == 0, jnp.inf, cval_ref[...])
        cg = jnp.where(j == 0, fbig, cgid_ref[...])
        val = jnp.concatenate([cv, score], axis=1)
        gids = jnp.concatenate([cg, gid], axis=1)
        new_v, new_g = [], []
        for _ in range(_K):
            m = jnp.min(val, axis=1, keepdims=True)
            g = jnp.min(jnp.where(val == m, gids, fbig), axis=1,
                        keepdims=True)
            new_v.append(m)
            new_g.append(g)
            hit = gids == g
            val = jnp.where(hit, jnp.inf, val)
            gids = jnp.where(hit, fbig, gids)
        cval_ref[...] = jnp.concatenate(new_v, axis=1)
        ng = jnp.concatenate(new_g, axis=1)
        cgid_ref[...] = ng
        idx_ref[...] = ng.astype(jnp.int32)


@functools.lru_cache(maxsize=None)
def _topk_call(d):
    nb = _N // _R

    def chunk_map(i, j, c0b, nact):
        return (jnp.where(j == 0, 0,
                          jnp.minimum(c0b[i] + j - 1, c0b[i] + nact[i] - 1)),
                0)

    return pl.pallas_call(
        functools.partial(_topk_body, d=d),
        grid_spec=pltpu.PrefetchScalarGridSpec(
            num_scalar_prefetch=2,
            grid=(nb, 1 + _N // _C),
            in_specs=[
                pl.BlockSpec((_R, d), lambda i, j, c0b, nact: (i, 0)),
                pl.BlockSpec((_C, d), chunk_map),
                pl.BlockSpec((_R, 1), lambda i, j, c0b, nact: (i, 0)),
                pl.BlockSpec((1, _C),
                             lambda i, j, c0b, nact: (0, chunk_map(i, j, c0b, nact)[0])),
            ],
            out_specs=pl.BlockSpec((_R, _K), lambda i, j, c0b, nact: (i, 0)),
            scratch_shapes=[pltpu.VMEM((_R, _K), jnp.float32),
                            pltpu.VMEM((_R, _K), jnp.float32)],
        ),
        out_shape=jax.ShapeDtypeStruct((_N, _K), jnp.int32),
        compiler_params=pltpu.CompilerParams(
            dimension_semantics=("arbitrary", "arbitrary")),
    )


_CH = 128
_NHALF = _N // 2


@functools.lru_cache(maxsize=None)
def _sc_gather(d):
    mesh = plsc.VectorSubcoreMesh(core_axis_name="c", subcore_axis_name="s")

    @functools.partial(
        pl.kernel, mesh=mesh,
        out_type=jax.ShapeDtypeStruct((_K, _N, d), jnp.float32),
        scratch_types=[
            pltpu.VMEM((_CH,), jnp.int32),
            pltpu.VMEM((_CH,), jnp.int32),
            pltpu.VMEM((_CH, d), jnp.float32),
            pltpu.VMEM((_CH, d), jnp.float32),
            pltpu.SemaphoreType.DMA,
            pltpu.SemaphoreType.DMA,
        ])
    def k(x_hbm, idxT_hbm, out_hbm, i0, i1, st0, st1, s0, s1):
        wid = lax.axis_index("s") * 2 + lax.axis_index("c")
        kk = wid // 2
        base = (wid % 2) * _NHALF
        nch = _NHALF // _CH

        def load(c, iv, stv, sv):
            pltpu.sync_copy(idxT_hbm.at[kk, pl.ds(base + c * _CH, _CH)], iv)
            pltpu.async_copy(x_hbm.at[iv], stv, sv)

        load(0, i0, st0, s0)
        load(1, i1, st1, s1)

        def body(g, carry):
            for bsel, (iv, stv, sv) in enumerate(((i0, st0, s0),
                                                  (i1, st1, s1))):
                c = 2 * g + bsel
                pltpu.make_async_copy(x_hbm.at[pl.ds(0, _CH)], stv, sv).wait()
                pltpu.sync_copy(stv, out_hbm.at[kk, pl.ds(base + c * _CH, _CH)])
                nc = c + 2

                @pl.when(nc < nch)
                def _():
                    load(nc, iv, stv, sv)
            return carry

        lax.fori_loop(0, nch // 2, body, 0)

    return k


def _msg_body(xb_ref, xj_ref, Wat_ref, Wbt_ref, b_ref, o_ref, *, relu):
    xb = xb_ref[...]
    apart = lax.dot_general(xb.astype(jnp.bfloat16), Wat_ref[...],
                            (((1,), (0,)), ((), ())),
                            preferred_element_type=jnp.float32)
    m = None
    for k in range(_K):
        dm = (xj_ref[k] - xb).astype(jnp.bfloat16)
        b2 = lax.dot_general(dm, Wbt_ref[...], (((1,), (0,)), ((), ())),
                             preferred_element_type=jnp.float32)
        m = b2 if m is None else jnp.maximum(m, b2)
    res = apart + b_ref[...] + m
    if relu:
        res = jnp.maximum(res, 0.0)
    o_ref[...] = res


@functools.lru_cache(maxsize=None)
def _msg_call(d, dout, relu):
    return pl.pallas_call(
        functools.partial(_msg_body, relu=relu),
        grid=(_N // _RM,),
        in_specs=[
            pl.BlockSpec((_RM, d), lambda i: (i, 0)),
            pl.BlockSpec((_K, _RM, d), lambda i: (0, i, 0)),
            pl.BlockSpec((d, dout), lambda i: (0, 0)),
            pl.BlockSpec((d, dout), lambda i: (0, 0)),
            pl.BlockSpec((1, dout), lambda i: (0, 0)),
        ],
        out_specs=pl.BlockSpec((_RM, dout), lambda i: (i, 0)),
        out_shape=jax.ShapeDtypeStruct((_N, dout), jnp.float32),
        compiler_params=pltpu.CompilerParams(
            dimension_semantics=("arbitrary",)),
    )


def _layer(x, brow, bcol, c0b, nact, W, b, relu):
    d = x.shape[1]
    dout = W.shape[0]
    idx = _topk_call(d)(c0b, nact, x, x, brow, bcol)
    idxT = jnp.transpose(idx)
    xj = _sc_gather(d)(x, idxT)
    Wat16 = jnp.transpose(W[:, :d]).astype(jnp.bfloat16)
    Wbt16 = jnp.transpose(W[:, d:]).astype(jnp.bfloat16)
    return _msg_call(d, dout, relu)(x, xj, Wat16, Wbt16, b.reshape(1, dout))


def kernel(x, batch, W1, b1, W2, b2, W3, b3):
    b32 = batch.astype(jnp.int32)
    brow = b32.reshape(_N, 1)
    bcol = b32.reshape(1, _N)
    segs = jnp.arange(8, dtype=jnp.int32)
    starts = jnp.searchsorted(b32, segs, side="left").astype(jnp.int32)
    ends = jnp.searchsorted(b32, segs, side="right").astype(jnp.int32)
    s0 = b32[::_R]
    s1 = b32[_R - 1::_R]
    c0 = starts[s0]
    c1 = ends[s1]
    c0b = (c0 // _C).astype(jnp.int32)
    nact = ((c1 - 1) // _C - c0b + 1).astype(jnp.int32)
    h = _layer(x, brow, bcol, c0b, nact, W1, b1, True)
    h = _layer(h, brow, bcol, c0b, nact, W2, b2, True)
    h = _layer(h, brow, bcol, c0b, nact, W3, b3, False)
    return h

# --- scband reference (transcript-rebuilt; emitter-appended) ---
"""Pipeline reference for scband-my-dynamic-edge-conv-29386166239376 (READ-ONLY COPY).

The authoritative reference and input builder live on the scoring server;
editing this copy changes nothing except your own understanding.
"""

import jax, jax.numpy as jnp
import numpy as np

K = 16

def edgeconv(x, batch, W, b, k):
    # knn graph within each batch segment (self included, like torch_cluster knn)
    sq = jnp.sum(x * x, axis=1)
    dist = sq[:, None] + sq[None, :] - 2.0 * (x @ x.T)
    same = batch[:, None] == batch[None, :]
    dist = jnp.where(same, dist, jnp.inf)
    _, idx = jax.lax.top_k(-dist, k)  # [N, k] neighbor indices
    xj = x[idx]                        # gather: [N, k, d]
    xi = jnp.broadcast_to(x[:, None, :], xj.shape)
    msg = jnp.concatenate([xi, xj - xi], axis=-1)  # [N, k, 2d]
    h = msg @ W.T + b                  # [N, k, out]
    return jnp.max(h, axis=1)          # max aggregation over neighbors


def setup_inputs(seed: int = 0):
    key = jax.random.key(seed)
    ks = jax.random.split(key, 8)
    N, d_in, d_h, d_out = 8192, 128, 256, 256
    x = jax.random.normal(ks[0], (N, d_in), dtype=jnp.float32)
    batch = jnp.sort(jax.random.randint(ks[1], (N,), 0, 8)).astype(jnp.int64)

    def lin(k1, k2, fin, fout):
        lim = 1.0 / np.sqrt(fin)
        W = jax.random.uniform(k1, (fout, fin), minval=-lim, maxval=lim, dtype=jnp.float32)
        b = jax.random.uniform(k2, (fout,), minval=-lim, maxval=lim, dtype=jnp.float32)
        return W, b

    W1, b1 = lin(ks[2], ks[3], 2 * d_in, d_h)
    W2, b2 = lin(ks[4], ks[5], 2 * d_h, d_h)
    W3, b3 = lin(ks[6], ks[7], 2 * d_h, d_out)
    return {"x": x, "batch": batch, "W1": W1, "b1": b1, "W2": W2, "b2": b2, "W3": W3, "b3": b3}


def reference(x, batch, W1, b1, W2, b2, W3, b3):
    # F.dropout(p=0.6) is identity in eval mode
    h = edgeconv(x, batch, W1, b1, K)
    h = jax.nn.relu(h)
    h = edgeconv(h, batch, W2, b2, K)
    h = jax.nn.relu(h)
    h = edgeconv(h, batch, W3, b3, K)
    return h

if __name__ == "__main__":
    import jax
    _d = setup_inputs()
    print(jax.jit(kernel)(*tuple(_d.values())))

</pallas_src>

<mosaic_0001>
#map = affine_map<(d0, d1) -> (0, 0)>
#map1 = affine_map<(d0, d1) -> (0, 0, 0)>
module attributes {stable_mosaic.version = 14 : i64} {
  func.func @k(%arg0: i32, %arg1: i32, %arg2: memref<8192x128xf32, #tpu.memory_space<hbm>>, %arg3: memref<16x8192xi32, #tpu.memory_space<hbm>>, %arg4: memref<16x8192x128xf32, #tpu.memory_space<hbm>>, %arg5: memref<128xi32, #tpu.memory_space<vmem>>, %arg6: memref<128xi32, #tpu.memory_space<vmem>>, %arg7: memref<128x128xf32, #tpu.memory_space<vmem>>, %arg8: memref<128x128xf32, #tpu.memory_space<vmem>>, %arg9: memref<!tpu.dma_semaphore, #tpu.memory_space<semaphore_mem>>, %arg10: memref<!tpu.dma_semaphore, #tpu.memory_space<semaphore_mem>>) attributes {dimension_semantics = [#tpu.dimension_semantics<core_parallel>, #tpu.dimension_semantics<subcore_parallel>], iteration_bounds = array<i64: 2, 16>, scalar_prefetch = 0 : i64, scratch_operands = 6 : i64, tpu.core_type = #tpu.core_type<sc_vector_subcore>, window_params = [{transform_indices = #map}, {transform_indices = #map}, {transform_indices = #map1}]} {
    %mul3A = arith.constant 2 : i32
    %mul3A_0 = arith.muli %arg1, %mul3A : i32
    %add3A = arith.addi %mul3A_0, %arg0 : i32
    %jit3A = arith.constant 2 : i32
    %div3A = arith.divsi %add3A, %jit3A : i32
    %sign3A = arith.constant 0 : i32
    %sign3A_1 = arith.cmpi sgt, %add3A, %sign3A : i32
    %sign3A_2 = arith.extui %sign3A_1 : i1 to i32
    %sign3A_3 = arith.constant 0 : i32
    %sign3A_4 = arith.cmpi slt, %add3A, %sign3A_3 : i32
    %sign3A_5 = arith.extui %sign3A_4 : i1 to i32
    %sign3A_6 = arith.subi %sign3A_2, %sign3A_5 : i32
    %sign3A_7 = arith.constant 0 : i32
    %sign3A_8 = arith.cmpi sgt, %jit3A, %sign3A_7 : i32
    %sign3A_9 = arith.extui %sign3A_8 : i1 to i32
    %sign3A_10 = arith.constant 0 : i32
    %sign3A_11 = arith.cmpi slt, %jit3A, %sign3A_10 : i32
    %sign3A_12 = arith.extui %sign3A_11 : i1 to i32
    %sign3A_13 = arith.subi %sign3A_9, %sign3A_12 : i32
    %ne3A = arith.cmpi ne, %sign3A_6, %sign3A_13 : i32
    %rem3A = arith.remsi %add3A, %jit3A : i32
    %ne3A_14 = arith.constant 0 : i32
    %ne3A_15 = arith.cmpi ne, %rem3A, %ne3A_14 : i32
    %and3A = arith.andi %ne3A, %ne3A_15 : i1
    %sub3A = arith.constant 1 : i32
    %sub3A_16 = arith.subi %div3A, %sub3A : i32
    %select_n3A = arith.select %and3A, %sub3A_16, %div3A : i32
    %jit3A_17 = arith.constant 2 : i32
    %eq3A = arith.constant 0 : i32
    %eq3A_18 = arith.cmpi eq, %jit3A_17, %eq3A : i32
    %jit3A_19 = arith.constant 1 : i32
    %select_n3A_20 = arith.select %eq3A_18, %jit3A_19, %jit3A_17 : i32
    %rem3A_21 = arith.remsi %add3A, %select_n3A_20 : i32
    %ne3A_22 = arith.constant 0 : i32
    %ne3A_23 = arith.cmpi ne, %rem3A_21, %ne3A_22 : i32
    %lt3A = arith.constant 0 : i32
    %lt3A_24 = arith.cmpi slt, %rem3A_21, %lt3A : i32
    %lt3A_25 = arith.constant 0 : i32
    %lt3A_26 = arith.cmpi slt, %select_n3A_20, %lt3A_25 : i32
    %ne3A_27 = arith.xori %lt3A_24, %lt3A_26 : i1
    %and3A_28 = arith.andi %ne3A_27, %ne3A_23 : i1
    %add3A_29 = arith.addi %rem3A_21, %select_n3A_20 : i32
    %select_n3A_30 = arith.select %and3A_28, %add3A_29, %rem3A_21 : i32
    %mul3A_31 = arith.constant 4096 : i32
    %mul3A_32 = arith.muli %select_n3A_30, %mul3A_31 : i32
    %add3A_33 = arith.constant 0 : i32
    %add3A_34 = arith.addi %mul3A_32, %add3A_33 : i32
    "tpu.region"() ({
      %run_scoped3A = tpu.sem_alloc : memref<!tpu.dma_semaphore, #tpu.memory_space<semaphore_mem>>
      %dma_start3A_47 = tpu.memref_slice %arg3[%select_n3A, %add3A_34] : memref<16x8192xi32, #tpu.memory_space<hbm>> -> memref<1x128xi32, #tpu.memory_space<hbm>>
      %dma_start3A_48 = tpu.memref_squeeze %dma_start3A_47 : memref<1x128xi32, #tpu.memory_space<hbm>> -> memref<128xi32, #tpu.memory_space<hbm>>
      %dma_start3A_49 = tpu.memref_slice %arg3[%select_n3A, %add3A_34] : memref<16x8192xi32, #tpu.memory_space<hbm>> -> memref<1x128xi32, #tpu.memory_space<hbm>>
      %dma_start3A_50 = tpu.memref_squeeze %dma_start3A_49 : memref<1x128xi32, #tpu.memory_space<hbm>> -> memref<128xi32, #tpu.memory_space<hbm>>
      tpu.enqueue_dma source(%dma_start3A_50 : memref<128xi32, #tpu.memory_space<hbm>>) target(%arg5 : memref<128xi32, #tpu.memory_space<vmem>>) target_semaphore(%run_scoped3A : memref<!tpu.dma_semaphore, #tpu.memory_space<semaphore_mem>>)
      %dma_wait3A = tpu.memref_slice %arg3[%select_n3A, %add3A_34] : memref<16x8192xi32, #tpu.memory_space<hbm>> -> memref<1x128xi32, #tpu.memory_space<hbm>>
      %dma_wait3A_51 = tpu.memref_squeeze %dma_wait3A : memref<1x128xi32, #tpu.memory_space<hbm>> -> memref<128xi32, #tpu.memory_space<hbm>>
      %dma_wait3A_52 = tpu.memref_slice %arg3[%select_n3A, %add3A_34] : memref<16x8192xi32, #tpu.memory_space<hbm>> -> memref<1x128xi32, #tpu.memory_space<hbm>>
      %dma_wait3A_53 = tpu.memref_squeeze %dma_wait3A_52 : memref<1x128xi32, #tpu.memory_space<hbm>> -> memref<128xi32, #tpu.memory_space<hbm>>
      tpu.wait_dma2 semaphore(%run_scoped3A : memref<!tpu.dma_semaphore, #tpu.memory_space<semaphore_mem>>) src(%dma_wait3A_53 : memref<128xi32, #tpu.memory_space<hbm>>) dst(%arg5 : memref<128xi32, #tpu.memory_space<vmem>>)
      tpu.yield
    }) : () -> ()
    %dma_start3A = arith.constant 0 : i32
    %dma_start3A_35 = arith.constant 0 : i32
    %dma_start3A_36 = tpu.memref_slice %arg2[%dma_start3A, %dma_start3A_35] : memref<8192x128xf32, #tpu.memory_space<hbm>> -> memref<8192x128xf32, #tpu.memory_space<hbm>>
    tpu.enqueue_indirect_dma source(%dma_start3A_36 : memref<8192x128xf32, #tpu.memory_space<hbm>>) target(%arg7 : memref<128x128xf32, #tpu.memory_space<vmem>>) offsets(%arg5 : memref<128xi32, #tpu.memory_space<vmem>>) semaphore(%arg9 : memref<!tpu.dma_semaphore, #tpu.memory_space<semaphore_mem>>)
    %add3A_37 = arith.constant 128 : i32
    %add3A_38 = arith.addi %mul3A_32, %add3A_37 : i32
    "tpu.region"() ({
      %run_scoped3A = tpu.sem_alloc : memref<!tpu.dma_semaphore, #tpu.memory_space<semaphore_mem>>
      %dma_start3A_47 = tpu.memref_slice %arg3[%select_n3A, %add3A_38] : memref<16x8192xi32, #tpu.memory_space<hbm>> -> memref<1x128xi32, #tpu.memory_space<hbm>>
      %dma_start3A_48 = tpu.memref_squeeze %dma_start3A_47 : memref<1x128xi32, #tpu.memory_space<hbm>> -> memref<128xi32, #tpu.memory_space<hbm>>
      %dma_start3A_49 = tpu.memref_slice %arg3[%select_n3A, %add3A_38] : memref<16x8192xi32, #tpu.memory_space<hbm>> -> memref<1x128xi32, #tpu.memory_space<hbm>>
      %dma_start3A_50 = tpu.memref_squeeze %dma_start3A_49 : memref<1x128xi32, #tpu.memory_space<hbm>> -> memref<128xi32, #tpu.memory_space<hbm>>
      tpu.enqueue_dma source(%dma_start3A_50 : memref<128xi32, #tpu.memory_space<hbm>>) target(%arg6 : memref<128xi32, #tpu.memory_space<vmem>>) target_semaphore(%run_scoped3A : memref<!tpu.dma_semaphore, #tpu.memory_space<semaphore_mem>>)
      %dma_wait3A = tpu.memref_slice %arg3[%select_n3A, %add3A_38] : memref<16x8192xi32, #tpu.memory_space<hbm>> -> memref<1x128xi32, #tpu.memory_space<hbm>>
      %dma_wait3A_51 = tpu.memref_squeeze %dma_wait3A : memref<1x128xi32, #tpu.memory_space<hbm>> -> memref<128xi32, #tpu.memory_space<hbm>>
      %dma_wait3A_52 = tpu.memref_slice %arg3[%select_n3A, %add3A_38] : memref<16x8192xi32, #tpu.memory_space<hbm>> -> memref<1x128xi32, #tpu.memory_space<hbm>>
      %dma_wait3A_53 = tpu.memref_squeeze %dma_wait3A_52 : memref<1x128xi32, #tpu.memory_space<hbm>> -> memref<128xi32, #tpu.memory_space<hbm>>
      tpu.wait_dma2 semaphore(%run_scoped3A : memref<!tpu.dma_semaphore, #tpu.memory_space<semaphore_mem>>) src(%dma_wait3A_53 : memref<128xi32, #tpu.memory_space<hbm>>) dst(%arg6 : memref<128xi32, #tpu.memory_space<vmem>>)
      tpu.yield
    }) : () -> ()
    %dma_start3A_39 = arith.constant 0 : i32
    %dma_start3A_40 = arith.constant 0 : i32
    %dma_start3A_41 = tpu.memref_slice %arg2[%dma_start3A_39, %dma_start3A_40] : memref<8192x128xf32, #tpu.memory_space<hbm>> -> memref<8192x128xf32, #tpu.memory_space<hbm>>
    tpu.enqueue_indirect_dma source(%dma_start3A_41 : memref<8192x128xf32, #tpu.memory_space<hbm>>) target(%arg8 : memref<128x128xf32, #tpu.memory_space<vmem>>) offsets(%arg6 : memref<128xi32, #tpu.memory_space<vmem>>) semaphore(%arg10 : memref<!tpu.dma_semaphore, #tpu.memory_space<semaphore_mem>>)
    %scan3A = arith.constant 0 : i32
    %scan3A_42 = arith.constant 0 : i32
    %scan3A_43 = arith.constant 16 : i32
    %scan3A_44 = arith.addi %scan3A_42, %scan3A_43 : i32
    %scan3A_45 = arith.constant 1 : i32
    scf.for %scan3A_47 = %scan3A_42 to %scan3A_44 step %scan3A_45  : i32 {
      %mul3A_48 = arith.constant 2 : i32
      %mul3A_49 = arith.muli %mul3A_48, %scan3A_47 : i32
      %add3A_50 = arith.constant 0 : i32
      %add3A_51 = arith.addi %mul3A_49, %add3A_50 : i32
      %dma_wait3A = arith.constant 0 : i32
      %dma_wait3A_52 = arith.constant 0 : i32
      %dma_wait3A_53 = tpu.memref_slice %arg2[%dma_wait3A, %dma_wait3A_52] : memref<8192x128xf32, #tpu.memory_space<hbm>> -> memref<128x128xf32, #tpu.memory_space<hbm>>
      %dma_wait3A_54 = arith.constant 0 : i32
      %dma_wait3A_55 = arith.constant 0 : i32
      %dma_wait3A_56 = tpu.memref_slice %arg2[%dma_wait3A_54, %dma_wait3A_55] : memref<8192x128xf32, #tpu.memory_space<hbm>> -> memref<128x128xf32, #tpu.memory_space<hbm>>
      tpu.wait_dma2 semaphore(%arg9 : memref<!tpu.dma_semaphore, #tpu.memory_space<semaphore_mem>>) src(%dma_wait3A_56 : memref<128x128xf32, #tpu.memory_space<hbm>>) dst(%arg7 : memref<128x128xf32, #tpu.memory_space<vmem>>)
      %mul3A_57 = arith.constant 128 : i32
      %mul3A_58 = arith.muli %add3A_51, %mul3A_57 : i32
      %add3A_59 = arith.addi %mul3A_32, %mul3A_58 : i32
      "tpu.region"() ({
        %run_scoped3A = tpu.sem_alloc : memref<!tpu.dma_semaphore, #tpu.memory_space<semaphore_mem>>
        %dma_start3A_85 = arith.constant 0 : i32
        %dma_start3A_86 = tpu.memref_slice %arg4[%select_n3A, %add3A_59, %dma_start3A_85] : memref<16x8192x128xf32, #tpu.memory_space<hbm>> -> memref<1x128x128xf32, #tpu.memory_space<hbm>>
        %dma_start3A_87 = tpu.memref_squeeze %dma_start3A_86 : memref<1x128x128xf32, #tpu.memory_space<hbm>> -> memref<128x128xf32, #tpu.memory_space<hbm>>
        %dma_start3A_88 = arith.constant 0 : i32
        %dma_start3A_89 = tpu.memref_slice %arg4[%select_n3A, %add3A_59, %dma_start3A_88] : memref<16x8192x128xf32, #tpu.memory_space<hbm>> -> memref<1x128x128xf32, #tpu.memory_space<hbm>>
        %dma_start3A_90 = tpu.memref_squeeze %dma_start3A_89 : memref<1x128x128xf32, #tpu.memory_space<hbm>> -> memref<128x128xf32, #tpu.memory_space<hbm>>
        tpu.enqueue_dma source(%arg7 : memref<128x128xf32, #tpu.memory_space<vmem>>) target(%dma_start3A_90 : memref<128x128xf32, #tpu.memory_space<hbm>>) target_semaphore(%run_scoped3A : memref<!tpu.dma_semaphore, #tpu.memory_space<semaphore_mem>>)
        %dma_wait3A_91 = arith.constant 0 : i32
        %dma_wait3A_92 = tpu.memref_slice %arg4[%select_n3A, %add3A_59, %dma_wait3A_91] : memref<16x8192x128xf32, #tpu.memory_space<hbm>> -> memref<1x128x128xf32, #tpu.memory_space<hbm>>
        %dma_wait3A_93 = tpu.memref_squeeze %dma_wait3A_92 : memref<1x128x128xf32, #tpu.memory_space<hbm>> -> memref<128x128xf32, #tpu.memory_space<hbm>>
        %dma_wait3A_94 = arith.constant 0 : i32
        %dma_wait3A_95 = tpu.memref_slice %arg4[%select_n3A, %add3A_59, %dma_wait3A_94] : memref<16x8192x128xf32, #tpu.memory_space<hbm>> -> memref<1x128x128xf32, #tpu.memory_space<hbm>>
        %dma_wait3A_96 = tpu.memref_squeeze %dma_wait3A_95 : memref<1x128x128xf32, #tpu.memory_space<hbm>> -> memref<128x128xf32, #tpu.memory_space<hbm>>
        tpu.wait_dma2 semaphore(%run_scoped3A : memref<!tpu.dma_semaphore, #tpu.memory_space<semaphore_mem>>) src(%arg7 : memref<128x128xf32, #tpu.memory_space<vmem>>) dst(%dma_wait3A_96 : memref<128x128xf32, #tpu.memory_space<hbm>>)
        tpu.yield
      }) : () -> ()
      %add3A_60 = arith.constant 2 : i32
      %add3A_61 = arith.addi %add3A_51, %add3A_60 : i32
      %lt3A_62 = arith.constant 32 : i32
      %lt3A_63 = arith.cmpi slt, %add3A_61, %lt3A_62 : i32
      %convert_element_type3A = arith.extui %lt3A_63 : i1 to i32
      %cond3A = arith.constant 0 : i32
      %cond3A_64 = arith.cmpi ne, %convert_element_type3A, %cond3A : i32
      scf.if %cond3A_64 {
        %mul3A_85 = arith.constant 128 : i32
        %mul3A_86 = arith.muli %add3A_61, %mul3A_85 : i32
        %add3A_87 = arith.addi %mul3A_32, %mul3A_86 : i32
        "tpu.region"() ({
          %run_scoped3A = tpu.sem_alloc : memref<!tpu.dma_semaphore, #tpu.memory_space<semaphore_mem>>
          %dma_start3A_91 = tpu.memref_slice %arg3[%select_n3A, %add3A_87] : memref<16x8192xi32, #tpu.memory_space<hbm>> -> memref<1x128xi32, #tpu.memory_space<hbm>>
          %dma_start3A_92 = tpu.memref_squeeze %dma_start3A_91 : memref<1x128xi32, #tpu.memory_space<hbm>> -> memref<128xi32, #tpu.memory_space<hbm>>
          %dma_start3A_93 = tpu.memref_slice %arg3[%select_n3A, %add3A_87] : memref<16x8192xi32, #tpu.memory_space<hbm>> -> memref<1x128xi32, #tpu.memory_space<hbm>>
          %dma_start3A_94 = tpu.memref_squeeze %dma_start3A_93 : memref<1x128xi32, #tpu.memory_space<hbm>> -> memref<128xi32, #tpu.memory_space<hbm>>
          tpu.enqueue_dma source(%dma_start3A_94 : memref<128xi32, #tpu.memory_space<hbm>>) target(%arg5 : memref<128xi32, #tpu.memory_space<vmem>>) target_semaphore(%run_scoped3A : memref<!tpu.dma_semaphore, #tpu.memory_space<semaphore_mem>>)
          %dma_wait3A_95 = tpu.memref_slice %arg3[%select_n3A, %add3A_87] : memref<16x8192xi32, #tpu.memory_space<hbm>> -> memref<1x128xi32, #tpu.memory_space<hbm>>
          %dma_wait3A_96 = tpu.memref_squeeze %dma_wait3A_95 : memref<1x128xi32, #tpu.memory_space<hbm>> -> memref<128xi32, #tpu.memory_space<hbm>>
          %dma_wait3A_97 = tpu.memref_slice %arg3[%select_n3A, %add3A_87] : memref<16x8192xi32, #tpu.memory_space<hbm>> -> memref<1x128xi32, #tpu.memory_space<hbm>>
          %dma_wait3A_98 = tpu.memref_squeeze %dma_wait3A_97 : memref<1x128xi32, #tpu.memory_space<hbm>> -> memref<128xi32, #tpu.memory_space<hbm>>
          tpu.wait_dma2 semaphore(%run_scoped3A : memref<!tpu.dma_semaphore, #tpu.memory_space<semaphore_mem>>) src(%dma_wait3A_98 : memref<128xi32, #tpu.memory_space<hbm>>) dst(%arg5 : memref<128xi32, #tpu.memory_space<vmem>>)
          tpu.yield
        }) : () -> ()
        %dma_start3A_88 = arith.constant 0 : i32
        %dma_start3A_89 = arith.constant 0 : i32
        %dma_start3A_90 = tpu.memref_slice %arg2[%dma_start3A_88, %dma_start3A_89] : memref<8192x128xf32, #tpu.memory_space<hbm>> -> memref<8192x128xf32, #tpu.memory_space<hbm>>
        tpu.enqueue_indirect_dma source(%dma_start3A_90 : memref<8192x128xf32, #tpu.memory_space<hbm>>) target(%arg7 : memref<128x128xf32, #tpu.memory_space<vmem>>) offsets(%arg5 : memref<128xi32, #tpu.memory_space<vmem>>) semaphore(%arg9 : memref<!tpu.dma_semaphore, #tpu.memory_space<semaphore_mem>>)
      } else {
      }
      %mul3A_65 = arith.constant 2 : i32
      %mul3A_66 = arith.muli %mul3A_65, %scan3A_47 : i32
      %add3A_67 = arith.constant 1 : i32
      %add3A_68 = arith.addi %mul3A_66, %add3A_67 : i32
      %dma_wait3A_69 = arith.constant 0 : i32
      %dma_wait3A_70 = arith.constant 0 : i32
      %dma_wait3A_71 = tpu.memref_slice %arg2[%dma_wait3A_69, %dma_wait3A_70] : memref<8192x128xf32, #tpu.memory_space<hbm>> -> memref<128x128xf32, #tpu.memory_space<hbm>>
      %dma_wait3A_72 = arith.constant 0 : i32
      %dma_wait3A_73 = arith.constant 0 : i32
      %dma_wait3A_74 = tpu.memref_slice %arg2[%dma_wait3A_72, %dma_wait3A_73] : memref<8192x128xf32, #tpu.memory_space<hbm>> -> memref<128x128xf32, #tpu.memory_space<hbm>>
      tpu.wait_dma2 semaphore(%arg10 : memref<!tpu.dma_semaphore, #tpu.memory_space<semaphore_mem>>) src(%dma_wait3A_74 : memref<128x128xf32, #tpu.memory_space<hbm>>) dst(%arg8 : memref<128x128xf32, #tpu.memory_space<vmem>>)
      %mul3A_75 = arith.constant 128 : i32
      %mul3A_76 = arith.muli %add3A_68, %mul3A_75 : i32
      %add3A_77 = arith.addi %mul3A_32, %mul3A_76 : i32
      "tpu.region"() ({
        %run_scoped3A = tpu.sem_alloc : memref<!tpu.dma_semaphore, #tpu.memory_space<semaphore_mem>>
        %dma_start3A_85 = arith.constant 0 : i32
        %dma_start3A_86 = tpu.memref_slice %arg4[%select_n3A, %add3A_77, %dma_start3A_85] : memref<16x8192x128xf32, #tpu.memory_space<hbm>> -> memref<1x128x128xf32, #tpu.memory_space<hbm>>
        %dma_start3A_87 = tpu.memref_squeeze %dma_start3A_86 : memref<1x128x128xf32, #tpu.memory_space<hbm>> -> memref<128x128xf32, #tpu.memory_space<hbm>>
        %dma_start3A_88 = arith.constant 0 : i32
        %dma_start3A_89 = tpu.memref_slice %arg4[%select_n3A, %add3A_77, %dma_start3A_88] : memref<16x8192x128xf32, #tpu.memory_space<hbm>> -> memref<1x128x128xf32, #tpu.memory_space<hbm>>
        %dma_start3A_90 = tpu.memref_squeeze %dma_start3A_89 : memref<1x128x128xf32, #tpu.memory_space<hbm>> -> memref<128x128xf32, #tpu.memory_space<hbm>>
        tpu.enqueue_dma source(%arg8 : memref<128x128xf32, #tpu.memory_space<vmem>>) target(%dma_start3A_90 : memref<128x128xf32, #tpu.memory_space<hbm>>) target_semaphore(%run_scoped3A : memref<!tpu.dma_semaphore, #tpu.memory_space<semaphore_mem>>)
        %dma_wait3A_91 = arith.constant 0 : i32
        %dma_wait3A_92 = tpu.memref_slice %arg4[%select_n3A, %add3A_77, %dma_wait3A_91] : memref<16x8192x128xf32, #tpu.memory_space<hbm>> -> memref<1x128x128xf32, #tpu.memory_space<hbm>>
        %dma_wait3A_93 = tpu.memref_squeeze %dma_wait3A_92 : memref<1x128x128xf32, #tpu.memory_space<hbm>> -> memref<128x128xf32, #tpu.memory_space<hbm>>
        %dma_wait3A_94 = arith.constant 0 : i32
        %dma_wait3A_95 = tpu.memref_slice %arg4[%select_n3A, %add3A_77, %dma_wait3A_94] : memref<16x8192x128xf32, #tpu.memory_space<hbm>> -> memref<1x128x128xf32, #tpu.memory_space<hbm>>
        %dma_wait3A_96 = tpu.memref_squeeze %dma_wait3A_95 : memref<1x128x128xf32, #tpu.memory_space<hbm>> -> memref<128x128xf32, #tpu.memory_space<hbm>>
        tpu.wait_dma2 semaphore(%run_scoped3A : memref<!tpu.dma_semaphore, #tpu.memory_space<semaphore_mem>>) src(%arg8 : memref<128x128xf32, #tpu.memory_space<vmem>>) dst(%dma_wait3A_96 : memref<128x128xf32, #tpu.memory_space<hbm>>)
        tpu.yield
      }) : () -> ()
      %add3A_78 = arith.constant 2 : i32
      %add3A_79 = arith.addi %add3A_68, %add3A_78 : i32
      %lt3A_80 = arith.constant 32 : i32
      %lt3A_81 = arith.cmpi slt, %add3A_79, %lt3A_80 : i32
      %convert_element_type3A_82 = arith.extui %lt3A_81 : i1 to i32
      %cond3A_83 = arith.constant 0 : i32
      %cond3A_84 = arith.cmpi ne, %convert_element_type3A_82, %cond3A_83 : i32
      scf.if %cond3A_84 {
        %mul3A_85 = arith.constant 128 : i32
        %mul3A_86 = arith.muli %add3A_79, %mul3A_85 : i32
        %add3A_87 = arith.addi %mul3A_32, %mul3A_86 : i32
        "tpu.region"() ({
          %run_scoped3A = tpu.sem_alloc : memref<!tpu.dma_semaphore, #tpu.memory_space<semaphore_mem>>
          %dma_start3A_91 = tpu.memref_slice %arg3[%select_n3A, %add3A_87] : memref<16x8192xi32, #tpu.memory_space<hbm>> -> memref<1x128xi32, #tpu.memory_space<hbm>>
          %dma_start3A_92 = tpu.memref_squeeze %dma_start3A_91 : memref<1x128xi32, #tpu.memory_space<hbm>> -> memref<128xi32, #tpu.memory_space<hbm>>
          %dma_start3A_93 = tpu.memref_slice %arg3[%select_n3A, %add3A_87] : memref<16x8192xi32, #tpu.memory_space<hbm>> -> memref<1x128xi32, #tpu.memory_space<hbm>>
          %dma_start3A_94 = tpu.memref_squeeze %dma_start3A_93 : memref<1x128xi32, #tpu.memory_space<hbm>> -> memref<128xi32, #tpu.memory_space<hbm>>
          tpu.enqueue_dma source(%dma_start3A_94 : memref<128xi32, #tpu.memory_space<hbm>>) target(%arg6 : memref<128xi32, #tpu.memory_space<vmem>>) target_semaphore(%run_scoped3A : memref<!tpu.dma_semaphore, #tpu.memory_space<semaphore_mem>>)
          %dma_wait3A_95 = tpu.memref_slice %arg3[%select_n3A, %add3A_87] : memref<16x8192xi32, #tpu.memory_space<hbm>> -> memref<1x128xi32, #tpu.memory_space<hbm>>
          %dma_wait3A_96 = tpu.memref_squeeze %dma_wait3A_95 : memref<1x128xi32, #tpu.memory_space<hbm>> -> memref<128xi32, #tpu.memory_space<hbm>>
          %dma_wait3A_97 = tpu.memref_slice %arg3[%select_n3A, %add3A_87] : memref<16x8192xi32, #tpu.memory_space<hbm>> -> memref<1x128xi32, #tpu.memory_space<hbm>>
          %dma_wait3A_98 = tpu.memref_squeeze %dma_wait3A_97 : memref<1x128xi32, #tpu.memory_space<hbm>> -> memref<128xi32, #tpu.memory_space<hbm>>
          tpu.wait_dma2 semaphore(%run_scoped3A : memref<!tpu.dma_semaphore, #tpu.memory_space<semaphore_mem>>) src(%dma_wait3A_98 : memref<128xi32, #tpu.memory_space<hbm>>) dst(%arg6 : memref<128xi32, #tpu.memory_space<vmem>>)
          tpu.yield
        }) : () -> ()
        %dma_start3A_88 = arith.constant 0 : i32
        %dma_start3A_89 = arith.constant 0 : i32
        %dma_start3A_90 = tpu.memref_slice %arg2[%dma_start3A_88, %dma_start3A_89] : memref<8192x128xf32, #tpu.memory_space<hbm>> -> memref<8192x128xf32, #tpu.memory_space<hbm>>
        tpu.enqueue_indirect_dma source(%dma_start3A_90 : memref<8192x128xf32, #tpu.memory_space<hbm>>) target(%arg8 : memref<128x128xf32, #tpu.memory_space<vmem>>) offsets(%arg6 : memref<128xi32, #tpu.memory_space<vmem>>) semaphore(%arg10 : memref<!tpu.dma_semaphore, #tpu.memory_space<semaphore_mem>>)
      } else {
      }
    }
    %scan3A_46 = arith.constant 16 : i32
    return
  }
}

#map = affine_map<(d0, d1) -> (0, 0)>
#map1 = affine_map<(d0, d1) -> (0, 0, 0)>
module attributes {stable_mosaic.version = 14 : i64} {
  func.func @k(%arg0: i32, %arg1: i32, %arg2: memref<8192x256xf32, #tpu.memory_space<hbm>>, %arg3: memref<16x8192xi32, #tpu.memory_space<hbm>>, %arg4: memref<16x8192x256xf32, #tpu.memory_space<hbm>>, %arg5: memref<128xi32, #tpu.memory_space<vmem>>, %arg6: memref<128xi32, #tpu.memory_space<vmem>>, %arg7: memref<128x256xf32, #tpu.memory_space<vmem>>, %arg8: memref<128x256xf32, #tpu.memory_space<vmem>>, %arg9: memref<!tpu.dma_semaphore, #tpu.memory_space<semaphore_mem>>, %arg10: memref<!tpu.dma_semaphore, #tpu.memory_space<semaphore_mem>>) attributes {dimension_semantics = [#tpu.dimension_semantics<core_parallel>, #tpu.dimension_semantics<subcore_parallel>], iteration_bounds = array<i64: 2, 16>, scalar_prefetch = 0 : i64, scratch_operands = 6 : i64, tpu.core_type = #tpu.core_type<sc_vector_subcore>, window_params = [{transform_indices = #map}, {transform_indices = #map}, {transform_indices = #map1}]} {
    %mul3A = arith.constant 2 : i32
    %mul3A_0 = arith.muli %arg1, %mul3A : i32
    %add3A = arith.addi %mul3A_0, %arg0 : i32
    %jit3A = arith.constant 2 : i32
    %div3A = arith.divsi %add3A, %jit3A : i32
    %sign3A = arith.constant 0 : i32
    %sign3A_1 = arith.cmpi sgt, %add3A, %sign3A : i32
    %sign3A_2 = arith.extui %sign3A_1 : i1 to i32
    %sign3A_3 = arith.constant 0 : i32
    %sign3A_4 = arith.cmpi slt, %add3A, %sign3A_3 : i32
    %sign3A_5 = arith.extui %sign3A_4 : i1 to i32
    %sign3A_6 = arith.subi %sign3A_2, %sign3A_5 : i32
    %sign3A_7 = arith.constant 0 : i32
    %sign3A_8 = arith.cmpi sgt, %jit3A, %sign3A_7 : i32
    %sign3A_9 = arith.extui %sign3A_8 : i1 to i32
    %sign3A_10 = arith.constant 0 : i32
    %sign3A_11 = arith.cmpi slt, %jit3A, %sign3A_10 : i32
    %sign3A_12 = arith.extui %sign3A_11 : i1 to i32
    %sign3A_13 = arith.subi %sign3A_9, %sign3A_12 : i32
    %ne3A = arith.cmpi ne, %sign3A_6, %sign3A_13 : i32
    %rem3A = arith.remsi %add3A, %jit3A : i32
    %ne3A_14 = arith.constant 0 : i32
    %ne3A_15 = arith.cmpi ne, %rem3A, %ne3A_14 : i32
    %and3A = arith.andi %ne3A, %ne3A_15 : i1
    %sub3A = arith.constant 1 : i32
    %sub3A_16 = arith.subi %div3A, %sub3A : i32
    %select_n3A = arith.select %and3A, %sub3A_16, %div3A : i32
    %jit3A_17 = arith.constant 2 : i32
    %eq3A = arith.constant 0 : i32
    %eq3A_18 = arith.cmpi eq, %jit3A_17, %eq3A : i32
    %jit3A_19 = arith.constant 1 : i32
    %select_n3A_20 = arith.select %eq3A_18, %jit3A_19, %jit3A_17 : i32
    %rem3A_21 = arith.remsi %add3A, %select_n3A_20 : i32
    %ne3A_22 = arith.constant 0 : i32
    %ne3A_23 = arith.cmpi ne, %rem3A_21, %ne3A_22 : i32
    %lt3A = arith.constant 0 : i32
    %lt3A_24 = arith.cmpi slt, %rem3A_21, %lt3A : i32
    %lt3A_25 = arith.constant 0 : i32
    %lt3A_26 = arith.cmpi slt, %select_n3A_20, %lt3A_25 : i32
    %ne3A_27 = arith.xori %lt3A_24, %lt3A_26 : i1
    %and3A_28 = arith.andi %ne3A_27, %ne3A_23 : i1
    %add3A_29 = arith.addi %rem3A_21, %select_n3A_20 : i32
    %select_n3A_30 = arith.select %and3A_28, %add3A_29, %rem3A_21 : i32
    %mul3A_31 = arith.constant 4096 : i32
    %mul3A_32 = arith.muli %select_n3A_30, %mul3A_31 : i32
    %add3A_33 = arith.constant 0 : i32
    %add3A_34 = arith.addi %mul3A_32, %add3A_33 : i32
    "tpu.region"() ({
      %run_scoped3A = tpu.sem_alloc : memref<!tpu.dma_semaphore, #tpu.memory_space<semaphore_mem>>
      %dma_start3A_47 = tpu.memref_slice %arg3[%select_n3A, %add3A_34] : memref<16x8192xi32, #tpu.memory_space<hbm>> -> memref<1x128xi32, #tpu.memory_space<hbm>>
      %dma_start3A_48 = tpu.memref_squeeze %dma_start3A_47 : memref<1x128xi32, #tpu.memory_space<hbm>> -> memref<128xi32, #tpu.memory_space<hbm>>
      %dma_start3A_49 = tpu.memref_slice %arg3[%select_n3A, %add3A_34] : memref<16x8192xi32, #tpu.memory_space<hbm>> -> memref<1x128xi32, #tpu.memory_space<hbm>>
      %dma_start3A_50 = tpu.memref_squeeze %dma_start3A_49 : memref<1x128xi32, #tpu.memory_space<hbm>> -> memref<128xi32, #tpu.memory_space<hbm>>
      tpu.enqueue_dma source(%dma_start3A_50 : memref<128xi32, #tpu.memory_space<hbm>>) target(%arg5 : memref<128xi32, #tpu.memory_space<vmem>>) target_semaphore(%run_scoped3A : memref<!tpu.dma_semaphore, #tpu.memory_space<semaphore_mem>>)
      %dma_wait3A = tpu.memref_slice %arg3[%select_n3A, %add3A_34] : memref<16x8192xi32, #tpu.memory_space<hbm>> -> memref<1x128xi32, #tpu.memory_space<hbm>>
      %dma_wait3A_51 = tpu.memref_squeeze %dma_wait3A : memref<1x128xi32, #tpu.memory_space<hbm>> -> memref<128xi32, #tpu.memory_space<hbm>>
      %dma_wait3A_52 = tpu.memref_slice %arg3[%select_n3A, %add3A_34] : memref<16x8192xi32, #tpu.memory_space<hbm>> -> memref<1x128xi32, #tpu.memory_space<hbm>>
      %dma_wait3A_53 = tpu.memref_squeeze %dma_wait3A_52 : memref<1x128xi32, #tpu.memory_space<hbm>> -> memref<128xi32, #tpu.memory_space<hbm>>
      tpu.wait_dma2 semaphore(%run_scoped3A : memref<!tpu.dma_semaphore, #tpu.memory_space<semaphore_mem>>) src(%dma_wait3A_53 : memref<128xi32, #tpu.memory_space<hbm>>) dst(%arg5 : memref<128xi32, #tpu.memory_space<vmem>>)
      tpu.yield
    }) : () -> ()
    %dma_start3A = arith.constant 0 : i32
    %dma_start3A_35 = arith.constant 0 : i32
    %dma_start3A_36 = tpu.memref_slice %arg2[%dma_start3A, %dma_start3A_35] : memref<8192x256xf32, #tpu.memory_space<hbm>> -> memref<8192x256xf32, #tpu.memory_space<hbm>>
    tpu.enqueue_indirect_dma source(%dma_start3A_36 : memref<8192x256xf32, #tpu.memory_space<hbm>>) target(%arg7 : memref<128x256xf32, #tpu.memory_space<vmem>>) offsets(%arg5 : memref<128xi32, #tpu.memory_space<vmem>>) semaphore(%arg9 : memref<!tpu.dma_semaphore, #tpu.memory_space<semaphore_mem>>)
    %add3A_37 = arith.constant 128 : i32
    %add3A_38 = arith.addi %mul3A_32, %add3A_37 : i32
    "tpu.region"() ({
      %run_scoped3A = tpu.sem_alloc : memref<!tpu.dma_semaphore, #tpu.memory_space<semaphore_mem>>
      %dma_start3A_47 = tpu.memref_slice %arg3[%select_n3A, %add3A_38] : memref<16x8192xi32, #tpu.memory_space<hbm>> -> memref<1x128xi32, #tpu.memory_space<hbm>>
      %dma_start3A_48 = tpu.memref_squeeze %dma_start3A_47 : memref<1x128xi32, #tpu.memory_space<hbm>> -> memref<128xi32, #tpu.memory_space<hbm>>
      %dma_start3A_49 = tpu.memref_slice %arg3[%select_n3A, %add3A_38] : memref<16x8192xi32, #tpu.memory_space<hbm>> -> memref<1x128xi32, #tpu.memory_space<hbm>>
      %dma_start3A_50 = tpu.memref_squeeze %dma_start3A_49 : memref<1x128xi32, #tpu.memory_space<hbm>> -> memref<128xi32, #tpu.memory_space<hbm>>
      tpu.enqueue_dma source(%dma_start3A_50 : memref<128xi32, #tpu.memory_space<hbm>>) target(%arg6 : memref<128xi32, #tpu.memory_space<vmem>>) target_semaphore(%run_scoped3A : memref<!tpu.dma_semaphore, #tpu.memory_space<semaphore_mem>>)
      %dma_wait3A = tpu.memref_slice %arg3[%select_n3A, %add3A_38] : memref<16x8192xi32, #tpu.memory_space<hbm>> -> memref<1x128xi32, #tpu.memory_space<hbm>>
      %dma_wait3A_51 = tpu.memref_squeeze %dma_wait3A : memref<1x128xi32, #tpu.memory_space<hbm>> -> memref<128xi32, #tpu.memory_space<hbm>>
      %dma_wait3A_52 = tpu.memref_slice %arg3[%select_n3A, %add3A_38] : memref<16x8192xi32, #tpu.memory_space<hbm>> -> memref<1x128xi32, #tpu.memory_space<hbm>>
      %dma_wait3A_53 = tpu.memref_squeeze %dma_wait3A_52 : memref<1x128xi32, #tpu.memory_space<hbm>> -> memref<128xi32, #tpu.memory_space<hbm>>
      tpu.wait_dma2 semaphore(%run_scoped3A : memref<!tpu.dma_semaphore, #tpu.memory_space<semaphore_mem>>) src(%dma_wait3A_53 : memref<128xi32, #tpu.memory_space<hbm>>) dst(%arg6 : memref<128xi32, #tpu.memory_space<vmem>>)
      tpu.yield
    }) : () -> ()
    %dma_start3A_39 = arith.constant 0 : i32
    %dma_start3A_40 = arith.constant 0 : i32
    %dma_start3A_41 = tpu.memref_slice %arg2[%dma_start3A_39, %dma_start3A_40] : memref<8192x256xf32, #tpu.memory_space<hbm>> -> memref<8192x256xf32, #tpu.memory_space<hbm>>
    tpu.enqueue_indirect_dma source(%dma_start3A_41 : memref<8192x256xf32, #tpu.memory_space<hbm>>) target(%arg8 : memref<128x256xf32, #tpu.memory_space<vmem>>) offsets(%arg6 : memref<128xi32, #tpu.memory_space<vmem>>) semaphore(%arg10 : memref<!tpu.dma_semaphore, #tpu.memory_space<semaphore_mem>>)
    %scan3A = arith.constant 0 : i32
    %scan3A_42 = arith.constant 0 : i32
    %scan3A_43 = arith.constant 16 : i32
    %scan3A_44 = arith.addi %scan3A_42, %scan3A_43 : i32
    %scan3A_45 = arith.constant 1 : i32
    scf.for %scan3A_47 = %scan3A_42 to %scan3A_44 step %scan3A_45  : i32 {
      %mul3A_48 = arith.constant 2 : i32
      %mul3A_49 = arith.muli %mul3A_48, %scan3A_47 : i32
      %add3A_50 = arith.constant 0 : i32
      %add3A_51 = arith.addi %mul3A_49, %add3A_50 : i32
      %dma_wait3A = arith.constant 0 : i32
      %dma_wait3A_52 = arith.constant 0 : i32
      %dma_wait3A_53 = tpu.memref_slice %arg2[%dma_wait3A, %dma_wait3A_52] : memref<8192x256xf32, #tpu.memory_space<hbm>> -> memref<128x256xf32, #tpu.memory_space<hbm>>
      %dma_wait3A_54 = arith.constant 0 : i32
      %dma_wait3A_55 = arith.constant 0 : i32
      %dma_wait3A_56 = tpu.memref_slice %arg2[%dma_wait3A_54, %dma_wait3A_55] : memref<8192x256xf32, #tpu.memory_space<hbm>> -> memref<128x256xf32, #tpu.memory_space<hbm>>
      tpu.wait_dma2 semaphore(%arg9 : memref<!tpu.dma_semaphore, #tpu.memory_space<semaphore_mem>>) src(%dma_wait3A_56 : memref<128x256xf32, #tpu.memory_space<hbm>>) dst(%arg7 : memref<128x256xf32, #tpu.memory_space<vmem>>)
      %mul3A_57 = arith.constant 128 : i32
      %mul3A_58 = arith.muli %add3A_51, %mul3A_57 : i32
      %add3A_59 = arith.addi %mul3A_32, %mul3A_58 : i32
      "tpu.region"() ({
        %run_scoped3A = tpu.sem_alloc : memref<!tpu.dma_semaphore, #tpu.memory_space<semaphore_mem>>
        %dma_start3A_85 = arith.constant 0 : i32
        %dma_start3A_86 = tpu.memref_slice %arg4[%select_n3A, %add3A_59, %dma_start3A_85] : memref<16x8192x256xf32, #tpu.memory_space<hbm>> -> memref<1x128x256xf32, #tpu.memory_space<hbm>>
        %dma_start3A_87 = tpu.memref_squeeze %dma_start3A_86 : memref<1x128x256xf32, #tpu.memory_space<hbm>> -> memref<128x256xf32, #tpu.memory_space<hbm>>
        %dma_start3A_88 = arith.constant 0 : i32
        %dma_start3A_89 = tpu.memref_slice %arg4[%select_n3A, %add3A_59, %dma_start3A_88] : memref<16x8192x256xf32, #tpu.memory_space<hbm>> -> memref<1x128x256xf32, #tpu.memory_space<hbm>>
        %dma_start3A_90 = tpu.memref_squeeze %dma_start3A_89 : memref<1x128x256xf32, #tpu.memory_space<hbm>> -> memref<128x256xf32, #tpu.memory_space<hbm>>
        tpu.enqueue_dma source(%arg7 : memref<128x256xf32, #tpu.memory_space<vmem>>) target(%dma_start3A_90 : memref<128x256xf32, #tpu.memory_space<hbm>>) target_semaphore(%run_scoped3A : memref<!tpu.dma_semaphore, #tpu.memory_space<semaphore_mem>>)
        %dma_wait3A_91 = arith.constant 0 : i32
        %dma_wait3A_92 = tpu.memref_slice %arg4[%select_n3A, %add3A_59, %dma_wait3A_91] : memref<16x8192x256xf32, #tpu.memory_space<hbm>> -> memref<1x128x256xf32, #tpu.memory_space<hbm>>
        %dma_wait3A_93 = tpu.memref_squeeze %dma_wait3A_92 : memref<1x128x256xf32, #tpu.memory_space<hbm>> -> memref<128x256xf32, #tpu.memory_space<hbm>>
        %dma_wait3A_94 = arith.constant 0 : i32
        %dma_wait3A_95 = tpu.memref_slice %arg4[%select_n3A, %add3A_59, %dma_wait3A_94] : memref<16x8192x256xf32, #tpu.memory_space<hbm>> -> memref<1x128x256xf32, #tpu.memory_space<hbm>>
        %dma_wait3A_96 = tpu.memref_squeeze %dma_wait3A_95 : memref<1x128x256xf32, #tpu.memory_space<hbm>> -> memref<128x256xf32, #tpu.memory_space<hbm>>
        tpu.wait_dma2 semaphore(%run_scoped3A : memref<!tpu.dma_semaphore, #tpu.memory_space<semaphore_mem>>) src(%arg7 : memref<128x256xf32, #tpu.memory_space<vmem>>) dst(%dma_wait3A_96 : memref<128x256xf32, #tpu.memory_space<hbm>>)
        tpu.yield
      }) : () -> ()
      %add3A_60 = arith.constant 2 : i32
      %add3A_61 = arith.addi %add3A_51, %add3A_60 : i32
      %lt3A_62 = arith.constant 32 : i32
      %lt3A_63 = arith.cmpi slt, %add3A_61, %lt3A_62 : i32
      %convert_element_type3A = arith.extui %lt3A_63 : i1 to i32
      %cond3A = arith.constant 0 : i32
      %cond3A_64 = arith.cmpi ne, %convert_element_type3A, %cond3A : i32
      scf.if %cond3A_64 {
        %mul3A_85 = arith.constant 128 : i32
        %mul3A_86 = arith.muli %add3A_61, %mul3A_85 : i32
        %add3A_87 = arith.addi %mul3A_32, %mul3A_86 : i32
        "tpu.region"() ({
          %run_scoped3A = tpu.sem_alloc : memref<!tpu.dma_semaphore, #tpu.memory_space<semaphore_mem>>
          %dma_start3A_91 = tpu.memref_slice %arg3[%select_n3A, %add3A_87] : memref<16x8192xi32, #tpu.memory_space<hbm>> -> memref<1x128xi32, #tpu.memory_space<hbm>>
          %dma_start3A_92 = tpu.memref_squeeze %dma_start3A_91 : memref<1x128xi32, #tpu.memory_space<hbm>> -> memref<128xi32, #tpu.memory_space<hbm>>
          %dma_start3A_93 = tpu.memref_slice %arg3[%select_n3A, %add3A_87] : memref<16x8192xi32, #tpu.memory_space<hbm>> -> memref<1x128xi32, #tpu.memory_space<hbm>>
          %dma_start3A_94 = tpu.memref_squeeze %dma_start3A_93 : memref<1x128xi32, #tpu.memory_space<hbm>> -> memref<128xi32, #tpu.memory_space<hbm>>
          tpu.enqueue_dma source(%dma_start3A_94 : memref<128xi32, #tpu.memory_space<hbm>>) target(%arg5 : memref<128xi32, #tpu.memory_space<vmem>>) target_semaphore(%run_scoped3A : memref<!tpu.dma_semaphore, #tpu.memory_space<semaphore_mem>>)
          %dma_wait3A_95 = tpu.memref_slice %arg3[%select_n3A, %add3A_87] : memref<16x8192xi32, #tpu.memory_space<hbm>> -> memref<1x128xi32, #tpu.memory_space<hbm>>
          %dma_wait3A_96 = tpu.memref_squeeze %dma_wait3A_95 : memref<1x128xi32, #tpu.memory_space<hbm>> -> memref<128xi32, #tpu.memory_space<hbm>>
          %dma_wait3A_97 = tpu.memref_slice %arg3[%select_n3A, %add3A_87] : memref<16x8192xi32, #tpu.memory_space<hbm>> -> memref<1x128xi32, #tpu.memory_space<hbm>>
          %dma_wait3A_98 = tpu.memref_squeeze %dma_wait3A_97 : memref<1x128xi32, #tpu.memory_space<hbm>> -> memref<128xi32, #tpu.memory_space<hbm>>
          tpu.wait_dma2 semaphore(%run_scoped3A : memref<!tpu.dma_semaphore, #tpu.memory_space<semaphore_mem>>) src(%dma_wait3A_98 : memref<128xi32, #tpu.memory_space<hbm>>) dst(%arg5 : memref<128xi32, #tpu.memory_space<vmem>>)
          tpu.yield
        }) : () -> ()
        %dma_start3A_88 = arith.constant 0 : i32
        %dma_start3A_89 = arith.constant 0 : i32
        %dma_start3A_90 = tpu.memref_slice %arg2[%dma_start3A_88, %dma_start3A_89] : memref<8192x256xf32, #tpu.memory_space<hbm>> -> memref<8192x256xf32, #tpu.memory_space<hbm>>
        tpu.enqueue_indirect_dma source(%dma_start3A_90 : memref<8192x256xf32, #tpu.memory_space<hbm>>) target(%arg7 : memref<128x256xf32, #tpu.memory_space<vmem>>) offsets(%arg5 : memref<128xi32, #tpu.memory_space<vmem>>) semaphore(%arg9 : memref<!tpu.dma_semaphore, #tpu.memory_space<semaphore_mem>>)
      } else {
      }
      %mul3A_65 = arith.constant 2 : i32
      %mul3A_66 = arith.muli %mul3A_65, %scan3A_47 : i32
      %add3A_67 = arith.constant 1 : i32
      %add3A_68 = arith.addi %mul3A_66, %add3A_67 : i32
      %dma_wait3A_69 = arith.constant 0 : i32
      %dma_wait3A_70 = arith.constant 0 : i32
      %dma_wait3A_71 = tpu.memref_slice %arg2[%dma_wait3A_69, %dma_wait3A_70] : memref<8192x256xf32, #tpu.memory_space<hbm>> -> memref<128x256xf32, #tpu.memory_space<hbm>>
      %dma_wait3A_72 = arith.constant 0 : i32
      %dma_wait3A_73 = arith.constant 0 : i32
      %dma_wait3A_74 = tpu.memref_slice %arg2[%dma_wait3A_72, %dma_wait3A_73] : memref<8192x256xf32, #tpu.memory_space<hbm>> -> memref<128x256xf32, #tpu.memory_space<hbm>>
      tpu.wait_dma2 semaphore(%arg10 : memref<!tpu.dma_semaphore, #tpu.memory_space<semaphore_mem>>) src(%dma_wait3A_74 : memref<128x256xf32, #tpu.memory_space<hbm>>) dst(%arg8 : memref<128x256xf32, #tpu.memory_space<vmem>>)
      %mul3A_75 = arith.constant 128 : i32
      %mul3A_76 = arith.muli %add3A_68, %mul3A_75 : i32
      %add3A_77 = arith.addi %mul3A_32, %mul3A_76 : i32
      "tpu.region"() ({
        %run_scoped3A = tpu.sem_alloc : memref<!tpu.dma_semaphore, #tpu.memory_space<semaphore_mem>>
        %dma_start3A_85 = arith.constant 0 : i32
        %dma_start3A_86 = tpu.memref_slice %arg4[%select_n3A, %add3A_77, %dma_start3A_85] : memref<16x8192x256xf32, #tpu.memory_space<hbm>> -> memref<1x128x256xf32, #tpu.memory_space<hbm>>
        %dma_start3A_87 = tpu.memref_squeeze %dma_start3A_86 : memref<1x128x256xf32, #tpu.memory_space<hbm>> -> memref<128x256xf32, #tpu.memory_space<hbm>>
        %dma_start3A_88 = arith.constant 0 : i32
        %dma_start3A_89 = tpu.memref_slice %arg4[%select_n3A, %add3A_77, %dma_start3A_88] : memref<16x8192x256xf32, #tpu.memory_space<hbm>> -> memref<1x128x256xf32, #tpu.memory_space<hbm>>
        %dma_start3A_90 = tpu.memref_squeeze %dma_start3A_89 : memref<1x128x256xf32, #tpu.memory_space<hbm>> -> memref<128x256xf32, #tpu.memory_space<hbm>>
        tpu.enqueue_dma source(%arg8 : memref<128x256xf32, #tpu.memory_space<vmem>>) target(%dma_start3A_90 : memref<128x256xf32, #tpu.memory_space<hbm>>) target_semaphore(%run_scoped3A : memref<!tpu.dma_semaphore, #tpu.memory_space<semaphore_mem>>)
        %dma_wait3A_91 = arith.constant 0 : i32
        %dma_wait3A_92 = tpu.memref_slice %arg4[%select_n3A, %add3A_77, %dma_wait3A_91] : memref<16x8192x256xf32, #tpu.memory_space<hbm>> -> memref<1x128x256xf32, #tpu.memory_space<hbm>>
        %dma_wait3A_93 = tpu.memref_squeeze %dma_wait3A_92 : memref<1x128x256xf32, #tpu.memory_space<hbm>> -> memref<128x256xf32, #tpu.memory_space<hbm>>
        %dma_wait3A_94 = arith.constant 0 : i32
        %dma_wait3A_95 = tpu.memref_slice %arg4[%select_n3A, %add3A_77, %dma_wait3A_94] : memref<16x8192x256xf32, #tpu.memory_space<hbm>> -> memref<1x128x256xf32, #tpu.memory_space<hbm>>
        %dma_wait3A_96 = tpu.memref_squeeze %dma_wait3A_95 : memref<1x128x256xf32, #tpu.memory_space<hbm>> -> memref<128x256xf32, #tpu.memory_space<hbm>>
        tpu.wait_dma2 semaphore(%run_scoped3A : memref<!tpu.dma_semaphore, #tpu.memory_space<semaphore_mem>>) src(%arg8 : memref<128x256xf32, #tpu.memory_space<vmem>>) dst(%dma_wait3A_96 : memref<128x256xf32, #tpu.memory_space<hbm>>)
        tpu.yield
      }) : () -> ()
      %add3A_78 = arith.constant 2 : i32
      %add3A_79 = arith.addi %add3A_68, %add3A_78 : i32
      %lt3A_80 = arith.constant 32 : i32
      %lt3A_81 = arith.cmpi slt, %add3A_79, %lt3A_80 : i32
      %convert_element_type3A_82 = arith.extui %lt3A_81 : i1 to i32
      %cond3A_83 = arith.constant 0 : i32
      %cond3A_84 = arith.cmpi ne, %convert_element_type3A_82, %cond3A_83 : i32
      scf.if %cond3A_84 {
        %mul3A_85 = arith.constant 128 : i32
        %mul3A_86 = arith.muli %add3A_79, %mul3A_85 : i32
        %add3A_87 = arith.addi %mul3A_32, %mul3A_86 : i32
        "tpu.region"() ({
          %run_scoped3A = tpu.sem_alloc : memref<!tpu.dma_semaphore, #tpu.memory_space<semaphore_mem>>
          %dma_start3A_91 = tpu.memref_slice %arg3[%select_n3A, %add3A_87] : memref<16x8192xi32, #tpu.memory_space<hbm>> -> memref<1x128xi32, #tpu.memory_space<hbm>>
          %dma_start3A_92 = tpu.memref_squeeze %dma_start3A_91 : memref<1x128xi32, #tpu.memory_space<hbm>> -> memref<128xi32, #tpu.memory_space<hbm>>
          %dma_start3A_93 = tpu.memref_slice %arg3[%select_n3A, %add3A_87] : memref<16x8192xi32, #tpu.memory_space<hbm>> -> memref<1x128xi32, #tpu.memory_space<hbm>>
          %dma_start3A_94 = tpu.memref_squeeze %dma_start3A_93 : memref<1x128xi32, #tpu.memory_space<hbm>> -> memref<128xi32, #tpu.memory_space<hbm>>
          tpu.enqueue_dma source(%dma_start3A_94 : memref<128xi32, #tpu.memory_space<hbm>>) target(%arg6 : memref<128xi32, #tpu.memory_space<vmem>>) target_semaphore(%run_scoped3A : memref<!tpu.dma_semaphore, #tpu.memory_space<semaphore_mem>>)
          %dma_wait3A_95 = tpu.memref_slice %arg3[%select_n3A, %add3A_87] : memref<16x8192xi32, #tpu.memory_space<hbm>> -> memref<1x128xi32, #tpu.memory_space<hbm>>
          %dma_wait3A_96 = tpu.memref_squeeze %dma_wait3A_95 : memref<1x128xi32, #tpu.memory_space<hbm>> -> memref<128xi32, #tpu.memory_space<hbm>>
          %dma_wait3A_97 = tpu.memref_slice %arg3[%select_n3A, %add3A_87] : memref<16x8192xi32, #tpu.memory_space<hbm>> -> memref<1x128xi32, #tpu.memory_space<hbm>>
          %dma_wait3A_98 = tpu.memref_squeeze %dma_wait3A_97 : memref<1x128xi32, #tpu.memory_space<hbm>> -> memref<128xi32, #tpu.memory_space<hbm>>
          tpu.wait_dma2 semaphore(%run_scoped3A : memref<!tpu.dma_semaphore, #tpu.memory_space<semaphore_mem>>) src(%dma_wait3A_98 : memref<128xi32, #tpu.memory_space<hbm>>) dst(%arg6 : memref<128xi32, #tpu.memory_space<vmem>>)
          tpu.yield
        }) : () -> ()
        %dma_start3A_88 = arith.constant 0 : i32
        %dma_start3A_89 = arith.constant 0 : i32
        %dma_start3A_90 = tpu.memref_slice %arg2[%dma_start3A_88, %dma_start3A_89] : memref<8192x256xf32, #tpu.memory_space<hbm>> -> memref<8192x256xf32, #tpu.memory_space<hbm>>
        tpu.enqueue_indirect_dma source(%dma_start3A_90 : memref<8192x256xf32, #tpu.memory_space<hbm>>) target(%arg8 : memref<128x256xf32, #tpu.memory_space<vmem>>) offsets(%arg6 : memref<128xi32, #tpu.memory_space<vmem>>) semaphore(%arg10 : memref<!tpu.dma_semaphore, #tpu.memory_space<semaphore_mem>>)
      } else {
      }
    }
    %scan3A_46 = arith.constant 16 : i32
    return
  }
}

#map = affine_map<(d0, d1) -> (0, 0)>
#map1 = affine_map<(d0, d1) -> (0, 0, 0)>
module attributes {stable_mosaic.version = 14 : i64} {
  func.func @k(%arg0: i32, %arg1: i32, %arg2: memref<8192x256xf32, #tpu.memory_space<hbm>>, %arg3: memref<16x8192xi32, #tpu.memory_space<hbm>>, %arg4: memref<16x8192x256xf32, #tpu.memory_space<hbm>>, %arg5: memref<128xi32, #tpu.memory_space<vmem>>, %arg6: memref<128xi32, #tpu.memory_space<vmem>>, %arg7: memref<128x256xf32, #tpu.memory_space<vmem>>, %arg8: memref<128x256xf32, #tpu.memory_space<vmem>>, %arg9: memref<!tpu.dma_semaphore, #tpu.memory_space<semaphore_mem>>, %arg10: memref<!tpu.dma_semaphore, #tpu.memory_space<semaphore_mem>>) attributes {dimension_semantics = [#tpu.dimension_semantics<core_parallel>, #tpu.dimension_semantics<subcore_parallel>], iteration_bounds = array<i64: 2, 16>, scalar_prefetch = 0 : i64, scratch_operands = 6 : i64, tpu.core_type = #tpu.core_type<sc_vector_subcore>, window_params = [{transform_indices = #map}, {transform_indices = #map}, {transform_indices = #map1}]} {
    %mul3A = arith.constant 2 : i32
    %mul3A_0 = arith.muli %arg1, %mul3A : i32
    %add3A = arith.addi %mul3A_0, %arg0 : i32
    %jit3A = arith.constant 2 : i32
    %div3A = arith.divsi %add3A, %jit3A : i32
    %sign3A = arith.constant 0 : i32
    %sign3A_1 = arith.cmpi sgt, %add3A, %sign3A : i32
    %sign3A_2 = arith.extui %sign3A_1 : i1 to i32
    %sign3A_3 = arith.constant 0 : i32
    %sign3A_4 = arith.cmpi slt, %add3A, %sign3A_3 : i32
    %sign3A_5 = arith.extui %sign3A_4 : i1 to i32
    %sign3A_6 = arith.subi %sign3A_2, %sign3A_5 : i32
    %sign3A_7 = arith.constant 0 : i32
    %sign3A_8 = arith.cmpi sgt, %jit3A, %sign3A_7 : i32
    %sign3A_9 = arith.extui %sign3A_8 : i1 to i32
    %sign3A_10 = arith.constant 0 : i32
    %sign3A_11 = arith.cmpi slt, %jit3A, %sign3A_10 : i32
    %sign3A_12 = arith.extui %sign3A_11 : i1 to i32
    %sign3A_13 = arith.subi %sign3A_9, %sign3A_12 : i32
    %ne3A = arith.cmpi ne, %sign3A_6, %sign3A_13 : i32
    %rem3A = arith.remsi %add3A, %jit3A : i32
    %ne3A_14 = arith.constant 0 : i32
    %ne3A_15 = arith.cmpi ne, %rem3A, %ne3A_14 : i32
    %and3A = arith.andi %ne3A, %ne3A_15 : i1
    %sub3A = arith.constant 1 : i32
    %sub3A_16 = arith.subi %div3A, %sub3A : i32
    %select_n3A = arith.select %and3A, %sub3A_16, %div3A : i32
    %jit3A_17 = arith.constant 2 : i32
    %eq3A = arith.constant 0 : i32
    %eq3A_18 = arith.cmpi eq, %jit3A_17, %eq3A : i32
    %jit3A_19 = arith.constant 1 : i32
    %select_n3A_20 = arith.select %eq3A_18, %jit3A_19, %jit3A_17 : i32
    %rem3A_21 = arith.remsi %add3A, %select_n3A_20 : i32
    %ne3A_22 = arith.constant 0 : i32
    %ne3A_23 = arith.cmpi ne, %rem3A_21, %ne3A_22 : i32
    %lt3A = arith.constant 0 : i32
    %lt3A_24 = arith.cmpi slt, %rem3A_21, %lt3A : i32
    %lt3A_25 = arith.constant 0 : i32
    %lt3A_26 = arith.cmpi slt, %select_n3A_20, %lt3A_25 : i32
    %ne3A_27 = arith.xori %lt3A_24, %lt3A_26 : i1
    %and3A_28 = arith.andi %ne3A_27, %ne3A_23 : i1
    %add3A_29 = arith.addi %rem3A_21, %select_n3A_20 : i32
    %select_n3A_30 = arith.select %and3A_28, %add3A_29, %rem3A_21 : i32
    %mul3A_31 = arith.constant 4096 : i32
    %mul3A_32 = arith.muli %select_n3A_30, %mul3A_31 : i32
    %add3A_33 = arith.constant 0 : i32
    %add3A_34 = arith.addi %mul3A_32, %add3A_33 : i32
    "tpu.region"() ({
      %run_scoped3A = tpu.sem_alloc : memref<!tpu.dma_semaphore, #tpu.memory_space<semaphore_mem>>
      %dma_start3A_47 = tpu.memref_slice %arg3[%select_n3A, %add3A_34] : memref<16x8192xi32, #tpu.memory_space<hbm>> -> memref<1x128xi32, #tpu.memory_space<hbm>>
      %dma_start3A_48 = tpu.memref_squeeze %dma_start3A_47 : memref<1x128xi32, #tpu.memory_space<hbm>> -> memref<128xi32, #tpu.memory_space<hbm>>
      %dma_start3A_49 = tpu.memref_slice %arg3[%select_n3A, %add3A_34] : memref<16x8192xi32, #tpu.memory_space<hbm>> -> memref<1x128xi32, #tpu.memory_space<hbm>>
      %dma_start3A_50 = tpu.memref_squeeze %dma_start3A_49 : memref<1x128xi32, #tpu.memory_space<hbm>> -> memref<128xi32, #tpu.memory_space<hbm>>
      tpu.enqueue_dma source(%dma_start3A_50 : memref<128xi32, #tpu.memory_space<hbm>>) target(%arg5 : memref<128xi32, #tpu.memory_space<vmem>>) target_semaphore(%run_scoped3A : memref<!tpu.dma_semaphore, #tpu.memory_space<semaphore_mem>>)
      %dma_wait3A = tpu.memref_slice %arg3[%select_n3A, %add3A_34] : memref<16x8192xi32, #tpu.memory_space<hbm>> -> memref<1x128xi32, #tpu.memory_space<hbm>>
      %dma_wait3A_51 = tpu.memref_squeeze %dma_wait3A : memref<1x128xi32, #tpu.memory_space<hbm>> -> memref<128xi32, #tpu.memory_space<hbm>>
      %dma_wait3A_52 = tpu.memref_slice %arg3[%select_n3A, %add3A_34] : memref<16x8192xi32, #tpu.memory_space<hbm>> -> memref<1x128xi32, #tpu.memory_space<hbm>>
      %dma_wait3A_53 = tpu.memref_squeeze %dma_wait3A_52 : memref<1x128xi32, #tpu.memory_space<hbm>> -> memref<128xi32, #tpu.memory_space<hbm>>
      tpu.wait_dma2 semaphore(%run_scoped3A : memref<!tpu.dma_semaphore, #tpu.memory_space<semaphore_mem>>) src(%dma_wait3A_53 : memref<128xi32, #tpu.memory_space<hbm>>) dst(%arg5 : memref<128xi32, #tpu.memory_space<vmem>>)
      tpu.yield
    }) : () -> ()
    %dma_start3A = arith.constant 0 : i32
    %dma_start3A_35 = arith.constant 0 : i32
    %dma_start3A_36 = tpu.memref_slice %arg2[%dma_start3A, %dma_start3A_35] : memref<8192x256xf32, #tpu.memory_space<hbm>> -> memref<8192x256xf32, #tpu.memory_space<hbm>>
    tpu.enqueue_indirect_dma source(%dma_start3A_36 : memref<8192x256xf32, #tpu.memory_space<hbm>>) target(%arg7 : memref<128x256xf32, #tpu.memory_space<vmem>>) offsets(%arg5 : memref<128xi32, #tpu.memory_space<vmem>>) semaphore(%arg9 : memref<!tpu.dma_semaphore, #tpu.memory_space<semaphore_mem>>)
    %add3A_37 = arith.constant 128 : i32
    %add3A_38 = arith.addi %mul3A_32, %add3A_37 : i32
    "tpu.region"() ({
      %run_scoped3A = tpu.sem_alloc : memref<!tpu.dma_semaphore, #tpu.memory_space<semaphore_mem>>
      %dma_start3A_47 = tpu.memref_slice %arg3[%select_n3A, %add3A_38] : memref<16x8192xi32, #tpu.memory_space<hbm>> -> memref<1x128xi32, #tpu.memory_space<hbm>>
      %dma_start3A_48 = tpu.memref_squeeze %dma_start3A_47 : memref<1x128xi32, #tpu.memory_space<hbm>> -> memref<128xi32, #tpu.memory_space<hbm>>
      %dma_start3A_49 = tpu.memref_slice %arg3[%select_n3A, %add3A_38] : memref<16x8192xi32, #tpu.memory_space<hbm>> -> memref<1x128xi32, #tpu.memory_space<hbm>>
      %dma_start3A_50 = tpu.memref_squeeze %dma_start3A_49 : memref<1x128xi32, #tpu.memory_space<hbm>> -> memref<128xi32, #tpu.memory_space<hbm>>
      tpu.enqueue_dma source(%dma_start3A_50 : memref<128xi32, #tpu.memory_space<hbm>>) target(%arg6 : memref<128xi32, #tpu.memory_space<vmem>>) target_semaphore(%run_scoped3A : memref<!tpu.dma_semaphore, #tpu.memory_space<semaphore_mem>>)
      %dma_wait3A = tpu.memref_slice %arg3[%select_n3A, %add3A_38] : memref<16x8192xi32, #tpu.memory_space<hbm>> -> memref<1x128xi32, #tpu.memory_space<hbm>>
      %dma_wait3A_51 = tpu.memref_squeeze %dma_wait3A : memref<1x128xi32, #tpu.memory_space<hbm>> -> memref<128xi32, #tpu.memory_space<hbm>>
      %dma_wait3A_52 = tpu.memref_slice %arg3[%select_n3A, %add3A_38] : memref<16x8192xi32, #tpu.memory_space<hbm>> -> memref<1x128xi32, #tpu.memory_space<hbm>>
      %dma_wait3A_53 = tpu.memref_squeeze %dma_wait3A_52 : memref<1x128xi32, #tpu.memory_space<hbm>> -> memref<128xi32, #tpu.memory_space<hbm>>
      tpu.wait_dma2 semaphore(%run_scoped3A : memref<!tpu.dma_semaphore, #tpu.memory_space<semaphore_mem>>) src(%dma_wait3A_53 : memref<128xi32, #tpu.memory_space<hbm>>) dst(%arg6 : memref<128xi32, #tpu.memory_space<vmem>>)
      tpu.yield
    }) : () -> ()
    %dma_start3A_39 = arith.constant 0 : i32
    %dma_start3A_40 = arith.constant 0 : i32
    %dma_start3A_41 = tpu.memref_slice %arg2[%dma_start3A_39, %dma_start3A_40] : memref<8192x256xf32, #tpu.memory_space<hbm>> -> memref<8192x256xf32, #tpu.memory_space<hbm>>
    tpu.enqueue_indirect_dma source(%dma_start3A_41 : memref<8192x256xf32, #tpu.memory_space<hbm>>) target(%arg8 : memref<128x256xf32, #tpu.memory_space<vmem>>) offsets(%arg6 : memref<128xi32, #tpu.memory_space<vmem>>) semaphore(%arg10 : memref<!tpu.dma_semaphore, #tpu.memory_space<semaphore_mem>>)
    %scan3A = arith.constant 0 : i32
    %scan3A_42 = arith.constant 0 : i32
    %scan3A_43 = arith.constant 16 : i32
    %scan3A_44 = arith.addi %scan3A_42, %scan3A_43 : i32
    %scan3A_45 = arith.constant 1 : i32
    scf.for %scan3A_47 = %scan3A_42 to %scan3A_44 step %scan3A_45  : i32 {
      %mul3A_48 = arith.constant 2 : i32
      %mul3A_49 = arith.muli %mul3A_48, %scan3A_47 : i32
      %add3A_50 = arith.constant 0 : i32
      %add3A_51 = arith.addi %mul3A_49, %add3A_50 : i32
      %dma_wait3A = arith.constant 0 : i32
      %dma_wait3A_52 = arith.constant 0 : i32
      %dma_wait3A_53 = tpu.memref_slice %arg2[%dma_wait3A, %dma_wait3A_52] : memref<8192x256xf32, #tpu.memory_space<hbm>> -> memref<128x256xf32, #tpu.memory_space<hbm>>
      %dma_wait3A_54 = arith.constant 0 : i32
      %dma_wait3A_55 = arith.constant 0 : i32
      %dma_wait3A_56 = tpu.memref_slice %arg2[%dma_wait3A_54, %dma_wait3A_55] : memref<8192x256xf32, #tpu.memory_space<hbm>> -> memref<128x256xf32, #tpu.memory_space<hbm>>
      tpu.wait_dma2 semaphore(%arg9 : memref<!tpu.dma_semaphore, #tpu.memory_space<semaphore_mem>>) src(%dma_wait3A_56 : memref<128x256xf32, #tpu.memory_space<hbm>>) dst(%arg7 : memref<128x256xf32, #tpu.memory_space<vmem>>)
      %mul3A_57 = arith.constant 128 : i32
      %mul3A_58 = arith.muli %add3A_51, %mul3A_57 : i32
      %add3A_59 = arith.addi %mul3A_32, %mul3A_58 : i32
      "tpu.region"() ({
        %run_scoped3A = tpu.sem_alloc : memref<!tpu.dma_semaphore, #tpu.memory_space<semaphore_mem>>
        %dma_start3A_85 = arith.constant 0 : i32
        %dma_start3A_86 = tpu.memref_slice %arg4[%select_n3A, %add3A_59, %dma_start3A_85] : memref<16x8192x256xf32, #tpu.memory_space<hbm>> -> memref<1x128x256xf32, #tpu.memory_space<hbm>>
        %dma_start3A_87 = tpu.memref_squeeze %dma_start3A_86 : memref<1x128x256xf32, #tpu.memory_space<hbm>> -> memref<128x256xf32, #tpu.memory_space<hbm>>
        %dma_start3A_88 = arith.constant 0 : i32
        %dma_start3A_89 = tpu.memref_slice %arg4[%select_n3A, %add3A_59, %dma_start3A_88] : memref<16x8192x256xf32, #tpu.memory_space<hbm>> -> memref<1x128x256xf32, #tpu.memory_space<hbm>>
        %dma_start3A_90 = tpu.memref_squeeze %dma_start3A_89 : memref<1x128x256xf32, #tpu.memory_space<hbm>> -> memref<128x256xf32, #tpu.memory_space<hbm>>
        tpu.enqueue_dma source(%arg7 : memref<128x256xf32, #tpu.memory_space<vmem>>) target(%dma_start3A_90 : memref<128x256xf32, #tpu.memory_space<hbm>>) target_semaphore(%run_scoped3A : memref<!tpu.dma_semaphore, #tpu.memory_space<semaphore_mem>>)
        %dma_wait3A_91 = arith.constant 0 : i32
        %dma_wait3A_92 = tpu.memref_slice %arg4[%select_n3A, %add3A_59, %dma_wait3A_91] : memref<16x8192x256xf32, #tpu.memory_space<hbm>> -> memref<1x128x256xf32, #tpu.memory_space<hbm>>
        %dma_wait3A_93 = tpu.memref_squeeze %dma_wait3A_92 : memref<1x128x256xf32, #tpu.memory_space<hbm>> -> memref<128x256xf32, #tpu.memory_space<hbm>>
        %dma_wait3A_94 = arith.constant 0 : i32
        %dma_wait3A_95 = tpu.memref_slice %arg4[%select_n3A, %add3A_59, %dma_wait3A_94] : memref<16x8192x256xf32, #tpu.memory_space<hbm>> -> memref<1x128x256xf32, #tpu.memory_space<hbm>>
        %dma_wait3A_96 = tpu.memref_squeeze %dma_wait3A_95 : memref<1x128x256xf32, #tpu.memory_space<hbm>> -> memref<128x256xf32, #tpu.memory_space<hbm>>
        tpu.wait_dma2 semaphore(%run_scoped3A : memref<!tpu.dma_semaphore, #tpu.memory_space<semaphore_mem>>) src(%arg7 : memref<128x256xf32, #tpu.memory_space<vmem>>) dst(%dma_wait3A_96 : memref<128x256xf32, #tpu.memory_space<hbm>>)
        tpu.yield
      }) : () -> ()
      %add3A_60 = arith.constant 2 : i32
      %add3A_61 = arith.addi %add3A_51, %add3A_60 : i32
      %lt3A_62 = arith.constant 32 : i32
      %lt3A_63 = arith.cmpi slt, %add3A_61, %lt3A_62 : i32
      %convert_element_type3A = arith.extui %lt3A_63 : i1 to i32
      %cond3A = arith.constant 0 : i32
      %cond3A_64 = arith.cmpi ne, %convert_element_type3A, %cond3A : i32
      scf.if %cond3A_64 {
        %mul3A_85 = arith.constant 128 : i32
        %mul3A_86 = arith.muli %add3A_61, %mul3A_85 : i32
        %add3A_87 = arith.addi %mul3A_32, %mul3A_86 : i32
        "tpu.region"() ({
          %run_scoped3A = tpu.sem_alloc : memref<!tpu.dma_semaphore, #tpu.memory_space<semaphore_mem>>
          %dma_start3A_91 = tpu.memref_slice %arg3[%select_n3A, %add3A_87] : memref<16x8192xi32, #tpu.memory_space<hbm>> -> memref<1x128xi32, #tpu.memory_space<hbm>>
          %dma_start3A_92 = tpu.memref_squeeze %dma_start3A_91 : memref<1x128xi32, #tpu.memory_space<hbm>> -> memref<128xi32, #tpu.memory_space<hbm>>
          %dma_start3A_93 = tpu.memref_slice %arg3[%select_n3A, %add3A_87] : memref<16x8192xi32, #tpu.memory_space<hbm>> -> memref<1x128xi32, #tpu.memory_space<hbm>>
          %dma_start3A_94 = tpu.memref_squeeze %dma_start3A_93 : memref<1x128xi32, #tpu.memory_space<hbm>> -> memref<128xi32, #tpu.memory_space<hbm>>
          tpu.enqueue_dma source(%dma_start3A_94 : memref<128xi32, #tpu.memory_space<hbm>>) target(%arg5 : memref<128xi32, #tpu.memory_space<vmem>>) target_semaphore(%run_scoped3A : memref<!tpu.dma_semaphore, #tpu.memory_space<semaphore_mem>>)
          %dma_wait3A_95 = tpu.memref_slice %arg3[%select_n3A, %add3A_87] : memref<16x8192xi32, #tpu.memory_space<hbm>> -> memref<1x128xi32, #tpu.memory_space<hbm>>
          %dma_wait3A_96 = tpu.memref_squeeze %dma_wait3A_95 : memref<1x128xi32, #tpu.memory_space<hbm>> -> memref<128xi32, #tpu.memory_space<hbm>>
          %dma_wait3A_97 = tpu.memref_slice %arg3[%select_n3A, %add3A_87] : memref<16x8192xi32, #tpu.memory_space<hbm>> -> memref<1x128xi32, #tpu.memory_space<hbm>>
          %dma_wait3A_98 = tpu.memref_squeeze %dma_wait3A_97 : memref<1x128xi32, #tpu.memory_space<hbm>> -> memref<128xi32, #tpu.memory_space<hbm>>
          tpu.wait_dma2 semaphore(%run_scoped3A : memref<!tpu.dma_semaphore, #tpu.memory_space<semaphore_mem>>) src(%dma_wait3A_98 : memref<128xi32, #tpu.memory_space<hbm>>) dst(%arg5 : memref<128xi32, #tpu.memory_space<vmem>>)
          tpu.yield
        }) : () -> ()
        %dma_start3A_88 = arith.constant 0 : i32
        %dma_start3A_89 = arith.constant 0 : i32
        %dma_start3A_90 = tpu.memref_slice %arg2[%dma_start3A_88, %dma_start3A_89] : memref<8192x256xf32, #tpu.memory_space<hbm>> -> memref<8192x256xf32, #tpu.memory_space<hbm>>
        tpu.enqueue_indirect_dma source(%dma_start3A_90 : memref<8192x256xf32, #tpu.memory_space<hbm>>) target(%arg7 : memref<128x256xf32, #tpu.memory_space<vmem>>) offsets(%arg5 : memref<128xi32, #tpu.memory_space<vmem>>) semaphore(%arg9 : memref<!tpu.dma_semaphore, #tpu.memory_space<semaphore_mem>>)
      } else {
      }
      %mul3A_65 = arith.constant 2 : i32
      %mul3A_66 = arith.muli %mul3A_65, %scan3A_47 : i32
      %add3A_67 = arith.constant 1 : i32
      %add3A_68 = arith.addi %mul3A_66, %add3A_67 : i32
      %dma_wait3A_69 = arith.constant 0 : i32
      %dma_wait3A_70 = arith.constant 0 : i32
      %dma_wait3A_71 = tpu.memref_slice %arg2[%dma_wait3A_69, %dma_wait3A_70] : memref<8192x256xf32, #tpu.memory_space<hbm>> -> memref<128x256xf32, #tpu.memory_space<hbm>>
      %dma_wait3A_72 = arith.constant 0 : i32
      %dma_wait3A_73 = arith.constant 0 : i32
      %dma_wait3A_74 = tpu.memref_slice %arg2[%dma_wait3A_72, %dma_wait3A_73] : memref<8192x256xf32, #tpu.memory_space<hbm>> -> memref<128x256xf32, #tpu.memory_space<hbm>>
      tpu.wait_dma2 semaphore(%arg10 : memref<!tpu.dma_semaphore, #tpu.memory_space<semaphore_mem>>) src(%dma_wait3A_74 : memref<128x256xf32, #tpu.memory_space<hbm>>) dst(%arg8 : memref<128x256xf32, #tpu.memory_space<vmem>>)
      %mul3A_75 = arith.constant 128 : i32
      %mul3A_76 = arith.muli %add3A_68, %mul3A_75 : i32
      %add3A_77 = arith.addi %mul3A_32, %mul3A_76 : i32
      "tpu.region"() ({
        %run_scoped3A = tpu.sem_alloc : memref<!tpu.dma_semaphore, #tpu.memory_space<semaphore_mem>>
        %dma_start3A_85 = arith.constant 0 : i32
        %dma_start3A_86 = tpu.memref_slice %arg4[%select_n3A, %add3A_77, %dma_start3A_85] : memref<16x8192x256xf32, #tpu.memory_space<hbm>> -> memref<1x128x256xf32, #tpu.memory_space<hbm>>
        %dma_start3A_87 = tpu.memref_squeeze %dma_start3A_86 : memref<1x128x256xf32, #tpu.memory_space<hbm>> -> memref<128x256xf32, #tpu.memory_space<hbm>>
        %dma_start3A_88 = arith.constant 0 : i32
        %dma_start3A_89 = tpu.memref_slice %arg4[%select_n3A, %add3A_77, %dma_start3A_88] : memref<16x8192x256xf32, #tpu.memory_space<hbm>> -> memref<1x128x256xf32, #tpu.memory_space<hbm>>
        %dma_start3A_90 = tpu.memref_squeeze %dma_start3A_89 : memref<1x128x256xf32, #tpu.memory_space<hbm>> -> memref<128x256xf32, #tpu.memory_space<hbm>>
        tpu.enqueue_dma source(%arg8 : memref<128x256xf32, #tpu.memory_space<vmem>>) target(%dma_start3A_90 : memref<128x256xf32, #tpu.memory_space<hbm>>) target_semaphore(%run_scoped3A : memref<!tpu.dma_semaphore, #tpu.memory_space<semaphore_mem>>)
        %dma_wait3A_91 = arith.constant 0 : i32
        %dma_wait3A_92 = tpu.memref_slice %arg4[%select_n3A, %add3A_77, %dma_wait3A_91] : memref<16x8192x256xf32, #tpu.memory_space<hbm>> -> memref<1x128x256xf32, #tpu.memory_space<hbm>>
        %dma_wait3A_93 = tpu.memref_squeeze %dma_wait3A_92 : memref<1x128x256xf32, #tpu.memory_space<hbm>> -> memref<128x256xf32, #tpu.memory_space<hbm>>
        %dma_wait3A_94 = arith.constant 0 : i32
        %dma_wait3A_95 = tpu.memref_slice %arg4[%select_n3A, %add3A_77, %dma_wait3A_94] : memref<16x8192x256xf32, #tpu.memory_space<hbm>> -> memref<1x128x256xf32, #tpu.memory_space<hbm>>
        %dma_wait3A_96 = tpu.memref_squeeze %dma_wait3A_95 : memref<1x128x256xf32, #tpu.memory_space<hbm>> -> memref<128x256xf32, #tpu.memory_space<hbm>>
        tpu.wait_dma2 semaphore(%run_scoped3A : memref<!tpu.dma_semaphore, #tpu.memory_space<semaphore_mem>>) src(%arg8 : memref<128x256xf32, #tpu.memory_space<vmem>>) dst(%dma_wait3A_96 : memref<128x256xf32, #tpu.memory_space<hbm>>)
        tpu.yield
      }) : () -> ()
      %add3A_78 = arith.constant 2 : i32
      %add3A_79 = arith.addi %add3A_68, %add3A_78 : i32
      %lt3A_80 = arith.constant 32 : i32
      %lt3A_81 = arith.cmpi slt, %add3A_79, %lt3A_80 : i32
      %convert_element_type3A_82 = arith.extui %lt3A_81 : i1 to i32
      %cond3A_83 = arith.constant 0 : i32
      %cond3A_84 = arith.cmpi ne, %convert_element_type3A_82, %cond3A_83 : i32
      scf.if %cond3A_84 {
        %mul3A_85 = arith.constant 128 : i32
        %mul3A_86 = arith.muli %add3A_79, %mul3A_85 : i32
        %add3A_87 = arith.addi %mul3A_32, %mul3A_86 : i32
        "tpu.region"() ({
          %run_scoped3A = tpu.sem_alloc : memref<!tpu.dma_semaphore, #tpu.memory_space<semaphore_mem>>
          %dma_start3A_91 = tpu.memref_slice %arg3[%select_n3A, %add3A_87] : memref<16x8192xi32, #tpu.memory_space<hbm>> -> memref<1x128xi32, #tpu.memory_space<hbm>>
          %dma_start3A_92 = tpu.memref_squeeze %dma_start3A_91 : memref<1x128xi32, #tpu.memory_space<hbm>> -> memref<128xi32, #tpu.memory_space<hbm>>
          %dma_start3A_93 = tpu.memref_slice %arg3[%select_n3A, %add3A_87] : memref<16x8192xi32, #tpu.memory_space<hbm>> -> memref<1x128xi32, #tpu.memory_space<hbm>>
          %dma_start3A_94 = tpu.memref_squeeze %dma_start3A_93 : memref<1x128xi32, #tpu.memory_space<hbm>> -> memref<128xi32, #tpu.memory_space<hbm>>
          tpu.enqueue_dma source(%dma_start3A_94 : memref<128xi32, #tpu.memory_space<hbm>>) target(%arg6 : memref<128xi32, #tpu.memory_space<vmem>>) target_semaphore(%run_scoped3A : memref<!tpu.dma_semaphore, #tpu.memory_space<semaphore_mem>>)
          %dma_wait3A_95 = tpu.memref_slice %arg3[%select_n3A, %add3A_87] : memref<16x8192xi32, #tpu.memory_space<hbm>> -> memref<1x128xi32, #tpu.memory_space<hbm>>
          %dma_wait3A_96 = tpu.memref_squeeze %dma_wait3A_95 : memref<1x128xi32, #tpu.memory_space<hbm>> -> memref<128xi32, #tpu.memory_space<hbm>>
          %dma_wait3A_97 = tpu.memref_slice %arg3[%select_n3A, %add3A_87] : memref<16x8192xi32, #tpu.memory_space<hbm>> -> memref<1x128xi32, #tpu.memory_space<hbm>>
          %dma_wait3A_98 = tpu.memref_squeeze %dma_wait3A_97 : memref<1x128xi32, #tpu.memory_space<hbm>> -> memref<128xi32, #tpu.memory_space<hbm>>
          tpu.wait_dma2 semaphore(%run_scoped3A : memref<!tpu.dma_semaphore, #tpu.memory_space<semaphore_mem>>) src(%dma_wait3A_98 : memref<128xi32, #tpu.memory_space<hbm>>) dst(%arg6 : memref<128xi32, #tpu.memory_space<vmem>>)
          tpu.yield
        }) : () -> ()
        %dma_start3A_88 = arith.constant 0 : i32
        %dma_start3A_89 = arith.constant 0 : i32
        %dma_start3A_90 = tpu.memref_slice %arg2[%dma_start3A_88, %dma_start3A_89] : memref<8192x256xf32, #tpu.memory_space<hbm>> -> memref<8192x256xf32, #tpu.memory_space<hbm>>
        tpu.enqueue_indirect_dma source(%dma_start3A_90 : memref<8192x256xf32, #tpu.memory_space<hbm>>) target(%arg8 : memref<128x256xf32, #tpu.memory_space<vmem>>) offsets(%arg6 : memref<128xi32, #tpu.memory_space<vmem>>) semaphore(%arg10 : memref<!tpu.dma_semaphore, #tpu.memory_space<semaphore_mem>>)
      } else {
      }
    }
    %scan3A_46 = arith.constant 16 : i32
    return
  }
}

module attributes {stable_mosaic.version = 14 : i64} {
  func.func @_topk_body(%arg0: i32, %arg1: i32, %arg2: memref<32xi32, #tpu.memory_space<smem>>, %arg3: memref<32xi32, #tpu.memory_space<smem>>, %arg4: memref<256x128xf32, #tpu.memory_space<vmem>>, %arg5: memref<512x128xf32, #tpu.memory_space<vmem>>, %arg6: memref<256x1xi32, #tpu.memory_space<vmem>>, %arg7: memref<1x512xi32, #tpu.memory_space<vmem>>, %arg8: memref<256x16xi32, #tpu.memory_space<vmem>>, %arg9: memref<256x16xf32, #tpu.memory_space<vmem>>, %arg10: memref<256x16xf32, #tpu.memory_space<vmem>>) attributes {dimension_semantics = [#tpu.dimension_semantics<arbitrary>, #tpu.dimension_semantics<arbitrary>], iteration_bounds = array<i64: 32, 17>, scalar_prefetch = 2 : i64, scratch_operands = 2 : i64, tpu.core_type = #tpu.core_type<tc>, window_params = [{transform_indices = @transform_0, window_bounds = array<i64: 256, 128>}, {transform_indices = @transform_1, window_bounds = array<i64: 512, 128>}, {transform_indices = @transform_2, window_bounds = array<i64: 256, 1>}, {transform_indices = @transform_3, window_bounds = array<i64: 1, 512>}, {transform_indices = @transform_4, window_bounds = array<i64: 256, 16>}]} {
    %eq3A = arith.constant 0 : i32
    %eq3A_0 = arith.cmpi eq, %arg1, %eq3A : i32
    %sub3A = arith.constant 1 : i32
    %sub3A_1 = arith.subi %arg1, %sub3A : i32
    %get3A = arith.index_cast %arg0 : i32 to index
    %get3A_2 = memref.load %arg3[%get3A] : memref<32xi32, #tpu.memory_space<smem>>
    %lt3A = arith.cmpi slt, %sub3A_1, %get3A_2 : i32
    %or3A = arith.ori %eq3A_0, %lt3A : i1
    %convert_element_type3A = arith.extui %or3A : i1 to i32
    %cond3A = arith.constant 0 : i32
    %cond3A_3 = arith.cmpi ne, %convert_element_type3A, %cond3A : i32
    scf.if %cond3A_3 {
      %eq3A_4 = arith.constant 0 : i32
      %eq3A_5 = arith.cmpi eq, %arg1, %eq3A_4 : i32
      %get3A_6 = arith.index_cast %arg0 : i32 to index
      %get3A_7 = memref.load %arg2[%get3A_6] : memref<32xi32, #tpu.memory_space<smem>>
      %add3A = arith.addi %get3A_7, %arg1 : i32
      %sub3A_8 = arith.constant 1 : i32
      %sub3A_9 = arith.subi %add3A, %sub3A_8 : i32
      %get3A_10 = arith.index_cast %arg0 : i32 to index
      %get3A_11 = memref.load %arg2[%get3A_10] : memref<32xi32, #tpu.memory_space<smem>>
      %get3A_12 = arith.index_cast %arg0 : i32 to index
      %get3A_13 = memref.load %arg3[%get3A_12] : memref<32xi32, #tpu.memory_space<smem>>
      %add3A_14 = arith.addi %get3A_11, %get3A_13 : i32
      %sub3A_15 = arith.constant 1 : i32
      %sub3A_16 = arith.subi %add3A_14, %sub3A_15 : i32
      %min3A = arith.minsi %sub3A_9, %sub3A_16 : i32
      %jit3A = arith.constant 0 : i32
      %select_n3A = arith.select %eq3A_5, %jit3A, %min3A : i32
      %get3A_17 = arith.constant 0 : index
      %get3A_18 = arith.constant 0 : index
      %get3A_19 = vector.load %arg4[%get3A_17, %get3A_18] : memref<256x128xf32, #tpu.memory_space<vmem>>, vector<256x128xf32>
      %get3A_20 = arith.constant 0 : index
      %get3A_21 = arith.constant 0 : index
      %get3A_22 = vector.load %arg5[%get3A_20, %get3A_21] : memref<512x128xf32, #tpu.memory_space<vmem>>, vector<512x128xf32>
      %broadcast_in_dim3A = arith.constant 1.000000e+00 : f32
      %broadcast_in_dim3A_23 = vector.broadcast %broadcast_in_dim3A : f32 to vector<8x128xf32>
      %mul3A = arith.mulf %get3A_22, %get3A_22 : vector<512x128xf32>
      %dot_general3A = arith.constant dense<0.000000e+00> : vector<8x512xf32>
      %dot_general3A_24 = tpu.matmul %broadcast_in_dim3A_23, %mul3A, %dot_general3A {dimension_numbers = #tpu.dot_dimension_numbers<[1], [1], [0], [0], [0, 0, 1, 0], [], []>, precision = #tpu.contract_precision<fp32>, transpose_lhs_hint = false} : vector<8x128xf32>, vector<512x128xf32>, vector<8x512xf32> -> vector<8x512xf32>
      %slice3A = vector.extract_strided_slice %dot_general3A_24 {offsets = [0, 0], sizes = [1, 512], strides = [1, 1]} : vector<8x512xf32> to vector<1x512xf32>
      %convert_element_type3A_25 = arith.truncf %get3A_19 : vector<256x128xf32> to vector<256x128xbf16>
      %convert_element_type3A_26 = arith.truncf %get3A_22 : vector<512x128xf32> to vector<512x128xbf16>
      %dot_general3A_27 = arith.constant dense<0.000000e+00> : vector<256x512xf32>
      %dot_general3A_28 = tpu.matmul %convert_element_type3A_25, %convert_element_type3A_26, %dot_general3A_27 {dimension_numbers = #tpu.dot_dimension_numbers<[1], [1], [0], [0], [0, 0, 1, 0], [], []>, transpose_lhs_hint = false} : vector<256x128xbf16>, vector<512x128xbf16>, vector<256x512xf32> -> vector<256x512xf32>
      %mul3A_29 = arith.constant 2.000000e+00 : f32
      %mul3A_30 = vector.broadcast %mul3A_29 : f32 to vector<256x512xf32>
      %mul3A_31 = arith.mulf %mul3A_30, %dot_general3A_28 : vector<256x512xf32>
      %sub3A_32 = vector.broadcast %slice3A : vector<1x512xf32> to vector<256x512xf32>
      %sub3A_33 = arith.subf %sub3A_32, %mul3A_31 : vector<256x512xf32>
      %get3A_34 = arith.constant 0 : index
      %get3A_35 = arith.constant 0 : index
      %get3A_36 = vector.load %arg6[%get3A_34, %get3A_35] : memref<256x1xi32, #tpu.memory_space<vmem>>, vector<256x1xi32>
      %get3A_37 = arith.constant 0 : index
      %get3A_38 = arith.constant 0 : index
      %get3A_39 = vector.load %arg7[%get3A_37, %get3A_38] : memref<1x512xi32, #tpu.memory_space<vmem>>, vector<1x512xi32>
      %eq3A_40 = vector.broadcast %get3A_36 : vector<256x1xi32> to vector<256x512xi32>
      %eq3A_41 = vector.broadcast %get3A_39 : vector<1x512xi32> to vector<256x512xi32>
      %eq3A_42 = arith.cmpi eq, %eq3A_40, %eq3A_41 : vector<256x512xi32>
      %jit3A_43 = arith.constant 0x7F800000 : f32
      %broadcast_in_dim3A_44 = vector.broadcast %jit3A_43 : f32 to vector<256x512xf32>
      %select_n3A_45 = arith.select %eq3A_42, %sub3A_33, %broadcast_in_dim3A_44 : vector<256x512xi1>, vector<256x512xf32>
      %mul3A_46 = arith.constant 512 : i32
      %mul3A_47 = arith.muli %select_n3A, %mul3A_46 : i32
      %convert_element_type3A_48 = arith.sitofp %mul3A_47 : i32 to f32
      %iota3A = tpu.iota {dimensions = array<i32: 1>} : vector<256x512xi32>
      %convert_element_type3A_49 = arith.sitofp %iota3A : vector<256x512xi32> to vector<256x512xf32>
      %add3A_50 = vector.broadcast %convert_element_type3A_48 : f32 to vector<256x512xf32>
      %add3A_51 = arith.addf %add3A_50, %convert_element_type3A_49 : vector<256x512xf32>
      %eq3A_52 = arith.constant 0 : i32
      %eq3A_53 = arith.cmpi eq, %arg1, %eq3A_52 : i32
      %get3A_54 = arith.constant 0 : index
      %get3A_55 = arith.constant 0 : index
      %get3A_56 = vector.load %arg9[%get3A_54, %get3A_55] : memref<256x16xf32, #tpu.memory_space<vmem>>, vector<256x16xf32>
      %jit3A_57 = arith.constant 0x7F800000 : f32
      %broadcast_in_dim3A_58 = vector.broadcast %jit3A_57 : f32 to vector<256x16xf32>
      %select_n3A_59 = arith.select %eq3A_53, %broadcast_in_dim3A_58, %get3A_56 : vector<256x16xf32>
      %eq3A_60 = arith.constant 0 : i32
      %eq3A_61 = arith.cmpi eq, %arg1, %eq3A_60 : i32
      %get3A_62 = arith.constant 0 : index
      %get3A_63 = arith.constant 0 : index
      %get3A_64 = vector.load %arg10[%get3A_62, %get3A_63] : memref<256x16xf32, #tpu.memory_space<vmem>>, vector<256x16xf32>
      %jit3A_65 = arith.constant 0x49800000 : f32
      %broadcast_in_dim3A_66 = vector.broadcast %jit3A_65 : f32 to vector<256x16xf32>
      %select_n3A_67 = arith.select %eq3A_61, %broadcast_in_dim3A_66, %get3A_64 : vector<256x16xf32>
      %concatenate3A = tpu.concatenate %select_n3A_59, %select_n3A_45 in 1 : vector<256x16xf32>, vector<256x512xf32> -> vector<256x528xf32>
      %concatenate3A_68 = tpu.concatenate %select_n3A_67, %add3A_51 in 1 : vector<256x16xf32>, vector<256x512xf32> -> vector<256x528xf32>
      %reduce_min3A = arith.constant dense<0x7F800000> : vector<256xf32>
      %reduce_min3A_69 = vector.multi_reduction <minimumf>, %concatenate3A, %reduce_min3A [1] : vector<256x528xf32> to vector<256xf32>
      %broadcast_in_dim3A_70 = vector.shape_cast %reduce_min3A_69 : vector<256xf32> to vector<256x1xf32>
      %eq3A_71 = vector.broadcast %broadcast_in_dim3A_70 : vector<256x1xf32> to vector<256x528xf32>
      %eq3A_72 = arith.cmpf oeq, %concatenate3A, %eq3A_71 : vector<256x528xf32>
      %jit3A_73 = arith.constant 0x49800000 : f32
      %broadcast_in_dim3A_74 = vector.broadcast %jit3A_73 : f32 to vector<256x528xf32>
      %select_n3A_75 = arith.select %eq3A_72, %concatenate3A_68, %broadcast_in_dim3A_74 : vector<256x528xi1>, vector<256x528xf32>
      %reduce_min3A_76 = arith.constant dense<0x7F800000> : vector<256xf32>
      %reduce_min3A_77 = vector.multi_reduction <minimumf>, %select_n3A_75, %reduce_min3A_76 [1] : vector<256x528xf32> to vector<256xf32>
      %broadcast_in_dim3A_78 = vector.shape_cast %reduce_min3A_77 : vector<256xf32> to vector<256x1xf32>
      %eq3A_79 = vector.broadcast %broadcast_in_dim3A_78 : vector<256x1xf32> to vector<256x528xf32>
      %eq3A_80 = arith.cmpf oeq, %concatenate3A_68, %eq3A_79 : vector<256x528xf32>
      %jit3A_81 = arith.constant 0x7F800000 : f32
      %broadcast_in_dim3A_82 = vector.broadcast %jit3A_81 : f32 to vector<256x528xf32>
      %select_n3A_83 = arith.select %eq3A_80, %broadcast_in_dim3A_82, %concatenate3A : vector<256x528xi1>, vector<256x528xf32>
      %jit3A_84 = arith.constant 0x49800000 : f32
      %broadcast_in_dim3A_85 = vector.broadcast %jit3A_84 : f32 to vector<256x528xf32>
      %select_n3A_86 = arith.select %eq3A_80, %broadcast_in_dim3A_85, %concatenate3A_68 : vector<256x528xi1>, vector<256x528xf32>
      %reduce_min3A_87 = arith.constant dense<0x7F800000> : vector<256xf32>
      %reduce_min3A_88 = vector.multi_reduction <minimumf>, %select_n3A_83, %reduce_min3A_87 [1] : vector<256x528xf32> to vector<256xf32>
      %broadcast_in_dim3A_89 = vector.shape_cast %reduce_min3A_88 : vector<256xf32> to vector<256x1xf32>
      %eq3A_90 = vector.broadcast %broadcast_in_dim3A_89 : vector<256x1xf32> to vector<256x528xf32>
      %eq3A_91 = arith.cmpf oeq, %select_n3A_83, %eq3A_90 : vector<256x528xf32>
      %jit3A_92 = arith.constant 0x49800000 : f32
      %broadcast_in_dim3A_93 = vector.broadcast %jit3A_92 : f32 to vector<256x528xf32>
      %select_n3A_94 = arith.select %eq3A_91, %select_n3A_86, %broadcast_in_dim3A_93 : vector<256x528xi1>, vector<256x528xf32>
      %reduce_min3A_95 = arith.constant dense<0x7F800000> : vector<256xf32>
      %reduce_min3A_96 = vector.multi_reduction <minimumf>, %select_n3A_94, %reduce_min3A_95 [1] : vector<256x528xf32> to vector<256xf32>
      %broadcast_in_dim3A_97 = vector.shape_cast %reduce_min3A_96 : vector<256xf32> to vector<256x1xf32>
      %eq3A_98 = vector.broadcast %broadcast_in_dim3A_97 : vector<256x1xf32> to vector<256x528xf32>
      %eq3A_99 = arith.cmpf oeq, %select_n3A_86, %eq3A_98 : vector<256x528xf32>
      %jit3A_100 = arith.constant 0x7F800000 : f32
      %broadcast_in_dim3A_101 = vector.broadcast %jit3A_100 : f32 to vector<256x528xf32>
      %select_n3A_102 = arith.select %eq3A_99, %broadcast_in_dim3A_101, %select_n3A_83 : vector<256x528xi1>, vector<256x528xf32>
      %jit3A_103 = arith.constant 0x49800000 : f32
      %broadcast_in_dim3A_104 = vector.broadcast %jit3A_103 : f32 to vector<256x528xf32>
      %select_n3A_105 = arith.select %eq3A_99, %broadcast_in_dim3A_104, %select_n3A_86 : vector<256x528xi1>, vector<256x528xf32>
      %reduce_min3A_106 = arith.constant dense<0x7F800000> : vector<256xf32>
      %reduce_min3A_107 = vector.multi_reduction <minimumf>, %select_n3A_102, %reduce_min3A_106 [1] : vector<256x528xf32> to vector<256xf32>
      %broadcast_in_dim3A_108 = vector.shape_cast %reduce_min3A_107 : vector<256xf32> to vector<256x1xf32>
      %eq3A_109 = vector.broadcast %broadcast_in_dim3A_108 : vector<256x1xf32> to vector<256x528xf32>
      %eq3A_110 = arith.cmpf oeq, %select_n3A_102, %eq3A_109 : vector<256x528xf32>
      %jit3A_111 = arith.constant 0x49800000 : f32
      %broadcast_in_dim3A_112 = vector.broadcast %jit3A_111 : f32 to vector<256x528xf32>
      %select_n3A_113 = arith.select %eq3A_110, %select_n3A_105, %broadcast_in_dim3A_112 : vector<256x528xi1>, vector<256x528xf32>
      %reduce_min3A_114 = arith.constant dense<0x7F800000> : vector<256xf32>
      %reduce_min3A_115 = vector.multi_reduction <minimumf>, %select_n3A_113, %reduce_min3A_114 [1] : vector<256x528xf32> to vector<256xf32>
      %broadcast_in_dim3A_116 = vector.shape_cast %reduce_min3A_115 : vector<256xf32> to vector<256x1xf32>
      %eq3A_117 = vector.broadcast %broadcast_in_dim3A_116 : vector<256x1xf32> to vector<256x528xf32>
      %eq3A_118 = arith.cmpf oeq, %select_n3A_105, %eq3A_117 : vector<256x528xf32>
      %jit3A_119 = arith.constant 0x7F800000 : f32
      %broadcast_in_dim3A_120 = vector.broadcast %jit3A_119 : f32 to vector<256x528xf32>
      %select_n3A_121 = arith.select %eq3A_118, %broadcast_in_dim3A_120, %select_n3A_102 : vector<256x528xi1>, vector<256x528xf32>
      %jit3A_122 = arith.constant 0x49800000 : f32
      %broadcast_in_dim3A_123 = vector.broadcast %jit3A_122 : f32 to vector<256x528xf32>
      %select_n3A_124 = arith.select %eq3A_118, %broadcast_in_dim3A_123, %select_n3A_105 : vector<256x528xi1>, vector<256x528xf32>
      %reduce_min3A_125 = arith.constant dense<0x7F800000> : vector<256xf32>
      %reduce_min3A_126 = vector.multi_reduction <minimumf>, %select_n3A_121, %reduce_min3A_125 [1] : vector<256x528xf32> to vector<256xf32>
      %broadcast_in_dim3A_127 = vector.shape_cast %reduce_min3A_126 : vector<256xf32> to vector<256x1xf32>
      %eq3A_128 = vector.broadcast %broadcast_in_dim3A_127 : vector<256x1xf32> to vector<256x528xf32>
      %eq3A_129 = arith.cmpf oeq, %select_n3A_121, %eq3A_128 : vector<256x528xf32>
      %jit3A_130 = arith.constant 0x49800000 : f32
      %broadcast_in_dim3A_131 = vector.broadcast %jit3A_130 : f32 to vector<256x528xf32>
      %select_n3A_132 = arith.select %eq3A_129, %select_n3A_124, %broadcast_in_dim3A_131 : vector<256x528xi1>, vector<256x528xf32>
      %reduce_min3A_133 = arith.constant dense<0x7F800000> : vector<256xf32>
      %reduce_min3A_134 = vector.multi_reduction <minimumf>, %select_n3A_132, %reduce_min3A_133 [1] : vector<256x528xf32> to vector<256xf32>
      %broadcast_in_dim3A_135 = vector.shape_cast %reduce_min3A_134 : vector<256xf32> to vector<256x1xf32>
      %eq3A_136 = vector.broadcast %broadcast_in_dim3A_135 : vector<256x1xf32> to vector<256x528xf32>
      %eq3A_137 = arith.cmpf oeq, %select_n3A_124, %eq3A_136 : vector<256x528xf32>
      %jit3A_138 = arith.constant 0x7F800000 : f32
      %broadcast_in_dim3A_139 = vector.broadcast %jit3A_138 : f32 to vector<256x528xf32>
      %select_n3A_140 = arith.select %eq3A_137, %broadcast_in_dim3A_139, %select_n3A_121 : vector<256x528xi1>, vector<256x528xf32>
      %jit3A_141 = arith.constant 0x49800000 : f32
      %broadcast_in_dim3A_142 = vector.broadcast %jit3A_141 : f32 to vector<256x528xf32>
      %select_n3A_143 = arith.select %eq3A_137, %broadcast_in_dim3A_142, %select_n3A_124 : vector<256x528xi1>, vector<256x528xf32>
      %reduce_min3A_144 = arith.constant dense<0x7F800000> : vector<256xf32>
      %reduce_min3A_145 = vector.multi_reduction <minimumf>, %select_n3A_140, %reduce_min3A_144 [1] : vector<256x528xf32> to vector<256xf32>
      %broadcast_in_dim3A_146 = vector.shape_cast %reduce_min3A_145 : vector<256xf32> to vector<256x1xf32>
      %eq3A_147 = vector.broadcast %broadcast_in_dim3A_146 : vector<256x1xf32> to vector<256x528xf32>
      %eq3A_148 = arith.cmpf oeq, %select_n3A_140, %eq3A_147 : vector<256x528xf32>
      %jit3A_149 = arith.constant 0x49800000 : f32
      %broadcast_in_dim3A_150 = vector.broadcast %jit3A_149 : f32 to vector<256x528xf32>
      %select_n3A_151 = arith.select %eq3A_148, %select_n3A_143, %broadcast_in_dim3A_150 : vector<256x528xi1>, vector<256x528xf32>
      %reduce_min3A_152 = arith.constant dense<0x7F800000> : vector<256xf32>
      %reduce_min3A_153 = vector.multi_reduction <minimumf>, %select_n3A_151, %reduce_min3A_152 [1] : vector<256x528xf32> to vector<256xf32>
      %broadcast_in_dim3A_154 = vector.shape_cast %reduce_min3A_153 : vector<256xf32> to vector<256x1xf32>
      %eq3A_155 = vector.broadcast %broadcast_in_dim3A_154 : vector<256x1xf32> to vector<256x528xf32>
      %eq3A_156 = arith.cmpf oeq, %select_n3A_143, %eq3A_155 : vector<256x528xf32>
      %jit3A_157 = arith.constant 0x7F800000 : f32
      %broadcast_in_dim3A_158 = vector.broadcast %jit3A_157 : f32 to vector<256x528xf32>
      %select_n3A_159 = arith.select %eq3A_156, %broadcast_in_dim3A_158, %select_n3A_140 : vector<256x528xi1>, vector<256x528xf32>
      %jit3A_160 = arith.constant 0x49800000 : f32
      %broadcast_in_dim3A_161 = vector.broadcast %jit3A_160 : f32 to vector<256x528xf32>
      %select_n3A_162 = arith.select %eq3A_156, %broadcast_in_dim3A_161, %select_n3A_143 : vector<256x528xi1>, vector<256x528xf32>
      %reduce_min3A_163 = arith.constant dense<0x7F800000> : vector<256xf32>
      %reduce_min3A_164 = vector.multi_reduction <minimumf>, %select_n3A_159, %reduce_min3A_163 [1] : vector<256x528xf32> to vector<256xf32>
      %broadcast_in_dim3A_165 = vector.shape_cast %reduce_min3A_164 : vector<256xf32> to vector<256x1xf32>
      %eq3A_166 = vector.broadcast %broadcast_in_dim3A_165 : vector<256x1xf32> to vector<256x528xf32>
      %eq3A_167 = arith.cmpf oeq, %select_n3A_159, %eq3A_166 : vector<256x528xf32>
      %jit3A_168 = arith.constant 0x49800000 : f32
      %broadcast_in_dim3A_169 = vector.broadcast %jit3A_168 : f32 to vector<256x528xf32>
      %select_n3A_170 = arith.select %eq3A_167, %select_n3A_162, %broadcast_in_dim3A_169 : vector<256x528xi1>, vector<256x528xf32>
      %reduce_min3A_171 = arith.constant dense<0x7F800000> : vector<256xf32>
      %reduce_min3A_172 = vector.multi_reduction <minimumf>, %select_n3A_170, %reduce_min3A_171 [1] : vector<256x528xf32> to vector<256xf32>
      %broadcast_in_dim3A_173 = vector.shape_cast %reduce_min3A_172 : vector<256xf32> to vector<256x1xf32>
      %eq3A_174 = vector.broadcast %broadcast_in_dim3A_173 : vector<256x1xf32> to vector<256x528xf32>
      %eq3A_175 = arith.cmpf oeq, %select_n3A_162, %eq3A_174 : vector<256x528xf32>
      %jit3A_176 = arith.constant 0x7F800000 : f32
      %broadcast_in_dim3A_177 = vector.broadcast %jit3A_176 : f32 to vector<256x528xf32>
      %select_n3A_178 = arith.select %eq3A_175, %broadcast_in_dim3A_177, %select_n3A_159 : vector<256x528xi1>, vector<256x528xf32>
      %jit3A_179 = arith.constant 0x49800000 : f32
      %broadcast_in_dim3A_180 = vector.broadcast %jit3A_179 : f32 to vector<256x528xf32>
      %select_n3A_181 = arith.select %eq3A_175, %broadcast_in_dim3A_180, %select_n3A_162 : vector<256x528xi1>, vector<256x528xf32>
      %reduce_min3A_182 = arith.constant dense<0x7F800000> : vector<256xf32>
      %reduce_min3A_183 = vector.multi_reduction <minimumf>, %select_n3A_178, %reduce_min3A_182 [1] : vector<256x528xf32> to vector<256xf32>
      %broadcast_in_dim3A_184 = vector.shape_cast %reduce_min3A_183 : vector<256xf32> to vector<256x1xf32>
      %eq3A_185 = vector.broadcast %broadcast_in_dim3A_184 : vector<256x1xf32> to vector<256x528xf32>
      %eq3A_186 = arith.cmpf oeq, %select_n3A_178, %eq3A_185 : vector<256x528xf32>
      %jit3A_187 = arith.constant 0x49800000 : f32
      %broadcast_in_dim3A_188 = vector.broadcast %jit3A_187 : f32 to vector<256x528xf32>
      %select_n3A_189 = arith.select %eq3A_186, %select_n3A_181, %broadcast_in_dim3A_188 : vector<256x528xi1>, vector<256x528xf32>
      %reduce_min3A_190 = arith.constant dense<0x7F800000> : vector<256xf32>
      %reduce_min3A_191 = vector.multi_reduction <minimumf>, %select_n3A_189, %reduce_min3A_190 [1] : vector<256x528xf32> to vector<256xf32>
      %broadcast_in_dim3A_192 = vector.shape_cast %reduce_min3A_191 : vector<256xf32> to vector<256x1xf32>
      %eq3A_193 = vector.broadcast %broadcast_in_dim3A_192 : vector<256x1xf32> to vector<256x528xf32>
      %eq3A_194 = arith.cmpf oeq, %select_n3A_181, %eq3A_193 : vector<256x528xf32>
      %jit3A_195 = arith.constant 0x7F800000 : f32
      %broadcast_in_dim3A_196 = vector.broadcast %jit3A_195 : f32 to vector<256x528xf32>
      %select_n3A_197 = arith.select %eq3A_194, %broadcast_in_dim3A_196, %select_n3A_178 : vector<256x528xi1>, vector<256x528xf32>
      %jit3A_198 = arith.constant 0x49800000 : f32
      %broadcast_in_dim3A_199 = vector.broadcast %jit3A_198 : f32 to vector<256x528xf32>
      %select_n3A_200 = arith.select %eq3A_194, %broadcast_in_dim3A_199, %select_n3A_181 : vector<256x528xi1>, vector<256x528xf32>
      %reduce_min3A_201 = arith.constant dense<0x7F800000> : vector<256xf32>
      %reduce_min3A_202 = vector.multi_reduction <minimumf>, %select_n3A_197, %reduce_min3A_201 [1] : vector<256x528xf32> to vector<256xf32>
      %broadcast_in_dim3A_203 = vector.shape_cast %reduce_min3A_202 : vector<256xf32> to vector<256x1xf32>
      %eq3A_204 = vector.broadcast %broadcast_in_dim3A_203 : vector<256x1xf32> to vector<256x528xf32>
      %eq3A_205 = arith.cmpf oeq, %select_n3A_197, %eq3A_204 : vector<256x528xf32>
      %jit3A_206 = arith.constant 0x49800000 : f32
      %broadcast_in_dim3A_207 = vector.broadcast %jit3A_206 : f32 to vector<256x528xf32>
      %select_n3A_208 = arith.select %eq3A_205, %select_n3A_200, %broadcast_in_dim3A_207 : vector<256x528xi1>, vector<256x528xf32>
      %reduce_min3A_209 = arith.constant dense<0x7F800000> : vector<256xf32>
      %reduce_min3A_210 = vector.multi_reduction <minimumf>, %select_n3A_208, %reduce_min3A_209 [1] : vector<256x528xf32> to vector<256xf32>
      %broadcast_in_dim3A_211 = vector.shape_cast %reduce_min3A_210 : vector<256xf32> to vector<256x1xf32>
      %eq3A_212 = vector.broadcast %broadcast_in_dim3A_211 : vector<256x1xf32> to vector<256x528xf32>
      %eq3A_213 = arith.cmpf oeq, %select_n3A_200, %eq3A_212 : vector<256x528xf32>
      %jit3A_214 = arith.constant 0x7F800000 : f32
      %broadcast_in_dim3A_215 = vector.broadcast %jit3A_214 : f32 to vector<256x528xf32>
      %select_n3A_216 = arith.select %eq3A_213, %broadcast_in_dim3A_215, %select_n3A_197 : vector<256x528xi1>, vector<256x528xf32>
      %jit3A_217 = arith.constant 0x49800000 : f32
      %broadcast_in_dim3A_218 = vector.broadcast %jit3A_217 : f32 to vector<256x528xf32>
      %select_n3A_219 = arith.select %eq3A_213, %broadcast_in_dim3A_218, %select_n3A_200 : vector<256x528xi1>, vector<256x528xf32>
      %reduce_min3A_220 = arith.constant dense<0x7F800000> : vector<256xf32>
      %reduce_min3A_221 = vector.multi_reduction <minimumf>, %select_n3A_216, %reduce_min3A_220 [1] : vector<256x528xf32> to vector<256xf32>
      %broadcast_in_dim3A_222 = vector.shape_cast %reduce_min3A_221 : vector<256xf32> to vector<256x1xf32>
      %eq3A_223 = vector.broadcast %broadcast_in_dim3A_222 : vector<256x1xf32> to vector<256x528xf32>
      %eq3A_224 = arith.cmpf oeq, %select_n3A_216, %eq3A_223 : vector<256x528xf32>
      %jit3A_225 = arith.constant 0x49800000 : f32
      %broadcast_in_dim3A_226 = vector.broadcast %jit3A_225 : f32 to vector<256x528xf32>
      %select_n3A_227 = arith.select %eq3A_224, %select_n3A_219, %broadcast_in_dim3A_226 : vector<256x528xi1>, vector<256x528xf32>
      %reduce_min3A_228 = arith.constant dense<0x7F800000> : vector<256xf32>
      %reduce_min3A_229 = vector.multi_reduction <minimumf>, %select_n3A_227, %reduce_min3A_228 [1] : vector<256x528xf32> to vector<256xf32>
      %broadcast_in_dim3A_230 = vector.shape_cast %reduce_min3A_229 : vector<256xf32> to vector<256x1xf32>
      %eq3A_231 = vector.broadcast %broadcast_in_dim3A_230 : vector<256x1xf32> to vector<256x528xf32>
      %eq3A_232 = arith.cmpf oeq, %select_n3A_219, %eq3A_231 : vector<256x528xf32>
      %jit3A_233 = arith.constant 0x7F800000 : f32
      %broadcast_in_dim3A_234 = vector.broadcast %jit3A_233 : f32 to vector<256x528xf32>
      %select_n3A_235 = arith.select %eq3A_232, %broadcast_in_dim3A_234, %select_n3A_216 : vector<256x528xi1>, vector<256x528xf32>
      %jit3A_236 = arith.constant 0x49800000 : f32
      %broadcast_in_dim3A_237 = vector.broadcast %jit3A_236 : f32 to vector<256x528xf32>
      %select_n3A_238 = arith.select %eq3A_232, %broadcast_in_dim3A_237, %select_n3A_219 : vector<256x528xi1>, vector<256x528xf32>
      %reduce_min3A_239 = arith.constant dense<0x7F800000> : vector<256xf32>
      %reduce_min3A_240 = vector.multi_reduction <minimumf>, %select_n3A_235, %reduce_min3A_239 [1] : vector<256x528xf32> to vector<256xf32>
      %broadcast_in_dim3A_241 = vector.shape_cast %reduce_min3A_240 : vector<256xf32> to vector<256x1xf32>
      %eq3A_242 = vector.broadcast %broadcast_in_dim3A_241 : vector<256x1xf32> to vector<256x528xf32>
      %eq3A_243 = arith.cmpf oeq, %select_n3A_235, %eq3A_242 : vector<256x528xf32>
      %jit3A_244 = arith.constant 0x49800000 : f32
      %broadcast_in_dim3A_245 = vector.broadcast %jit3A_244 : f32 to vector<256x528xf32>
      %select_n3A_246 = arith.select %eq3A_243, %select_n3A_238, %broadcast_in_dim3A_245 : vector<256x528xi1>, vector<256x528xf32>
      %reduce_min3A_247 = arith.constant dense<0x7F800000> : vector<256xf32>
      %reduce_min3A_248 = vector.multi_reduction <minimumf>, %select_n3A_246, %reduce_min3A_247 [1] : vector<256x528xf32> to vector<256xf32>
      %broadcast_in_dim3A_249 = vector.shape_cast %reduce_min3A_248 : vector<256xf32> to vector<256x1xf32>
      %eq3A_250 = vector.broadcast %broadcast_in_dim3A_249 : vector<256x1xf32> to vector<256x528xf32>
      %eq3A_251 = arith.cmpf oeq, %select_n3A_238, %eq3A_250 : vector<256x528xf32>
      %jit3A_252 = arith.constant 0x7F800000 : f32
      %broadcast_in_dim3A_253 = vector.broadcast %jit3A_252 : f32 to vector<256x528xf32>
      %select_n3A_254 = arith.select %eq3A_251, %broadcast_in_dim3A_253, %select_n3A_235 : vector<256x528xi1>, vector<256x528xf32>
      %jit3A_255 = arith.constant 0x49800000 : f32
      %broadcast_in_dim3A_256 = vector.broadcast %jit3A_255 : f32 to vector<256x528xf32>
      %select_n3A_257 = arith.select %eq3A_251, %broadcast_in_dim3A_256, %select_n3A_238 : vector<256x528xi1>, vector<256x528xf32>
      %reduce_min3A_258 = arith.constant dense<0x7F800000> : vector<256xf32>
      %reduce_min3A_259 = vector.multi_reduction <minimumf>, %select_n3A_254, %reduce_min3A_258 [1] : vector<256x528xf32> to vector<256xf32>
      %broadcast_in_dim3A_260 = vector.shape_cast %reduce_min3A_259 : vector<256xf32> to vector<256x1xf32>
      %eq3A_261 = vector.broadcast %broadcast_in_dim3A_260 : vector<256x1xf32> to vector<256x528xf32>
      %eq3A_262 = arith.cmpf oeq, %select_n3A_254, %eq3A_261 : vector<256x528xf32>
      %jit3A_263 = arith.constant 0x49800000 : f32
      %broadcast_in_dim3A_264 = vector.broadcast %jit3A_263 : f32 to vector<256x528xf32>
      %select_n3A_265 = arith.select %eq3A_262, %select_n3A_257, %broadcast_in_dim3A_264 : vector<256x528xi1>, vector<256x528xf32>
      %reduce_min3A_266 = arith.constant dense<0x7F800000> : vector<256xf32>
      %reduce_min3A_267 = vector.multi_reduction <minimumf>, %select_n3A_265, %reduce_min3A_266 [1] : vector<256x528xf32> to vector<256xf32>
      %broadcast_in_dim3A_268 = vector.shape_cast %reduce_min3A_267 : vector<256xf32> to vector<256x1xf32>
      %eq3A_269 = vector.broadcast %broadcast_in_dim3A_268 : vector<256x1xf32> to vector<256x528xf32>
      %eq3A_270 = arith.cmpf oeq, %select_n3A_257, %eq3A_269 : vector<256x528xf32>
      %jit3A_271 = arith.constant 0x7F800000 : f32
      %broadcast_in_dim3A_272 = vector.broadcast %jit3A_271 : f32 to vector<256x528xf32>
      %select_n3A_273 = arith.select %eq3A_270, %broadcast_in_dim3A_272, %select_n3A_254 : vector<256x528xi1>, vector<256x528xf32>
      %jit3A_274 = arith.constant 0x49800000 : f32
      %broadcast_in_dim3A_275 = vector.broadcast %jit3A_274 : f32 to vector<256x528xf32>
      %select_n3A_276 = arith.select %eq3A_270, %broadcast_in_dim3A_275, %select_n3A_257 : vector<256x528xi1>, vector<256x528xf32>
      %reduce_min3A_277 = arith.constant dense<0x7F800000> : vector<256xf32>
      %reduce_min3A_278 = vector.multi_reduction <minimumf>, %select_n3A_273, %reduce_min3A_277 [1] : vector<256x528xf32> to vector<256xf32>
      %broadcast_in_dim3A_279 = vector.shape_cast %reduce_min3A_278 : vector<256xf32> to vector<256x1xf32>
      %eq3A_280 = vector.broadcast %broadcast_in_dim3A_279 : vector<256x1xf32> to vector<256x528xf32>
      %eq3A_281 = arith.cmpf oeq, %select_n3A_273, %eq3A_280 : vector<256x528xf32>
      %jit3A_282 = arith.constant 0x49800000 : f32
      %broadcast_in_dim3A_283 = vector.broadcast %jit3A_282 : f32 to vector<256x528xf32>
      %select_n3A_284 = arith.select %eq3A_281, %select_n3A_276, %broadcast_in_dim3A_283 : vector<256x528xi1>, vector<256x528xf32>
      %reduce_min3A_285 = arith.constant dense<0x7F800000> : vector<256xf32>
      %reduce_min3A_286 = vector.multi_reduction <minimumf>, %select_n3A_284, %reduce_min3A_285 [1] : vector<256x528xf32> to vector<256xf32>
      %broadcast_in_dim3A_287 = vector.shape_cast %reduce_min3A_286 : vector<256xf32> to vector<256x1xf32>
      %eq3A_288 = vector.broadcast %broadcast_in_dim3A_287 : vector<256x1xf32> to vector<256x528xf32>
      %eq3A_289 = arith.cmpf oeq, %select_n3A_276, %eq3A_288 : vector<256x528xf32>
      %jit3A_290 = arith.constant 0x7F800000 : f32
      %broadcast_in_dim3A_291 = vector.broadcast %jit3A_290 : f32 to vector<256x528xf32>
      %select_n3A_292 = arith.select %eq3A_289, %broadcast_in_dim3A_291, %select_n3A_273 : vector<256x528xi1>, vector<256x528xf32>
      %jit3A_293 = arith.constant 0x49800000 : f32
      %broadcast_in_dim3A_294 = vector.broadcast %jit3A_293 : f32 to vector<256x528xf32>
      %select_n3A_295 = arith.select %eq3A_289, %broadcast_in_dim3A_294, %select_n3A_276 : vector<256x528xi1>, vector<256x528xf32>
      %reduce_min3A_296 = arith.constant dense<0x7F800000> : vector<256xf32>
      %reduce_min3A_297 = vector.multi_reduction <minimumf>, %select_n3A_292, %reduce_min3A_296 [1] : vector<256x528xf32> to vector<256xf32>
      %broadcast_in_dim3A_298 = vector.shape_cast %reduce_min3A_297 : vector<256xf32> to vector<256x1xf32>
      %eq3A_299 = vector.broadcast %broadcast_in_dim3A_298 : vector<256x1xf32> to vector<256x528xf32>
      %eq3A_300 = arith.cmpf oeq, %select_n3A_292, %eq3A_299 : vector<256x528xf32>
      %jit3A_301 = arith.constant 0x49800000 : f32
      %broadcast_in_dim3A_302 = vector.broadcast %jit3A_301 : f32 to vector<256x528xf32>
      %select_n3A_303 = arith.select %eq3A_300, %select_n3A_295, %broadcast_in_dim3A_302 : vector<256x528xi1>, vector<256x528xf32>
      %reduce_min3A_304 = arith.constant dense<0x7F800000> : vector<256xf32>
      %reduce_min3A_305 = vector.multi_reduction <minimumf>, %select_n3A_303, %reduce_min3A_304 [1] : vector<256x528xf32> to vector<256xf32>
      %broadcast_in_dim3A_306 = vector.shape_cast %reduce_min3A_305 : vector<256xf32> to vector<256x1xf32>
      %eq3A_307 = vector.broadcast %broadcast_in_dim3A_306 : vector<256x1xf32> to vector<256x528xf32>
      %eq3A_308 = arith.cmpf oeq, %select_n3A_295, %eq3A_307 : vector<256x528xf32>
      %jit3A_309 = arith.constant 0x7F800000 : f32
      %broadcast_in_dim3A_310 = vector.broadcast %jit3A_309 : f32 to vector<256x528xf32>
      %select_n3A_311 = arith.select %eq3A_308, %broadcast_in_dim3A_310, %select_n3A_292 : vector<256x528xi1>, vector<256x528xf32>
      %jit3A_312 = arith.constant 0x49800000 : f32
      %broadcast_in_dim3A_313 = vector.broadcast %jit3A_312 : f32 to vector<256x528xf32>
      %select_n3A_314 = arith.select %eq3A_308, %broadcast_in_dim3A_313, %select_n3A_295 : vector<256x528xi1>, vector<256x528xf32>
      %reduce_min3A_315 = arith.constant dense<0x7F800000> : vector<256xf32>
      %reduce_min3A_316 = vector.multi_reduction <minimumf>, %select_n3A_311, %reduce_min3A_315 [1] : vector<256x528xf32> to vector<256xf32>
      %broadcast_in_dim3A_317 = vector.shape_cast %reduce_min3A_316 : vector<256xf32> to vector<256x1xf32>
      %eq3A_318 = vector.broadcast %broadcast_in_dim3A_317 : vector<256x1xf32> to vector<256x528xf32>
      %eq3A_319 = arith.cmpf oeq, %select_n3A_311, %eq3A_318 : vector<256x528xf32>
      %jit3A_320 = arith.constant 0x49800000 : f32
      %broadcast_in_dim3A_321 = vector.broadcast %jit3A_320 : f32 to vector<256x528xf32>
      %select_n3A_322 = arith.select %eq3A_319, %select_n3A_314, %broadcast_in_dim3A_321 : vector<256x528xi1>, vector<256x528xf32>
      %reduce_min3A_323 = arith.constant dense<0x7F800000> : vector<256xf32>
      %reduce_min3A_324 = vector.multi_reduction <minimumf>, %select_n3A_322, %reduce_min3A_323 [1] : vector<256x528xf32> to vector<256xf32>
      %broadcast_in_dim3A_325 = vector.shape_cast %reduce_min3A_324 : vector<256xf32> to vector<256x1xf32>
      %eq3A_326 = vector.broadcast %broadcast_in_dim3A_325 : vector<256x1xf32> to vector<256x528xf32>
      %eq3A_327 = arith.cmpf oeq, %select_n3A_314, %eq3A_326 : vector<256x528xf32>
      %jit3A_328 = arith.constant 0x7F800000 : f32
      %broadcast_in_dim3A_329 = vector.broadcast %jit3A_328 : f32 to vector<256x528xf32>
      %select_n3A_330 = arith.select %eq3A_327, %broadcast_in_dim3A_329, %select_n3A_311 : vector<256x528xi1>, vector<256x528xf32>
      %jit3A_331 = arith.constant 0x49800000 : f32
      %broadcast_in_dim3A_332 = vector.broadcast %jit3A_331 : f32 to vector<256x528xf32>
      %select_n3A_333 = arith.select %eq3A_327, %broadcast_in_dim3A_332, %select_n3A_314 : vector<256x528xi1>, vector<256x528xf32>
      %reduce_min3A_334 = arith.constant dense<0x7F800000> : vector<256xf32>
      %reduce_min3A_335 = vector.multi_reduction <minimumf>, %select_n3A_330, %reduce_min3A_334 [1] : vector<256x528xf32> to vector<256xf32>
      %broadcast_in_dim3A_336 = vector.shape_cast %reduce_min3A_335 : vector<256xf32> to vector<256x1xf32>
      %eq3A_337 = vector.broadcast %broadcast_in_dim3A_336 : vector<256x1xf32> to vector<256x528xf32>
      %eq3A_338 = arith.cmpf oeq, %select_n3A_330, %eq3A_337 : vector<256x528xf32>
      %jit3A_339 = arith.constant 0x49800000 : f32
      %broadcast_in_dim3A_340 = vector.broadcast %jit3A_339 : f32 to vector<256x528xf32>
      %select_n3A_341 = arith.select %eq3A_338, %select_n3A_333, %broadcast_in_dim3A_340 : vector<256x528xi1>, vector<256x528xf32>
      %reduce_min3A_342 = arith.constant dense<0x7F800000> : vector<256xf32>
      %reduce_min3A_343 = vector.multi_reduction <minimumf>, %select_n3A_341, %reduce_min3A_342 [1] : vector<256x528xf32> to vector<256xf32>
      %broadcast_in_dim3A_344 = vector.shape_cast %reduce_min3A_343 : vector<256xf32> to vector<256x1xf32>
      %eq3A_345 = vector.broadcast %broadcast_in_dim3A_344 : vector<256x1xf32> to vector<256x528xf32>
      %eq3A_346 = arith.cmpf oeq, %select_n3A_333, %eq3A_345 : vector<256x528xf32>
      %jit3A_347 = arith.constant 0x7F800000 : f32
      %broadcast_in_dim3A_348 = vector.broadcast %jit3A_347 : f32 to vector<256x528xf32>
      %select_n3A_349 = arith.select %eq3A_346, %broadcast_in_dim3A_348, %select_n3A_330 : vector<256x528xi1>, vector<256x528xf32>
      %jit3A_350 = arith.constant 0x49800000 : f32
      %broadcast_in_dim3A_351 = vector.broadcast %jit3A_350 : f32 to vector<256x528xf32>
      %select_n3A_352 = arith.select %eq3A_346, %broadcast_in_dim3A_351, %select_n3A_333 : vector<256x528xi1>, vector<256x528xf32>
      %reduce_min3A_353 = arith.constant dense<0x7F800000> : vector<256xf32>
      %reduce_min3A_354 = vector.multi_reduction <minimumf>, %select_n3A_349, %reduce_min3A_353 [1] : vector<256x528xf32> to vector<256xf32>
      %broadcast_in_dim3A_355 = vector.shape_cast %reduce_min3A_354 : vector<256xf32> to vector<256x1xf32>
      %eq3A_356 = vector.broadcast %broadcast_in_dim3A_355 : vector<256x1xf32> to vector<256x528xf32>
      %eq3A_357 = arith.cmpf oeq, %select_n3A_349, %eq3A_356 : vector<256x528xf32>
      %jit3A_358 = arith.constant 0x49800000 : f32
      %broadcast_in_dim3A_359 = vector.broadcast %jit3A_358 : f32 to vector<256x528xf32>
      %select_n3A_360 = arith.select %eq3A_357, %select_n3A_352, %broadcast_in_dim3A_359 : vector<256x528xi1>, vector<256x528xf32>
      %reduce_min3A_361 = arith.constant dense<0x7F800000> : vector<256xf32>
      %reduce_min3A_362 = vector.multi_reduction <minimumf>, %select_n3A_360, %reduce_min3A_361 [1] : vector<256x528xf32> to vector<256xf32>
      %broadcast_in_dim3A_363 = vector.shape_cast %reduce_min3A_362 : vector<256xf32> to vector<256x1xf32>
      %concatenate3A_364 = tpu.concatenate %broadcast_in_dim3A_70, %broadcast_in_dim3A_89, %broadcast_in_dim3A_108, %broadcast_in_dim3A_127, %broadcast_in_dim3A_146, %broadcast_in_dim3A_165, %broadcast_in_dim3A_184, %broadcast_in_dim3A_203, %broadcast_in_dim3A_222, %broadcast_in_dim3A_241, %broadcast_in_dim3A_260, %broadcast_in_dim3A_279, %broadcast_in_dim3A_298, %broadcast_in_dim3A_317, %broadcast_in_dim3A_336, %broadcast_in_dim3A_355 in 1 : vector<256x1xf32>, vector<256x1xf32>, vector<256x1xf32>, vector<256x1xf32>, vector<256x1xf32>, vector<256x1xf32>, vector<256x1xf32>, vector<256x1xf32>, vector<256x1xf32>, vector<256x1xf32>, vector<256x1xf32>, vector<256x1xf32>, vector<256x1xf32>, vector<256x1xf32>, vector<256x1xf32>, vector<256x1xf32> -> vector<256x16xf32>
      %swap3A = arith.constant 0 : index
      %swap3A_365 = arith.constant 0 : index
      %swap3A_366 = vector.load %arg9[%swap3A, %swap3A_365] : memref<256x16xf32, #tpu.memory_space<vmem>>, vector<256x16xf32>
      tpu.vector_store %arg9[%swap3A, %swap3A_365], %concatenate3A_364 {strides = array<i32>} : memref<256x16xf32, #tpu.memory_space<vmem>>, vector<256x16xf32>,
      %concatenate3A_367 = tpu.concatenate %broadcast_in_dim3A_78, %broadcast_in_dim3A_97, %broadcast_in_dim3A_116, %broadcast_in_dim3A_135, %broadcast_in_dim3A_154, %broadcast_in_dim3A_173, %broadcast_in_dim3A_192, %broadcast_in_dim3A_211, %broadcast_in_dim3A_230, %broadcast_in_dim3A_249, %broadcast_in_dim3A_268, %broadcast_in_dim3A_287, %broadcast_in_dim3A_306, %broadcast_in_dim3A_325, %broadcast_in_dim3A_344, %broadcast_in_dim3A_363 in 1 : vector<256x1xf32>, vector<256x1xf32>, vector<256x1xf32>, vector<256x1xf32>, vector<256x1xf32>, vector<256x1xf32>, vector<256x1xf32>, vector<256x1xf32>, vector<256x1xf32>, vector<256x1xf32>, vector<256x1xf32>, vector<256x1xf32>, vector<256x1xf32>, vector<256x1xf32>, vector<256x1xf32>, vector<256x1xf32> -> vector<256x16xf32>
      %swap3A_368 = arith.constant 0 : index
      %swap3A_369 = arith.constant 0 : index
      %swap3A_370 = vector.load %arg10[%swap3A_368, %swap3A_369] : memref<256x16xf32, #tpu.memory_space<vmem>>, vector<256x16xf32>
      tpu.vector_store %arg10[%swap3A_368, %swap3A_369], %concatenate3A_367 {strides = array<i32>} : memref<256x16xf32, #tpu.memory_space<vmem>>, vector<256x16xf32>,
      %convert_element_type3A_371 = arith.fptosi %concatenate3A_367 : vector<256x16xf32> to vector<256x16xi32>
      %swap3A_372 = arith.constant 0 : index
      %swap3A_373 = arith.constant 0 : index
      %swap3A_374 = vector.load %arg8[%swap3A_372, %swap3A_373] : memref<256x16xi32, #tpu.memory_space<vmem>>, vector<256x16xi32>
      tpu.vector_store %arg8[%swap3A_372, %swap3A_373], %convert_element_type3A_371 {strides = array<i32>} : memref<256x16xi32, #tpu.memory_space<vmem>>, vector<256x16xi32>,
    } else {
    }
    return
  }
  func.func @transform_0(%arg0: i32, %arg1: i32, %arg2: memref<32xi32, #tpu.memory_space<smem>>, %arg3: memref<32xi32, #tpu.memory_space<smem>>) -> (i32, i32) {
    %c0_i32 = arith.constant 0 : i32
    %c0_i32_0 = arith.constant 0 : i32
    return %arg0, %c0_i32 : i32, i32
  }
  func.func @transform_1(%arg0: i32, %arg1: i32, %arg2: memref<32xi32, #tpu.memory_space<smem>>, %arg3: memref<32xi32, #tpu.memory_space<smem>>) -> (i32, i32) {
    %eq3A = arith.constant 0 : i32
    %eq3A_0 = arith.cmpi eq, %arg1, %eq3A : i32
    %get3A = arith.index_cast %arg0 : i32 to index
    %get3A_1 = memref.load %arg2[%get3A] : memref<32xi32, #tpu.memory_space<smem>>
    %add3A = arith.addi %get3A_1, %arg1 : i32
    %sub3A = arith.constant 1 : i32
    %sub3A_2 = arith.subi %add3A, %sub3A : i32
    %get3A_3 = arith.index_cast %arg0 : i32 to index
    %get3A_4 = memref.load %arg2[%get3A_3] : memref<32xi32, #tpu.memory_space<smem>>
    %get3A_5 = arith.index_cast %arg0 : i32 to index
    %get3A_6 = memref.load %arg3[%get3A_5] : memref<32xi32, #tpu.memory_space<smem>>
    %add3A_7 = arith.addi %get3A_4, %get3A_6 : i32
    %sub3A_8 = arith.constant 1 : i32
    %sub3A_9 = arith.subi %add3A_7, %sub3A_8 : i32
    %min3A = arith.minsi %sub3A_2, %sub3A_9 : i32
    %jit3A = arith.constant 0 : i32
    %select_n3A = arith.select %eq3A_0, %jit3A, %min3A : i32
    %c0_i32 = arith.constant 0 : i32
    %c0_i32_10 = arith.constant 0 : i32
    return %select_n3A, %c0_i32 : i32, i32
  }
  func.func @transform_2(%arg0: i32, %arg1: i32, %arg2: memref<32xi32, #tpu.memory_space<smem>>, %arg3: memref<32xi32, #tpu.memory_space<smem>>) -> (i32, i32) {
    %c0_i32 = arith.constant 0 : i32
    %c0_i32_0 = arith.constant 0 : i32
    return %arg0, %c0_i32 : i32, i32
  }
  func.func @transform_3(%arg0: i32, %arg1: i32, %arg2: memref<32xi32, #tpu.memory_space<smem>>, %arg3: memref<32xi32, #tpu.memory_space<smem>>) -> (i32, i32) {
    %eq3A = arith.constant 0 : i32
    %eq3A_0 = arith.cmpi eq, %arg1, %eq3A : i32
    %get3A = arith.index_cast %arg0 : i32 to index
    %get3A_1 = memref.load %arg2[%get3A] : memref<32xi32, #tpu.memory_space<smem>>
    %add3A = arith.addi %get3A_1, %arg1 : i32
    %sub3A = arith.constant 1 : i32
    %sub3A_2 = arith.subi %add3A, %sub3A : i32
    %get3A_3 = arith.index_cast %arg0 : i32 to index
    %get3A_4 = memref.load %arg2[%get3A_3] : memref<32xi32, #tpu.memory_space<smem>>
    %get3A_5 = arith.index_cast %arg0 : i32 to index
    %get3A_6 = memref.load %arg3[%get3A_5] : memref<32xi32, #tpu.memory_space<smem>>
    %add3A_7 = arith.addi %get3A_4, %get3A_6 : i32
    %sub3A_8 = arith.constant 1 : i32
    %sub3A_9 = arith.subi %add3A_7, %sub3A_8 : i32
    %min3A = arith.minsi %sub3A_2, %sub3A_9 : i32
    %jit3A = arith.constant 0 : i32
    %select_n3A = arith.select %eq3A_0, %jit3A, %min3A : i32
    %c0_i32 = arith.constant 0 : i32
    %c0_i32_10 = arith.constant 0 : i32
    return %c0_i32, %select_n3A : i32, i32
  }
  func.func @transform_4(%arg0: i32, %arg1: i32, %arg2: memref<32xi32, #tpu.memory_space<smem>>, %arg3: memref<32xi32, #tpu.memory_space<smem>>) -> (i32, i32) {
    %c0_i32 = arith.constant 0 : i32
    %c0_i32_0 = arith.constant 0 : i32
    return %arg0, %c0_i32 : i32, i32
  }
}

module attributes {stable_mosaic.version = 14 : i64} {
  func.func @_topk_body(%arg0: i32, %arg1: i32, %arg2: memref<32xi32, #tpu.memory_space<smem>>, %arg3: memref<32xi32, #tpu.memory_space<smem>>, %arg4: memref<256x256xf32, #tpu.memory_space<vmem>>, %arg5: memref<512x256xf32, #tpu.memory_space<vmem>>, %arg6: memref<256x1xi32, #tpu.memory_space<vmem>>, %arg7: memref<1x512xi32, #tpu.memory_space<vmem>>, %arg8: memref<256x16xi32, #tpu.memory_space<vmem>>, %arg9: memref<256x16xf32, #tpu.memory_space<vmem>>, %arg10: memref<256x16xf32, #tpu.memory_space<vmem>>) attributes {dimension_semantics = [#tpu.dimension_semantics<arbitrary>, #tpu.dimension_semantics<arbitrary>], iteration_bounds = array<i64: 32, 17>, scalar_prefetch = 2 : i64, scratch_operands = 2 : i64, tpu.core_type = #tpu.core_type<tc>, window_params = [{transform_indices = @transform_0, window_bounds = array<i64: 256, 256>}, {transform_indices = @transform_1, window_bounds = array<i64: 512, 256>}, {transform_indices = @transform_2, window_bounds = array<i64: 256, 1>}, {transform_indices = @transform_3, window_bounds = array<i64: 1, 512>}, {transform_indices = @transform_4, window_bounds = array<i64: 256, 16>}]} {
    %eq3A = arith.constant 0 : i32
    %eq3A_0 = arith.cmpi eq, %arg1, %eq3A : i32
    %sub3A = arith.constant 1 : i32
    %sub3A_1 = arith.subi %arg1, %sub3A : i32
    %get3A = arith.index_cast %arg0 : i32 to index
    %get3A_2 = memref.load %arg3[%get3A] : memref<32xi32, #tpu.memory_space<smem>>
    %lt3A = arith.cmpi slt, %sub3A_1, %get3A_2 : i32
    %or3A = arith.ori %eq3A_0, %lt3A : i1
    %convert_element_type3A = arith.extui %or3A : i1 to i32
    %cond3A = arith.constant 0 : i32
    %cond3A_3 = arith.cmpi ne, %convert_element_type3A, %cond3A : i32
    scf.if %cond3A_3 {
      %eq3A_4 = arith.constant 0 : i32
      %eq3A_5 = arith.cmpi eq, %arg1, %eq3A_4 : i32
      %get3A_6 = arith.index_cast %arg0 : i32 to index
      %get3A_7 = memref.load %arg2[%get3A_6] : memref<32xi32, #tpu.memory_space<smem>>
      %add3A = arith.addi %get3A_7, %arg1 : i32
      %sub3A_8 = arith.constant 1 : i32
      %sub3A_9 = arith.subi %add3A, %sub3A_8 : i32
      %get3A_10 = arith.index_cast %arg0 : i32 to index
      %get3A_11 = memref.load %arg2[%get3A_10] : memref<32xi32, #tpu.memory_space<smem>>
      %get3A_12 = arith.index_cast %arg0 : i32 to index
      %get3A_13 = memref.load %arg3[%get3A_12] : memref<32xi32, #tpu.memory_space<smem>>
      %add3A_14 = arith.addi %get3A_11, %get3A_13 : i32
      %sub3A_15 = arith.constant 1 : i32
      %sub3A_16 = arith.subi %add3A_14, %sub3A_15 : i32
      %min3A = arith.minsi %sub3A_9, %sub3A_16 : i32
      %jit3A = arith.constant 0 : i32
      %select_n3A = arith.select %eq3A_5, %jit3A, %min3A : i32
      %get3A_17 = arith.constant 0 : index
      %get3A_18 = arith.constant 0 : index
      %get3A_19 = vector.load %arg4[%get3A_17, %get3A_18] : memref<256x256xf32, #tpu.memory_space<vmem>>, vector<256x256xf32>
      %get3A_20 = arith.constant 0 : index
      %get3A_21 = arith.constant 0 : index
      %get3A_22 = vector.load %arg5[%get3A_20, %get3A_21] : memref<512x256xf32, #tpu.memory_space<vmem>>, vector<512x256xf32>
      %broadcast_in_dim3A = arith.constant 1.000000e+00 : f32
      %broadcast_in_dim3A_23 = vector.broadcast %broadcast_in_dim3A : f32 to vector<8x256xf32>
      %mul3A = arith.mulf %get3A_22, %get3A_22 : vector<512x256xf32>
      %dot_general3A = arith.constant dense<0.000000e+00> : vector<8x512xf32>
      %dot_general3A_24 = tpu.matmul %broadcast_in_dim3A_23, %mul3A, %dot_general3A {dimension_numbers = #tpu.dot_dimension_numbers<[1], [1], [0], [0], [0, 0, 1, 0], [], []>, precision = #tpu.contract_precision<fp32>, transpose_lhs_hint = false} : vector<8x256xf32>, vector<512x256xf32>, vector<8x512xf32> -> vector<8x512xf32>
      %slice3A = vector.extract_strided_slice %dot_general3A_24 {offsets = [0, 0], sizes = [1, 512], strides = [1, 1]} : vector<8x512xf32> to vector<1x512xf32>
      %convert_element_type3A_25 = arith.truncf %get3A_19 : vector<256x256xf32> to vector<256x256xbf16>
      %convert_element_type3A_26 = arith.truncf %get3A_22 : vector<512x256xf32> to vector<512x256xbf16>
      %dot_general3A_27 = arith.constant dense<0.000000e+00> : vector<256x512xf32>
      %dot_general3A_28 = tpu.matmul %convert_element_type3A_25, %convert_element_type3A_26, %dot_general3A_27 {dimension_numbers = #tpu.dot_dimension_numbers<[1], [1], [0], [0], [0, 0, 1, 0], [], []>, transpose_lhs_hint = false} : vector<256x256xbf16>, vector<512x256xbf16>, vector<256x512xf32> -> vector<256x512xf32>
      %mul3A_29 = arith.constant 2.000000e+00 : f32
      %mul3A_30 = vector.broadcast %mul3A_29 : f32 to vector<256x512xf32>
      %mul3A_31 = arith.mulf %mul3A_30, %dot_general3A_28 : vector<256x512xf32>
      %sub3A_32 = vector.broadcast %slice3A : vector<1x512xf32> to vector<256x512xf32>
      %sub3A_33 = arith.subf %sub3A_32, %mul3A_31 : vector<256x512xf32>
      %get3A_34 = arith.constant 0 : index
      %get3A_35 = arith.constant 0 : index
      %get3A_36 = vector.load %arg6[%get3A_34, %get3A_35] : memref<256x1xi32, #tpu.memory_space<vmem>>, vector<256x1xi32>
      %get3A_37 = arith.constant 0 : index
      %get3A_38 = arith.constant 0 : index
      %get3A_39 = vector.load %arg7[%get3A_37, %get3A_38] : memref<1x512xi32, #tpu.memory_space<vmem>>, vector<1x512xi32>
      %eq3A_40 = vector.broadcast %get3A_36 : vector<256x1xi32> to vector<256x512xi32>
      %eq3A_41 = vector.broadcast %get3A_39 : vector<1x512xi32> to vector<256x512xi32>
      %eq3A_42 = arith.cmpi eq, %eq3A_40, %eq3A_41 : vector<256x512xi32>
      %jit3A_43 = arith.constant 0x7F800000 : f32
      %broadcast_in_dim3A_44 = vector.broadcast %jit3A_43 : f32 to vector<256x512xf32>
      %select_n3A_45 = arith.select %eq3A_42, %sub3A_33, %broadcast_in_dim3A_44 : vector<256x512xi1>, vector<256x512xf32>
      %mul3A_46 = arith.constant 512 : i32
      %mul3A_47 = arith.muli %select_n3A, %mul3A_46 : i32
      %convert_element_type3A_48 = arith.sitofp %mul3A_47 : i32 to f32
      %iota3A = tpu.iota {dimensions = array<i32: 1>} : vector<256x512xi32>
      %convert_element_type3A_49 = arith.sitofp %iota3A : vector<256x512xi32> to vector<256x512xf32>
      %add3A_50 = vector.broadcast %convert_element_type3A_48 : f32 to vector<256x512xf32>
      %add3A_51 = arith.addf %add3A_50, %convert_element_type3A_49 : vector<256x512xf32>
      %eq3A_52 = arith.constant 0 : i32
      %eq3A_53 = arith.cmpi eq, %arg1, %eq3A_52 : i32
      %get3A_54 = arith.constant 0 : index
      %get3A_55 = arith.constant 0 : index
      %get3A_56 = vector.load %arg9[%get3A_54, %get3A_55] : memref<256x16xf32, #tpu.memory_space<vmem>>, vector<256x16xf32>
      %jit3A_57 = arith.constant 0x7F800000 : f32
      %broadcast_in_dim3A_58 = vector.broadcast %jit3A_57 : f32 to vector<256x16xf32>
      %select_n3A_59 = arith.select %eq3A_53, %broadcast_in_dim3A_58, %get3A_56 : vector<256x16xf32>
      %eq3A_60 = arith.constant 0 : i32
      %eq3A_61 = arith.cmpi eq, %arg1, %eq3A_60 : i32
      %get3A_62 = arith.constant 0 : index
      %get3A_63 = arith.constant 0 : index
      %get3A_64 = vector.load %arg10[%get3A_62, %get3A_63] : memref<256x16xf32, #tpu.memory_space<vmem>>, vector<256x16xf32>
      %jit3A_65 = arith.constant 0x49800000 : f32
      %broadcast_in_dim3A_66 = vector.broadcast %jit3A_65 : f32 to vector<256x16xf32>
      %select_n3A_67 = arith.select %eq3A_61, %broadcast_in_dim3A_66, %get3A_64 : vector<256x16xf32>
      %concatenate3A = tpu.concatenate %select_n3A_59, %select_n3A_45 in 1 : vector<256x16xf32>, vector<256x512xf32> -> vector<256x528xf32>
      %concatenate3A_68 = tpu.concatenate %select_n3A_67, %add3A_51 in 1 : vector<256x16xf32>, vector<256x512xf32> -> vector<256x528xf32>
      %reduce_min3A = arith.constant dense<0x7F800000> : vector<256xf32>
      %reduce_min3A_69 = vector.multi_reduction <minimumf>, %concatenate3A, %reduce_min3A [1] : vector<256x528xf32> to vector<256xf32>
      %broadcast_in_dim3A_70 = vector.shape_cast %reduce_min3A_69 : vector<256xf32> to vector<256x1xf32>
      %eq3A_71 = vector.broadcast %broadcast_in_dim3A_70 : vector<256x1xf32> to vector<256x528xf32>
      %eq3A_72 = arith.cmpf oeq, %concatenate3A, %eq3A_71 : vector<256x528xf32>
      %jit3A_73 = arith.constant 0x49800000 : f32
      %broadcast_in_dim3A_74 = vector.broadcast %jit3A_73 : f32 to vector<256x528xf32>
      %select_n3A_75 = arith.select %eq3A_72, %concatenate3A_68, %broadcast_in_dim3A_74 : vector<256x528xi1>, vector<256x528xf32>
      %reduce_min3A_76 = arith.constant dense<0x7F800000> : vector<256xf32>
      %reduce_min3A_77 = vector.multi_reduction <minimumf>, %select_n3A_75, %reduce_min3A_76 [1] : vector<256x528xf32> to vector<256xf32>
      %broadcast_in_dim3A_78 = vector.shape_cast %reduce_min3A_77 : vector<256xf32> to vector<256x1xf32>
      %eq3A_79 = vector.broadcast %broadcast_in_dim3A_78 : vector<256x1xf32> to vector<256x528xf32>
      %eq3A_80 = arith.cmpf oeq, %concatenate3A_68, %eq3A_79 : vector<256x528xf32>
      %jit3A_81 = arith.constant 0x7F800000 : f32
      %broadcast_in_dim3A_82 = vector.broadcast %jit3A_81 : f32 to vector<256x528xf32>
      %select_n3A_83 = arith.select %eq3A_80, %broadcast_in_dim3A_82, %concatenate3A : vector<256x528xi1>, vector<256x528xf32>
      %jit3A_84 = arith.constant 0x49800000 : f32
      %broadcast_in_dim3A_85 = vector.broadcast %jit3A_84 : f32 to vector<256x528xf32>
      %select_n3A_86 = arith.select %eq3A_80, %broadcast_in_dim3A_85, %concatenate3A_68 : vector<256x528xi1>, vector<256x528xf32>
      %reduce_min3A_87 = arith.constant dense<0x7F800000> : vector<256xf32>
      %reduce_min3A_88 = vector.multi_reduction <minimumf>, %select_n3A_83, %reduce_min3A_87 [1] : vector<256x528xf32> to vector<256xf32>
      %broadcast_in_dim3A_89 = vector.shape_cast %reduce_min3A_88 : vector<256xf32> to vector<256x1xf32>
      %eq3A_90 = vector.broadcast %broadcast_in_dim3A_89 : vector<256x1xf32> to vector<256x528xf32>
      %eq3A_91 = arith.cmpf oeq, %select_n3A_83, %eq3A_90 : vector<256x528xf32>
      %jit3A_92 = arith.constant 0x49800000 : f32
      %broadcast_in_dim3A_93 = vector.broadcast %jit3A_92 : f32 to vector<256x528xf32>
      %select_n3A_94 = arith.select %eq3A_91, %select_n3A_86, %broadcast_in_dim3A_93 : vector<256x528xi1>, vector<256x528xf32>
      %reduce_min3A_95 = arith.constant dense<0x7F800000> : vector<256xf32>
      %reduce_min3A_96 = vector.multi_reduction <minimumf>, %select_n3A_94, %reduce_min3A_95 [1] : vector<256x528xf32> to vector<256xf32>
      %broadcast_in_dim3A_97 = vector.shape_cast %reduce_min3A_96 : vector<256xf32> to vector<256x1xf32>
      %eq3A_98 = vector.broadcast %broadcast_in_dim3A_97 : vector<256x1xf32> to vector<256x528xf32>
      %eq3A_99 = arith.cmpf oeq, %select_n3A_86, %eq3A_98 : vector<256x528xf32>
      %jit3A_100 = arith.constant 0x7F800000 : f32
      %broadcast_in_dim3A_101 = vector.broadcast %jit3A_100 : f32 to vector<256x528xf32>
      %select_n3A_102 = arith.select %eq3A_99, %broadcast_in_dim3A_101, %select_n3A_83 : vector<256x528xi1>, vector<256x528xf32>
      %jit3A_103 = arith.constant 0x49800000 : f32
      %broadcast_in_dim3A_104 = vector.broadcast %jit3A_103 : f32 to vector<256x528xf32>
      %select_n3A_105 = arith.select %eq3A_99, %broadcast_in_dim3A_104, %select_n3A_86 : vector<256x528xi1>, vector<256x528xf32>
      %reduce_min3A_106 = arith.constant dense<0x7F800000> : vector<256xf32>
      %reduce_min3A_107 = vector.multi_reduction <minimumf>, %select_n3A_102, %reduce_min3A_106 [1] : vector<256x528xf32> to vector<256xf32>
      %broadcast_in_dim3A_108 = vector.shape_cast %reduce_min3A_107 : vector<256xf32> to vector<256x1xf32>
      %eq3A_109 = vector.broadcast %broadcast_in_dim3A_108 : vector<256x1xf32> to vector<256x528xf32>
      %eq3A_110 = arith.cmpf oeq, %select_n3A_102, %eq3A_109 : vector<256x528xf32>
      %jit3A_111 = arith.constant 0x49800000 : f32
      %broadcast_in_dim3A_112 = vector.broadcast %jit3A_111 : f32 to vector<256x528xf32>
      %select_n3A_113 = arith.select %eq3A_110, %select_n3A_105, %broadcast_in_dim3A_112 : vector<256x528xi1>, vector<256x528xf32>
      %reduce_min3A_114 = arith.constant dense<0x7F800000> : vector<256xf32>
      %reduce_min3A_115 = vector.multi_reduction <minimumf>, %select_n3A_113, %reduce_min3A_114 [1] : vector<256x528xf32> to vector<256xf32>
      %broadcast_in_dim3A_116 = vector.shape_cast %reduce_min3A_115 : vector<256xf32> to vector<256x1xf32>
      %eq3A_117 = vector.broadcast %broadcast_in_dim3A_116 : vector<256x1xf32> to vector<256x528xf32>
      %eq3A_118 = arith.cmpf oeq, %select_n3A_105, %eq3A_117 : vector<256x528xf32>
      %jit3A_119 = arith.constant 0x7F800000 : f32
      %broadcast_in_dim3A_120 = vector.broadcast %jit3A_119 : f32 to vector<256x528xf32>
      %select_n3A_121 = arith.select %eq3A_118, %broadcast_in_dim3A_120, %select_n3A_102 : vector<256x528xi1>, vector<256x528xf32>
      %jit3A_122 = arith.constant 0x49800000 : f32
      %broadcast_in_dim3A_123 = vector.broadcast %jit3A_122 : f32 to vector<256x528xf32>
      %select_n3A_124 = arith.select %eq3A_118, %broadcast_in_dim3A_123, %select_n3A_105 : vector<256x528xi1>, vector<256x528xf32>
      %reduce_min3A_125 = arith.constant dense<0x7F800000> : vector<256xf32>
      %reduce_min3A_126 = vector.multi_reduction <minimumf>, %select_n3A_121, %reduce_min3A_125 [1] : vector<256x528xf32> to vector<256xf32>
      %broadcast_in_dim3A_127 = vector.shape_cast %reduce_min3A_126 : vector<256xf32> to vector<256x1xf32>
      %eq3A_128 = vector.broadcast %broadcast_in_dim3A_127 : vector<256x1xf32> to vector<256x528xf32>
      %eq3A_129 = arith.cmpf oeq, %select_n3A_121, %eq3A_128 : vector<256x528xf32>
      %jit3A_130 = arith.constant 0x49800000 : f32
      %broadcast_in_dim3A_131 = vector.broadcast %jit3A_130 : f32 to vector<256x528xf32>
      %select_n3A_132 = arith.select %eq3A_129, %select_n3A_124, %broadcast_in_dim3A_131 : vector<256x528xi1>, vector<256x528xf32>
      %reduce_min3A_133 = arith.constant dense<0x7F800000> : vector<256xf32>
      %reduce_min3A_134 = vector.multi_reduction <minimumf>, %select_n3A_132, %reduce_min3A_133 [1] : vector<256x528xf32> to vector<256xf32>
      %broadcast_in_dim3A_135 = vector.shape_cast %reduce_min3A_134 : vector<256xf32> to vector<256x1xf32>
      %eq3A_136 = vector.broadcast %broadcast_in_dim3A_135 : vector<256x1xf32> to vector<256x528xf32>
      %eq3A_137 = arith.cmpf oeq, %select_n3A_124, %eq3A_136 : vector<256x528xf32>
      %jit3A_138 = arith.constant 0x7F800000 : f32
      %broadcast_in_dim3A_139 = vector.broadcast %jit3A_138 : f32 to vector<256x528xf32>
      %select_n3A_140 = arith.select %eq3A_137, %broadcast_in_dim3A_139, %select_n3A_121 : vector<256x528xi1>, vector<256x528xf32>
      %jit3A_141 = arith.constant 0x49800000 : f32
      %broadcast_in_dim3A_142 = vector.broadcast %jit3A_141 : f32 to vector<256x528xf32>
      %select_n3A_143 = arith.select %eq3A_137, %broadcast_in_dim3A_142, %select_n3A_124 : vector<256x528xi1>, vector<256x528xf32>
      %reduce_min3A_144 = arith.constant dense<0x7F800000> : vector<256xf32>
      %reduce_min3A_145 = vector.multi_reduction <minimumf>, %select_n3A_140, %reduce_min3A_144 [1] : vector<256x528xf32> to vector<256xf32>
      %broadcast_in_dim3A_146 = vector.shape_cast %reduce_min3A_145 : vector<256xf32> to vector<256x1xf32>
      %eq3A_147 = vector.broadcast %broadcast_in_dim3A_146 : vector<256x1xf32> to vector<256x528xf32>
      %eq3A_148 = arith.cmpf oeq, %select_n3A_140, %eq3A_147 : vector<256x528xf32>
      %jit3A_149 = arith.constant 0x49800000 : f32
      %broadcast_in_dim3A_150 = vector.broadcast %jit3A_149 : f32 to vector<256x528xf32>
      %select_n3A_151 = arith.select %eq3A_148, %select_n3A_143, %broadcast_in_dim3A_150 : vector<256x528xi1>, vector<256x528xf32>
      %reduce_min3A_152 = arith.constant dense<0x7F800000> : vector<256xf32>
      %reduce_min3A_153 = vector.multi_reduction <minimumf>, %select_n3A_151, %reduce_min3A_152 [1] : vector<256x528xf32> to vector<256xf32>
      %broadcast_in_dim3A_154 = vector.shape_cast %reduce_min3A_153 : vector<256xf32> to vector<256x1xf32>
      %eq3A_155 = vector.broadcast %broadcast_in_dim3A_154 : vector<256x1xf32> to vector<256x528xf32>
      %eq3A_156 = arith.cmpf oeq, %select_n3A_143, %eq3A_155 : vector<256x528xf32>
      %jit3A_157 = arith.constant 0x7F800000 : f32
      %broadcast_in_dim3A_158 = vector.broadcast %jit3A_157 : f32 to vector<256x528xf32>
      %select_n3A_159 = arith.select %eq3A_156, %broadcast_in_dim3A_158, %select_n3A_140 : vector<256x528xi1>, vector<256x528xf32>
      %jit3A_160 = arith.constant 0x49800000 : f32
      %broadcast_in_dim3A_161 = vector.broadcast %jit3A_160 : f32 to vector<256x528xf32>
      %select_n3A_162 = arith.select %eq3A_156, %broadcast_in_dim3A_161, %select_n3A_143 : vector<256x528xi1>, vector<256x528xf32>
      %reduce_min3A_163 = arith.constant dense<0x7F800000> : vector<256xf32>
      %reduce_min3A_164 = vector.multi_reduction <minimumf>, %select_n3A_159, %reduce_min3A_163 [1] : vector<256x528xf32> to vector<256xf32>
      %broadcast_in_dim3A_165 = vector.shape_cast %reduce_min3A_164 : vector<256xf32> to vector<256x1xf32>
      %eq3A_166 = vector.broadcast %broadcast_in_dim3A_165 : vector<256x1xf32> to vector<256x528xf32>
      %eq3A_167 = arith.cmpf oeq, %select_n3A_159, %eq3A_166 : vector<256x528xf32>
      %jit3A_168 = arith.constant 0x49800000 : f32
      %broadcast_in_dim3A_169 = vector.broadcast %jit3A_168 : f32 to vector<256x528xf32>
      %select_n3A_170 = arith.select %eq3A_167, %select_n3A_162, %broadcast_in_dim3A_169 : vector<256x528xi1>, vector<256x528xf32>
      %reduce_min3A_171 = arith.constant dense<0x7F800000> : vector<256xf32>
      %reduce_min3A_172 = vector.multi_reduction <minimumf>, %select_n3A_170, %reduce_min3A_171 [1] : vector<256x528xf32> to vector<256xf32>
      %broadcast_in_dim3A_173 = vector.shape_cast %reduce_min3A_172 : vector<256xf32> to vector<256x1xf32>
      %eq3A_174 = vector.broadcast %broadcast_in_dim3A_173 : vector<256x1xf32> to vector<256x528xf32>
      %eq3A_175 = arith.cmpf oeq, %select_n3A_162, %eq3A_174 : vector<256x528xf32>
      %jit3A_176 = arith.constant 0x7F800000 : f32
      %broadcast_in_dim3A_177 = vector.broadcast %jit3A_176 : f32 to vector<256x528xf32>
      %select_n3A_178 = arith.select %eq3A_175, %broadcast_in_dim3A_177, %select_n3A_159 : vector<256x528xi1>, vector<256x528xf32>
      %jit3A_179 = arith.constant 0x49800000 : f32
      %broadcast_in_dim3A_180 = vector.broadcast %jit3A_179 : f32 to vector<256x528xf32>
      %select_n3A_181 = arith.select %eq3A_175, %broadcast_in_dim3A_180, %select_n3A_162 : vector<256x528xi1>, vector<256x528xf32>
      %reduce_min3A_182 = arith.constant dense<0x7F800000> : vector<256xf32>
      %reduce_min3A_183 = vector.multi_reduction <minimumf>, %select_n3A_178, %reduce_min3A_182 [1] : vector<256x528xf32> to vector<256xf32>
      %broadcast_in_dim3A_184 = vector.shape_cast %reduce_min3A_183 : vector<256xf32> to vector<256x1xf32>
      %eq3A_185 = vector.broadcast %broadcast_in_dim3A_184 : vector<256x1xf32> to vector<256x528xf32>
      %eq3A_186 = arith.cmpf oeq, %select_n3A_178, %eq3A_185 : vector<256x528xf32>
      %jit3A_187 = arith.constant 0x49800000 : f32
      %broadcast_in_dim3A_188 = vector.broadcast %jit3A_187 : f32 to vector<256x528xf32>
      %select_n3A_189 = arith.select %eq3A_186, %select_n3A_181, %broadcast_in_dim3A_188 : vector<256x528xi1>, vector<256x528xf32>
      %reduce_min3A_190 = arith.constant dense<0x7F800000> : vector<256xf32>
      %reduce_min3A_191 = vector.multi_reduction <minimumf>, %select_n3A_189, %reduce_min3A_190 [1] : vector<256x528xf32> to vector<256xf32>
      %broadcast_in_dim3A_192 = vector.shape_cast %reduce_min3A_191 : vector<256xf32> to vector<256x1xf32>
      %eq3A_193 = vector.broadcast %broadcast_in_dim3A_192 : vector<256x1xf32> to vector<256x528xf32>
      %eq3A_194 = arith.cmpf oeq, %select_n3A_181, %eq3A_193 : vector<256x528xf32>
      %jit3A_195 = arith.constant 0x7F800000 : f32
      %broadcast_in_dim3A_196 = vector.broadcast %jit3A_195 : f32 to vector<256x528xf32>
      %select_n3A_197 = arith.select %eq3A_194, %broadcast_in_dim3A_196, %select_n3A_178 : vector<256x528xi1>, vector<256x528xf32>
      %jit3A_198 = arith.constant 0x49800000 : f32
      %broadcast_in_dim3A_199 = vector.broadcast %jit3A_198 : f32 to vector<256x528xf32>
      %select_n3A_200 = arith.select %eq3A_194, %broadcast_in_dim3A_199, %select_n3A_181 : vector<256x528xi1>, vector<256x528xf32>
      %reduce_min3A_201 = arith.constant dense<0x7F800000> : vector<256xf32>
      %reduce_min3A_202 = vector.multi_reduction <minimumf>, %select_n3A_197, %reduce_min3A_201 [1] : vector<256x528xf32> to vector<256xf32>
      %broadcast_in_dim3A_203 = vector.shape_cast %reduce_min3A_202 : vector<256xf32> to vector<256x1xf32>
      %eq3A_204 = vector.broadcast %broadcast_in_dim3A_203 : vector<256x1xf32> to vector<256x528xf32>
      %eq3A_205 = arith.cmpf oeq, %select_n3A_197, %eq3A_204 : vector<256x528xf32>
      %jit3A_206 = arith.constant 0x49800000 : f32
      %broadcast_in_dim3A_207 = vector.broadcast %jit3A_206 : f32 to vector<256x528xf32>
      %select_n3A_208 = arith.select %eq3A_205, %select_n3A_200, %broadcast_in_dim3A_207 : vector<256x528xi1>, vector<256x528xf32>
      %reduce_min3A_209 = arith.constant dense<0x7F800000> : vector<256xf32>
      %reduce_min3A_210 = vector.multi_reduction <minimumf>, %select_n3A_208, %reduce_min3A_209 [1] : vector<256x528xf32> to vector<256xf32>
      %broadcast_in_dim3A_211 = vector.shape_cast %reduce_min3A_210 : vector<256xf32> to vector<256x1xf32>
      %eq3A_212 = vector.broadcast %broadcast_in_dim3A_211 : vector<256x1xf32> to vector<256x528xf32>
      %eq3A_213 = arith.cmpf oeq, %select_n3A_200, %eq3A_212 : vector<256x528xf32>
      %jit3A_214 = arith.constant 0x7F800000 : f32
      %broadcast_in_dim3A_215 = vector.broadcast %jit3A_214 : f32 to vector<256x528xf32>
      %select_n3A_216 = arith.select %eq3A_213, %broadcast_in_dim3A_215, %select_n3A_197 : vector<256x528xi1>, vector<256x528xf32>
      %jit3A_217 = arith.constant 0x49800000 : f32
      %broadcast_in_dim3A_218 = vector.broadcast %jit3A_217 : f32 to vector<256x528xf32>
      %select_n3A_219 = arith.select %eq3A_213, %broadcast_in_dim3A_218, %select_n3A_200 : vector<256x528xi1>, vector<256x528xf32>
      %reduce_min3A_220 = arith.constant dense<0x7F800000> : vector<256xf32>
      %reduce_min3A_221 = vector.multi_reduction <minimumf>, %select_n3A_216, %reduce_min3A_220 [1] : vector<256x528xf32> to vector<256xf32>
      %broadcast_in_dim3A_222 = vector.shape_cast %reduce_min3A_221 : vector<256xf32> to vector<256x1xf32>
      %eq3A_223 = vector.broadcast %broadcast_in_dim3A_222 : vector<256x1xf32> to vector<256x528xf32>
      %eq3A_224 = arith.cmpf oeq, %select_n3A_216, %eq3A_223 : vector<256x528xf32>
      %jit3A_225 = arith.constant 0x49800000 : f32
      %broadcast_in_dim3A_226 = vector.broadcast %jit3A_225 : f32 to vector<256x528xf32>
      %select_n3A_227 = arith.select %eq3A_224, %select_n3A_219, %broadcast_in_dim3A_226 : vector<256x528xi1>, vector<256x528xf32>
      %reduce_min3A_228 = arith.constant dense<0x7F800000> : vector<256xf32>
      %reduce_min3A_229 = vector.multi_reduction <minimumf>, %select_n3A_227, %reduce_min3A_228 [1] : vector<256x528xf32> to vector<256xf32>
      %broadcast_in_dim3A_230 = vector.shape_cast %reduce_min3A_229 : vector<256xf32> to vector<256x1xf32>
      %eq3A_231 = vector.broadcast %broadcast_in_dim3A_230 : vector<256x1xf32> to vector<256x528xf32>
      %eq3A_232 = arith.cmpf oeq, %select_n3A_219, %eq3A_231 : vector<256x528xf32>
      %jit3A_233 = arith.constant 0x7F800000 : f32
      %broadcast_in_dim3A_234 = vector.broadcast %jit3A_233 : f32 to vector<256x528xf32>
      %select_n3A_235 = arith.select %eq3A_232, %broadcast_in_dim3A_234, %select_n3A_216 : vector<256x528xi1>, vector<256x528xf32>
      %jit3A_236 = arith.constant 0x49800000 : f32
      %broadcast_in_dim3A_237 = vector.broadcast %jit3A_236 : f32 to vector<256x528xf32>
      %select_n3A_238 = arith.select %eq3A_232, %broadcast_in_dim3A_237, %select_n3A_219 : vector<256x528xi1>, vector<256x528xf32>
      %reduce_min3A_239 = arith.constant dense<0x7F800000> : vector<256xf32>
      %reduce_min3A_240 = vector.multi_reduction <minimumf>, %select_n3A_235, %reduce_min3A_239 [1] : vector<256x528xf32> to vector<256xf32>
      %broadcast_in_dim3A_241 = vector.shape_cast %reduce_min3A_240 : vector<256xf32> to vector<256x1xf32>
      %eq3A_242 = vector.broadcast %broadcast_in_dim3A_241 : vector<256x1xf32> to vector<256x528xf32>
      %eq3A_243 = arith.cmpf oeq, %select_n3A_235, %eq3A_242 : vector<256x528xf32>
      %jit3A_244 = arith.constant 0x49800000 : f32
      %broadcast_in_dim3A_245 = vector.broadcast %jit3A_244 : f32 to vector<256x528xf32>
      %select_n3A_246 = arith.select %eq3A_243, %select_n3A_238, %broadcast_in_dim3A_245 : vector<256x528xi1>, vector<256x528xf32>
      %reduce_min3A_247 = arith.constant dense<0x7F800000> : vector<256xf32>
      %reduce_min3A_248 = vector.multi_reduction <minimumf>, %select_n3A_246, %reduce_min3A_247 [1] : vector<256x528xf32> to vector<256xf32>
      %broadcast_in_dim3A_249 = vector.shape_cast %reduce_min3A_248 : vector<256xf32> to vector<256x1xf32>
      %eq3A_250 = vector.broadcast %broadcast_in_dim3A_249 : vector<256x1xf32> to vector<256x528xf32>
      %eq3A_251 = arith.cmpf oeq, %select_n3A_238, %eq3A_250 : vector<256x528xf32>
      %jit3A_252 = arith.constant 0x7F800000 : f32
      %broadcast_in_dim3A_253 = vector.broadcast %jit3A_252 : f32 to vector<256x528xf32>
      %select_n3A_254 = arith.select %eq3A_251, %broadcast_in_dim3A_253, %select_n3A_235 : vector<256x528xi1>, vector<256x528xf32>
      %jit3A_255 = arith.constant 0x49800000 : f32
      %broadcast_in_dim3A_256 = vector.broadcast %jit3A_255 : f32 to vector<256x528xf32>
      %select_n3A_257 = arith.select %eq3A_251, %broadcast_in_dim3A_256, %select_n3A_238 : vector<256x528xi1>, vector<256x528xf32>
      %reduce_min3A_258 = arith.constant dense<0x7F800000> : vector<256xf32>
      %reduce_min3A_259 = vector.multi_reduction <minimumf>, %select_n3A_254, %reduce_min3A_258 [1] : vector<256x528xf32> to vector<256xf32>
      %broadcast_in_dim3A_260 = vector.shape_cast %reduce_min3A_259 : vector<256xf32> to vector<256x1xf32>
      %eq3A_261 = vector.broadcast %broadcast_in_dim3A_260 : vector<256x1xf32> to vector<256x528xf32>
      %eq3A_262 = arith.cmpf oeq, %select_n3A_254, %eq3A_261 : vector<256x528xf32>
      %jit3A_263 = arith.constant 0x49800000 : f32
      %broadcast_in_dim3A_264 = vector.broadcast %jit3A_263 : f32 to vector<256x528xf32>
      %select_n3A_265 = arith.select %eq3A_262, %select_n3A_257, %broadcast_in_dim3A_264 : vector<256x528xi1>, vector<256x528xf32>
      %reduce_min3A_266 = arith.constant dense<0x7F800000> : vector<256xf32>
      %reduce_min3A_267 = vector.multi_reduction <minimumf>, %select_n3A_265, %reduce_min3A_266 [1] : vector<256x528xf32> to vector<256xf32>
      %broadcast_in_dim3A_268 = vector.shape_cast %reduce_min3A_267 : vector<256xf32> to vector<256x1xf32>
      %eq3A_269 = vector.broadcast %broadcast_in_dim3A_268 : vector<256x1xf32> to vector<256x528xf32>
      %eq3A_270 = arith.cmpf oeq, %select_n3A_257, %eq3A_269 : vector<256x528xf32>
      %jit3A_271 = arith.constant 0x7F800000 : f32
      %broadcast_in_dim3A_272 = vector.broadcast %jit3A_271 : f32 to vector<256x528xf32>
      %select_n3A_273 = arith.select %eq3A_270, %broadcast_in_dim3A_272, %select_n3A_254 : vector<256x528xi1>, vector<256x528xf32>
      %jit3A_274 = arith.constant 0x49800000 : f32
      %broadcast_in_dim3A_275 = vector.broadcast %jit3A_274 : f32 to vector<256x528xf32>
      %select_n3A_276 = arith.select %eq3A_270, %broadcast_in_dim3A_275, %select_n3A_257 : vector<256x528xi1>, vector<256x528xf32>
      %reduce_min3A_277 = arith.constant dense<0x7F800000> : vector<256xf32>
      %reduce_min3A_278 = vector.multi_reduction <minimumf>, %select_n3A_273, %reduce_min3A_277 [1] : vector<256x528xf32> to vector<256xf32>
      %broadcast_in_dim3A_279 = vector.shape_cast %reduce_min3A_278 : vector<256xf32> to vector<256x1xf32>
      %eq3A_280 = vector.broadcast %broadcast_in_dim3A_279 : vector<256x1xf32> to vector<256x528xf32>
      %eq3A_281 = arith.cmpf oeq, %select_n3A_273, %eq3A_280 : vector<256x528xf32>
      %jit3A_282 = arith.constant 0x49800000 : f32
      %broadcast_in_dim3A_283 = vector.broadcast %jit3A_282 : f32 to vector<256x528xf32>
      %select_n3A_284 = arith.select %eq3A_281, %select_n3A_276, %broadcast_in_dim3A_283 : vector<256x528xi1>, vector<256x528xf32>
      %reduce_min3A_285 = arith.constant dense<0x7F800000> : vector<256xf32>
      %reduce_min3A_286 = vector.multi_reduction <minimumf>, %select_n3A_284, %reduce_min3A_285 [1] : vector<256x528xf32> to vector<256xf32>
      %broadcast_in_dim3A_287 = vector.shape_cast %reduce_min3A_286 : vector<256xf32> to vector<256x1xf32>
      %eq3A_288 = vector.broadcast %broadcast_in_dim3A_287 : vector<256x1xf32> to vector<256x528xf32>
      %eq3A_289 = arith.cmpf oeq, %select_n3A_276, %eq3A_288 : vector<256x528xf32>
      %jit3A_290 = arith.constant 0x7F800000 : f32
      %broadcast_in_dim3A_291 = vector.broadcast %jit3A_290 : f32 to vector<256x528xf32>
      %select_n3A_292 = arith.select %eq3A_289, %broadcast_in_dim3A_291, %select_n3A_273 : vector<256x528xi1>, vector<256x528xf32>
      %jit3A_293 = arith.constant 0x49800000 : f32
      %broadcast_in_dim3A_294 = vector.broadcast %jit3A_293 : f32 to vector<256x528xf32>
      %select_n3A_295 = arith.select %eq3A_289, %broadcast_in_dim3A_294, %select_n3A_276 : vector<256x528xi1>, vector<256x528xf32>
      %reduce_min3A_296 = arith.constant dense<0x7F800000> : vector<256xf32>
      %reduce_min3A_297 = vector.multi_reduction <minimumf>, %select_n3A_292, %reduce_min3A_296 [1] : vector<256x528xf32> to vector<256xf32>
      %broadcast_in_dim3A_298 = vector.shape_cast %reduce_min3A_297 : vector<256xf32> to vector<256x1xf32>
      %eq3A_299 = vector.broadcast %broadcast_in_dim3A_298 : vector<256x1xf32> to vector<256x528xf32>
      %eq3A_300 = arith.cmpf oeq, %select_n3A_292, %eq3A_299 : vector<256x528xf32>
      %jit3A_301 = arith.constant 0x49800000 : f32
      %broadcast_in_dim3A_302 = vector.broadcast %jit3A_301 : f32 to vector<256x528xf32>
      %select_n3A_303 = arith.select %eq3A_300, %select_n3A_295, %broadcast_in_dim3A_302 : vector<256x528xi1>, vector<256x528xf32>
      %reduce_min3A_304 = arith.constant dense<0x7F800000> : vector<256xf32>
      %reduce_min3A_305 = vector.multi_reduction <minimumf>, %select_n3A_303, %reduce_min3A_304 [1] : vector<256x528xf32> to vector<256xf32>
      %broadcast_in_dim3A_306 = vector.shape_cast %reduce_min3A_305 : vector<256xf32> to vector<256x1xf32>
      %eq3A_307 = vector.broadcast %broadcast_in_dim3A_306 : vector<256x1xf32> to vector<256x528xf32>
      %eq3A_308 = arith.cmpf oeq, %select_n3A_295, %eq3A_307 : vector<256x528xf32>
      %jit3A_309 = arith.constant 0x7F800000 : f32
      %broadcast_in_dim3A_310 = vector.broadcast %jit3A_309 : f32 to vector<256x528xf32>
      %select_n3A_311 = arith.select %eq3A_308, %broadcast_in_dim3A_310, %select_n3A_292 : vector<256x528xi1>, vector<256x528xf32>
      %jit3A_312 = arith.constant 0x49800000 : f32
      %broadcast_in_dim3A_313 = vector.broadcast %jit3A_312 : f32 to vector<256x528xf32>
      %select_n3A_314 = arith.select %eq3A_308, %broadcast_in_dim3A_313, %select_n3A_295 : vector<256x528xi1>, vector<256x528xf32>
      %reduce_min3A_315 = arith.constant dense<0x7F800000> : vector<256xf32>
      %reduce_min3A_316 = vector.multi_reduction <minimumf>, %select_n3A_311, %reduce_min3A_315 [1] : vector<256x528xf32> to vector<256xf32>
      %broadcast_in_dim3A_317 = vector.shape_cast %reduce_min3A_316 : vector<256xf32> to vector<256x1xf32>
      %eq3A_318 = vector.broadcast %broadcast_in_dim3A_317 : vector<256x1xf32> to vector<256x528xf32>
      %eq3A_319 = arith.cmpf oeq, %select_n3A_311, %eq3A_318 : vector<256x528xf32>
      %jit3A_320 = arith.constant 0x49800000 : f32
      %broadcast_in_dim3A_321 = vector.broadcast %jit3A_320 : f32 to vector<256x528xf32>
      %select_n3A_322 = arith.select %eq3A_319, %select_n3A_314, %broadcast_in_dim3A_321 : vector<256x528xi1>, vector<256x528xf32>
      %reduce_min3A_323 = arith.constant dense<0x7F800000> : vector<256xf32>
      %reduce_min3A_324 = vector.multi_reduction <minimumf>, %select_n3A_322, %reduce_min3A_323 [1] : vector<256x528xf32> to vector<256xf32>
      %broadcast_in_dim3A_325 = vector.shape_cast %reduce_min3A_324 : vector<256xf32> to vector<256x1xf32>
      %eq3A_326 = vector.broadcast %broadcast_in_dim3A_325 : vector<256x1xf32> to vector<256x528xf32>
      %eq3A_327 = arith.cmpf oeq, %select_n3A_314, %eq3A_326 : vector<256x528xf32>
      %jit3A_328 = arith.constant 0x7F800000 : f32
      %broadcast_in_dim3A_329 = vector.broadcast %jit3A_328 : f32 to vector<256x528xf32>
      %select_n3A_330 = arith.select %eq3A_327, %broadcast_in_dim3A_329, %select_n3A_311 : vector<256x528xi1>, vector<256x528xf32>
      %jit3A_331 = arith.constant 0x49800000 : f32
      %broadcast_in_dim3A_332 = vector.broadcast %jit3A_331 : f32 to vector<256x528xf32>
      %select_n3A_333 = arith.select %eq3A_327, %broadcast_in_dim3A_332, %select_n3A_314 : vector<256x528xi1>, vector<256x528xf32>
      %reduce_min3A_334 = arith.constant dense<0x7F800000> : vector<256xf32>
      %reduce_min3A_335 = vector.multi_reduction <minimumf>, %select_n3A_330, %reduce_min3A_334 [1] : vector<256x528xf32> to vector<256xf32>
      %broadcast_in_dim3A_336 = vector.shape_cast %reduce_min3A_335 : vector<256xf32> to vector<256x1xf32>
      %eq3A_337 = vector.broadcast %broadcast_in_dim3A_336 : vector<256x1xf32> to vector<256x528xf32>
      %eq3A_338 = arith.cmpf oeq, %select_n3A_330, %eq3A_337 : vector<256x528xf32>
      %jit3A_339 = arith.constant 0x49800000 : f32
      %broadcast_in_dim3A_340 = vector.broadcast %jit3A_339 : f32 to vector<256x528xf32>
      %select_n3A_341 = arith.select %eq3A_338, %select_n3A_333, %broadcast_in_dim3A_340 : vector<256x528xi1>, vector<256x528xf32>
      %reduce_min3A_342 = arith.constant dense<0x7F800000> : vector<256xf32>
      %reduce_min3A_343 = vector.multi_reduction <minimumf>, %select_n3A_341, %reduce_min3A_342 [1] : vector<256x528xf32> to vector<256xf32>
      %broadcast_in_dim3A_344 = vector.shape_cast %reduce_min3A_343 : vector<256xf32> to vector<256x1xf32>
      %eq3A_345 = vector.broadcast %broadcast_in_dim3A_344 : vector<256x1xf32> to vector<256x528xf32>
      %eq3A_346 = arith.cmpf oeq, %select_n3A_333, %eq3A_345 : vector<256x528xf32>
      %jit3A_347 = arith.constant 0x7F800000 : f32
      %broadcast_in_dim3A_348 = vector.broadcast %jit3A_347 : f32 to vector<256x528xf32>
      %select_n3A_349 = arith.select %eq3A_346, %broadcast_in_dim3A_348, %select_n3A_330 : vector<256x528xi1>, vector<256x528xf32>
      %jit3A_350 = arith.constant 0x49800000 : f32
      %broadcast_in_dim3A_351 = vector.broadcast %jit3A_350 : f32 to vector<256x528xf32>
      %select_n3A_352 = arith.select %eq3A_346, %broadcast_in_dim3A_351, %select_n3A_333 : vector<256x528xi1>, vector<256x528xf32>
      %reduce_min3A_353 = arith.constant dense<0x7F800000> : vector<256xf32>
      %reduce_min3A_354 = vector.multi_reduction <minimumf>, %select_n3A_349, %reduce_min3A_353 [1] : vector<256x528xf32> to vector<256xf32>
      %broadcast_in_dim3A_355 = vector.shape_cast %reduce_min3A_354 : vector<256xf32> to vector<256x1xf32>
      %eq3A_356 = vector.broadcast %broadcast_in_dim3A_355 : vector<256x1xf32> to vector<256x528xf32>
      %eq3A_357 = arith.cmpf oeq, %select_n3A_349, %eq3A_356 : vector<256x528xf32>
      %jit3A_358 = arith.constant 0x49800000 : f32
      %broadcast_in_dim3A_359 = vector.broadcast %jit3A_358 : f32 to vector<256x528xf32>
      %select_n3A_360 = arith.select %eq3A_357, %select_n3A_352, %broadcast_in_dim3A_359 : vector<256x528xi1>, vector<256x528xf32>
      %reduce_min3A_361 = arith.constant dense<0x7F800000> : vector<256xf32>
      %reduce_min3A_362 = vector.multi_reduction <minimumf>, %select_n3A_360, %reduce_min3A_361 [1] : vector<256x528xf32> to vector<256xf32>
      %broadcast_in_dim3A_363 = vector.shape_cast %reduce_min3A_362 : vector<256xf32> to vector<256x1xf32>
      %concatenate3A_364 = tpu.concatenate %broadcast_in_dim3A_70, %broadcast_in_dim3A_89, %broadcast_in_dim3A_108, %broadcast_in_dim3A_127, %broadcast_in_dim3A_146, %broadcast_in_dim3A_165, %broadcast_in_dim3A_184, %broadcast_in_dim3A_203, %broadcast_in_dim3A_222, %broadcast_in_dim3A_241, %broadcast_in_dim3A_260, %broadcast_in_dim3A_279, %broadcast_in_dim3A_298, %broadcast_in_dim3A_317, %broadcast_in_dim3A_336, %broadcast_in_dim3A_355 in 1 : vector<256x1xf32>, vector<256x1xf32>, vector<256x1xf32>, vector<256x1xf32>, vector<256x1xf32>, vector<256x1xf32>, vector<256x1xf32>, vector<256x1xf32>, vector<256x1xf32>, vector<256x1xf32>, vector<256x1xf32>, vector<256x1xf32>, vector<256x1xf32>, vector<256x1xf32>, vector<256x1xf32>, vector<256x1xf32> -> vector<256x16xf32>
      %swap3A = arith.constant 0 : index
      %swap3A_365 = arith.constant 0 : index
      %swap3A_366 = vector.load %arg9[%swap3A, %swap3A_365] : memref<256x16xf32, #tpu.memory_space<vmem>>, vector<256x16xf32>
      tpu.vector_store %arg9[%swap3A, %swap3A_365], %concatenate3A_364 {strides = array<i32>} : memref<256x16xf32, #tpu.memory_space<vmem>>, vector<256x16xf32>,
      %concatenate3A_367 = tpu.concatenate %broadcast_in_dim3A_78, %broadcast_in_dim3A_97, %broadcast_in_dim3A_116, %broadcast_in_dim3A_135, %broadcast_in_dim3A_154, %broadcast_in_dim3A_173, %broadcast_in_dim3A_192, %broadcast_in_dim3A_211, %broadcast_in_dim3A_230, %broadcast_in_dim3A_249, %broadcast_in_dim3A_268, %broadcast_in_dim3A_287, %broadcast_in_dim3A_306, %broadcast_in_dim3A_325, %broadcast_in_dim3A_344, %broadcast_in_dim3A_363 in 1 : vector<256x1xf32>, vector<256x1xf32>, vector<256x1xf32>, vector<256x1xf32>, vector<256x1xf32>, vector<256x1xf32>, vector<256x1xf32>, vector<256x1xf32>, vector<256x1xf32>, vector<256x1xf32>, vector<256x1xf32>, vector<256x1xf32>, vector<256x1xf32>, vector<256x1xf32>, vector<256x1xf32>, vector<256x1xf32> -> vector<256x16xf32>
      %swap3A_368 = arith.constant 0 : index
      %swap3A_369 = arith.constant 0 : index
      %swap3A_370 = vector.load %arg10[%swap3A_368, %swap3A_369] : memref<256x16xf32, #tpu.memory_space<vmem>>, vector<256x16xf32>
      tpu.vector_store %arg10[%swap3A_368, %swap3A_369], %concatenate3A_367 {strides = array<i32>} : memref<256x16xf32, #tpu.memory_space<vmem>>, vector<256x16xf32>,
      %convert_element_type3A_371 = arith.fptosi %concatenate3A_367 : vector<256x16xf32> to vector<256x16xi32>
      %swap3A_372 = arith.constant 0 : index
      %swap3A_373 = arith.constant 0 : index
      %swap3A_374 = vector.load %arg8[%swap3A_372, %swap3A_373] : memref<256x16xi32, #tpu.memory_space<vmem>>, vector<256x16xi32>
      tpu.vector_store %arg8[%swap3A_372, %swap3A_373], %convert_element_type3A_371 {strides = array<i32>} : memref<256x16xi32, #tpu.memory_space<vmem>>, vector<256x16xi32>,
    } else {
    }
    return
  }
  func.func @transform_0(%arg0: i32, %arg1: i32, %arg2: memref<32xi32, #tpu.memory_space<smem>>, %arg3: memref<32xi32, #tpu.memory_space<smem>>) -> (i32, i32) {
    %c0_i32 = arith.constant 0 : i32
    %c0_i32_0 = arith.constant 0 : i32
    return %arg0, %c0_i32 : i32, i32
  }
  func.func @transform_1(%arg0: i32, %arg1: i32, %arg2: memref<32xi32, #tpu.memory_space<smem>>, %arg3: memref<32xi32, #tpu.memory_space<smem>>) -> (i32, i32) {
    %eq3A = arith.constant 0 : i32
    %eq3A_0 = arith.cmpi eq, %arg1, %eq3A : i32
    %get3A = arith.index_cast %arg0 : i32 to index
    %get3A_1 = memref.load %arg2[%get3A] : memref<32xi32, #tpu.memory_space<smem>>
    %add3A = arith.addi %get3A_1, %arg1 : i32
    %sub3A = arith.constant 1 : i32
    %sub3A_2 = arith.subi %add3A, %sub3A : i32
    %get3A_3 = arith.index_cast %arg0 : i32 to index
    %get3A_4 = memref.load %arg2[%get3A_3] : memref<32xi32, #tpu.memory_space<smem>>
    %get3A_5 = arith.index_cast %arg0 : i32 to index
    %get3A_6 = memref.load %arg3[%get3A_5] : memref<32xi32, #tpu.memory_space<smem>>
    %add3A_7 = arith.addi %get3A_4, %get3A_6 : i32
    %sub3A_8 = arith.constant 1 : i32
    %sub3A_9 = arith.subi %add3A_7, %sub3A_8 : i32
    %min3A = arith.minsi %sub3A_2, %sub3A_9 : i32
    %jit3A = arith.constant 0 : i32
    %select_n3A = arith.select %eq3A_0, %jit3A, %min3A : i32
    %c0_i32 = arith.constant 0 : i32
    %c0_i32_10 = arith.constant 0 : i32
    return %select_n3A, %c0_i32 : i32, i32
  }
  func.func @transform_2(%arg0: i32, %arg1: i32, %arg2: memref<32xi32, #tpu.memory_space<smem>>, %arg3: memref<32xi32, #tpu.memory_space<smem>>) -> (i32, i32) {
    %c0_i32 = arith.constant 0 : i32
    %c0_i32_0 = arith.constant 0 : i32
    return %arg0, %c0_i32 : i32, i32
  }
  func.func @transform_3(%arg0: i32, %arg1: i32, %arg2: memref<32xi32, #tpu.memory_space<smem>>, %arg3: memref<32xi32, #tpu.memory_space<smem>>) -> (i32, i32) {
    %eq3A = arith.constant 0 : i32
    %eq3A_0 = arith.cmpi eq, %arg1, %eq3A : i32
    %get3A = arith.index_cast %arg0 : i32 to index
    %get3A_1 = memref.load %arg2[%get3A] : memref<32xi32, #tpu.memory_space<smem>>
    %add3A = arith.addi %get3A_1, %arg1 : i32
    %sub3A = arith.constant 1 : i32
    %sub3A_2 = arith.subi %add3A, %sub3A : i32
    %get3A_3 = arith.index_cast %arg0 : i32 to index
    %get3A_4 = memref.load %arg2[%get3A_3] : memref<32xi32, #tpu.memory_space<smem>>
    %get3A_5 = arith.index_cast %arg0 : i32 to index
    %get3A_6 = memref.load %arg3[%get3A_5] : memref<32xi32, #tpu.memory_space<smem>>
    %add3A_7 = arith.addi %get3A_4, %get3A_6 : i32
    %sub3A_8 = arith.constant 1 : i32
    %sub3A_9 = arith.subi %add3A_7, %sub3A_8 : i32
    %min3A = arith.minsi %sub3A_2, %sub3A_9 : i32
    %jit3A = arith.constant 0 : i32
    %select_n3A = arith.select %eq3A_0, %jit3A, %min3A : i32
    %c0_i32 = arith.constant 0 : i32
    %c0_i32_10 = arith.constant 0 : i32
    return %c0_i32, %select_n3A : i32, i32
  }
  func.func @transform_4(%arg0: i32, %arg1: i32, %arg2: memref<32xi32, #tpu.memory_space<smem>>, %arg3: memref<32xi32, #tpu.memory_space<smem>>) -> (i32, i32) {
    %c0_i32 = arith.constant 0 : i32
    %c0_i32_0 = arith.constant 0 : i32
    return %arg0, %c0_i32 : i32, i32
  }
}

module attributes {stable_mosaic.version = 14 : i64} {
  func.func @_msg_body(%arg0: i32, %arg1: memref<256x128xf32, #tpu.memory_space<vmem>>, %arg2: memref<16x256x128xf32, #tpu.memory_space<vmem>>, %arg3: memref<128x256xbf16, #tpu.memory_space<vmem>>, %arg4: memref<128x256xbf16, #tpu.memory_space<vmem>>, %arg5: memref<1x256xf32, #tpu.memory_space<vmem>>, %arg6: memref<256x256xf32, #tpu.memory_space<vmem>>) attributes {dimension_semantics = [#tpu.dimension_semantics<arbitrary>], iteration_bounds = array<i64: 32>, scalar_prefetch = 0 : i64, scratch_operands = 0 : i64, tpu.core_type = #tpu.core_type<tc>, window_params = [{transform_indices = @transform_0, window_bounds = array<i64: 256, 128>}, {transform_indices = @transform_1, window_bounds = array<i64: 16, 256, 128>}, {pipeline_mode = #tpu.pipeline_mode<synchronous>, transform_indices = @transform_2, window_bounds = array<i64: 128, 256>}, {pipeline_mode = #tpu.pipeline_mode<synchronous>, transform_indices = @transform_3, window_bounds = array<i64: 128, 256>}, {pipeline_mode = #tpu.pipeline_mode<synchronous>, transform_indices = @transform_4, window_bounds = array<i64: 1, 256>}, {transform_indices = @transform_5, window_bounds = array<i64: 256, 256>}]} {
    %get3A = arith.constant 0 : index
    %get3A_0 = arith.constant 0 : index
    %get3A_1 = vector.load %arg1[%get3A, %get3A_0] : memref<256x128xf32, #tpu.memory_space<vmem>>, vector<256x128xf32>
    %convert_element_type3A = arith.truncf %get3A_1 : vector<256x128xf32> to vector<256x128xbf16>
    %get3A_2 = arith.constant 0 : index
    %get3A_3 = arith.constant 0 : index
    %get3A_4 = vector.load %arg3[%get3A_2, %get3A_3] : memref<128x256xbf16, #tpu.memory_space<vmem>>, vector<128x256xbf16>
    %dot_general3A = arith.constant dense<0.000000e+00> : vector<256x256xf32>
    %dot_general3A_5 = tpu.matmul %convert_element_type3A, %get3A_4, %dot_general3A {dimension_numbers = #tpu.dot_dimension_numbers<[1], [0], [0], [1], [0, 0, 1, 1], [], []>, transpose_lhs_hint = false} : vector<256x128xbf16>, vector<128x256xbf16>, vector<256x256xf32> -> vector<256x256xf32>
    %get3A_6 = arith.constant 0 : index
    %get3A_7 = arith.constant 0 : index
    %get3A_8 = arith.constant 0 : index
    %get3A_9 = vector.load %arg2[%get3A_6, %get3A_7, %get3A_8] : memref<16x256x128xf32, #tpu.memory_space<vmem>>, vector<1x256x128xf32>
    %get3A_10 = vector.shape_cast %get3A_9 : vector<1x256x128xf32> to vector<256x128xf32>
    %sub3A = arith.subf %get3A_10, %get3A_1 : vector<256x128xf32>
    %convert_element_type3A_11 = arith.truncf %sub3A : vector<256x128xf32> to vector<256x128xbf16>
    %get3A_12 = arith.constant 0 : index
    %get3A_13 = arith.constant 0 : index
    %get3A_14 = vector.load %arg4[%get3A_12, %get3A_13] : memref<128x256xbf16, #tpu.memory_space<vmem>>, vector<128x256xbf16>
    %dot_general3A_15 = arith.constant dense<0.000000e+00> : vector<256x256xf32>
    %dot_general3A_16 = tpu.matmul %convert_element_type3A_11, %get3A_14, %dot_general3A_15 {dimension_numbers = #tpu.dot_dimension_numbers<[1], [0], [0], [1], [0, 0, 1, 1], [], []>, transpose_lhs_hint = false} : vector<256x128xbf16>, vector<128x256xbf16>, vector<256x256xf32> -> vector<256x256xf32>
    %get3A_17 = arith.constant 1 : index
    %get3A_18 = arith.constant 0 : index
    %get3A_19 = arith.constant 0 : index
    %get3A_20 = vector.load %arg2[%get3A_17, %get3A_18, %get3A_19] : memref<16x256x128xf32, #tpu.memory_space<vmem>>, vector<1x256x128xf32>
    %get3A_21 = vector.shape_cast %get3A_20 : vector<1x256x128xf32> to vector<256x128xf32>
    %sub3A_22 = arith.subf %get3A_21, %get3A_1 : vector<256x128xf32>
    %convert_element_type3A_23 = arith.truncf %sub3A_22 : vector<256x128xf32> to vector<256x128xbf16>
    %get3A_24 = arith.constant 0 : index
    %get3A_25 = arith.constant 0 : index
    %get3A_26 = vector.load %arg4[%get3A_24, %get3A_25] : memref<128x256xbf16, #tpu.memory_space<vmem>>, vector<128x256xbf16>
    %dot_general3A_27 = arith.constant dense<0.000000e+00> : vector<256x256xf32>
    %dot_general3A_28 = tpu.matmul %convert_element_type3A_23, %get3A_26, %dot_general3A_27 {dimension_numbers = #tpu.dot_dimension_numbers<[1], [0], [0], [1], [0, 0, 1, 1], [], []>, transpose_lhs_hint = false} : vector<256x128xbf16>, vector<128x256xbf16>, vector<256x256xf32> -> vector<256x256xf32>
    %max3A = arith.maximumf %dot_general3A_16, %dot_general3A_28 : vector<256x256xf32>
    %get3A_29 = arith.constant 2 : index
    %get3A_30 = arith.constant 0 : index
    %get3A_31 = arith.constant 0 : index
    %get3A_32 = vector.load %arg2[%get3A_29, %get3A_30, %get3A_31] : memref<16x256x128xf32, #tpu.memory_space<vmem>>, vector<1x256x128xf32>
    %get3A_33 = vector.shape_cast %get3A_32 : vector<1x256x128xf32> to vector<256x128xf32>
    %sub3A_34 = arith.subf %get3A_33, %get3A_1 : vector<256x128xf32>
    %convert_element_type3A_35 = arith.truncf %sub3A_34 : vector<256x128xf32> to vector<256x128xbf16>
    %get3A_36 = arith.constant 0 : index
    %get3A_37 = arith.constant 0 : index
    %get3A_38 = vector.load %arg4[%get3A_36, %get3A_37] : memref<128x256xbf16, #tpu.memory_space<vmem>>, vector<128x256xbf16>
    %dot_general3A_39 = arith.constant dense<0.000000e+00> : vector<256x256xf32>
    %dot_general3A_40 = tpu.matmul %convert_element_type3A_35, %get3A_38, %dot_general3A_39 {dimension_numbers = #tpu.dot_dimension_numbers<[1], [0], [0], [1], [0, 0, 1, 1], [], []>, transpose_lhs_hint = false} : vector<256x128xbf16>, vector<128x256xbf16>, vector<256x256xf32> -> vector<256x256xf32>
    %max3A_41 = arith.maximumf %max3A, %dot_general3A_40 : vector<256x256xf32>
    %get3A_42 = arith.constant 3 : index
    %get3A_43 = arith.constant 0 : index
    %get3A_44 = arith.constant 0 : index
    %get3A_45 = vector.load %arg2[%get3A_42, %get3A_43, %get3A_44] : memref<16x256x128xf32, #tpu.memory_space<vmem>>, vector<1x256x128xf32>
    %get3A_46 = vector.shape_cast %get3A_45 : vector<1x256x128xf32> to vector<256x128xf32>
    %sub3A_47 = arith.subf %get3A_46, %get3A_1 : vector<256x128xf32>
    %convert_element_type3A_48 = arith.truncf %sub3A_47 : vector<256x128xf32> to vector<256x128xbf16>
    %get3A_49 = arith.constant 0 : index
    %get3A_50 = arith.constant 0 : index
    %get3A_51 = vector.load %arg4[%get3A_49, %get3A_50] : memref<128x256xbf16, #tpu.memory_space<vmem>>, vector<128x256xbf16>
    %dot_general3A_52 = arith.constant dense<0.000000e+00> : vector<256x256xf32>
    %dot_general3A_53 = tpu.matmul %convert_element_type3A_48, %get3A_51, %dot_general3A_52 {dimension_numbers = #tpu.dot_dimension_numbers<[1], [0], [0], [1], [0, 0, 1, 1], [], []>, transpose_lhs_hint = false} : vector<256x128xbf16>, vector<128x256xbf16>, vector<256x256xf32> -> vector<256x256xf32>
    %max3A_54 = arith.maximumf %max3A_41, %dot_general3A_53 : vector<256x256xf32>
    %get3A_55 = arith.constant 4 : index
    %get3A_56 = arith.constant 0 : index
    %get3A_57 = arith.constant 0 : index
    %get3A_58 = vector.load %arg2[%get3A_55, %get3A_56, %get3A_57] : memref<16x256x128xf32, #tpu.memory_space<vmem>>, vector<1x256x128xf32>
    %get3A_59 = vector.shape_cast %get3A_58 : vector<1x256x128xf32> to vector<256x128xf32>
    %sub3A_60 = arith.subf %get3A_59, %get3A_1 : vector<256x128xf32>
    %convert_element_type3A_61 = arith.truncf %sub3A_60 : vector<256x128xf32> to vector<256x128xbf16>
    %get3A_62 = arith.constant 0 : index
    %get3A_63 = arith.constant 0 : index
    %get3A_64 = vector.load %arg4[%get3A_62, %get3A_63] : memref<128x256xbf16, #tpu.memory_space<vmem>>, vector<128x256xbf16>
    %dot_general3A_65 = arith.constant dense<0.000000e+00> : vector<256x256xf32>
    %dot_general3A_66 = tpu.matmul %convert_element_type3A_61, %get3A_64, %dot_general3A_65 {dimension_numbers = #tpu.dot_dimension_numbers<[1], [0], [0], [1], [0, 0, 1, 1], [], []>, transpose_lhs_hint = false} : vector<256x128xbf16>, vector<128x256xbf16>, vector<256x256xf32> -> vector<256x256xf32>
    %max3A_67 = arith.maximumf %max3A_54, %dot_general3A_66 : vector<256x256xf32>
    %get3A_68 = arith.constant 5 : index
    %get3A_69 = arith.constant 0 : index
    %get3A_70 = arith.constant 0 : index
    %get3A_71 = vector.load %arg2[%get3A_68, %get3A_69, %get3A_70] : memref<16x256x128xf32, #tpu.memory_space<vmem>>, vector<1x256x128xf32>
    %get3A_72 = vector.shape_cast %get3A_71 : vector<1x256x128xf32> to vector<256x128xf32>
    %sub3A_73 = arith.subf %get3A_72, %get3A_1 : vector<256x128xf32>
    %convert_element_type3A_74 = arith.truncf %sub3A_73 : vector<256x128xf32> to vector<256x128xbf16>
    %get3A_75 = arith.constant 0 : index
    %get3A_76 = arith.constant 0 : index
    %get3A_77 = vector.load %arg4[%get3A_75, %get3A_76] : memref<128x256xbf16, #tpu.memory_space<vmem>>, vector<128x256xbf16>
    %dot_general3A_78 = arith.constant dense<0.000000e+00> : vector<256x256xf32>
    %dot_general3A_79 = tpu.matmul %convert_element_type3A_74, %get3A_77, %dot_general3A_78 {dimension_numbers = #tpu.dot_dimension_numbers<[1], [0], [0], [1], [0, 0, 1, 1], [], []>, transpose_lhs_hint = false} : vector<256x128xbf16>, vector<128x256xbf16>, vector<256x256xf32> -> vector<256x256xf32>
    %max3A_80 = arith.maximumf %max3A_67, %dot_general3A_79 : vector<256x256xf32>
    %get3A_81 = arith.constant 6 : index
    %get3A_82 = arith.constant 0 : index
    %get3A_83 = arith.constant 0 : index
    %get3A_84 = vector.load %arg2[%get3A_81, %get3A_82, %get3A_83] : memref<16x256x128xf32, #tpu.memory_space<vmem>>, vector<1x256x128xf32>
    %get3A_85 = vector.shape_cast %get3A_84 : vector<1x256x128xf32> to vector<256x128xf32>
    %sub3A_86 = arith.subf %get3A_85, %get3A_1 : vector<256x128xf32>
    %convert_element_type3A_87 = arith.truncf %sub3A_86 : vector<256x128xf32> to vector<256x128xbf16>
    %get3A_88 = arith.constant 0 : index
    %get3A_89 = arith.constant 0 : index
    %get3A_90 = vector.load %arg4[%get3A_88, %get3A_89] : memref<128x256xbf16, #tpu.memory_space<vmem>>, vector<128x256xbf16>
    %dot_general3A_91 = arith.constant dense<0.000000e+00> : vector<256x256xf32>
    %dot_general3A_92 = tpu.matmul %convert_element_type3A_87, %get3A_90, %dot_general3A_91 {dimension_numbers = #tpu.dot_dimension_numbers<[1], [0], [0], [1], [0, 0, 1, 1], [], []>, transpose_lhs_hint = false} : vector<256x128xbf16>, vector<128x256xbf16>, vector<256x256xf32> -> vector<256x256xf32>
    %max3A_93 = arith.maximumf %max3A_80, %dot_general3A_92 : vector<256x256xf32>
    %get3A_94 = arith.constant 7 : index
    %get3A_95 = arith.constant 0 : index
    %get3A_96 = arith.constant 0 : index
    %get3A_97 = vector.load %arg2[%get3A_94, %get3A_95, %get3A_96] : memref<16x256x128xf32, #tpu.memory_space<vmem>>, vector<1x256x128xf32>
    %get3A_98 = vector.shape_cast %get3A_97 : vector<1x256x128xf32> to vector<256x128xf32>
    %sub3A_99 = arith.subf %get3A_98, %get3A_1 : vector<256x128xf32>
    %convert_element_type3A_100 = arith.truncf %sub3A_99 : vector<256x128xf32> to vector<256x128xbf16>
    %get3A_101 = arith.constant 0 : index
    %get3A_102 = arith.constant 0 : index
    %get3A_103 = vector.load %arg4[%get3A_101, %get3A_102] : memref<128x256xbf16, #tpu.memory_space<vmem>>, vector<128x256xbf16>
    %dot_general3A_104 = arith.constant dense<0.000000e+00> : vector<256x256xf32>
    %dot_general3A_105 = tpu.matmul %convert_element_type3A_100, %get3A_103, %dot_general3A_104 {dimension_numbers = #tpu.dot_dimension_numbers<[1], [0], [0], [1], [0, 0, 1, 1], [], []>, transpose_lhs_hint = false} : vector<256x128xbf16>, vector<128x256xbf16>, vector<256x256xf32> -> vector<256x256xf32>
    %max3A_106 = arith.maximumf %max3A_93, %dot_general3A_105 : vector<256x256xf32>
    %get3A_107 = arith.constant 8 : index
    %get3A_108 = arith.constant 0 : index
    %get3A_109 = arith.constant 0 : index
    %get3A_110 = vector.load %arg2[%get3A_107, %get3A_108, %get3A_109] : memref<16x256x128xf32, #tpu.memory_space<vmem>>, vector<1x256x128xf32>
    %get3A_111 = vector.shape_cast %get3A_110 : vector<1x256x128xf32> to vector<256x128xf32>
    %sub3A_112 = arith.subf %get3A_111, %get3A_1 : vector<256x128xf32>
    %convert_element_type3A_113 = arith.truncf %sub3A_112 : vector<256x128xf32> to vector<256x128xbf16>
    %get3A_114 = arith.constant 0 : index
    %get3A_115 = arith.constant 0 : index
    %get3A_116 = vector.load %arg4[%get3A_114, %get3A_115] : memref<128x256xbf16, #tpu.memory_space<vmem>>, vector<128x256xbf16>
    %dot_general3A_117 = arith.constant dense<0.000000e+00> : vector<256x256xf32>
    %dot_general3A_118 = tpu.matmul %convert_element_type3A_113, %get3A_116, %dot_general3A_117 {dimension_numbers = #tpu.dot_dimension_numbers<[1], [0], [0], [1], [0, 0, 1, 1], [], []>, transpose_lhs_hint = false} : vector<256x128xbf16>, vector<128x256xbf16>, vector<256x256xf32> -> vector<256x256xf32>
    %max3A_119 = arith.maximumf %max3A_106, %dot_general3A_118 : vector<256x256xf32>
    %get3A_120 = arith.constant 9 : index
    %get3A_121 = arith.constant 0 : index
    %get3A_122 = arith.constant 0 : index
    %get3A_123 = vector.load %arg2[%get3A_120, %get3A_121, %get3A_122] : memref<16x256x128xf32, #tpu.memory_space<vmem>>, vector<1x256x128xf32>
    %get3A_124 = vector.shape_cast %get3A_123 : vector<1x256x128xf32> to vector<256x128xf32>
    %sub3A_125 = arith.subf %get3A_124, %get3A_1 : vector<256x128xf32>
    %convert_element_type3A_126 = arith.truncf %sub3A_125 : vector<256x128xf32> to vector<256x128xbf16>
    %get3A_127 = arith.constant 0 : index
    %get3A_128 = arith.constant 0 : index
    %get3A_129 = vector.load %arg4[%get3A_127, %get3A_128] : memref<128x256xbf16, #tpu.memory_space<vmem>>, vector<128x256xbf16>
    %dot_general3A_130 = arith.constant dense<0.000000e+00> : vector<256x256xf32>
    %dot_general3A_131 = tpu.matmul %convert_element_type3A_126, %get3A_129, %dot_general3A_130 {dimension_numbers = #tpu.dot_dimension_numbers<[1], [0], [0], [1], [0, 0, 1, 1], [], []>, transpose_lhs_hint = false} : vector<256x128xbf16>, vector<128x256xbf16>, vector<256x256xf32> -> vector<256x256xf32>
    %max3A_132 = arith.maximumf %max3A_119, %dot_general3A_131 : vector<256x256xf32>
    %get3A_133 = arith.constant 10 : index
    %get3A_134 = arith.constant 0 : index
    %get3A_135 = arith.constant 0 : index
    %get3A_136 = vector.load %arg2[%get3A_133, %get3A_134, %get3A_135] : memref<16x256x128xf32, #tpu.memory_space<vmem>>, vector<1x256x128xf32>
    %get3A_137 = vector.shape_cast %get3A_136 : vector<1x256x128xf32> to vector<256x128xf32>
    %sub3A_138 = arith.subf %get3A_137, %get3A_1 : vector<256x128xf32>
    %convert_element_type3A_139 = arith.truncf %sub3A_138 : vector<256x128xf32> to vector<256x128xbf16>
    %get3A_140 = arith.constant 0 : index
    %get3A_141 = arith.constant 0 : index
    %get3A_142 = vector.load %arg4[%get3A_140, %get3A_141] : memref<128x256xbf16, #tpu.memory_space<vmem>>, vector<128x256xbf16>
    %dot_general3A_143 = arith.constant dense<0.000000e+00> : vector<256x256xf32>
    %dot_general3A_144 = tpu.matmul %convert_element_type3A_139, %get3A_142, %dot_general3A_143 {dimension_numbers = #tpu.dot_dimension_numbers<[1], [0], [0], [1], [0, 0, 1, 1], [], []>, transpose_lhs_hint = false} : vector<256x128xbf16>, vector<128x256xbf16>, vector<256x256xf32> -> vector<256x256xf32>
    %max3A_145 = arith.maximumf %max3A_132, %dot_general3A_144 : vector<256x256xf32>
    %get3A_146 = arith.constant 11 : index
    %get3A_147 = arith.constant 0 : index
    %get3A_148 = arith.constant 0 : index
    %get3A_149 = vector.load %arg2[%get3A_146, %get3A_147, %get3A_148] : memref<16x256x128xf32, #tpu.memory_space<vmem>>, vector<1x256x128xf32>
    %get3A_150 = vector.shape_cast %get3A_149 : vector<1x256x128xf32> to vector<256x128xf32>
    %sub3A_151 = arith.subf %get3A_150, %get3A_1 : vector<256x128xf32>
    %convert_element_type3A_152 = arith.truncf %sub3A_151 : vector<256x128xf32> to vector<256x128xbf16>
    %get3A_153 = arith.constant 0 : index
    %get3A_154 = arith.constant 0 : index
    %get3A_155 = vector.load %arg4[%get3A_153, %get3A_154] : memref<128x256xbf16, #tpu.memory_space<vmem>>, vector<128x256xbf16>
    %dot_general3A_156 = arith.constant dense<0.000000e+00> : vector<256x256xf32>
    %dot_general3A_157 = tpu.matmul %convert_element_type3A_152, %get3A_155, %dot_general3A_156 {dimension_numbers = #tpu.dot_dimension_numbers<[1], [0], [0], [1], [0, 0, 1, 1], [], []>, transpose_lhs_hint = false} : vector<256x128xbf16>, vector<128x256xbf16>, vector<256x256xf32> -> vector<256x256xf32>
    %max3A_158 = arith.maximumf %max3A_145, %dot_general3A_157 : vector<256x256xf32>
    %get3A_159 = arith.constant 12 : index
    %get3A_160 = arith.constant 0 : index
    %get3A_161 = arith.constant 0 : index
    %get3A_162 = vector.load %arg2[%get3A_159, %get3A_160, %get3A_161] : memref<16x256x128xf32, #tpu.memory_space<vmem>>, vector<1x256x128xf32>
    %get3A_163 = vector.shape_cast %get3A_162 : vector<1x256x128xf32> to vector<256x128xf32>
    %sub3A_164 = arith.subf %get3A_163, %get3A_1 : vector<256x128xf32>
    %convert_element_type3A_165 = arith.truncf %sub3A_164 : vector<256x128xf32> to vector<256x128xbf16>
    %get3A_166 = arith.constant 0 : index
    %get3A_167 = arith.constant 0 : index
    %get3A_168 = vector.load %arg4[%get3A_166, %get3A_167] : memref<128x256xbf16, #tpu.memory_space<vmem>>, vector<128x256xbf16>
    %dot_general3A_169 = arith.constant dense<0.000000e+00> : vector<256x256xf32>
    %dot_general3A_170 = tpu.matmul %convert_element_type3A_165, %get3A_168, %dot_general3A_169 {dimension_numbers = #tpu.dot_dimension_numbers<[1], [0], [0], [1], [0, 0, 1, 1], [], []>, transpose_lhs_hint = false} : vector<256x128xbf16>, vector<128x256xbf16>, vector<256x256xf32> -> vector<256x256xf32>
    %max3A_171 = arith.maximumf %max3A_158, %dot_general3A_170 : vector<256x256xf32>
    %get3A_172 = arith.constant 13 : index
    %get3A_173 = arith.constant 0 : index
    %get3A_174 = arith.constant 0 : index
    %get3A_175 = vector.load %arg2[%get3A_172, %get3A_173, %get3A_174] : memref<16x256x128xf32, #tpu.memory_space<vmem>>, vector<1x256x128xf32>
    %get3A_176 = vector.shape_cast %get3A_175 : vector<1x256x128xf32> to vector<256x128xf32>
    %sub3A_177 = arith.subf %get3A_176, %get3A_1 : vector<256x128xf32>
    %convert_element_type3A_178 = arith.truncf %sub3A_177 : vector<256x128xf32> to vector<256x128xbf16>
    %get3A_179 = arith.constant 0 : index
    %get3A_180 = arith.constant 0 : index
    %get3A_181 = vector.load %arg4[%get3A_179, %get3A_180] : memref<128x256xbf16, #tpu.memory_space<vmem>>, vector<128x256xbf16>
    %dot_general3A_182 = arith.constant dense<0.000000e+00> : vector<256x256xf32>
    %dot_general3A_183 = tpu.matmul %convert_element_type3A_178, %get3A_181, %dot_general3A_182 {dimension_numbers = #tpu.dot_dimension_numbers<[1], [0], [0], [1], [0, 0, 1, 1], [], []>, transpose_lhs_hint = false} : vector<256x128xbf16>, vector<128x256xbf16>, vector<256x256xf32> -> vector<256x256xf32>
    %max3A_184 = arith.maximumf %max3A_171, %dot_general3A_183 : vector<256x256xf32>
    %get3A_185 = arith.constant 14 : index
    %get3A_186 = arith.constant 0 : index
    %get3A_187 = arith.constant 0 : index
    %get3A_188 = vector.load %arg2[%get3A_185, %get3A_186, %get3A_187] : memref<16x256x128xf32, #tpu.memory_space<vmem>>, vector<1x256x128xf32>
    %get3A_189 = vector.shape_cast %get3A_188 : vector<1x256x128xf32> to vector<256x128xf32>
    %sub3A_190 = arith.subf %get3A_189, %get3A_1 : vector<256x128xf32>
    %convert_element_type3A_191 = arith.truncf %sub3A_190 : vector<256x128xf32> to vector<256x128xbf16>
    %get3A_192 = arith.constant 0 : index
    %get3A_193 = arith.constant 0 : index
    %get3A_194 = vector.load %arg4[%get3A_192, %get3A_193] : memref<128x256xbf16, #tpu.memory_space<vmem>>, vector<128x256xbf16>
    %dot_general3A_195 = arith.constant dense<0.000000e+00> : vector<256x256xf32>
    %dot_general3A_196 = tpu.matmul %convert_element_type3A_191, %get3A_194, %dot_general3A_195 {dimension_numbers = #tpu.dot_dimension_numbers<[1], [0], [0], [1], [0, 0, 1, 1], [], []>, transpose_lhs_hint = false} : vector<256x128xbf16>, vector<128x256xbf16>, vector<256x256xf32> -> vector<256x256xf32>
    %max3A_197 = arith.maximumf %max3A_184, %dot_general3A_196 : vector<256x256xf32>
    %get3A_198 = arith.constant 15 : index
    %get3A_199 = arith.constant 0 : index
    %get3A_200 = arith.constant 0 : index
    %get3A_201 = vector.load %arg2[%get3A_198, %get3A_199, %get3A_200] : memref<16x256x128xf32, #tpu.memory_space<vmem>>, vector<1x256x128xf32>
    %get3A_202 = vector.shape_cast %get3A_201 : vector<1x256x128xf32> to vector<256x128xf32>
    %sub3A_203 = arith.subf %get3A_202, %get3A_1 : vector<256x128xf32>
    %convert_element_type3A_204 = arith.truncf %sub3A_203 : vector<256x128xf32> to vector<256x128xbf16>
    %get3A_205 = arith.constant 0 : index
    %get3A_206 = arith.constant 0 : index
    %get3A_207 = vector.load %arg4[%get3A_205, %get3A_206] : memref<128x256xbf16, #tpu.memory_space<vmem>>, vector<128x256xbf16>
    %dot_general3A_208 = arith.constant dense<0.000000e+00> : vector<256x256xf32>
    %dot_general3A_209 = tpu.matmul %convert_element_type3A_204, %get3A_207, %dot_general3A_208 {dimension_numbers = #tpu.dot_dimension_numbers<[1], [0], [0], [1], [0, 0, 1, 1], [], []>, transpose_lhs_hint = false} : vector<256x128xbf16>, vector<128x256xbf16>, vector<256x256xf32> -> vector<256x256xf32>
    %max3A_210 = arith.maximumf %max3A_197, %dot_general3A_209 : vector<256x256xf32>
    %get3A_211 = arith.constant 0 : index
    %get3A_212 = arith.constant 0 : index
    %get3A_213 = vector.load %arg5[%get3A_211, %get3A_212] : memref<1x256xf32, #tpu.memory_space<vmem>>, vector<1x256xf32>
    %add3A = vector.broadcast %get3A_213 : vector<1x256xf32> to vector<256x256xf32>
    %add3A_214 = arith.addf %dot_general3A_5, %add3A : vector<256x256xf32>
    %add3A_215 = arith.addf %add3A_214, %max3A_210 : vector<256x256xf32>
    %max3A_216 = arith.constant 0.000000e+00 : f32
    %max3A_217 = vector.broadcast %max3A_216 : f32 to vector<256x256xf32>
    %max3A_218 = arith.maximumf %add3A_215, %max3A_217 : vector<256x256xf32>
    %swap3A = arith.constant 0 : index
    %swap3A_219 = arith.constant 0 : index
    %swap3A_220 = vector.load %arg6[%swap3A, %swap3A_219] : memref<256x256xf32, #tpu.memory_space<vmem>>, vector<256x256xf32>
    tpu.vector_store %arg6[%swap3A, %swap3A_219], %max3A_218 {strides = array<i32>} : memref<256x256xf32, #tpu.memory_space<vmem>>, vector<256x256xf32>,
    return
  }
  func.func @transform_0(%arg0: i32) -> (i32, i32) {
    %c0_i32 = arith.constant 0 : i32
    %c0_i32_0 = arith.constant 0 : i32
    return %arg0, %c0_i32 : i32, i32
  }
  func.func @transform_1(%arg0: i32) -> (i32, i32, i32) {
    %c0_i32 = arith.constant 0 : i32
    %c0_i32_0 = arith.constant 0 : i32
    %c0_i32_1 = arith.constant 0 : i32
    return %c0_i32, %arg0, %c0_i32_0 : i32, i32, i32
  }
  func.func @transform_2(%arg0: i32) -> (i32, i32) {
    %c0_i32 = arith.constant 0 : i32
    %c0_i32_0 = arith.constant 0 : i32
    %c0_i32_1 = arith.constant 0 : i32
    return %c0_i32, %c0_i32_0 : i32, i32
  }
  func.func @transform_3(%arg0: i32) -> (i32, i32) {
    %c0_i32 = arith.constant 0 : i32
    %c0_i32_0 = arith.constant 0 : i32
    %c0_i32_1 = arith.constant 0 : i32
    return %c0_i32, %c0_i32_0 : i32, i32
  }
  func.func @transform_4(%arg0: i32) -> (i32, i32) {
    %c0_i32 = arith.constant 0 : i32
    %c0_i32_0 = arith.constant 0 : i32
    %c0_i32_1 = arith.constant 0 : i32
    return %c0_i32, %c0_i32_0 : i32, i32
  }
  func.func @transform_5(%arg0: i32) -> (i32, i32) {
    %c0_i32 = arith.constant 0 : i32
    %c0_i32_0 = arith.constant 0 : i32
    return %arg0, %c0_i32 : i32, i32
  }
}

module attributes {stable_mosaic.version = 14 : i64} {
  func.func @_msg_body(%arg0: i32, %arg1: memref<256x256xf32, #tpu.memory_space<vmem>>, %arg2: memref<16x256x256xf32, #tpu.memory_space<vmem>>, %arg3: memref<256x256xbf16, #tpu.memory_space<vmem>>, %arg4: memref<256x256xbf16, #tpu.memory_space<vmem>>, %arg5: memref<1x256xf32, #tpu.memory_space<vmem>>, %arg6: memref<256x256xf32, #tpu.memory_space<vmem>>) attributes {dimension_semantics = [#tpu.dimension_semantics<arbitrary>], iteration_bounds = array<i64: 32>, scalar_prefetch = 0 : i64, scratch_operands = 0 : i64, tpu.core_type = #tpu.core_type<tc>, window_params = [{transform_indices = @transform_0, window_bounds = array<i64: 256, 256>}, {transform_indices = @transform_1, window_bounds = array<i64: 16, 256, 256>}, {pipeline_mode = #tpu.pipeline_mode<synchronous>, transform_indices = @transform_2, window_bounds = array<i64: 256, 256>}, {pipeline_mode = #tpu.pipeline_mode<synchronous>, transform_indices = @transform_3, window_bounds = array<i64: 256, 256>}, {pipeline_mode = #tpu.pipeline_mode<synchronous>, transform_indices = @transform_4, window_bounds = array<i64: 1, 256>}, {transform_indices = @transform_5, window_bounds = array<i64: 256, 256>}]} {
    %get3A = arith.constant 0 : index
    %get3A_0 = arith.constant 0 : index
    %get3A_1 = vector.load %arg1[%get3A, %get3A_0] : memref<256x256xf32, #tpu.memory_space<vmem>>, vector<256x256xf32>
    %convert_element_type3A = arith.truncf %get3A_1 : vector<256x256xf32> to vector<256x256xbf16>
    %get3A_2 = arith.constant 0 : index
    %get3A_3 = arith.constant 0 : index
    %get3A_4 = vector.load %arg3[%get3A_2, %get3A_3] : memref<256x256xbf16, #tpu.memory_space<vmem>>, vector<256x256xbf16>
    %dot_general3A = arith.constant dense<0.000000e+00> : vector<256x256xf32>
    %dot_general3A_5 = tpu.matmul %convert_element_type3A, %get3A_4, %dot_general3A {dimension_numbers = #tpu.dot_dimension_numbers<[1], [0], [0], [1], [0, 0, 1, 1], [], []>, transpose_lhs_hint = false} : vector<256x256xbf16>, vector<256x256xbf16>, vector<256x256xf32> -> vector<256x256xf32>
    %get3A_6 = arith.constant 0 : index
    %get3A_7 = arith.constant 0 : index
    %get3A_8 = arith.constant 0 : index
    %get3A_9 = vector.load %arg2[%get3A_6, %get3A_7, %get3A_8] : memref<16x256x256xf32, #tpu.memory_space<vmem>>, vector<1x256x256xf32>
    %get3A_10 = vector.shape_cast %get3A_9 : vector<1x256x256xf32> to vector<256x256xf32>
    %sub3A = arith.subf %get3A_10, %get3A_1 : vector<256x256xf32>
    %convert_element_type3A_11 = arith.truncf %sub3A : vector<256x256xf32> to vector<256x256xbf16>
    %get3A_12 = arith.constant 0 : index
    %get3A_13 = arith.constant 0 : index
    %get3A_14 = vector.load %arg4[%get3A_12, %get3A_13] : memref<256x256xbf16, #tpu.memory_space<vmem>>, vector<256x256xbf16>
    %dot_general3A_15 = arith.constant dense<0.000000e+00> : vector<256x256xf32>
    %dot_general3A_16 = tpu.matmul %convert_element_type3A_11, %get3A_14, %dot_general3A_15 {dimension_numbers = #tpu.dot_dimension_numbers<[1], [0], [0], [1], [0, 0, 1, 1], [], []>, transpose_lhs_hint = false} : vector<256x256xbf16>, vector<256x256xbf16>, vector<256x256xf32> -> vector<256x256xf32>
    %get3A_17 = arith.constant 1 : index
    %get3A_18 = arith.constant 0 : index
    %get3A_19 = arith.constant 0 : index
    %get3A_20 = vector.load %arg2[%get3A_17, %get3A_18, %get3A_19] : memref<16x256x256xf32, #tpu.memory_space<vmem>>, vector<1x256x256xf32>
    %get3A_21 = vector.shape_cast %get3A_20 : vector<1x256x256xf32> to vector<256x256xf32>
    %sub3A_22 = arith.subf %get3A_21, %get3A_1 : vector<256x256xf32>
    %convert_element_type3A_23 = arith.truncf %sub3A_22 : vector<256x256xf32> to vector<256x256xbf16>
    %get3A_24 = arith.constant 0 : index
    %get3A_25 = arith.constant 0 : index
    %get3A_26 = vector.load %arg4[%get3A_24, %get3A_25] : memref<256x256xbf16, #tpu.memory_space<vmem>>, vector<256x256xbf16>
    %dot_general3A_27 = arith.constant dense<0.000000e+00> : vector<256x256xf32>
    %dot_general3A_28 = tpu.matmul %convert_element_type3A_23, %get3A_26, %dot_general3A_27 {dimension_numbers = #tpu.dot_dimension_numbers<[1], [0], [0], [1], [0, 0, 1, 1], [], []>, transpose_lhs_hint = false} : vector<256x256xbf16>, vector<256x256xbf16>, vector<256x256xf32> -> vector<256x256xf32>
    %max3A = arith.maximumf %dot_general3A_16, %dot_general3A_28 : vector<256x256xf32>
    %get3A_29 = arith.constant 2 : index
    %get3A_30 = arith.constant 0 : index
    %get3A_31 = arith.constant 0 : index
    %get3A_32 = vector.load %arg2[%get3A_29, %get3A_30, %get3A_31] : memref<16x256x256xf32, #tpu.memory_space<vmem>>, vector<1x256x256xf32>
    %get3A_33 = vector.shape_cast %get3A_32 : vector<1x256x256xf32> to vector<256x256xf32>
    %sub3A_34 = arith.subf %get3A_33, %get3A_1 : vector<256x256xf32>
    %convert_element_type3A_35 = arith.truncf %sub3A_34 : vector<256x256xf32> to vector<256x256xbf16>
    %get3A_36 = arith.constant 0 : index
    %get3A_37 = arith.constant 0 : index
    %get3A_38 = vector.load %arg4[%get3A_36, %get3A_37] : memref<256x256xbf16, #tpu.memory_space<vmem>>, vector<256x256xbf16>
    %dot_general3A_39 = arith.constant dense<0.000000e+00> : vector<256x256xf32>
    %dot_general3A_40 = tpu.matmul %convert_element_type3A_35, %get3A_38, %dot_general3A_39 {dimension_numbers = #tpu.dot_dimension_numbers<[1], [0], [0], [1], [0, 0, 1, 1], [], []>, transpose_lhs_hint = false} : vector<256x256xbf16>, vector<256x256xbf16>, vector<256x256xf32> -> vector<256x256xf32>
    %max3A_41 = arith.maximumf %max3A, %dot_general3A_40 : vector<256x256xf32>
    %get3A_42 = arith.constant 3 : index
    %get3A_43 = arith.constant 0 : index
    %get3A_44 = arith.constant 0 : index
    %get3A_45 = vector.load %arg2[%get3A_42, %get3A_43, %get3A_44] : memref<16x256x256xf32, #tpu.memory_space<vmem>>, vector<1x256x256xf32>
    %get3A_46 = vector.shape_cast %get3A_45 : vector<1x256x256xf32> to vector<256x256xf32>
    %sub3A_47 = arith.subf %get3A_46, %get3A_1 : vector<256x256xf32>
    %convert_element_type3A_48 = arith.truncf %sub3A_47 : vector<256x256xf32> to vector<256x256xbf16>
    %get3A_49 = arith.constant 0 : index
    %get3A_50 = arith.constant 0 : index
    %get3A_51 = vector.load %arg4[%get3A_49, %get3A_50] : memref<256x256xbf16, #tpu.memory_space<vmem>>, vector<256x256xbf16>
    %dot_general3A_52 = arith.constant dense<0.000000e+00> : vector<256x256xf32>
    %dot_general3A_53 = tpu.matmul %convert_element_type3A_48, %get3A_51, %dot_general3A_52 {dimension_numbers = #tpu.dot_dimension_numbers<[1], [0], [0], [1], [0, 0, 1, 1], [], []>, transpose_lhs_hint = false} : vector<256x256xbf16>, vector<256x256xbf16>, vector<256x256xf32> -> vector<256x256xf32>
    %max3A_54 = arith.maximumf %max3A_41, %dot_general3A_53 : vector<256x256xf32>
    %get3A_55 = arith.constant 4 : index
    %get3A_56 = arith.constant 0 : index
    %get3A_57 = arith.constant 0 : index
    %get3A_58 = vector.load %arg2[%get3A_55, %get3A_56, %get3A_57] : memref<16x256x256xf32, #tpu.memory_space<vmem>>, vector<1x256x256xf32>
    %get3A_59 = vector.shape_cast %get3A_58 : vector<1x256x256xf32> to vector<256x256xf32>
    %sub3A_60 = arith.subf %get3A_59, %get3A_1 : vector<256x256xf32>
    %convert_element_type3A_61 = arith.truncf %sub3A_60 : vector<256x256xf32> to vector<256x256xbf16>
    %get3A_62 = arith.constant 0 : index
    %get3A_63 = arith.constant 0 : index
    %get3A_64 = vector.load %arg4[%get3A_62, %get3A_63] : memref<256x256xbf16, #tpu.memory_space<vmem>>, vector<256x256xbf16>
    %dot_general3A_65 = arith.constant dense<0.000000e+00> : vector<256x256xf32>
    %dot_general3A_66 = tpu.matmul %convert_element_type3A_61, %get3A_64, %dot_general3A_65 {dimension_numbers = #tpu.dot_dimension_numbers<[1], [0], [0], [1], [0, 0, 1, 1], [], []>, transpose_lhs_hint = false} : vector<256x256xbf16>, vector<256x256xbf16>, vector<256x256xf32> -> vector<256x256xf32>
    %max3A_67 = arith.maximumf %max3A_54, %dot_general3A_66 : vector<256x256xf32>
    %get3A_68 = arith.constant 5 : index
    %get3A_69 = arith.constant 0 : index
    %get3A_70 = arith.constant 0 : index
    %get3A_71 = vector.load %arg2[%get3A_68, %get3A_69, %get3A_70] : memref<16x256x256xf32, #tpu.memory_space<vmem>>, vector<1x256x256xf32>
    %get3A_72 = vector.shape_cast %get3A_71 : vector<1x256x256xf32> to vector<256x256xf32>
    %sub3A_73 = arith.subf %get3A_72, %get3A_1 : vector<256x256xf32>
    %convert_element_type3A_74 = arith.truncf %sub3A_73 : vector<256x256xf32> to vector<256x256xbf16>
    %get3A_75 = arith.constant 0 : index
    %get3A_76 = arith.constant 0 : index
    %get3A_77 = vector.load %arg4[%get3A_75, %get3A_76] : memref<256x256xbf16, #tpu.memory_space<vmem>>, vector<256x256xbf16>
    %dot_general3A_78 = arith.constant dense<0.000000e+00> : vector<256x256xf32>
    %dot_general3A_79 = tpu.matmul %convert_element_type3A_74, %get3A_77, %dot_general3A_78 {dimension_numbers = #tpu.dot_dimension_numbers<[1], [0], [0], [1], [0, 0, 1, 1], [], []>, transpose_lhs_hint = false} : vector<256x256xbf16>, vector<256x256xbf16>, vector<256x256xf32> -> vector<256x256xf32>
    %max3A_80 = arith.maximumf %max3A_67, %dot_general3A_79 : vector<256x256xf32>
    %get3A_81 = arith.constant 6 : index
    %get3A_82 = arith.constant 0 : index
    %get3A_83 = arith.constant 0 : index
    %get3A_84 = vector.load %arg2[%get3A_81, %get3A_82, %get3A_83] : memref<16x256x256xf32, #tpu.memory_space<vmem>>, vector<1x256x256xf32>
    %get3A_85 = vector.shape_cast %get3A_84 : vector<1x256x256xf32> to vector<256x256xf32>
    %sub3A_86 = arith.subf %get3A_85, %get3A_1 : vector<256x256xf32>
    %convert_element_type3A_87 = arith.truncf %sub3A_86 : vector<256x256xf32> to vector<256x256xbf16>
    %get3A_88 = arith.constant 0 : index
    %get3A_89 = arith.constant 0 : index
    %get3A_90 = vector.load %arg4[%get3A_88, %get3A_89] : memref<256x256xbf16, #tpu.memory_space<vmem>>, vector<256x256xbf16>
    %dot_general3A_91 = arith.constant dense<0.000000e+00> : vector<256x256xf32>
    %dot_general3A_92 = tpu.matmul %convert_element_type3A_87, %get3A_90, %dot_general3A_91 {dimension_numbers = #tpu.dot_dimension_numbers<[1], [0], [0], [1], [0, 0, 1, 1], [], []>, transpose_lhs_hint = false} : vector<256x256xbf16>, vector<256x256xbf16>, vector<256x256xf32> -> vector<256x256xf32>
    %max3A_93 = arith.maximumf %max3A_80, %dot_general3A_92 : vector<256x256xf32>
    %get3A_94 = arith.constant 7 : index
    %get3A_95 = arith.constant 0 : index
    %get3A_96 = arith.constant 0 : index
    %get3A_97 = vector.load %arg2[%get3A_94, %get3A_95, %get3A_96] : memref<16x256x256xf32, #tpu.memory_space<vmem>>, vector<1x256x256xf32>
    %get3A_98 = vector.shape_cast %get3A_97 : vector<1x256x256xf32> to vector<256x256xf32>
    %sub3A_99 = arith.subf %get3A_98, %get3A_1 : vector<256x256xf32>
    %convert_element_type3A_100 = arith.truncf %sub3A_99 : vector<256x256xf32> to vector<256x256xbf16>
    %get3A_101 = arith.constant 0 : index
    %get3A_102 = arith.constant 0 : index
    %get3A_103 = vector.load %arg4[%get3A_101, %get3A_102] : memref<256x256xbf16, #tpu.memory_space<vmem>>, vector<256x256xbf16>
    %dot_general3A_104 = arith.constant dense<0.000000e+00> : vector<256x256xf32>
    %dot_general3A_105 = tpu.matmul %convert_element_type3A_100, %get3A_103, %dot_general3A_104 {dimension_numbers = #tpu.dot_dimension_numbers<[1], [0], [0], [1], [0, 0, 1, 1], [], []>, transpose_lhs_hint = false} : vector<256x256xbf16>, vector<256x256xbf16>, vector<256x256xf32> -> vector<256x256xf32>
    %max3A_106 = arith.maximumf %max3A_93, %dot_general3A_105 : vector<256x256xf32>
    %get3A_107 = arith.constant 8 : index
    %get3A_108 = arith.constant 0 : index
    %get3A_109 = arith.constant 0 : index
    %get3A_110 = vector.load %arg2[%get3A_107, %get3A_108, %get3A_109] : memref<16x256x256xf32, #tpu.memory_space<vmem>>, vector<1x256x256xf32>
    %get3A_111 = vector.shape_cast %get3A_110 : vector<1x256x256xf32> to vector<256x256xf32>
    %sub3A_112 = arith.subf %get3A_111, %get3A_1 : vector<256x256xf32>
    %convert_element_type3A_113 = arith.truncf %sub3A_112 : vector<256x256xf32> to vector<256x256xbf16>
    %get3A_114 = arith.constant 0 : index
    %get3A_115 = arith.constant 0 : index
    %get3A_116 = vector.load %arg4[%get3A_114, %get3A_115] : memref<256x256xbf16, #tpu.memory_space<vmem>>, vector<256x256xbf16>
    %dot_general3A_117 = arith.constant dense<0.000000e+00> : vector<256x256xf32>
    %dot_general3A_118 = tpu.matmul %convert_element_type3A_113, %get3A_116, %dot_general3A_117 {dimension_numbers = #tpu.dot_dimension_numbers<[1], [0], [0], [1], [0, 0, 1, 1], [], []>, transpose_lhs_hint = false} : vector<256x256xbf16>, vector<256x256xbf16>, vector<256x256xf32> -> vector<256x256xf32>
    %max3A_119 = arith.maximumf %max3A_106, %dot_general3A_118 : vector<256x256xf32>
    %get3A_120 = arith.constant 9 : index
    %get3A_121 = arith.constant 0 : index
    %get3A_122 = arith.constant 0 : index
    %get3A_123 = vector.load %arg2[%get3A_120, %get3A_121, %get3A_122] : memref<16x256x256xf32, #tpu.memory_space<vmem>>, vector<1x256x256xf32>
    %get3A_124 = vector.shape_cast %get3A_123 : vector<1x256x256xf32> to vector<256x256xf32>
    %sub3A_125 = arith.subf %get3A_124, %get3A_1 : vector<256x256xf32>
    %convert_element_type3A_126 = arith.truncf %sub3A_125 : vector<256x256xf32> to vector<256x256xbf16>
    %get3A_127 = arith.constant 0 : index
    %get3A_128 = arith.constant 0 : index
    %get3A_129 = vector.load %arg4[%get3A_127, %get3A_128] : memref<256x256xbf16, #tpu.memory_space<vmem>>, vector<256x256xbf16>
    %dot_general3A_130 = arith.constant dense<0.000000e+00> : vector<256x256xf32>
    %dot_general3A_131 = tpu.matmul %convert_element_type3A_126, %get3A_129, %dot_general3A_130 {dimension_numbers = #tpu.dot_dimension_numbers<[1], [0], [0], [1], [0, 0, 1, 1], [], []>, transpose_lhs_hint = false} : vector<256x256xbf16>, vector<256x256xbf16>, vector<256x256xf32> -> vector<256x256xf32>
    %max3A_132 = arith.maximumf %max3A_119, %dot_general3A_131 : vector<256x256xf32>
    %get3A_133 = arith.constant 10 : index
    %get3A_134 = arith.constant 0 : index
    %get3A_135 = arith.constant 0 : index
    %get3A_136 = vector.load %arg2[%get3A_133, %get3A_134, %get3A_135] : memref<16x256x256xf32, #tpu.memory_space<vmem>>, vector<1x256x256xf32>
    %get3A_137 = vector.shape_cast %get3A_136 : vector<1x256x256xf32> to vector<256x256xf32>
    %sub3A_138 = arith.subf %get3A_137, %get3A_1 : vector<256x256xf32>
    %convert_element_type3A_139 = arith.truncf %sub3A_138 : vector<256x256xf32> to vector<256x256xbf16>
    %get3A_140 = arith.constant 0 : index
    %get3A_141 = arith.constant 0 : index
    %get3A_142 = vector.load %arg4[%get3A_140, %get3A_141] : memref<256x256xbf16, #tpu.memory_space<vmem>>, vector<256x256xbf16>
    %dot_general3A_143 = arith.constant dense<0.000000e+00> : vector<256x256xf32>
    %dot_general3A_144 = tpu.matmul %convert_element_type3A_139, %get3A_142, %dot_general3A_143 {dimension_numbers = #tpu.dot_dimension_numbers<[1], [0], [0], [1], [0, 0, 1, 1], [], []>, transpose_lhs_hint = false} : vector<256x256xbf16>, vector<256x256xbf16>, vector<256x256xf32> -> vector<256x256xf32>
    %max3A_145 = arith.maximumf %max3A_132, %dot_general3A_144 : vector<256x256xf32>
    %get3A_146 = arith.constant 11 : index
    %get3A_147 = arith.constant 0 : index
    %get3A_148 = arith.constant 0 : index
    %get3A_149 = vector.load %arg2[%get3A_146, %get3A_147, %get3A_148] : memref<16x256x256xf32, #tpu.memory_space<vmem>>, vector<1x256x256xf32>
    %get3A_150 = vector.shape_cast %get3A_149 : vector<1x256x256xf32> to vector<256x256xf32>
    %sub3A_151 = arith.subf %get3A_150, %get3A_1 : vector<256x256xf32>
    %convert_element_type3A_152 = arith.truncf %sub3A_151 : vector<256x256xf32> to vector<256x256xbf16>
    %get3A_153 = arith.constant 0 : index
    %get3A_154 = arith.constant 0 : index
    %get3A_155 = vector.load %arg4[%get3A_153, %get3A_154] : memref<256x256xbf16, #tpu.memory_space<vmem>>, vector<256x256xbf16>
    %dot_general3A_156 = arith.constant dense<0.000000e+00> : vector<256x256xf32>
    %dot_general3A_157 = tpu.matmul %convert_element_type3A_152, %get3A_155, %dot_general3A_156 {dimension_numbers = #tpu.dot_dimension_numbers<[1], [0], [0], [1], [0, 0, 1, 1], [], []>, transpose_lhs_hint = false} : vector<256x256xbf16>, vector<256x256xbf16>, vector<256x256xf32> -> vector<256x256xf32>
    %max3A_158 = arith.maximumf %max3A_145, %dot_general3A_157 : vector<256x256xf32>
    %get3A_159 = arith.constant 12 : index
    %get3A_160 = arith.constant 0 : index
    %get3A_161 = arith.constant 0 : index
    %get3A_162 = vector.load %arg2[%get3A_159, %get3A_160, %get3A_161] : memref<16x256x256xf32, #tpu.memory_space<vmem>>, vector<1x256x256xf32>
    %get3A_163 = vector.shape_cast %get3A_162 : vector<1x256x256xf32> to vector<256x256xf32>
    %sub3A_164 = arith.subf %get3A_163, %get3A_1 : vector<256x256xf32>
    %convert_element_type3A_165 = arith.truncf %sub3A_164 : vector<256x256xf32> to vector<256x256xbf16>
    %get3A_166 = arith.constant 0 : index
    %get3A_167 = arith.constant 0 : index
    %get3A_168 = vector.load %arg4[%get3A_166, %get3A_167] : memref<256x256xbf16, #tpu.memory_space<vmem>>, vector<256x256xbf16>
    %dot_general3A_169 = arith.constant dense<0.000000e+00> : vector<256x256xf32>
    %dot_general3A_170 = tpu.matmul %convert_element_type3A_165, %get3A_168, %dot_general3A_169 {dimension_numbers = #tpu.dot_dimension_numbers<[1], [0], [0], [1], [0, 0, 1, 1], [], []>, transpose_lhs_hint = false} : vector<256x256xbf16>, vector<256x256xbf16>, vector<256x256xf32> -> vector<256x256xf32>
    %max3A_171 = arith.maximumf %max3A_158, %dot_general3A_170 : vector<256x256xf32>
    %get3A_172 = arith.constant 13 : index
    %get3A_173 = arith.constant 0 : index
    %get3A_174 = arith.constant 0 : index
    %get3A_175 = vector.load %arg2[%get3A_172, %get3A_173, %get3A_174] : memref<16x256x256xf32, #tpu.memory_space<vmem>>, vector<1x256x256xf32>
    %get3A_176 = vector.shape_cast %get3A_175 : vector<1x256x256xf32> to vector<256x256xf32>
    %sub3A_177 = arith.subf %get3A_176, %get3A_1 : vector<256x256xf32>
    %convert_element_type3A_178 = arith.truncf %sub3A_177 : vector<256x256xf32> to vector<256x256xbf16>
    %get3A_179 = arith.constant 0 : index
    %get3A_180 = arith.constant 0 : index
    %get3A_181 = vector.load %arg4[%get3A_179, %get3A_180] : memref<256x256xbf16, #tpu.memory_space<vmem>>, vector<256x256xbf16>
    %dot_general3A_182 = arith.constant dense<0.000000e+00> : vector<256x256xf32>
    %dot_general3A_183 = tpu.matmul %convert_element_type3A_178, %get3A_181, %dot_general3A_182 {dimension_numbers = #tpu.dot_dimension_numbers<[1], [0], [0], [1], [0, 0, 1, 1], [], []>, transpose_lhs_hint = false} : vector<256x256xbf16>, vector<256x256xbf16>, vector<256x256xf32> -> vector<256x256xf32>
    %max3A_184 = arith.maximumf %max3A_171, %dot_general3A_183 : vector<256x256xf32>
    %get3A_185 = arith.constant 14 : index
    %get3A_186 = arith.constant 0 : index
    %get3A_187 = arith.constant 0 : index
    %get3A_188 = vector.load %arg2[%get3A_185, %get3A_186, %get3A_187] : memref<16x256x256xf32, #tpu.memory_space<vmem>>, vector<1x256x256xf32>
    %get3A_189 = vector.shape_cast %get3A_188 : vector<1x256x256xf32> to vector<256x256xf32>
    %sub3A_190 = arith.subf %get3A_189, %get3A_1 : vector<256x256xf32>
    %convert_element_type3A_191 = arith.truncf %sub3A_190 : vector<256x256xf32> to vector<256x256xbf16>
    %get3A_192 = arith.constant 0 : index
    %get3A_193 = arith.constant 0 : index
    %get3A_194 = vector.load %arg4[%get3A_192, %get3A_193] : memref<256x256xbf16, #tpu.memory_space<vmem>>, vector<256x256xbf16>
    %dot_general3A_195 = arith.constant dense<0.000000e+00> : vector<256x256xf32>
    %dot_general3A_196 = tpu.matmul %convert_element_type3A_191, %get3A_194, %dot_general3A_195 {dimension_numbers = #tpu.dot_dimension_numbers<[1], [0], [0], [1], [0, 0, 1, 1], [], []>, transpose_lhs_hint = false} : vector<256x256xbf16>, vector<256x256xbf16>, vector<256x256xf32> -> vector<256x256xf32>
    %max3A_197 = arith.maximumf %max3A_184, %dot_general3A_196 : vector<256x256xf32>
    %get3A_198 = arith.constant 15 : index
    %get3A_199 = arith.constant 0 : index
    %get3A_200 = arith.constant 0 : index
    %get3A_201 = vector.load %arg2[%get3A_198, %get3A_199, %get3A_200] : memref<16x256x256xf32, #tpu.memory_space<vmem>>, vector<1x256x256xf32>
    %get3A_202 = vector.shape_cast %get3A_201 : vector<1x256x256xf32> to vector<256x256xf32>
    %sub3A_203 = arith.subf %get3A_202, %get3A_1 : vector<256x256xf32>
    %convert_element_type3A_204 = arith.truncf %sub3A_203 : vector<256x256xf32> to vector<256x256xbf16>
    %get3A_205 = arith.constant 0 : index
    %get3A_206 = arith.constant 0 : index
    %get3A_207 = vector.load %arg4[%get3A_205, %get3A_206] : memref<256x256xbf16, #tpu.memory_space<vmem>>, vector<256x256xbf16>
    %dot_general3A_208 = arith.constant dense<0.000000e+00> : vector<256x256xf32>
    %dot_general3A_209 = tpu.matmul %convert_element_type3A_204, %get3A_207, %dot_general3A_208 {dimension_numbers = #tpu.dot_dimension_numbers<[1], [0], [0], [1], [0, 0, 1, 1], [], []>, transpose_lhs_hint = false} : vector<256x256xbf16>, vector<256x256xbf16>, vector<256x256xf32> -> vector<256x256xf32>
    %max3A_210 = arith.maximumf %max3A_197, %dot_general3A_209 : vector<256x256xf32>
    %get3A_211 = arith.constant 0 : index
    %get3A_212 = arith.constant 0 : index
    %get3A_213 = vector.load %arg5[%get3A_211, %get3A_212] : memref<1x256xf32, #tpu.memory_space<vmem>>, vector<1x256xf32>
    %add3A = vector.broadcast %get3A_213 : vector<1x256xf32> to vector<256x256xf32>
    %add3A_214 = arith.addf %dot_general3A_5, %add3A : vector<256x256xf32>
    %add3A_215 = arith.addf %add3A_214, %max3A_210 : vector<256x256xf32>
    %max3A_216 = arith.constant 0.000000e+00 : f32
    %max3A_217 = vector.broadcast %max3A_216 : f32 to vector<256x256xf32>
    %max3A_218 = arith.maximumf %add3A_215, %max3A_217 : vector<256x256xf32>
    %swap3A = arith.constant 0 : index
    %swap3A_219 = arith.constant 0 : index
    %swap3A_220 = vector.load %arg6[%swap3A, %swap3A_219] : memref<256x256xf32, #tpu.memory_space<vmem>>, vector<256x256xf32>
    tpu.vector_store %arg6[%swap3A, %swap3A_219], %max3A_218 {strides = array<i32>} : memref<256x256xf32, #tpu.memory_space<vmem>>, vector<256x256xf32>,
    return
  }
  func.func @transform_0(%arg0: i32) -> (i32, i32) {
    %c0_i32 = arith.constant 0 : i32
    %c0_i32_0 = arith.constant 0 : i32
    return %arg0, %c0_i32 : i32, i32
  }
  func.func @transform_1(%arg0: i32) -> (i32, i32, i32) {
    %c0_i32 = arith.constant 0 : i32
    %c0_i32_0 = arith.constant 0 : i32
    %c0_i32_1 = arith.constant 0 : i32
    return %c0_i32, %arg0, %c0_i32_0 : i32, i32, i32
  }
  func.func @transform_2(%arg0: i32) -> (i32, i32) {
    %c0_i32 = arith.constant 0 : i32
    %c0_i32_0 = arith.constant 0 : i32
    %c0_i32_1 = arith.constant 0 : i32
    return %c0_i32, %c0_i32_0 : i32, i32
  }
  func.func @transform_3(%arg0: i32) -> (i32, i32) {
    %c0_i32 = arith.constant 0 : i32
    %c0_i32_0 = arith.constant 0 : i32
    %c0_i32_1 = arith.constant 0 : i32
    return %c0_i32, %c0_i32_0 : i32, i32
  }
  func.func @transform_4(%arg0: i32) -> (i32, i32) {
    %c0_i32 = arith.constant 0 : i32
    %c0_i32_0 = arith.constant 0 : i32
    %c0_i32_1 = arith.constant 0 : i32
    return %c0_i32, %c0_i32_0 : i32, i32
  }
  func.func @transform_5(%arg0: i32) -> (i32, i32) {
    %c0_i32 = arith.constant 0 : i32
    %c0_i32_0 = arith.constant 0 : i32
    return %arg0, %c0_i32 : i32, i32
  }
}

module attributes {stable_mosaic.version = 14 : i64} {
  func.func @_msg_body(%arg0: i32, %arg1: memref<256x256xf32, #tpu.memory_space<vmem>>, %arg2: memref<16x256x256xf32, #tpu.memory_space<vmem>>, %arg3: memref<256x256xbf16, #tpu.memory_space<vmem>>, %arg4: memref<256x256xbf16, #tpu.memory_space<vmem>>, %arg5: memref<1x256xf32, #tpu.memory_space<vmem>>, %arg6: memref<256x256xf32, #tpu.memory_space<vmem>>) attributes {dimension_semantics = [#tpu.dimension_semantics<arbitrary>], iteration_bounds = array<i64: 32>, scalar_prefetch = 0 : i64, scratch_operands = 0 : i64, tpu.core_type = #tpu.core_type<tc>, window_params = [{transform_indices = @transform_0, window_bounds = array<i64: 256, 256>}, {transform_indices = @transform_1, window_bounds = array<i64: 16, 256, 256>}, {pipeline_mode = #tpu.pipeline_mode<synchronous>, transform_indices = @transform_2, window_bounds = array<i64: 256, 256>}, {pipeline_mode = #tpu.pipeline_mode<synchronous>, transform_indices = @transform_3, window_bounds = array<i64: 256, 256>}, {pipeline_mode = #tpu.pipeline_mode<synchronous>, transform_indices = @transform_4, window_bounds = array<i64: 1, 256>}, {transform_indices = @transform_5, window_bounds = array<i64: 256, 256>}]} {
    %get3A = arith.constant 0 : index
    %get3A_0 = arith.constant 0 : index
    %get3A_1 = vector.load %arg1[%get3A, %get3A_0] : memref<256x256xf32, #tpu.memory_space<vmem>>, vector<256x256xf32>
    %convert_element_type3A = arith.truncf %get3A_1 : vector<256x256xf32> to vector<256x256xbf16>
    %get3A_2 = arith.constant 0 : index
    %get3A_3 = arith.constant 0 : index
    %get3A_4 = vector.load %arg3[%get3A_2, %get3A_3] : memref<256x256xbf16, #tpu.memory_space<vmem>>, vector<256x256xbf16>
    %dot_general3A = arith.constant dense<0.000000e+00> : vector<256x256xf32>
    %dot_general3A_5 = tpu.matmul %convert_element_type3A, %get3A_4, %dot_general3A {dimension_numbers = #tpu.dot_dimension_numbers<[1], [0], [0], [1], [0, 0, 1, 1], [], []>, transpose_lhs_hint = false} : vector<256x256xbf16>, vector<256x256xbf16>, vector<256x256xf32> -> vector<256x256xf32>
    %get3A_6 = arith.constant 0 : index
    %get3A_7 = arith.constant 0 : index
    %get3A_8 = arith.constant 0 : index
    %get3A_9 = vector.load %arg2[%get3A_6, %get3A_7, %get3A_8] : memref<16x256x256xf32, #tpu.memory_space<vmem>>, vector<1x256x256xf32>
    %get3A_10 = vector.shape_cast %get3A_9 : vector<1x256x256xf32> to vector<256x256xf32>
    %sub3A = arith.subf %get3A_10, %get3A_1 : vector<256x256xf32>
    %convert_element_type3A_11 = arith.truncf %sub3A : vector<256x256xf32> to vector<256x256xbf16>
    %get3A_12 = arith.constant 0 : index
    %get3A_13 = arith.constant 0 : index
    %get3A_14 = vector.load %arg4[%get3A_12, %get3A_13] : memref<256x256xbf16, #tpu.memory_space<vmem>>, vector<256x256xbf16>
    %dot_general3A_15 = arith.constant dense<0.000000e+00> : vector<256x256xf32>
    %dot_general3A_16 = tpu.matmul %convert_element_type3A_11, %get3A_14, %dot_general3A_15 {dimension_numbers = #tpu.dot_dimension_numbers<[1], [0], [0], [1], [0, 0, 1, 1], [], []>, transpose_lhs_hint = false} : vector<256x256xbf16>, vector<256x256xbf16>, vector<256x256xf32> -> vector<256x256xf32>
    %get3A_17 = arith.constant 1 : index
    %get3A_18 = arith.constant 0 : index
    %get3A_19 = arith.constant 0 : index
    %get3A_20 = vector.load %arg2[%get3A_17, %get3A_18, %get3A_19] : memref<16x256x256xf32, #tpu.memory_space<vmem>>, vector<1x256x256xf32>
    %get3A_21 = vector.shape_cast %get3A_20 : vector<1x256x256xf32> to vector<256x256xf32>
    %sub3A_22 = arith.subf %get3A_21, %get3A_1 : vector<256x256xf32>
    %convert_element_type3A_23 = arith.truncf %sub3A_22 : vector<256x256xf32> to vector<256x256xbf16>
    %get3A_24 = arith.constant 0 : index
    %get3A_25 = arith.constant 0 : index
    %get3A_26 = vector.load %arg4[%get3A_24, %get3A_25] : memref<256x256xbf16, #tpu.memory_space<vmem>>, vector<256x256xbf16>
    %dot_general3A_27 = arith.constant dense<0.000000e+00> : vector<256x256xf32>
    %dot_general3A_28 = tpu.matmul %convert_element_type3A_23, %get3A_26, %dot_general3A_27 {dimension_numbers = #tpu.dot_dimension_numbers<[1], [0], [0], [1], [0, 0, 1, 1], [], []>, transpose_lhs_hint = false} : vector<256x256xbf16>, vector<256x256xbf16>, vector<256x256xf32> -> vector<256x256xf32>
    %max3A = arith.maximumf %dot_general3A_16, %dot_general3A_28 : vector<256x256xf32>
    %get3A_29 = arith.constant 2 : index
    %get3A_30 = arith.constant 0 : index
    %get3A_31 = arith.constant 0 : index
    %get3A_32 = vector.load %arg2[%get3A_29, %get3A_30, %get3A_31] : memref<16x256x256xf32, #tpu.memory_space<vmem>>, vector<1x256x256xf32>
    %get3A_33 = vector.shape_cast %get3A_32 : vector<1x256x256xf32> to vector<256x256xf32>
    %sub3A_34 = arith.subf %get3A_33, %get3A_1 : vector<256x256xf32>
    %convert_element_type3A_35 = arith.truncf %sub3A_34 : vector<256x256xf32> to vector<256x256xbf16>
    %get3A_36 = arith.constant 0 : index
    %get3A_37 = arith.constant 0 : index
    %get3A_38 = vector.load %arg4[%get3A_36, %get3A_37] : memref<256x256xbf16, #tpu.memory_space<vmem>>, vector<256x256xbf16>
    %dot_general3A_39 = arith.constant dense<0.000000e+00> : vector<256x256xf32>
    %dot_general3A_40 = tpu.matmul %convert_element_type3A_35, %get3A_38, %dot_general3A_39 {dimension_numbers = #tpu.dot_dimension_numbers<[1], [0], [0], [1], [0, 0, 1, 1], [], []>, transpose_lhs_hint = false} : vector<256x256xbf16>, vector<256x256xbf16>, vector<256x256xf32> -> vector<256x256xf32>
    %max3A_41 = arith.maximumf %max3A, %dot_general3A_40 : vector<256x256xf32>
    %get3A_42 = arith.constant 3 : index
    %get3A_43 = arith.constant 0 : index
    %get3A_44 = arith.constant 0 : index
    %get3A_45 = vector.load %arg2[%get3A_42, %get3A_43, %get3A_44] : memref<16x256x256xf32, #tpu.memory_space<vmem>>, vector<1x256x256xf32>
    %get3A_46 = vector.shape_cast %get3A_45 : vector<1x256x256xf32> to vector<256x256xf32>
    %sub3A_47 = arith.subf %get3A_46, %get3A_1 : vector<256x256xf32>
    %convert_element_type3A_48 = arith.truncf %sub3A_47 : vector<256x256xf32> to vector<256x256xbf16>
    %get3A_49 = arith.constant 0 : index
    %get3A_50 = arith.constant 0 : index
    %get3A_51 = vector.load %arg4[%get3A_49, %get3A_50] : memref<256x256xbf16, #tpu.memory_space<vmem>>, vector<256x256xbf16>
    %dot_general3A_52 = arith.constant dense<0.000000e+00> : vector<256x256xf32>
    %dot_general3A_53 = tpu.matmul %convert_element_type3A_48, %get3A_51, %dot_general3A_52 {dimension_numbers = #tpu.dot_dimension_numbers<[1], [0], [0], [1], [0, 0, 1, 1], [], []>, transpose_lhs_hint = false} : vector<256x256xbf16>, vector<256x256xbf16>, vector<256x256xf32> -> vector<256x256xf32>
    %max3A_54 = arith.maximumf %max3A_41, %dot_general3A_53 : vector<256x256xf32>
    %get3A_55 = arith.constant 4 : index
    %get3A_56 = arith.constant 0 : index
    %get3A_57 = arith.constant 0 : index
    %get3A_58 = vector.load %arg2[%get3A_55, %get3A_56, %get3A_57] : memref<16x256x256xf32, #tpu.memory_space<vmem>>, vector<1x256x256xf32>
    %get3A_59 = vector.shape_cast %get3A_58 : vector<1x256x256xf32> to vector<256x256xf32>
    %sub3A_60 = arith.subf %get3A_59, %get3A_1 : vector<256x256xf32>
    %convert_element_type3A_61 = arith.truncf %sub3A_60 : vector<256x256xf32> to vector<256x256xbf16>
    %get3A_62 = arith.constant 0 : index
    %get3A_63 = arith.constant 0 : index
    %get3A_64 = vector.load %arg4[%get3A_62, %get3A_63] : memref<256x256xbf16, #tpu.memory_space<vmem>>, vector<256x256xbf16>
    %dot_general3A_65 = arith.constant dense<0.000000e+00> : vector<256x256xf32>
    %dot_general3A_66 = tpu.matmul %convert_element_type3A_61, %get3A_64, %dot_general3A_65 {dimension_numbers = #tpu.dot_dimension_numbers<[1], [0], [0], [1], [0, 0, 1, 1], [], []>, transpose_lhs_hint = false} : vector<256x256xbf16>, vector<256x256xbf16>, vector<256x256xf32> -> vector<256x256xf32>
    %max3A_67 = arith.maximumf %max3A_54, %dot_general3A_66 : vector<256x256xf32>
    %get3A_68 = arith.constant 5 : index
    %get3A_69 = arith.constant 0 : index
    %get3A_70 = arith.constant 0 : index
    %get3A_71 = vector.load %arg2[%get3A_68, %get3A_69, %get3A_70] : memref<16x256x256xf32, #tpu.memory_space<vmem>>, vector<1x256x256xf32>
    %get3A_72 = vector.shape_cast %get3A_71 : vector<1x256x256xf32> to vector<256x256xf32>
    %sub3A_73 = arith.subf %get3A_72, %get3A_1 : vector<256x256xf32>
    %convert_element_type3A_74 = arith.truncf %sub3A_73 : vector<256x256xf32> to vector<256x256xbf16>
    %get3A_75 = arith.constant 0 : index
    %get3A_76 = arith.constant 0 : index
    %get3A_77 = vector.load %arg4[%get3A_75, %get3A_76] : memref<256x256xbf16, #tpu.memory_space<vmem>>, vector<256x256xbf16>
    %dot_general3A_78 = arith.constant dense<0.000000e+00> : vector<256x256xf32>
    %dot_general3A_79 = tpu.matmul %convert_element_type3A_74, %get3A_77, %dot_general3A_78 {dimension_numbers = #tpu.dot_dimension_numbers<[1], [0], [0], [1], [0, 0, 1, 1], [], []>, transpose_lhs_hint = false} : vector<256x256xbf16>, vector<256x256xbf16>, vector<256x256xf32> -> vector<256x256xf32>
    %max3A_80 = arith.maximumf %max3A_67, %dot_general3A_79 : vector<256x256xf32>
    %get3A_81 = arith.constant 6 : index
    %get3A_82 = arith.constant 0 : index
    %get3A_83 = arith.constant 0 : index
    %get3A_84 = vector.load %arg2[%get3A_81, %get3A_82, %get3A_83] : memref<16x256x256xf32, #tpu.memory_space<vmem>>, vector<1x256x256xf32>
    %get3A_85 = vector.shape_cast %get3A_84 : vector<1x256x256xf32> to vector<256x256xf32>
    %sub3A_86 = arith.subf %get3A_85, %get3A_1 : vector<256x256xf32>
    %convert_element_type3A_87 = arith.truncf %sub3A_86 : vector<256x256xf32> to vector<256x256xbf16>
    %get3A_88 = arith.constant 0 : index
    %get3A_89 = arith.constant 0 : index
    %get3A_90 = vector.load %arg4[%get3A_88, %get3A_89] : memref<256x256xbf16, #tpu.memory_space<vmem>>, vector<256x256xbf16>
    %dot_general3A_91 = arith.constant dense<0.000000e+00> : vector<256x256xf32>
    %dot_general3A_92 = tpu.matmul %convert_element_type3A_87, %get3A_90, %dot_general3A_91 {dimension_numbers = #tpu.dot_dimension_numbers<[1], [0], [0], [1], [0, 0, 1, 1], [], []>, transpose_lhs_hint = false} : vector<256x256xbf16>, vector<256x256xbf16>, vector<256x256xf32> -> vector<256x256xf32>
    %max3A_93 = arith.maximumf %max3A_80, %dot_general3A_92 : vector<256x256xf32>
    %get3A_94 = arith.constant 7 : index
    %get3A_95 = arith.constant 0 : index
    %get3A_96 = arith.constant 0 : index
    %get3A_97 = vector.load %arg2[%get3A_94, %get3A_95, %get3A_96] : memref<16x256x256xf32, #tpu.memory_space<vmem>>, vector<1x256x256xf32>
    %get3A_98 = vector.shape_cast %get3A_97 : vector<1x256x256xf32> to vector<256x256xf32>
    %sub3A_99 = arith.subf %get3A_98, %get3A_1 : vector<256x256xf32>
    %convert_element_type3A_100 = arith.truncf %sub3A_99 : vector<256x256xf32> to vector<256x256xbf16>
    %get3A_101 = arith.constant 0 : index
    %get3A_102 = arith.constant 0 : index
    %get3A_103 = vector.load %arg4[%get3A_101, %get3A_102] : memref<256x256xbf16, #tpu.memory_space<vmem>>, vector<256x256xbf16>
    %dot_general3A_104 = arith.constant dense<0.000000e+00> : vector<256x256xf32>
    %dot_general3A_105 = tpu.matmul %convert_element_type3A_100, %get3A_103, %dot_general3A_104 {dimension_numbers = #tpu.dot_dimension_numbers<[1], [0], [0], [1], [0, 0, 1, 1], [], []>, transpose_lhs_hint = false} : vector<256x256xbf16>, vector<256x256xbf16>, vector<256x256xf32> -> vector<256x256xf32>
    %max3A_106 = arith.maximumf %max3A_93, %dot_general3A_105 : vector<256x256xf32>
    %get3A_107 = arith.constant 8 : index
    %get3A_108 = arith.constant 0 : index
    %get3A_109 = arith.constant 0 : index
    %get3A_110 = vector.load %arg2[%get3A_107, %get3A_108, %get3A_109] : memref<16x256x256xf32, #tpu.memory_space<vmem>>, vector<1x256x256xf32>
    %get3A_111 = vector.shape_cast %get3A_110 : vector<1x256x256xf32> to vector<256x256xf32>
    %sub3A_112 = arith.subf %get3A_111, %get3A_1 : vector<256x256xf32>
    %convert_element_type3A_113 = arith.truncf %sub3A_112 : vector<256x256xf32> to vector<256x256xbf16>
    %get3A_114 = arith.constant 0 : index
    %get3A_115 = arith.constant 0 : index
    %get3A_116 = vector.load %arg4[%get3A_114, %get3A_115] : memref<256x256xbf16, #tpu.memory_space<vmem>>, vector<256x256xbf16>
    %dot_general3A_117 = arith.constant dense<0.000000e+00> : vector<256x256xf32>
    %dot_general3A_118 = tpu.matmul %convert_element_type3A_113, %get3A_116, %dot_general3A_117 {dimension_numbers = #tpu.dot_dimension_numbers<[1], [0], [0], [1], [0, 0, 1, 1], [], []>, transpose_lhs_hint = false} : vector<256x256xbf16>, vector<256x256xbf16>, vector<256x256xf32> -> vector<256x256xf32>
    %max3A_119 = arith.maximumf %max3A_106, %dot_general3A_118 : vector<256x256xf32>
    %get3A_120 = arith.constant 9 : index
    %get3A_121 = arith.constant 0 : index
    %get3A_122 = arith.constant 0 : index
    %get3A_123 = vector.load %arg2[%get3A_120, %get3A_121, %get3A_122] : memref<16x256x256xf32, #tpu.memory_space<vmem>>, vector<1x256x256xf32>
    %get3A_124 = vector.shape_cast %get3A_123 : vector<1x256x256xf32> to vector<256x256xf32>
    %sub3A_125 = arith.subf %get3A_124, %get3A_1 : vector<256x256xf32>
    %convert_element_type3A_126 = arith.truncf %sub3A_125 : vector<256x256xf32> to vector<256x256xbf16>
    %get3A_127 = arith.constant 0 : index
    %get3A_128 = arith.constant 0 : index
    %get3A_129 = vector.load %arg4[%get3A_127, %get3A_128] : memref<256x256xbf16, #tpu.memory_space<vmem>>, vector<256x256xbf16>
    %dot_general3A_130 = arith.constant dense<0.000000e+00> : vector<256x256xf32>
    %dot_general3A_131 = tpu.matmul %convert_element_type3A_126, %get3A_129, %dot_general3A_130 {dimension_numbers = #tpu.dot_dimension_numbers<[1], [0], [0], [1], [0, 0, 1, 1], [], []>, transpose_lhs_hint = false} : vector<256x256xbf16>, vector<256x256xbf16>, vector<256x256xf32> -> vector<256x256xf32>
    %max3A_132 = arith.maximumf %max3A_119, %dot_general3A_131 : vector<256x256xf32>
    %get3A_133 = arith.constant 10 : index
    %get3A_134 = arith.constant 0 : index
    %get3A_135 = arith.constant 0 : index
    %get3A_136 = vector.load %arg2[%get3A_133, %get3A_134, %get3A_135] : memref<16x256x256xf32, #tpu.memory_space<vmem>>, vector<1x256x256xf32>
    %get3A_137 = vector.shape_cast %get3A_136 : vector<1x256x256xf32> to vector<256x256xf32>
    %sub3A_138 = arith.subf %get3A_137, %get3A_1 : vector<256x256xf32>
    %convert_element_type3A_139 = arith.truncf %sub3A_138 : vector<256x256xf32> to vector<256x256xbf16>
    %get3A_140 = arith.constant 0 : index
    %get3A_141 = arith.constant 0 : index
    %get3A_142 = vector.load %arg4[%get3A_140, %get3A_141] : memref<256x256xbf16, #tpu.memory_space<vmem>>, vector<256x256xbf16>
    %dot_general3A_143 = arith.constant dense<0.000000e+00> : vector<256x256xf32>
    %dot_general3A_144 = tpu.matmul %convert_element_type3A_139, %get3A_142, %dot_general3A_143 {dimension_numbers = #tpu.dot_dimension_numbers<[1], [0], [0], [1], [0, 0, 1, 1], [], []>, transpose_lhs_hint = false} : vector<256x256xbf16>, vector<256x256xbf16>, vector<256x256xf32> -> vector<256x256xf32>
    %max3A_145 = arith.maximumf %max3A_132, %dot_general3A_144 : vector<256x256xf32>
    %get3A_146 = arith.constant 11 : index
    %get3A_147 = arith.constant 0 : index
    %get3A_148 = arith.constant 0 : index
    %get3A_149 = vector.load %arg2[%get3A_146, %get3A_147, %get3A_148] : memref<16x256x256xf32, #tpu.memory_space<vmem>>, vector<1x256x256xf32>
    %get3A_150 = vector.shape_cast %get3A_149 : vector<1x256x256xf32> to vector<256x256xf32>
    %sub3A_151 = arith.subf %get3A_150, %get3A_1 : vector<256x256xf32>
    %convert_element_type3A_152 = arith.truncf %sub3A_151 : vector<256x256xf32> to vector<256x256xbf16>
    %get3A_153 = arith.constant 0 : index
    %get3A_154 = arith.constant 0 : index
    %get3A_155 = vector.load %arg4[%get3A_153, %get3A_154] : memref<256x256xbf16, #tpu.memory_space<vmem>>, vector<256x256xbf16>
    %dot_general3A_156 = arith.constant dense<0.000000e+00> : vector<256x256xf32>
    %dot_general3A_157 = tpu.matmul %convert_element_type3A_152, %get3A_155, %dot_general3A_156 {dimension_numbers = #tpu.dot_dimension_numbers<[1], [0], [0], [1], [0, 0, 1, 1], [], []>, transpose_lhs_hint = false} : vector<256x256xbf16>, vector<256x256xbf16>, vector<256x256xf32> -> vector<256x256xf32>
    %max3A_158 = arith.maximumf %max3A_145, %dot_general3A_157 : vector<256x256xf32>
    %get3A_159 = arith.constant 12 : index
    %get3A_160 = arith.constant 0 : index
    %get3A_161 = arith.constant 0 : index
    %get3A_162 = vector.load %arg2[%get3A_159, %get3A_160, %get3A_161] : memref<16x256x256xf32, #tpu.memory_space<vmem>>, vector<1x256x256xf32>
    %get3A_163 = vector.shape_cast %get3A_162 : vector<1x256x256xf32> to vector<256x256xf32>
    %sub3A_164 = arith.subf %get3A_163, %get3A_1 : vector<256x256xf32>
    %convert_element_type3A_165 = arith.truncf %sub3A_164 : vector<256x256xf32> to vector<256x256xbf16>
    %get3A_166 = arith.constant 0 : index
    %get3A_167 = arith.constant 0 : index
    %get3A_168 = vector.load %arg4[%get3A_166, %get3A_167] : memref<256x256xbf16, #tpu.memory_space<vmem>>, vector<256x256xbf16>
    %dot_general3A_169 = arith.constant dense<0.000000e+00> : vector<256x256xf32>
    %dot_general3A_170 = tpu.matmul %convert_element_type3A_165, %get3A_168, %dot_general3A_169 {dimension_numbers = #tpu.dot_dimension_numbers<[1], [0], [0], [1], [0, 0, 1, 1], [], []>, transpose_lhs_hint = false} : vector<256x256xbf16>, vector<256x256xbf16>, vector<256x256xf32> -> vector<256x256xf32>
    %max3A_171 = arith.maximumf %max3A_158, %dot_general3A_170 : vector<256x256xf32>
    %get3A_172 = arith.constant 13 : index
    %get3A_173 = arith.constant 0 : index
    %get3A_174 = arith.constant 0 : index
    %get3A_175 = vector.load %arg2[%get3A_172, %get3A_173, %get3A_174] : memref<16x256x256xf32, #tpu.memory_space<vmem>>, vector<1x256x256xf32>
    %get3A_176 = vector.shape_cast %get3A_175 : vector<1x256x256xf32> to vector<256x256xf32>
    %sub3A_177 = arith.subf %get3A_176, %get3A_1 : vector<256x256xf32>
    %convert_element_type3A_178 = arith.truncf %sub3A_177 : vector<256x256xf32> to vector<256x256xbf16>
    %get3A_179 = arith.constant 0 : index
    %get3A_180 = arith.constant 0 : index
    %get3A_181 = vector.load %arg4[%get3A_179, %get3A_180] : memref<256x256xbf16, #tpu.memory_space<vmem>>, vector<256x256xbf16>
    %dot_general3A_182 = arith.constant dense<0.000000e+00> : vector<256x256xf32>
    %dot_general3A_183 = tpu.matmul %convert_element_type3A_178, %get3A_181, %dot_general3A_182 {dimension_numbers = #tpu.dot_dimension_numbers<[1], [0], [0], [1], [0, 0, 1, 1], [], []>, transpose_lhs_hint = false} : vector<256x256xbf16>, vector<256x256xbf16>, vector<256x256xf32> -> vector<256x256xf32>
    %max3A_184 = arith.maximumf %max3A_171, %dot_general3A_183 : vector<256x256xf32>
    %get3A_185 = arith.constant 14 : index
    %get3A_186 = arith.constant 0 : index
    %get3A_187 = arith.constant 0 : index
    %get3A_188 = vector.load %arg2[%get3A_185, %get3A_186, %get3A_187] : memref<16x256x256xf32, #tpu.memory_space<vmem>>, vector<1x256x256xf32>
    %get3A_189 = vector.shape_cast %get3A_188 : vector<1x256x256xf32> to vector<256x256xf32>
    %sub3A_190 = arith.subf %get3A_189, %get3A_1 : vector<256x256xf32>
    %convert_element_type3A_191 = arith.truncf %sub3A_190 : vector<256x256xf32> to vector<256x256xbf16>
    %get3A_192 = arith.constant 0 : index
    %get3A_193 = arith.constant 0 : index
    %get3A_194 = vector.load %arg4[%get3A_192, %get3A_193] : memref<256x256xbf16, #tpu.memory_space<vmem>>, vector<256x256xbf16>
    %dot_general3A_195 = arith.constant dense<0.000000e+00> : vector<256x256xf32>
    %dot_general3A_196 = tpu.matmul %convert_element_type3A_191, %get3A_194, %dot_general3A_195 {dimension_numbers = #tpu.dot_dimension_numbers<[1], [0], [0], [1], [0, 0, 1, 1], [], []>, transpose_lhs_hint = false} : vector<256x256xbf16>, vector<256x256xbf16>, vector<256x256xf32> -> vector<256x256xf32>
    %max3A_197 = arith.maximumf %max3A_184, %dot_general3A_196 : vector<256x256xf32>
    %get3A_198 = arith.constant 15 : index
    %get3A_199 = arith.constant 0 : index
    %get3A_200 = arith.constant 0 : index
    %get3A_201 = vector.load %arg2[%get3A_198, %get3A_199, %get3A_200] : memref<16x256x256xf32, #tpu.memory_space<vmem>>, vector<1x256x256xf32>
    %get3A_202 = vector.shape_cast %get3A_201 : vector<1x256x256xf32> to vector<256x256xf32>
    %sub3A_203 = arith.subf %get3A_202, %get3A_1 : vector<256x256xf32>
    %convert_element_type3A_204 = arith.truncf %sub3A_203 : vector<256x256xf32> to vector<256x256xbf16>
    %get3A_205 = arith.constant 0 : index
    %get3A_206 = arith.constant 0 : index
    %get3A_207 = vector.load %arg4[%get3A_205, %get3A_206] : memref<256x256xbf16, #tpu.memory_space<vmem>>, vector<256x256xbf16>
    %dot_general3A_208 = arith.constant dense<0.000000e+00> : vector<256x256xf32>
    %dot_general3A_209 = tpu.matmul %convert_element_type3A_204, %get3A_207, %dot_general3A_208 {dimension_numbers = #tpu.dot_dimension_numbers<[1], [0], [0], [1], [0, 0, 1, 1], [], []>, transpose_lhs_hint = false} : vector<256x256xbf16>, vector<256x256xbf16>, vector<256x256xf32> -> vector<256x256xf32>
    %max3A_210 = arith.maximumf %max3A_197, %dot_general3A_209 : vector<256x256xf32>
    %get3A_211 = arith.constant 0 : index
    %get3A_212 = arith.constant 0 : index
    %get3A_213 = vector.load %arg5[%get3A_211, %get3A_212] : memref<1x256xf32, #tpu.memory_space<vmem>>, vector<1x256xf32>
    %add3A = vector.broadcast %get3A_213 : vector<1x256xf32> to vector<256x256xf32>
    %add3A_214 = arith.addf %dot_general3A_5, %add3A : vector<256x256xf32>
    %add3A_215 = arith.addf %add3A_214, %max3A_210 : vector<256x256xf32>
    %swap3A = arith.constant 0 : index
    %swap3A_216 = arith.constant 0 : index
    %swap3A_217 = vector.load %arg6[%swap3A, %swap3A_216] : memref<256x256xf32, #tpu.memory_space<vmem>>, vector<256x256xf32>
    tpu.vector_store %arg6[%swap3A, %swap3A_216], %add3A_215 {strides = array<i32>} : memref<256x256xf32, #tpu.memory_space<vmem>>, vector<256x256xf32>,
    return
  }
  func.func @transform_0(%arg0: i32) -> (i32, i32) {
    %c0_i32 = arith.constant 0 : i32
    %c0_i32_0 = arith.constant 0 : i32
    return %arg0, %c0_i32 : i32, i32
  }
  func.func @transform_1(%arg0: i32) -> (i32, i32, i32) {
    %c0_i32 = arith.constant 0 : i32
    %c0_i32_0 = arith.constant 0 : i32
    %c0_i32_1 = arith.constant 0 : i32
    return %c0_i32, %arg0, %c0_i32_0 : i32, i32, i32
  }
  func.func @transform_2(%arg0: i32) -> (i32, i32) {
    %c0_i32 = arith.constant 0 : i32
    %c0_i32_0 = arith.constant 0 : i32
    %c0_i32_1 = arith.constant 0 : i32
    return %c0_i32, %c0_i32_0 : i32, i32
  }
  func.func @transform_3(%arg0: i32) -> (i32, i32) {
    %c0_i32 = arith.constant 0 : i32
    %c0_i32_0 = arith.constant 0 : i32
    %c0_i32_1 = arith.constant 0 : i32
    return %c0_i32, %c0_i32_0 : i32, i32
  }
  func.func @transform_4(%arg0: i32) -> (i32, i32) {
    %c0_i32 = arith.constant 0 : i32
    %c0_i32_0 = arith.constant 0 : i32
    %c0_i32_1 = arith.constant 0 : i32
    return %c0_i32, %c0_i32_0 : i32, i32
  }
  func.func @transform_5(%arg0: i32) -> (i32, i32) {
    %c0_i32 = arith.constant 0 : i32
    %c0_i32_0 = arith.constant 0 : i32
    return %arg0, %c0_i32 : i32, i32
  }
}

</mosaic_0001>

<sc_bundles>
// kernel: kernel.11.cloned.1.call-start
scs
__scs_entry_jumppad:
0x0: {  	(pc) =	sbr.rel $0x88, $3  }
0x1: {  	(tag) =	ssettag $0x0;
	lr =	simm.s32 $0x1  }
0x2: {  	[smem:$0x3F99] =	sst lr;
	_ =	strace $0xD0000000  }
0x3: {  	_ = 	snop  }
0x4: {  	_ = 	snop  }
0x5: {  	_ = 	snop  }
0x6: {  	_ = 	snop  }
0x7: {  	_ = 	snop  }
__scs_overlays_trampoline_lowered:
0x8: {  	[smem:$0x3FA8] =	sst s0  }
0x9: {  	[smem:$0x3FA9] =	sst s1  }
0xa: {  	[smem:$0x3FAA] =	sst s2  }
0xb: {  	[smem:$0x3FAB] =	sst s3  }
0xc: {  	[smem:$0x3FAC] =	sst s4  }
0xd: {  	[smem:$0x3FAD] =	sst s5  }
0xe: {  	[smem:$0x3FAE] =	sst s6  }
0xf: {  	[smem:$0x3FAF] =	sst s7  }
0x10: {  	[smem:$0x3FB0] =	sst s8  }
0x11: {  	[smem:$0x3FB1] =	sst s9;
	s0 =	simm.s32 @!p0 $0x0  }
0x12: {  	s1 =	sld [smem:$0x3F97];
	s0 =	simm.s32 @p0 $0x1  }
0x13: {  	[smem:$0x3FB2] =	sst s0;
	s0 =	simm.s32 @!p1 $0x0  }
0x14: {  	s2 =	sld [smem:$0x3F96];
	s0 =	simm.s32 @p1 $0x1  }
0x15: {  	[smem:$0x3FB3] =	sst s0;
	s0 =	simm.s32 @!p2 $0x0  }
0x16: {  	s3 =	sld [smem:$0x3FDB];
	s0 =	simm.s32 @p2 $0x1  }
0x17: {  	s4 =	simm.s32 $0x1BF5;
	[smem:$0x3FB5] =	sst s0  }
0x18: {  	s0 =	sld [smem:$0x3F98];
	_ =	swait.ge [sflag:s4], $0x0  }
0x19: {  	s7 =	sld [smem:$0x3F99]  }
0x1a: {  	s8 =	sadd.s32 $0xFFFFE003, lr  }
0x1b: {  	s9 =	sadd.s32 $0xFFFFFEF7, lr;
	s5 =	simm.s32 $0xFFFFFFFF;
	p2 =	slt.u32 s8, $0xFFFFF086  }
0x1c: {  	p1 =	slt.u32 s9, $0xF7A;
	s5 =	simm.s32 @!p2 $0x0  }
0x1d: {  	s5 =	simm.s32 @p1 $0x1;
	p0 =	seq.s32 s7, s2  }
0x1e: {  	s7 =	smul.u32 @!p0 $0xF7A, s2;
	p2 =	seq.s32 @!p0 s5, $0x0  }
0x1f: {  	s9 =	smul.u32 $0xF7A, s1;
	s8 =	simm.s32 @!p0 $0x1BF5;
	p2 =	por !p2, p0  }
0x20: {  	[sflag:s8] =	ssyncset.s32 @!p0 $0xFFFFF086;
	s6 =	sadd.s32 @!p0 s3, s7;
	s7 =	simm.s32 @!p0 $0x108  }
0x21: {  	s3 =	sadd.s32 s3, s9;
	s6 =	sadd.s32 @!p0 $0x88, s6;
	s7 =	simm.s32 @p2 $0x1082  }
0x22: {  	[simem:s7], [sflag:s8] =	dma.local @!p0 [hbm:s6], $0xF7A  }
0x23: {  	s9 =	sor.u32 $0xD0000000, s2;
	s6 =	simm.s32 $0x108;
	_ =	swait.ge @!p0 [sflag:s8], $0x0  }
0x24: {  	s3 =	sadd.s32 $0x88, s3;
	s6 =	simm.s32 @!p1 $0x1082;
	[sflag:s4] =	ssyncset.s32 $0xFFFFF086  }
0x25: {  	[simem:s6], [sflag:s4] =	dma.local [hbm:s3], $0xF7A  }
0x26: {  	[smem:$0x3F99] =	sst s1;
	(tag) =	ssettag s2;
	_ =	strace s9  }
0x27: {  	s1 =	sld [smem:$0x3FA9]  }
0x28: {  	s2 =	sld [smem:$0x3FAA]  }
0x29: {  	s4 =	sld [smem:$0x3FAC]  }
0x2a: {  	p0 =	seq.s32 s5, $0x0;
	s5 =	sld [smem:$0x3FAD]  }
0x2b: {  	s6 =	sld [smem:$0x3FAE]  }
0x2c: {  	s7 =	sld [smem:$0x3FAF]  }
0x2d: {  	s3 =	simm.s32 $0x108;
	s8 =	sld [smem:$0x3FB0]  }
0x2e: {  	s3 =	simm.s32 @!p0 $0x1082;
	s9 =	sld [smem:$0x3FB1]  }
0x2f: {  	lr =	sadd.s32 s0, s3;
	s0 =	sld [smem:$0x3FA8]  }
0x30: {  	s3 =	sld [smem:$0x3FAB]  }
0x31: {  	[smem:$0x3FB4] =	sst s10  }
0x32: {  	s10 =	sld [smem:$0x3FB2];
	_ =	sdelay $0x3  }
0x33: {  	p0 =	seq.s32 s10, $0x1;
	s10 =	sld [smem:$0x3FB4];
	_ =	sdelay $0x3  }
0x34: {  	[smem:$0x3FB4] =	sst s10  }
0x35: {  	s10 =	sld [smem:$0x3FB3];
	_ =	sdelay $0x3  }
0x36: {  	p1 =	seq.s32 s10, $0x1;
	s10 =	sld [smem:$0x3FB4];
	_ =	sdelay $0x3  }
0x37: {  	[smem:$0x3FB4] =	sst s10  }
0x38: {  	s10 =	sld [smem:$0x3FB5]  }
0x39: {  	_ = 	snop;
	(pc) =	sbr.ind lr, $3  }
0x3a: {  	_ = 	snop  }
0x3b: {  	_ = 	snop  }
0x3c: {  	p2 =	seq.s32 s10, $0x1;
	s10 =	sld [smem:$0x3FB4]  }
0x3d: {  	_ =	shalt  }
0x3e: {  	_ =	shalt  }
0x3f: {  	_ =	shalt  }
0x40: {  	_ =	shalt  }
0x41: {  	_ =	shalt  }
0x42: {  	_ =	shalt  }
0x43: {  	_ =	shalt  }
0x44: {  	_ =	shalt  }
0x45: {  	_ =	shalt  }
0x46: {  	_ =	shalt  }
0x47: {  	_ =	shalt  }
0x48: {  	_ =	shalt  }
0x49: {  	_ =	shalt  }
0x4a: {  	_ =	shalt  }
0x4b: {  	_ =	shalt  }
0x4c: {  	_ =	shalt  }
0x4d: {  	_ =	shalt  }
0x4e: {  	_ =	shalt  }
0x4f: {  	_ =	shalt  }
0x50: {  	_ =	shalt  }
0x51: {  	_ =	shalt  }
0x52: {  	_ =	shalt  }
0x53: {  	_ =	shalt  }
0x54: {  	_ =	shalt  }
0x55: {  	_ =	shalt  }
0x56: {  	_ =	shalt  }
0x57: {  	_ =	shalt  }
0x58: {  	_ =	shalt  }
0x59: {  	_ =	shalt  }
0x5a: {  	_ =	shalt  }
0x5b: {  	_ =	shalt  }
0x5c: {  	_ =	shalt  }
0x5d: {  	_ =	shalt  }
0x5e: {  	_ =	shalt  }
0x5f: {  	_ =	shalt  }
0x60: {  	_ =	shalt  }
0x61: {  	_ =	shalt  }
0x62: {  	_ =	shalt  }
0x63: {  	_ =	shalt  }
0x64: {  	_ =	shalt  }
0x65: {  	_ =	shalt  }
0x66: {  	_ =	shalt  }
0x67: {  	_ =	shalt  }
0x68: {  	_ =	shalt  }
0x69: {  	_ =	shalt  }
0x6a: {  	_ =	shalt  }
0x6b: {  	_ =	shalt  }
0x6c: {  	_ =	shalt  }
0x6d: {  	_ =	shalt  }
0x6e: {  	_ =	shalt  }
0x6f: {  	_ =	shalt  }
0x70: {  	_ =	shalt  }
0x71: {  	_ =	shalt  }
0x72: {  	_ =	shalt  }
0x73: {  	_ =	shalt  }
0x74: {  	_ =	shalt  }
0x75: {  	_ =	shalt  }
0x76: {  	_ =	shalt  }
0x77: {  	_ =	shalt  }
0x78: {  	_ =	shalt  }
0x79: {  	_ =	shalt  }
0x7a: {  	_ =	shalt  }
0x7b: {  	_ =	shalt  }
0x7c: {  	_ =	shalt  }
0x7d: {  	_ =	shalt  }
0x7e: {  	_ =	shalt  }
0x7f: {  	_ =	shalt  }
0x80: {  	_ =	shalt  }
0x81: {  	_ =	shalt  }
0x82: {  	_ =	shalt  }
0x83: {  	_ =	shalt  }
0x84: {  	_ =	shalt  }
0x85: {  	_ =	shalt  }
0x86: {  	_ =	shalt  }
0x87: {  	_ =	shalt  }
.Lfunc_end0:
.L_simem_size_0:
called_computation_lowered:
.L_overlay_start_0:
0x88: {  	s2 =	sld [smem:$0x3FD9]  }
0x89: {  	s3 =	sld [smem:$0x3FFE];
	_ =	sdelay $0x1  }
0x8a: {  	s1 =	srdreg.scid  }
0x8b: {  	s0 =	sand.u32 $0x1, s1  }
0x8c: {  	s17 =	sshll.u32 s0, $0xA;
	s2 =	sadd.s32 s3, s2  }
0x8d: {  	s2 =	sadd.s32 s2, s17  }
0x8e: {  	[smem:$0x3FC0] =	sst s2  }
0x8f: {  	_ = 	snop  }
0x90: {  	s2 =	sld [smem:$0x3FC9]  }
0x91: {  	s18 =	sld [smem:$0x3FD0];
	(tm) =	ssettm $0x1  }
0x92: {  	s4 =	sld [smem:$0x3FFB];
	_ =	sdelay $0x3  }
0x93: {  	_ =	strace s4  }
0x94: {  	s4 =	sld [smem:$0x3FFC];
	_ =	sdelay $0x3  }
0x95: {  	_ =	strace s4  }
0x96: {  	s4 =	sld [smem:$0x3FFD];
	_ =	sdelay $0x3  }
0x97: {  	_ =	strace s4  }
0x98: {  	_ =	strace $0x8FFFFFFF  }
0x99: {  	s19 =	sld [smem:$0x3FDB];
	_ =	sdelay $0x1  }
0x9a: {  	s5 =	simm.s32 $_scs_section_size  }
0x9b: {  	s6 =	simm.s32 $_size__tile_overlayer_lowered;
	s7 =	simm.s32 $_tile_overlayer_lowered  }
0x9c: {  	s22 =	simm.s32 $0x1BFF;
	s21 =	sshll.u32 s7, $0x1;
	s4 =	sadd.s32 s5, s19  }
0x9d: {  	s8 =	simm.s32 $0x0;
	s20 =	sshll.u32 s6, $0x1;
	s6 =	sadd.s32 s21, s4  }
0x9e: {  	[timem:s8], [sflag:s22] =	dma.local [hbm:s6], s20  }
0x9f: {  	_ =	swait.ge [sflag:s22], s20  }
0xa0: {  	s5 =	ssub.s32 $0x0, s20;
	[sflag:s22] =	ssyncset.done $0x0  }
0xa1: {  	[sflag:s22] =	ssyncadd.s32 s5;
	_ =	sdelay $0x1  }
0xa2: {  	s23 =	simm.s32 $0x1B8B  }
0xa3: {  	_ =	swait.ge [sflag:s23], $0x1  }
0xa4: {  	[sflag:s23] =	ssyncset.done $0x0  }
0xa5: {  	s25 =	simm.s32 $0x1B8E;
	s24 =	sld [smem:$0x3FFE];
	[sflag:s23] =	ssyncadd.s32 $0xFFFFFFFF  }
0xa6: {  	s26 =	simm.s32 $execute0_lowered;
	[smem:$0x3FD2] =	sst s25  }
0xa7: {  	s6 =	sshll.u32 s26, $0x1;
	_ =	strace $0x80000046;
	[dreg:$0x1] =	wrdreg $0xFFFFFFFF  }
0xa8: {  	s28 =	simm.s32 $_size_execute0_lowered;
	s4 =	sadd.s32 s4, s6;
	[dreg:$0x0] =	wrdreg $0x0  }
0xa9: {  	s6 =	sshll.u32 s28, $0x1;
	[dreg:$0x2] =	wrdreg s4  }
0xaa: {  	[dreg:$0x3] =	wrdreg s6  }
0xab: {  	[dreg:$0x4] =	wrdreg $0xC0  }
0xac: {  	_ =	task [dreg:s8], $0x5FFFF  }
0xad: {  	[dreg:$0x1] =	wrdreg $0xFFFFFFFF  }
0xae: {  	[dreg:$0x0] =	wrdreg $0x60  }
0xaf: {  	[dreg:$0x2] =	wrdreg s2  }
0xb0: {  	[dreg:$0x3] =	wrdreg s18  }
0xb1: {  	[dreg:$0x4] =	wrdreg s24  }
0xb2: {  	[dreg:$0x5] =	wrdreg $0x9  }
0xb3: {  	_ =	task.clear_ibuf [dreg:s8], $0x6FFFF;
	_ =	strace $0x90000046  }
0xb4: {  	s29 =	simm.s32 $0x9;
	_ =	strace $0x80000048  }
0xb5: {  	_ =	swait.ge [sflag:s29], $0x1  }
0xb6: {  	[sflag:s29] =	ssyncadd.s32 $0xFFFFFFFF  }
0xb7: {  	_ =	strace $0x90000048  }
0xb8: {  	_ =	sfence  }
0xb9: {  	s30 =	sld [smem:$0x0];
	_ =	sdelay $0x2  }
0xba: {  	s31 =	sshll.u32 s1, $0xD;
	s1 =	sshrl.u32 s1, $0x2  }
0xbb: {  	s3 =	sand.u32 $0x4000, s31;
	s1 =	sadd.s32 s1, s30  }
0xbc: {  	s0 =	sor.u32 s3, s0;
	s1 =	sshll.u32 s1, $0x11  }
0xbd: {  	s0 =	sor.u32 s1, s0  }
0xbe: {  	s0 =	sadd.s32 $0x8F2B, s0  }
0xbf: {  	[sflag:s0] =	ssyncadd.remote.s32 $0x1  }
0xc0: {  	_ =	sfence.sel $0xFFFF  }
0xc1: {  	[dreg:$0x0] =	wrdreg $0xFFFFFFFF;
	(pc) =	sbr.abs _section_cstart, $3  }
0xc2: {  	[dreg:$0x1] =	wrdreg $0xFFFFFFFF  }
0xc3: {  	_ =	task.clear_ibuf [dreg:s8], $0x2FFFF;
	_ =	strace $0x9FFFFFFF  }
0xc4: {  	(tm) =	ssettm $0x7FFFFFFF  }
0xc5: {  	_ =	shalt  }
tec
execute0_lowered:
.L_overlay_start_1:
0x0: {  	(tag) =	ssettag $0x1  }
0x1: {  	s1 =	rddreg [dreg:$0x0]  }
0x2: {  	s2 =	srdreg.scid;
	s3 =	rddreg [dreg:$0x1]  }
0x3: {  	s0 =	stileid.u32;
	s6 =	rddreg [dreg:$0x2];
	s4 =	simm.s32 $0x0  }
0x4: {  	s7 =	simm.s32 $0x1;
	s16 =	simm.s32 $0x80;
	s5 =	sand.u32 $0x1, s2  }
0x5: {  	s17 =	simm.s32 $0x100;
	s18 =	simm.s32 $0x4100;
	s2 =	sor.u32 s5, s0  }
0x6: {  	s19 =	simm.s32 $0x2;
	p1 =	seq.s32 s5, $0x1;
	p0 =	seq.s32 s2, $0x0  }
0x7: {  	s20 =	simm.s32 $0x0;
	[smem:$0x7FF] =	sst s4;
	p0 =	por !p0, !p1  }
0x8: {  	s12 =	sadd.s32 $0x24A00, s6;
	s26 =	ssub.s32 $0x2, s5;
	p0 =	por !p0, !p0  }
0x9: {  	s10 =	sshll.u32 s5, $0xF;
	s5 =	sshll.u32 s5, $0x13;
	s7 =	simm.s32 @!p0 $0x0  }
0xa: {  	s2 =	rddreg [dreg:$0x3];
	s11 =	sshrl.u32 s26, $0x1;
	s7 =	ssub.s32 s0, s7  }
0xb: {  	_ =	strace $0x80000047;
	s28 =	ssub.s32 s26, s11;
	s8 =	sshll.u32 s7, $0xD  }
0xc: {  	s9 =	sshll.u32 s7, $0x7;
	s7 =	sshll.u32 s7, $0x14;
	s8 =	sand.u32 $0xFFFF0000, s8  }
0xd: {  	s9 =	sand.u32 $0x380, s9;
	s30 =	sor.u32 s7, s5;
	s5 =	simm.s32 $0x1  }
0xe: {  	s8 =	sor.u32 s10, s8;
	s31 =	sshrl.u32 s30, $0x3;
	s13 =	sor.u32 $0x4000, s30  }
0xf: {  	s14 =	sor.u32 s9, s8;
	s8 =	smax.u32 s28, $0x1;
	s9 =	sadd.s32 s31, s12  }
0x10: {  	s13 =	sshrl.u32 s13, $0x3;
	s29 =	sshrl.u32 s14, $0x3;
	s10 =	sadd.s32 $0xF000, s9  }
0x11: {  	s15 =	sor.u32 $0xC00, s14;
	s11 =	sadd.s32 $0xF800, s9;
	s12 =	sadd.s32 s13, s12  }
0x12: {  	s14 =	sor.u32 $0x800, s14;
	s6 =	sadd.s32 s3, s29;
	s15 =	sshrl.u32 s15, $0x3  }
0x13: {  	s7 =	sadd.s32 $0x80, s6;
	s13 =	sadd.s32 s15, s3;
	s15 =	simm.s32 $0x3  }
.LBB2_1:
0x14: {  	[tilespmem:s4], [sflag:$0x3] =	stream.linear.gather [hbm4b:s6+s4], $0x80, $0x38;
	[tilespmem:$0x8100] =	vst v63  }
0x15: {  	_ =	swait.ge [sflag:s15], $0x80  }
0x16: {  	[sflag:s15] =	ssyncset.done $0x0  }
0x17: {  	[sflag:s15] =	ssyncadd.s32 $0xFFFFFF80  }
0x18: {  	[tilespmem:s17], [sflag:$0x1] =	stream.indirect.gather [hbm4b:s1+s16], $0x80, s4, s16, $0xb8;
	[tilespmem:$0x8100] =	vst v63  }
0x19: {  	_ = 	snop  }
0x1a: {  	[tilespmem:s16], [sflag:$0x3] =	stream.linear.gather [hbm4b:s7+s4], $0x80, $0x38;
	[tilespmem:$0x8100] =	vst v63  }
0x1b: {  	_ =	swait.ge [sflag:s15], $0x80  }
0x1c: {  	[sflag:s15] =	ssyncset.done $0x0  }
0x1d: {  	[sflag:s15] =	ssyncadd.s32 $0xFFFFFF80  }
0x1e: {  	[tilespmem:s18], [sflag:$0x2] =	stream.indirect.gather [hbm4b:s1+s16], $0x80, s16, s16, $0xb8;
	[tilespmem:$0x8100] =	vst v63  }
0x1f: {  	_ =	swait.ge [sflag:s5], $0x4000  }
0x20: {  	[sflag:s5] =	ssyncset.done $0x0  }
0x21: {  	s21 =	sadd.s32 $0x0, s9;
	[sflag:s5] =	ssyncadd.s32 $0xFFFFC000  }
0x22: {  	[hbm4b:s21+s4] =	stream.linear.scatter [tilespmem:s17], [sflag:$0x3], $0x4000, $0x38;
	[tilespmem:$0x8100] =	vst v63  }
0x23: {  	_ =	swait.ge [sflag:s15], $0x4000  }
0x24: {  	s30 =	sshrl.u32 s14, $0x3;
	[sflag:s15] =	ssyncset.done $0x0  }
0x25: {  	s21 =	sadd.s32 s3, s30;
	[sflag:s15] =	ssyncadd.s32 $0xFFFFC000  }
0x26: {  	[tilespmem:s4], [sflag:$0x3] =	stream.linear.gather [hbm4b:s21+s4], $0x80, $0x38;
	[tilespmem:$0x8100] =	vst v63  }
0x27: {  	_ =	swait.ge [sflag:s15], $0x80  }
0x28: {  	[sflag:s15] =	ssyncset.done $0x0  }
0x29: {  	[sflag:s15] =	ssyncadd.s32 $0xFFFFFF80  }
0x2a: {  	[tilespmem:s17], [sflag:$0x1] =	stream.indirect.gather [hbm4b:s1+s16], $0x80, s4, s16, $0xb8;
	[tilespmem:$0x8100] =	vst v63  }
0x2b: {  	_ =	swait.ge [sflag:s19], $0x4000  }
0x2c: {  	[sflag:s19] =	ssyncset.done $0x0  }
0x2d: {  	s31 =	sadd.s32 $0x0, s12;
	[sflag:s19] =	ssyncadd.s32 $0xFFFFC000  }
0x2e: {  	[hbm4b:s31+s4] =	stream.linear.scatter [tilespmem:s18], [sflag:$0x3], $0x4000, $0x38;
	[tilespmem:$0x8100] =	vst v63  }
0x2f: {  	_ =	swait.ge [sflag:s15], $0x4000  }
0x30: {  	[sflag:s15] =	ssyncset.done $0x0  }
0x31: {  	[sflag:s15] =	ssyncadd.s32 $0xFFFFC000  }
0x32: {  	[tilespmem:s16], [sflag:$0x3] =	stream.linear.gather [hbm4b:s13+s4], $0x80, $0x38;
	[tilespmem:$0x8100] =	vst v63  }
0x33: {  	_ =	swait.ge [sflag:s15], $0x80  }
0x34: {  	s22 =	sadd.s32 $0x100, s13;
	[sflag:s15] =	ssyncset.done $0x0  }
0x35: {  	s23 =	sadd.s32 $0x800, s14;
	s21 =	simm.s32 $0x1000;
	[sflag:s15] =	ssyncadd.s32 $0xFFFFFF80  }
.LBB2_2:
0x36: {  	[tilespmem:s18], [sflag:$0x2] =	stream.indirect.gather [hbm4b:s1+s16], $0x80, s16, s16, $0xb8;
	[tilespmem:$0x8100] =	vst v63  }
0x37: {  	s24 =	smov.u32 s21  }
0x38: {  	p0 =	sne.s32 s21, $0xE000;
	s21 =	sadd.s32 $0x1000, s21;
	_ =	swait.ge [sflag:s5], $0x4000  }
0x39: {  	[sflag:s5] =	ssyncset.done $0x0  }
0x3a: {  	s25 =	sadd.s32 s24, s9;
	[sflag:s5] =	ssyncadd.s32 $0xFFFFC000  }
0x3b: {  	[hbm4b:s25+s4] =	stream.linear.scatter [tilespmem:s17], [sflag:$0x3], $0x4000, $0x38;
	[tilespmem:$0x8100] =	vst v63  }
0x3c: {  	_ =	swait.ge [sflag:s15], $0x4000  }
0x3d: {  	s25 =	sshrl.u32 s23, $0x3;
	[sflag:s15] =	ssyncset.done $0x0  }
0x3e: {  	s25 =	sadd.s32 s3, s25;
	[sflag:s15] =	ssyncadd.s32 $0xFFFFC000  }
0x3f: {  	[tilespmem:s4], [sflag:$0x3] =	stream.linear.gather [hbm4b:s25+s4], $0x80, $0x38;
	[tilespmem:$0x8100] =	vst v63  }
0x40: {  	_ =	swait.ge [sflag:s15], $0x80  }
0x41: {  	[sflag:s15] =	ssyncset.done $0x0  }
0x42: {  	[sflag:s15] =	ssyncadd.s32 $0xFFFFFF80  }
0x43: {  	[tilespmem:s17], [sflag:$0x1] =	stream.indirect.gather [hbm4b:s1+s16], $0x80, s4, s16, $0xb8;
	[tilespmem:$0x8100] =	vst v63  }
0x44: {  	_ =	swait.ge [sflag:s19], $0x4000  }
0x45: {  	[sflag:s19] =	ssyncset.done $0x0  }
0x46: {  	s24 =	sadd.s32 s24, s12;
	[sflag:s19] =	ssyncadd.s32 $0xFFFFC000  }
0x47: {  	[hbm4b:s24+s4] =	stream.linear.scatter [tilespmem:s18], [sflag:$0x3], $0x4000, $0x38;
	[tilespmem:$0x8100] =	vst v63  }
0x48: {  	_ =	swait.ge [sflag:s15], $0x4000  }
0x49: {  	[sflag:s15] =	ssyncset.done $0x0  }
.Ltmp0:
0x4a: {  	[sflag:s15] =	ssyncadd.s32 $0xFFFFC000;
	(pc) =	sbr.rel @p0 .LBB2_2-.Ltmp0, $4  }
0x4b: {  	[tilespmem:s16], [sflag:$0x3] =	stream.linear.gather [hbm4b:s22+s4], $0x80, $0x38;
	[tilespmem:$0x8100] =	vst v63  }
0x4c: {  	_ =	swait.ge [sflag:s15], $0x80  }
0x4d: {  	[sflag:s15] =	ssyncset.done $0x0  }
0x4e: {  	s23 =	sadd.s32 $0x800, s23;
	s22 =	sadd.s32 $0x100, s22;
	[sflag:s15] =	ssyncadd.s32 $0xFFFFFF80  }
0x4f: {  	[tilespmem:s18], [sflag:$0x2] =	stream.indirect.gather [hbm4b:s1+s16], $0x80, s16, s16, $0xb8;
	[tilespmem:$0x8100] =	vst v63  }
0x50: {  	_ =	swait.ge [sflag:s5], $0x4000  }
0x51: {  	[sflag:s5] =	ssyncset.done $0x0  }
0x52: {  	[sflag:s5] =	ssyncadd.s32 $0xFFFFC000  }
0x53: {  	[hbm4b:s10+s4] =	stream.linear.scatter [tilespmem:s17], [sflag:$0x3], $0x4000, $0x38;
	[tilespmem:$0x8100] =	vst v63  }
0x54: {  	_ =	swait.ge [sflag:s15], $0x4000  }
0x55: {  	[sflag:s15] =	ssyncset.done $0x0  }
0x56: {  	[sflag:s15] =	ssyncadd.s32 $0xFFFFC000  }
0x57: {  	s20 =	sadd.s32 $0x1, s20;
	_ =	swait.ge [sflag:s19], $0x4000  }
0x58: {  	p0 =	sne.s32 s20, s8;
	[sflag:s19] =	ssyncset.done $0x0  }
.Ltmp1:
0x59: {  	[sflag:s19] =	ssyncadd.s32 $0xFFFFC000;
	(pc) =	sbr.rel @p0 .LBB2_1-.Ltmp1, $4  }
0x5a: {  	[hbm4b:s11+s4] =	stream.linear.scatter [tilespmem:s18], [sflag:$0x3], $0x4000, $0x38;
	[tilespmem:$0x8100] =	vst v63  }
0x5b: {  	_ =	swait.ge [sflag:s15], $0x4000  }
0x5c: {  	[sflag:s15] =	ssyncset.done $0x0  }
0x5d: {  	[sflag:s15] =	ssyncadd.s32 $0xFFFFC000  }
0x5e: {  	_ =	sfence.sel $0x180000  }
0x5f: {  	[bflag:$0x0] =	sbarrier.arrive $0xFFFF  }
0x60: {  	p0 =	sne.s32 s0, $0x0;
	_ =	strace $0x90000047  }
0x61: {  	s0 =	sadd.s32 @!p0 $0x100000, s2;
	[bflag:$0x2] =	sbarrier.arrive $0xFFFF  }
0x62: {  	[sflag:s0] =	ssyncadd.tile.s32 @!p0 $0x1;
	_ =	shalt  }
.Lfunc_end2:
_tile_overlayer_lowered:
.L_overlay_start_2:
0x63: {  	(tag) =	ssettag $0x2  }
0x64: {  	s0 =	rddreg [dreg:$0x0];
	s2 =	stileid.u32  }
0x65: {  	s1 =	rddreg [dreg:$0x1];
	p0 =	sne.s32 s2, $0x0  }
0x66: {  	s3 =	rddreg [dreg:$0x2];
	[bflag:$0x3] =	sbarrier.arrive $0xFFFF;
	s2 =	simm.s32 @!p0 $0x1C03  }
0x67: {  	[timem:s3], [sflag:s2] =	dma.local @!p0 [hbm:s0], s1  }
0x68: {  	s0 =	simm.s32 @!p0 $0x3  }
0x69: {  	_ =	swait.ge @!p0 [sflag:s0], s1  }
0x6a: {  	s1 =	ssub.s32 @!p0 $0x0, s1;
	[sflag:s0] =	ssyncset.done @!p0 $0x0  }
0x6b: {  	[sflag:s0] =	ssyncadd.s32 @!p0 s1  }
0x6c: {  	[bflag:$0x3] =	sbarrier.arrive $0xFFFF  }
0x6d: {  	_ =	shalt  }

// kernel: kernel.14.cloned.1.call-start
scs
__scs_entry_jumppad:
0x0: {  	(pc) =	sbr.rel $0x88, $3  }
0x1: {  	(tag) =	ssettag $0x0;
	lr =	simm.s32 $0x1  }
0x2: {  	[smem:$0x3F99] =	sst lr;
	_ =	strace $0xD0000000  }
0x3: {  	_ = 	snop  }
0x4: {  	_ = 	snop  }
0x5: {  	_ = 	snop  }
0x6: {  	_ = 	snop  }
0x7: {  	_ = 	snop  }
__scs_overlays_trampoline_lowered:
0x8: {  	[smem:$0x3FA8] =	sst s0  }
0x9: {  	[smem:$0x3FA9] =	sst s1  }
0xa: {  	[smem:$0x3FAA] =	sst s2  }
0xb: {  	[smem:$0x3FAB] =	sst s3  }
0xc: {  	[smem:$0x3FAC] =	sst s4  }
0xd: {  	[smem:$0x3FAD] =	sst s5  }
0xe: {  	[smem:$0x3FAE] =	sst s6  }
0xf: {  	[smem:$0x3FAF] =	sst s7  }
0x10: {  	[smem:$0x3FB0] =	sst s8  }
0x11: {  	[smem:$0x3FB1] =	sst s9;
	s0 =	simm.s32 @!p0 $0x0  }
0x12: {  	s1 =	sld [smem:$0x3F97];
	s0 =	simm.s32 @p0 $0x1  }
0x13: {  	[smem:$0x3FB2] =	sst s0;
	s0 =	simm.s32 @!p1 $0x0  }
0x14: {  	s2 =	sld [smem:$0x3F96];
	s0 =	simm.s32 @p1 $0x1  }
0x15: {  	[smem:$0x3FB3] =	sst s0;
	s0 =	simm.s32 @!p2 $0x0  }
0x16: {  	s3 =	sld [smem:$0x3FDB];
	s0 =	simm.s32 @p2 $0x1  }
0x17: {  	s4 =	simm.s32 $0x1BF5;
	[smem:$0x3FB5] =	sst s0  }
0x18: {  	s0 =	sld [smem:$0x3F98];
	_ =	swait.ge [sflag:s4], $0x0  }
0x19: {  	s7 =	sld [smem:$0x3F99]  }
0x1a: {  	s8 =	sadd.s32 $0xFFFFE003, lr  }
0x1b: {  	s9 =	sadd.s32 $0xFFFFFEF7, lr;
	s5 =	simm.s32 $0xFFFFFFFF;
	p2 =	slt.u32 s8, $0xFFFFF086  }
0x1c: {  	p1 =	slt.u32 s9, $0xF7A;
	s5 =	simm.s32 @!p2 $0x0  }
0x1d: {  	s5 =	simm.s32 @p1 $0x1;
	p0 =	seq.s32 s7, s2  }
0x1e: {  	s7 =	smul.u32 @!p0 $0xF7A, s2;
	p2 =	seq.s32 @!p0 s5, $0x0  }
0x1f: {  	s9 =	smul.u32 $0xF7A, s1;
	s8 =	simm.s32 @!p0 $0x1BF5;
	p2 =	por !p2, p0  }
0x20: {  	[sflag:s8] =	ssyncset.s32 @!p0 $0xFFFFF086;
	s6 =	sadd.s32 @!p0 s3, s7;
	s7 =	simm.s32 @!p0 $0x108  }
0x21: {  	s3 =	sadd.s32 s3, s9;
	s6 =	sadd.s32 @!p0 $0x88, s6;
	s7 =	simm.s32 @p2 $0x1082  }
0x22: {  	[simem:s7], [sflag:s8] =	dma.local @!p0 [hbm:s6], $0xF7A  }
0x23: {  	s9 =	sor.u32 $0xD0000000, s2;
	s6 =	simm.s32 $0x108;
	_ =	swait.ge @!p0 [sflag:s8], $0x0  }
0x24: {  	s3 =	sadd.s32 $0x88, s3;
	s6 =	simm.s32 @!p1 $0x1082;
	[sflag:s4] =	ssyncset.s32 $0xFFFFF086  }
0x25: {  	[simem:s6], [sflag:s4] =	dma.local [hbm:s3], $0xF7A  }
0x26: {  	[smem:$0x3F99] =	sst s1;
	(tag) =	ssettag s2;
	_ =	strace s9  }
0x27: {  	s1 =	sld [smem:$0x3FA9]  }
0x28: {  	s2 =	sld [smem:$0x3FAA]  }
0x29: {  	s4 =	sld [smem:$0x3FAC]  }
0x2a: {  	p0 =	seq.s32 s5, $0x0;
	s5 =	sld [smem:$0x3FAD]  }
0x2b: {  	s6 =	sld [smem:$0x3FAE]  }
0x2c: {  	s7 =	sld [smem:$0x3FAF]  }
0x2d: {  	s3 =	simm.s32 $0x108;
	s8 =	sld [smem:$0x3FB0]  }
0x2e: {  	s3 =	simm.s32 @!p0 $0x1082;
	s9 =	sld [smem:$0x3FB1]  }
0x2f: {  	lr =	sadd.s32 s0, s3;
	s0 =	sld [smem:$0x3FA8]  }
0x30: {  	s3 =	sld [smem:$0x3FAB]  }
0x31: {  	[smem:$0x3FB4] =	sst s10  }
0x32: {  	s10 =	sld [smem:$0x3FB2];
	_ =	sdelay $0x3  }
0x33: {  	p0 =	seq.s32 s10, $0x1;
	s10 =	sld [smem:$0x3FB4];
	_ =	sdelay $0x3  }
0x34: {  	[smem:$0x3FB4] =	sst s10  }
0x35: {  	s10 =	sld [smem:$0x3FB3];
	_ =	sdelay $0x3  }
0x36: {  	p1 =	seq.s32 s10, $0x1;
	s10 =	sld [smem:$0x3FB4];
	_ =	sdelay $0x3  }
0x37: {  	[smem:$0x3FB4] =	sst s10  }
0x38: {  	s10 =	sld [smem:$0x3FB5]  }
0x39: {  	_ = 	snop;
	(pc) =	sbr.ind lr, $3  }
0x3a: {  	_ = 	snop  }
0x3b: {  	_ = 	snop  }
0x3c: {  	p2 =	seq.s32 s10, $0x1;
	s10 =	sld [smem:$0x3FB4]  }
0x3d: {  	_ =	shalt  }
0x3e: {  	_ =	shalt  }
0x3f: {  	_ =	shalt  }
0x40: {  	_ =	shalt  }
0x41: {  	_ =	shalt  }
0x42: {  	_ =	shalt  }
0x43: {  	_ =	shalt  }
0x44: {  	_ =	shalt  }
0x45: {  	_ =	shalt  }
0x46: {  	_ =	shalt  }
0x47: {  	_ =	shalt  }
0x48: {  	_ =	shalt  }
0x49: {  	_ =	shalt  }
0x4a: {  	_ =	shalt  }
0x4b: {  	_ =	shalt  }
0x4c: {  	_ =	shalt  }
0x4d: {  	_ =	shalt  }
0x4e: {  	_ =	shalt  }
0x4f: {  	_ =	shalt  }
0x50: {  	_ =	shalt  }
0x51: {  	_ =	shalt  }
0x52: {  	_ =	shalt  }
0x53: {  	_ =	shalt  }
0x54: {  	_ =	shalt  }
0x55: {  	_ =	shalt  }
0x56: {  	_ =	shalt  }
0x57: {  	_ =	shalt  }
0x58: {  	_ =	shalt  }
0x59: {  	_ =	shalt  }
0x5a: {  	_ =	shalt  }
0x5b: {  	_ =	shalt  }
0x5c: {  	_ =	shalt  }
0x5d: {  	_ =	shalt  }
0x5e: {  	_ =	shalt  }
0x5f: {  	_ =	shalt  }
0x60: {  	_ =	shalt  }
0x61: {  	_ =	shalt  }
0x62: {  	_ =	shalt  }
0x63: {  	_ =	shalt  }
0x64: {  	_ =	shalt  }
0x65: {  	_ =	shalt  }
0x66: {  	_ =	shalt  }
0x67: {  	_ =	shalt  }
0x68: {  	_ =	shalt  }
0x69: {  	_ =	shalt  }
0x6a: {  	_ =	shalt  }
0x6b: {  	_ =	shalt  }
0x6c: {  	_ =	shalt  }
0x6d: {  	_ =	shalt  }
0x6e: {  	_ =	shalt  }
0x6f: {  	_ =	shalt  }
0x70: {  	_ =	shalt  }
0x71: {  	_ =	shalt  }
0x72: {  	_ =	shalt  }
0x73: {  	_ =	shalt  }
0x74: {  	_ =	shalt  }
0x75: {  	_ =	shalt  }
0x76: {  	_ =	shalt  }
0x77: {  	_ =	shalt  }
0x78: {  	_ =	shalt  }
0x79: {  	_ =	shalt  }
0x7a: {  	_ =	shalt  }
0x7b: {  	_ =	shalt  }
0x7c: {  	_ =	shalt  }
0x7d: {  	_ =	shalt  }
0x7e: {  	_ =	shalt  }
0x7f: {  	_ =	shalt  }
0x80: {  	_ =	shalt  }
0x81: {  	_ =	shalt  }
0x82: {  	_ =	shalt  }
0x83: {  	_ =	shalt  }
0x84: {  	_ =	shalt  }
0x85: {  	_ =	shalt  }
0x86: {  	_ =	shalt  }
0x87: {  	_ =	shalt  }
.Lfunc_end0:
.L_simem_size_0:
called_computation.1_lowered:
.L_overlay_start_0:
0x88: {  	s2 =	sld [smem:$0x3FD9]  }
0x89: {  	s3 =	sld [smem:$0x3FFE];
	_ =	sdelay $0x1  }
0x8a: {  	s1 =	srdreg.scid  }
0x8b: {  	s0 =	sand.u32 $0x1, s1  }
0x8c: {  	s17 =	sshll.u32 s0, $0xA;
	s2 =	sadd.s32 s3, s2  }
0x8d: {  	s2 =	sadd.s32 s2, s17  }
0x8e: {  	[smem:$0x3FC0] =	sst s2  }
0x8f: {  	_ = 	snop  }
0x90: {  	s2 =	sld [smem:$0x3FD0];
	(tm) =	ssettm $0x1  }
0x91: {  	s18 =	sld [smem:$0x3FFB];
	_ =	sdelay $0x3  }
0x92: {  	_ =	strace s18  }
0x93: {  	s3 =	sld [smem:$0x3FFC];
	_ =	sdelay $0x3  }
0x94: {  	_ =	strace s3  }
0x95: {  	s3 =	sld [smem:$0x3FFD];
	_ =	sdelay $0x3  }
0x96: {  	_ =	strace s3  }
0x97: {  	_ =	strace $0x8FFFFFFF  }
0x98: {  	s19 =	sld [smem:$0x3FDB];
	_ =	sdelay $0x1  }
0x99: {  	s4 =	simm.s32 $_scs_section_size  }
0x9a: {  	s5 =	simm.s32 $_size__tile_overlayer_lowered;
	s6 =	simm.s32 $_tile_overlayer_lowered  }
0x9b: {  	s22 =	simm.s32 $0x1BFF;
	s21 =	sshll.u32 s6, $0x1;
	s3 =	sadd.s32 s4, s19  }
0x9c: {  	s7 =	simm.s32 $0x0;
	s20 =	sshll.u32 s5, $0x1;
	s5 =	sadd.s32 s21, s3  }
0x9d: {  	[timem:s7], [sflag:s22] =	dma.local [hbm:s5], s20  }
0x9e: {  	_ =	swait.ge [sflag:s22], s20  }
0x9f: {  	s4 =	ssub.s32 $0x0, s20;
	[sflag:s22] =	ssyncset.done $0x0  }
0xa0: {  	[sflag:s22] =	ssyncadd.s32 s4;
	_ =	sdelay $0x1  }
0xa1: {  	s23 =	simm.s32 $0x1B8B  }
0xa2: {  	_ =	swait.ge [sflag:s23], $0x1  }
0xa3: {  	[sflag:s23] =	ssyncset.done $0x0  }
0xa4: {  	s25 =	simm.s32 $0x1B8E;
	s24 =	sld [smem:$0x3FFE];
	[sflag:s23] =	ssyncadd.s32 $0xFFFFFFFF  }
0xa5: {  	s26 =	simm.s32 $execute0_lowered;
	[smem:$0x3FD2] =	sst s25  }
0xa6: {  	s5 =	sshll.u32 s26, $0x1;
	_ =	strace $0x80000049;
	[dreg:$0x1] =	wrdreg $0xFFFFFFFF  }
0xa7: {  	s28 =	simm.s32 $_size_execute0_lowered;
	s3 =	sadd.s32 s3, s5;
	[dreg:$0x0] =	wrdreg $0x0  }
0xa8: {  	s5 =	sshll.u32 s28, $0x1;
	[dreg:$0x2] =	wrdreg s3  }
0xa9: {  	[dreg:$0x3] =	wrdreg s5  }
0xaa: {  	[dreg:$0x4] =	wrdreg $0xC0  }
0xab: {  	_ =	task [dreg:s7], $0x5FFFF  }
0xac: {  	[dreg:$0x1] =	wrdreg $0xFFFFFFFF  }
0xad: {  	[dreg:$0x0] =	wrdreg $0x60  }
0xae: {  	[dreg:$0x2] =	wrdreg s2  }
0xaf: {  	[dreg:$0x3] =	wrdreg s24  }
0xb0: {  	[dreg:$0x4] =	wrdreg $0x9  }
0xb1: {  	_ =	task.clear_ibuf [dreg:s7], $0x5FFFF;
	_ =	strace $0x90000049  }
0xb2: {  	s29 =	simm.s32 $0x9;
	_ =	strace $0x8000004B  }
0xb3: {  	_ =	swait.ge [sflag:s29], $0x1  }
0xb4: {  	[sflag:s29] =	ssyncadd.s32 $0xFFFFFFFF  }
0xb5: {  	_ =	strace $0x9000004B  }
0xb6: {  	_ =	sfence  }
0xb7: {  	s30 =	sld [smem:$0x0];
	_ =	sdelay $0x2  }
0xb8: {  	s31 =	sshll.u32 s1, $0xD;
	s1 =	sshrl.u32 s1, $0x2  }
0xb9: {  	s3 =	sand.u32 $0x4000, s31;
	s1 =	sadd.s32 s1, s30  }
0xba: {  	s0 =	sor.u32 s3, s0;
	s1 =	sshll.u32 s1, $0x11  }
0xbb: {  	s0 =	sor.u32 s1, s0  }
0xbc: {  	s0 =	sadd.s32 $0x8F2B, s0  }
0xbd: {  	[sflag:s0] =	ssyncadd.remote.s32 $0x1  }
0xbe: {  	_ =	sfence.sel $0xFFFF  }
0xbf: {  	[dreg:$0x0] =	wrdreg $0xFFFFFFFF;
	(pc) =	sbr.abs _section_cstart, $3  }
0xc0: {  	[dreg:$0x1] =	wrdreg $0xFFFFFFFF  }
0xc1: {  	_ =	task.clear_ibuf [dreg:s7], $0x2FFFF;
	_ =	strace $0x9FFFFFFF  }
0xc2: {  	(tm) =	ssettm $0x7FFFFFFF  }
0xc3: {  	_ =	shalt  }
tec
execute0_lowered:
.L_overlay_start_1:
0x0: {  	(tag) =	ssettag $0x1  }
0x1: {  	s0 =	srdreg.scid;
	s2 =	rddreg [dreg:$0x0]  }
0x2: {  	s5 =	stileid.u32;
	s21 =	rddreg [dreg:$0x1]  }
0x3: {  	s4 =	simm.s32 $0x1;
	s3 =	simm.s32 $0x0;
	s12 =	simm.s32 $0x3  }
0x4: {  	s13 =	simm.s32 $0x100;
	s28 =	simm.s32 $0x7100;
	s29 =	simm.s32 $0x7900  }
0x5: {  	s30 =	simm.s32 $0x80;
	s31 =	simm.s32 $0x8100;
	s11 =	simm.s32 $0xB100  }
0x6: {  	s14 =	simm.s32 $0xB900;
	s15 =	simm.s32 $0xC100;
	s16 =	simm.s32 $0xC900  }
0x7: {  	s17 =	simm.s32 $0xD100;
	s18 =	simm.s32 $0xD900;
	s0 =	sand.u32 $0x1, s0  }
0x8: {  	s19 =	simm.s32 $0xE100;
	s20 =	simm.s32 $0xE900;
	s1 =	sor.u32 s0, s5  }
0x9: {  	[smem:$0x7FF] =	sst s3;
	p1 =	seq.s32 s0, $0x1;
	p0 =	seq.s32 s1, $0x0  }
0xa: {  	_ =	strace $0x8000004A;
	s8 =	sshll.u32 s0, $0xF;
	p0 =	por !p0, !p1  }
0xb: {  	s9 =	ssub.s32 $0x2, s0;
	s0 =	sshll.u32 s0, $0x14;
	p0 =	por !p0, !p0  }
0xc: {  	s1 =	sadd.s32 $0x28A00, s21;
	s22 =	sshrl.u32 s9, $0x1;
	s4 =	simm.s32 @!p0 $0x0  }
0xd: {  	s5 =	ssub.s32 s5, s4;
	s4 =	sadd.s32 $0x24A00, s21;
	s21 =	simm.s32 $0xF100  }
0xe: {  	s6 =	sshll.u32 s5, $0xD;
	s7 =	sshll.u32 s5, $0x7;
	s5 =	sshll.u32 s5, $0x15  }
0xf: {  	s6 =	sand.u32 $0xFFFF0000, s6;
	s7 =	sand.u32 $0x380, s7;
	s0 =	sor.u32 s0, s5  }
0x10: {  	s6 =	sor.u32 s8, s6;
	s8 =	ssub.s32 s9, s22;
	s25 =	sor.u32 $0x8000, s0  }
0x11: {  	s0 =	sshrl.u32 s0, $0x3;
	s22 =	simm.s32 $0xF900;
	s7 =	sor.u32 s7, s6  }
0x12: {  	s8 =	smax.u32 s8, $0x1;
	s5 =	sshrl.u32 s25, $0x3;
	s10 =	sadd.s32 s0, s1  }
0x13: {  	s0 =	simm.s32 $0x9100;
	s25 =	simm.s32 $0x0;
	s6 =	sshrl.u32 s7, $0x3  }
.Ltmp0:
0x14: {  	[dreg:$0x5] =	wrdreg s8;
	s9 =	sadd.s32 s5, s1;
	(pc) =	sbr.rel .LBB2_1-.Ltmp0, $4  }
0x15: {  	s26 =	sor.u32 $0xC00, s7;
	s1 =	simm.s32 $0x8900;
	s7 =	simm.s32 $0x9900  }
0x16: {  	v2 =	vlaneseq.u32;
	s8 =	simm.s32 $0xA100;
	s23 =	sadd.s32 s4, s6;
	[dreg:$0x6] =	wrdreg s26  }
0x17: {  	vm0 =	vmmov $0xffff;
	v1 =	vshrl.u32 v2, $0x3;
	s5 =	simm.s32 $0xA900;
	[dreg:$0x3] =	wrdreg s23;
	s24 =	sadd.s32 $0x80, s23  }
0x18: {  	v0 =	vand.u32 $0x7, v2;
	v2 =	vor.u32 $0x8, v2;
	v1 =	vmul.u32 $0x8, v1;
	s6 =	simm.s32 $0x1;
	s23 =	simm.s32 $0x2;
	[dreg:$0x4] =	wrdreg s24  }
.LBB2_6:
0x19: {  	s25 =	rddreg [dreg:$0x7]  }
0x1a: {  	s24 =	rddreg [dreg:$0x5];
	s25 =	sadd.s32 $0x1, s25  }
0x1b: {  	p0 =	sne.s32 s25, s24  }
.Ltmp1:
0x1c: {  	_ = 	snop;
	(pc) =	sbr.rel @!p0 .LBB2_7-.Ltmp1, $1  }
0x1d: {  	_ =	sdelay $0x3  }
.LBB2_1:
0x1e: {  	[dreg:$0x7] =	wrdreg s25  }
0x1f: {  	s24 =	rddreg [dreg:$0x3]  }
0x20: {  	[tilespmem:s3], [sflag:$0x3] =	stream.linear.gather [hbm4b:s24+s3], $0x80, $0x38;
	[tilespmem:$0x10100] =	vst v63  }
0x21: {  	_ =	swait.ge [sflag:s12], $0x80  }
0x22: {  	[sflag:s12] =	ssyncset.done $0x0  }
0x23: {  	[sflag:s12] =	ssyncadd.s32 $0xFFFFFF80  }
0x24: {  	v3 =	vld [tilespmem:$0x0];
	_ =	sdelay $0x4  }
0x25: {  	v4 =	vshll.u32 v3, $0x1  }
0x26: {  	v3 =	vand.u32 $0x7, v3;
	v4 =	vand.u32 $0xFFFFFFF0, v4  }
0x27: {  	v3 =	vor.u32 v3, v4  }
0x28: {  	v4 =	vperm.xlane v3, v0;
	_ =	sdelay $0x1  }
0x29: {  	v3 =	vperm.xlane v3, v2;
	v4 =	vadd.s32 v1, v4;
	_ =	sdelay $0x1  }
0x2a: {  	v3 =	vadd.s32 v1, v3;
	_ =	sdelay $0x2  }
0x2b: {  	[tilespmem:s13], [sflag:$0x1] =	stream.indirect_vreg.gather [hbm4b:s2+s3], $0x80, v4, vm0, $0xb8;
	[tilespmem:$0x10100] =	vst v63  }
0x2c: {  	s25 =	simm.s32 $0x900  }
0x2d: {  	[tilespmem:s25], [sflag:$0x1] =	stream.indirect_vreg.gather [hbm4b:s2+s3], $0x80, v3, vm0, $0xb8;
	[tilespmem:$0x10100] =	vst v63  }
0x2e: {  	v3 =	vld [tilespmem:$0x10];
	_ =	sdelay $0x4  }
0x2f: {  	v49 =	vshll.u32 v3, $0x1  }
0x30: {  	v3 =	vand.u32 $0x7, v3;
	v4 =	vand.u32 $0xFFFFFFF0, v49  }
0x31: {  	v3 =	vor.u32 v3, v4  }
0x32: {  	v4 =	vperm.xlane v3, v0;
	_ =	sdelay $0x1  }
0x33: {  	v3 =	vperm.xlane v3, v2;
	v4 =	vadd.s32 v1, v4;
	_ =	sdelay $0x1  }
0x34: {  	v3 =	vadd.s32 v1, v3;
	_ =	sdelay $0x1  }
0x35: {  	s26 =	simm.s32 $0x1100  }
0x36: {  	[tilespmem:s26], [sflag:$0x1] =	stream.indirect_vreg.gather [hbm4b:s2+s3], $0x80, v4, vm0, $0xb8;
	[tilespmem:$0x10100] =	vst v63  }
0x37: {  	s25 =	simm.s32 $0x1900  }
0x38: {  	[tilespmem:s25], [sflag:$0x1] =	stream.indirect_vreg.gather [hbm4b:s2+s3], $0x80, v3, vm0, $0xb8;
	[tilespmem:$0x10100] =	vst v63  }
0x39: {  	v3 =	vld [tilespmem:$0x20];
	_ =	sdelay $0x4  }
0x3a: {  	v50 =	vshll.u32 v3, $0x1  }
0x3b: {  	v3 =	vand.u32 $0x7, v3;
	v4 =	vand.u32 $0xFFFFFFF0, v50  }
0x3c: {  	v3 =	vor.u32 v3, v4  }
0x3d: {  	v4 =	vperm.xlane v3, v0;
	_ =	sdelay $0x1  }
0x3e: {  	v3 =	vperm.xlane v3, v2;
	v4 =	vadd.s32 v1, v4;
	_ =	sdelay $0x1  }
0x3f: {  	v3 =	vadd.s32 v1, v3;
	_ =	sdelay $0x1  }
0x40: {  	s26 =	simm.s32 $0x2100  }
0x41: {  	[tilespmem:s26], [sflag:$0x1] =	stream.indirect_vreg.gather [hbm4b:s2+s3], $0x80, v4, vm0, $0xb8;
	[tilespmem:$0x10100] =	vst v63  }
0x42: {  	s25 =	simm.s32 $0x2900  }
0x43: {  	[tilespmem:s25], [sflag:$0x1] =	stream.indirect_vreg.gather [hbm4b:s2+s3], $0x80, v3, vm0, $0xb8;
	[tilespmem:$0x10100] =	vst v63  }
0x44: {  	v3 =	vld [tilespmem:$0x30];
	_ =	sdelay $0x4  }
0x45: {  	v51 =	vshll.u32 v3, $0x1  }
0x46: {  	v3 =	vand.u32 $0x7, v3;
	v4 =	vand.u32 $0xFFFFFFF0, v51  }
0x47: {  	v3 =	vor.u32 v3, v4  }
0x48: {  	v4 =	vperm.xlane v3, v0;
	_ =	sdelay $0x1  }
0x49: {  	v3 =	vperm.xlane v3, v2;
	v4 =	vadd.s32 v1, v4;
	_ =	sdelay $0x1  }
0x4a: {  	v3 =	vadd.s32 v1, v3;
	_ =	sdelay $0x1  }
0x4b: {  	s26 =	simm.s32 $0x3100  }
0x4c: {  	[tilespmem:s26], [sflag:$0x1] =	stream.indirect_vreg.gather [hbm4b:s2+s3], $0x80, v4, vm0, $0xb8;
	[tilespmem:$0x10100] =	vst v63  }
0x4d: {  	s25 =	simm.s32 $0x3900  }
0x4e: {  	[tilespmem:s25], [sflag:$0x1] =	stream.indirect_vreg.gather [hbm4b:s2+s3], $0x80, v3, vm0, $0xb8;
	[tilespmem:$0x10100] =	vst v63  }
0x4f: {  	v3 =	vld [tilespmem:$0x40];
	_ =	sdelay $0x4  }
0x50: {  	v52 =	vshll.u32 v3, $0x1  }
0x51: {  	v3 =	vand.u32 $0x7, v3;
	v4 =	vand.u32 $0xFFFFFFF0, v52  }
0x52: {  	v3 =	vor.u32 v3, v4  }
0x53: {  	v4 =	vperm.xlane v3, v0;
	_ =	sdelay $0x1  }
0x54: {  	v3 =	vperm.xlane v3, v2;
	v4 =	vadd.s32 v1, v4;
	_ =	sdelay $0x1  }
0x55: {  	v3 =	vadd.s32 v1, v3;
	_ =	sdelay $0x1  }
0x56: {  	s26 =	simm.s32 $0x4100  }
0x57: {  	[tilespmem:s26], [sflag:$0x1] =	stream.indirect_vreg.gather [hbm4b:s2+s3], $0x80, v4, vm0, $0xb8;
	[tilespmem:$0x10100] =	vst v63  }
0x58: {  	s25 =	simm.s32 $0x4900  }
0x59: {  	[tilespmem:s25], [sflag:$0x1] =	stream.indirect_vreg.gather [hbm4b:s2+s3], $0x80, v3, vm0, $0xb8;
	[tilespmem:$0x10100] =	vst v63  }
0x5a: {  	v3 =	vld [tilespmem:$0x50];
	_ =	sdelay $0x4  }
0x5b: {  	v53 =	vshll.u32 v3, $0x1  }
0x5c: {  	v3 =	vand.u32 $0x7, v3;
	v4 =	vand.u32 $0xFFFFFFF0, v53  }
0x5d: {  	v3 =	vor.u32 v3, v4  }
0x5e: {  	v4 =	vperm.xlane v3, v0;
	_ =	sdelay $0x1  }
0x5f: {  	v3 =	vperm.xlane v3, v2;
	v4 =	vadd.s32 v1, v4;
	_ =	sdelay $0x1  }
0x60: {  	v3 =	vadd.s32 v1, v3;
	_ =	sdelay $0x1  }
0x61: {  	s26 =	simm.s32 $0x5100  }
0x62: {  	[tilespmem:s26], [sflag:$0x1] =	stream.indirect_vreg.gather [hbm4b:s2+s3], $0x80, v4, vm0, $0xb8;
	[tilespmem:$0x10100] =	vst v63  }
0x63: {  	s25 =	simm.s32 $0x5900  }
0x64: {  	[tilespmem:s25], [sflag:$0x1] =	stream.indirect_vreg.gather [hbm4b:s2+s3], $0x80, v3, vm0, $0xb8;
	[tilespmem:$0x10100] =	vst v63  }
0x65: {  	v3 =	vld [tilespmem:$0x60];
	_ =	sdelay $0x4  }
0x66: {  	v54 =	vshll.u32 v3, $0x1  }
0x67: {  	v3 =	vand.u32 $0x7, v3;
	v4 =	vand.u32 $0xFFFFFFF0, v54  }
0x68: {  	v3 =	vor.u32 v3, v4  }
0x69: {  	v4 =	vperm.xlane v3, v0;
	_ =	sdelay $0x1  }
0x6a: {  	v3 =	vperm.xlane v3, v2;
	v4 =	vadd.s32 v1, v4;
	_ =	sdelay $0x1  }
0x6b: {  	v3 =	vadd.s32 v1, v3;
	_ =	sdelay $0x1  }
0x6c: {  	s26 =	simm.s32 $0x6100  }
0x6d: {  	[tilespmem:s26], [sflag:$0x1] =	stream.indirect_vreg.gather [hbm4b:s2+s3], $0x80, v4, vm0, $0xb8;
	[tilespmem:$0x10100] =	vst v63  }
0x6e: {  	s25 =	simm.s32 $0x6900  }
0x6f: {  	[tilespmem:s25], [sflag:$0x1] =	stream.indirect_vreg.gather [hbm4b:s2+s3], $0x80, v3, vm0, $0xb8;
	[tilespmem:$0x10100] =	vst v63  }
0x70: {  	v3 =	vld [tilespmem:$0x70];
	_ =	sdelay $0x4  }
0x71: {  	v55 =	vshll.u32 v3, $0x1  }
0x72: {  	v3 =	vand.u32 $0x7, v3;
	v4 =	vand.u32 $0xFFFFFFF0, v55  }
0x73: {  	v3 =	vor.u32 v3, v4  }
0x74: {  	v4 =	vperm.xlane v3, v0;
	_ =	sdelay $0x1  }
0x75: {  	v3 =	vperm.xlane v3, v2;
	v4 =	vadd.s32 v1, v4;
	_ =	sdelay $0x1  }
0x76: {  	v3 =	vadd.s32 v1, v3;
	_ =	sdelay $0x2  }
0x77: {  	[tilespmem:s28], [sflag:$0x1] =	stream.indirect_vreg.gather [hbm4b:s2+s3], $0x80, v4, vm0, $0xb8;
	[tilespmem:$0x10100] =	vst v63  }
0x78: {  	_ = 	snop  }
0x79: {  	[tilespmem:s29], [sflag:$0x1] =	stream.indirect_vreg.gather [hbm4b:s2+s3], $0x80, v3, vm0, $0xb8;
	[tilespmem:$0x10100] =	vst v63  }
0x7a: {  	s26 =	rddreg [dreg:$0x4]  }
0x7b: {  	[tilespmem:s30], [sflag:$0x3] =	stream.linear.gather [hbm4b:s26+s3], $0x80, $0x38;
	[tilespmem:$0x10100] =	vst v63  }
0x7c: {  	_ =	swait.ge [sflag:s12], $0x80  }
0x7d: {  	[sflag:s12] =	ssyncset.done $0x0  }
0x7e: {  	[sflag:s12] =	ssyncadd.s32 $0xFFFFFF80  }
0x7f: {  	v3 =	vld [tilespmem:$0x80];
	_ =	sdelay $0x4  }
0x80: {  	v56 =	vshll.u32 v3, $0x1  }
0x81: {  	v3 =	vand.u32 $0x7, v3;
	v4 =	vand.u32 $0xFFFFFFF0, v56  }
0x82: {  	v3 =	vor.u32 v3, v4  }
0x83: {  	v4 =	vperm.xlane v3, v0;
	_ =	sdelay $0x1  }
0x84: {  	v3 =	vperm.xlane v3, v2;
	v4 =	vadd.s32 v1, v4;
	_ =	sdelay $0x1  }
0x85: {  	v3 =	vadd.s32 v1, v3;
	_ =	sdelay $0x2  }
0x86: {  	[tilespmem:s31], [sflag:$0x2] =	stream.indirect_vreg.gather [hbm4b:s2+s3], $0x80, v4, vm0, $0xb8;
	[tilespmem:$0x10100] =	vst v63  }
0x87: {  	_ = 	snop  }
0x88: {  	[tilespmem:s1], [sflag:$0x2] =	stream.indirect_vreg.gather [hbm4b:s2+s3], $0x80, v3, vm0, $0xb8;
	[tilespmem:$0x10100] =	vst v63  }
0x89: {  	v3 =	vld [tilespmem:$0x90];
	_ =	sdelay $0x4  }
0x8a: {  	v57 =	vshll.u32 v3, $0x1  }
0x8b: {  	v3 =	vand.u32 $0x7, v3;
	v4 =	vand.u32 $0xFFFFFFF0, v57  }
0x8c: {  	v3 =	vor.u32 v3, v4  }
0x8d: {  	v4 =	vperm.xlane v3, v0;
	_ =	sdelay $0x1  }
0x8e: {  	v3 =	vperm.xlane v3, v2;
	v4 =	vadd.s32 v1, v4;
	_ =	sdelay $0x1  }
0x8f: {  	v3 =	vadd.s32 v1, v3;
	_ =	sdelay $0x2  }
0x90: {  	[tilespmem:s0], [sflag:$0x2] =	stream.indirect_vreg.gather [hbm4b:s2+s3], $0x80, v4, vm0, $0xb8;
	[tilespmem:$0x10100] =	vst v63  }
0x91: {  	_ = 	snop  }
0x92: {  	[tilespmem:s7], [sflag:$0x2] =	stream.indirect_vreg.gather [hbm4b:s2+s3], $0x80, v3, vm0, $0xb8;
	[tilespmem:$0x10100] =	vst v63  }
0x93: {  	v3 =	vld [tilespmem:$0xA0];
	_ =	sdelay $0x4  }
0x94: {  	v58 =	vshll.u32 v3, $0x1  }
0x95: {  	v3 =	vand.u32 $0x7, v3;
	v4 =	vand.u32 $0xFFFFFFF0, v58  }
0x96: {  	v3 =	vor.u32 v3, v4  }
0x97: {  	v4 =	vperm.xlane v3, v0;
	_ =	sdelay $0x1  }
0x98: {  	v3 =	vperm.xlane v3, v2;
	v4 =	vadd.s32 v1, v4;
	_ =	sdelay $0x1  }
0x99: {  	v3 =	vadd.s32 v1, v3;
	_ =	sdelay $0x2  }
0x9a: {  	[tilespmem:s8], [sflag:$0x2] =	stream.indirect_vreg.gather [hbm4b:s2+s3], $0x80, v4, vm0, $0xb8;
	[tilespmem:$0x10100] =	vst v63  }
0x9b: {  	_ = 	snop  }
0x9c: {  	[tilespmem:s5], [sflag:$0x2] =	stream.indirect_vreg.gather [hbm4b:s2+s3], $0x80, v3, vm0, $0xb8;
	[tilespmem:$0x10100] =	vst v63  }
0x9d: {  	v3 =	vld [tilespmem:$0xB0];
	_ =	sdelay $0x4  }
0x9e: {  	v59 =	vshll.u32 v3, $0x1  }
0x9f: {  	v3 =	vand.u32 $0x7, v3;
	v4 =	vand.u32 $0xFFFFFFF0, v59  }
0xa0: {  	v3 =	vor.u32 v3, v4  }
0xa1: {  	v4 =	vperm.xlane v3, v0;
	_ =	sdelay $0x1  }
0xa2: {  	v3 =	vperm.xlane v3, v2;
	v4 =	vadd.s32 v1, v4;
	_ =	sdelay $0x1  }
0xa3: {  	v3 =	vadd.s32 v1, v3;
	_ =	sdelay $0x2  }
0xa4: {  	[tilespmem:s11], [sflag:$0x2] =	stream.indirect_vreg.gather [hbm4b:s2+s3], $0x80, v4, vm0, $0xb8;
	[tilespmem:$0x10100] =	vst v63  }
0xa5: {  	_ = 	snop  }
0xa6: {  	[tilespmem:s14], [sflag:$0x2] =	stream.indirect_vreg.gather [hbm4b:s2+s3], $0x80, v3, vm0, $0xb8;
	[tilespmem:$0x10100] =	vst v63  }
0xa7: {  	v3 =	vld [tilespmem:$0xC0];
	_ =	sdelay $0x4  }
0xa8: {  	v60 =	vshll.u32 v3, $0x1  }
0xa9: {  	v3 =	vand.u32 $0x7, v3;
	v4 =	vand.u32 $0xFFFFFFF0, v60  }
0xaa: {  	v3 =	vor.u32 v3, v4  }
0xab: {  	v4 =	vperm.xlane v3, v0;
	_ =	sdelay $0x1  }
0xac: {  	v3 =	vperm.xlane v3, v2;
	v4 =	vadd.s32 v1, v4;
	_ =	sdelay $0x1  }
0xad: {  	v3 =	vadd.s32 v1, v3;
	_ =	sdelay $0x2  }
0xae: {  	[tilespmem:s15], [sflag:$0x2] =	stream.indirect_vreg.gather [hbm4b:s2+s3], $0x80, v4, vm0, $0xb8;
	[tilespmem:$0x10100] =	vst v63  }
0xaf: {  	_ = 	snop  }
0xb0: {  	[tilespmem:s16], [sflag:$0x2] =	stream.indirect_vreg.gather [hbm4b:s2+s3], $0x80, v3, vm0, $0xb8;
	[tilespmem:$0x10100] =	vst v63  }
0xb1: {  	v3 =	vld [tilespmem:$0xD0];
	_ =	sdelay $0x4  }
0xb2: {  	v61 =	vshll.u32 v3, $0x1  }
0xb3: {  	v3 =	vand.u32 $0x7, v3;
	v4 =	vand.u32 $0xFFFFFFF0, v61  }
0xb4: {  	v3 =	vor.u32 v3, v4  }
0xb5: {  	v4 =	vperm.xlane v3, v0;
	_ =	sdelay $0x1  }
0xb6: {  	v3 =	vperm.xlane v3, v2;
	v4 =	vadd.s32 v1, v4;
	_ =	sdelay $0x1  }
0xb7: {  	v3 =	vadd.s32 v1, v3;
	_ =	sdelay $0x2  }
0xb8: {  	[tilespmem:s17], [sflag:$0x2] =	stream.indirect_vreg.gather [hbm4b:s2+s3], $0x80, v4, vm0, $0xb8;
	[tilespmem:$0x10100] =	vst v63  }
0xb9: {  	_ = 	snop  }
0xba: {  	[tilespmem:s18], [sflag:$0x2] =	stream.indirect_vreg.gather [hbm4b:s2+s3], $0x80, v3, vm0, $0xb8;
	[tilespmem:$0x10100] =	vst v63  }
0xbb: {  	v3 =	vld [tilespmem:$0xE0];
	_ =	sdelay $0x4  }
0xbc: {  	v62 =	vshll.u32 v3, $0x1  }
0xbd: {  	v3 =	vand.u32 $0x7, v3;
	v4 =	vand.u32 $0xFFFFFFF0, v62  }
0xbe: {  	v3 =	vor.u32 v3, v4  }
0xbf: {  	v4 =	vperm.xlane v3, v0;
	_ =	sdelay $0x1  }
0xc0: {  	v3 =	vperm.xlane v3, v2;
	v4 =	vadd.s32 v1, v4;
	_ =	sdelay $0x1  }
0xc1: {  	v3 =	vadd.s32 v1, v3;
	_ =	sdelay $0x2  }
0xc2: {  	[tilespmem:s19], [sflag:$0x2] =	stream.indirect_vreg.gather [hbm4b:s2+s3], $0x80, v4, vm0, $0xb8;
	[tilespmem:$0x10100] =	vst v63  }
0xc3: {  	_ = 	snop  }
0xc4: {  	[tilespmem:s20], [sflag:$0x2] =	stream.indirect_vreg.gather [hbm4b:s2+s3], $0x80, v3, vm0, $0xb8;
	[tilespmem:$0x10100] =	vst v63  }
0xc5: {  	v3 =	vld [tilespmem:$0xF0];
	_ =	sdelay $0x4  }
0xc6: {  	v63 =	vshll.u32 v3, $0x1  }
0xc7: {  	v3 =	vand.u32 $0x7, v3;
	v4 =	vand.u32 $0xFFFFFFF0, v63  }
0xc8: {  	v3 =	vor.u32 v3, v4  }
0xc9: {  	v4 =	vperm.xlane v3, v0;
	_ =	sdelay $0x1  }
0xca: {  	v3 =	vperm.xlane v3, v2;
	v4 =	vadd.s32 v1, v4;
	_ =	sdelay $0x1  }
0xcb: {  	v3 =	vadd.s32 v1, v3;
	_ =	sdelay $0x2  }
0xcc: {  	[tilespmem:s21], [sflag:$0x2] =	stream.indirect_vreg.gather [hbm4b:s2+s3], $0x80, v4, vm0, $0xb8;
	[tilespmem:$0x10100] =	vst v63  }
0xcd: {  	s25 =	simm.s32 $0x0;
	s24 =	rddreg [dreg:$0x6]  }
0xce: {  	[tilespmem:s22], [sflag:$0x2] =	stream.indirect_vreg.gather [hbm4b:s2+s3], $0x80, v3, vm0, $0xb8;
	[tilespmem:$0x10100] =	vst v63  }
.LBB2_2:
0xcf: {  	_ =	swait.ge [sflag:s6], $0x8000  }
0xd0: {  	p0 =	seq.s32 s25, $0x1E000;
	[sflag:s6] =	ssyncset.done $0x0  }
.Ltmp2:
0xd1: {  	s26 =	sadd.s32 s25, s10;
	[sflag:s6] =	ssyncadd.s32 $0xFFFF8000;
	(pc) =	sbr.rel @p0 .LBB2_4-.Ltmp2, $4  }
0xd2: {  	[hbm4b:s26+s3] =	stream.linear.scatter [tilespmem:s13], [sflag:$0x3], $0x8000, $0x38;
	[tilespmem:$0x10100] =	vst v63  }
0xd3: {  	_ =	swait.ge [sflag:s12], $0x8000  }
0xd4: {  	[sflag:s12] =	ssyncset.done $0x0  }
0xd5: {  	[sflag:s12] =	ssyncadd.s32 $0xFFFF8000  }
0xd6: {  	s26 =	sadd.s32 $0xFFFFFC00, s24  }
0xd7: {  	s26 =	sshrl.u32 s26, $0x3  }
0xd8: {  	s26 =	sadd.s32 s4, s26  }
0xd9: {  	[tilespmem:s3], [sflag:$0x3] =	stream.linear.gather [hbm4b:s26+s3], $0x80, $0x38;
	[tilespmem:$0x10100] =	vst v63  }
0xda: {  	_ =	swait.ge [sflag:s12], $0x80  }
0xdb: {  	[sflag:s12] =	ssyncset.done $0x0  }
0xdc: {  	[sflag:s12] =	ssyncadd.s32 $0xFFFFFF80  }
0xdd: {  	v3 =	vld [tilespmem:$0x0];
	_ =	sdelay $0x4  }
0xde: {  	v4 =	vshll.u32 v3, $0x1  }
0xdf: {  	v3 =	vand.u32 $0x7, v3;
	v4 =	vand.u32 $0xFFFFFFF0, v4  }
0xe0: {  	v3 =	vor.u32 v3, v4  }
0xe1: {  	v4 =	vperm.xlane v3, v0;
	_ =	sdelay $0x1  }
0xe2: {  	v3 =	vperm.xlane v3, v2;
	v4 =	vadd.s32 v1, v4;
	_ =	sdelay $0x1  }
0xe3: {  	v3 =	vadd.s32 v1, v3;
	_ =	sdelay $0x2  }
0xe4: {  	[tilespmem:s13], [sflag:$0x1] =	stream.indirect_vreg.gather [hbm4b:s2+s3], $0x80, v4, vm0, $0xb8;
	[tilespmem:$0x10100] =	vst v63  }
0xe5: {  	s26 =	simm.s32 $0x900  }
0xe6: {  	[tilespmem:s26], [sflag:$0x1] =	stream.indirect_vreg.gather [hbm4b:s2+s3], $0x80, v3, vm0, $0xb8;
	[tilespmem:$0x10100] =	vst v63  }
0xe7: {  	v3 =	vld [tilespmem:$0x10];
	_ =	sdelay $0x4  }
0xe8: {  	v57 =	vshll.u32 v3, $0x1  }
0xe9: {  	v3 =	vand.u32 $0x7, v3;
	v4 =	vand.u32 $0xFFFFFFF0, v57  }
0xea: {  	v3 =	vor.u32 v3, v4  }
0xeb: {  	v4 =	vperm.xlane v3, v0;
	_ =	sdelay $0x1  }
0xec: {  	v3 =	vperm.xlane v3, v2;
	v4 =	vadd.s32 v1, v4;
	_ =	sdelay $0x1  }
0xed: {  	v3 =	vadd.s32 v1, v3;
	_ =	sdelay $0x1  }
0xee: {  	s26 =	simm.s32 $0x1100  }
0xef: {  	[tilespmem:s26], [sflag:$0x1] =	stream.indirect_vreg.gather [hbm4b:s2+s3], $0x80, v4, vm0, $0xb8;
	[tilespmem:$0x10100] =	vst v63  }
0xf0: {  	s26 =	simm.s32 $0x1900  }
0xf1: {  	[tilespmem:s26], [sflag:$0x1] =	stream.indirect_vreg.gather [hbm4b:s2+s3], $0x80, v3, vm0, $0xb8;
	[tilespmem:$0x10100] =	vst v63  }
0xf2: {  	v3 =	vld [tilespmem:$0x20];
	_ =	sdelay $0x4  }
0xf3: {  	v58 =	vshll.u32 v3, $0x1  }
0xf4: {  	v3 =	vand.u32 $0x7, v3;
	v4 =	vand.u32 $0xFFFFFFF0, v58  }
0xf5: {  	v3 =	vor.u32 v3, v4  }
0xf6: {  	v4 =	vperm.xlane v3, v0;
	_ =	sdelay $0x1  }
0xf7: {  	v3 =	vperm.xlane v3, v2;
	v4 =	vadd.s32 v1, v4;
	_ =	sdelay $0x1  }
0xf8: {  	v3 =	vadd.s32 v1, v3;
	_ =	sdelay $0x1  }
0xf9: {  	s26 =	simm.s32 $0x2100  }
0xfa: {  	[tilespmem:s26], [sflag:$0x1] =	stream.indirect_vreg.gather [hbm4b:s2+s3], $0x80, v4, vm0, $0xb8;
	[tilespmem:$0x10100] =	vst v63  }
0xfb: {  	s26 =	simm.s32 $0x2900  }
0xfc: {  	[tilespmem:s26], [sflag:$0x1] =	stream.indirect_vreg.gather [hbm4b:s2+s3], $0x80, v3, vm0, $0xb8;
	[tilespmem:$0x10100] =	vst v63  }
0xfd: {  	v3 =	vld [tilespmem:$0x30];
	_ =	sdelay $0x4  }
0xfe: {  	v59 =	vshll.u32 v3, $0x1  }
0xff: {  	v3 =	vand.u32 $0x7, v3;
	v4 =	vand.u32 $0xFFFFFFF0, v59  }
0x100: {  	v3 =	vor.u32 v3, v4  }
0x101: {  	v4 =	vperm.xlane v3, v0;
	_ =	sdelay $0x1  }
0x102: {  	v3 =	vperm.xlane v3, v2;
	v4 =	vadd.s32 v1, v4;
	_ =	sdelay $0x1  }
0x103: {  	v3 =	vadd.s32 v1, v3;
	_ =	sdelay $0x1  }
0x104: {  	s26 =	simm.s32 $0x3100  }
0x105: {  	[tilespmem:s26], [sflag:$0x1] =	stream.indirect_vreg.gather [hbm4b:s2+s3], $0x80, v4, vm0, $0xb8;
	[tilespmem:$0x10100] =	vst v63  }
0x106: {  	s26 =	simm.s32 $0x3900  }
0x107: {  	[tilespmem:s26], [sflag:$0x1] =	stream.indirect_vreg.gather [hbm4b:s2+s3], $0x80, v3, vm0, $0xb8;
	[tilespmem:$0x10100] =	vst v63  }
0x108: {  	v3 =	vld [tilespmem:$0x40];
	_ =	sdelay $0x4  }
0x109: {  	v60 =	vshll.u32 v3, $0x1  }
0x10a: {  	v3 =	vand.u32 $0x7, v3;
	v4 =	vand.u32 $0xFFFFFFF0, v60  }
0x10b: {  	v3 =	vor.u32 v3, v4  }
0x10c: {  	v4 =	vperm.xlane v3, v0;
	_ =	sdelay $0x1  }
0x10d: {  	v3 =	vperm.xlane v3, v2;
	v4 =	vadd.s32 v1, v4;
	_ =	sdelay $0x1  }
0x10e: {  	v3 =	vadd.s32 v1, v3;
	_ =	sdelay $0x1  }
0x10f: {  	s26 =	simm.s32 $0x4100  }
0x110: {  	[tilespmem:s26], [sflag:$0x1] =	stream.indirect_vreg.gather [hbm4b:s2+s3], $0x80, v4, vm0, $0xb8;
	[tilespmem:$0x10100] =	vst v63  }
0x111: {  	s26 =	simm.s32 $0x4900  }
0x112: {  	[tilespmem:s26], [sflag:$0x1] =	stream.indirect_vreg.gather [hbm4b:s2+s3], $0x80, v3, vm0, $0xb8;
	[tilespmem:$0x10100] =	vst v63  }
0x113: {  	v3 =	vld [tilespmem:$0x50];
	_ =	sdelay $0x4  }
0x114: {  	v61 =	vshll.u32 v3, $0x1  }
0x115: {  	v3 =	vand.u32 $0x7, v3;
	v4 =	vand.u32 $0xFFFFFFF0, v61  }
0x116: {  	v3 =	vor.u32 v3, v4  }
0x117: {  	v4 =	vperm.xlane v3, v0;
	_ =	sdelay $0x1  }
0x118: {  	v3 =	vperm.xlane v3, v2;
	v4 =	vadd.s32 v1, v4;
	_ =	sdelay $0x1  }
0x119: {  	v3 =	vadd.s32 v1, v3;
	_ =	sdelay $0x1  }
0x11a: {  	s26 =	simm.s32 $0x5100  }
0x11b: {  	[tilespmem:s26], [sflag:$0x1] =	stream.indirect_vreg.gather [hbm4b:s2+s3], $0x80, v4, vm0, $0xb8;
	[tilespmem:$0x10100] =	vst v63  }
0x11c: {  	s26 =	simm.s32 $0x5900  }
0x11d: {  	[tilespmem:s26], [sflag:$0x1] =	stream.indirect_vreg.gather [hbm4b:s2+s3], $0x80, v3, vm0, $0xb8;
	[tilespmem:$0x10100] =	vst v63  }
0x11e: {  	v3 =	vld [tilespmem:$0x60];
	_ =	sdelay $0x4  }
0x11f: {  	v62 =	vshll.u32 v3, $0x1  }
0x120: {  	v3 =	vand.u32 $0x7, v3;
	v4 =	vand.u32 $0xFFFFFFF0, v62  }
0x121: {  	v3 =	vor.u32 v3, v4  }
0x122: {  	v4 =	vperm.xlane v3, v0;
	_ =	sdelay $0x1  }
0x123: {  	v3 =	vperm.xlane v3, v2;
	v4 =	vadd.s32 v1, v4;
	_ =	sdelay $0x1  }
0x124: {  	v3 =	vadd.s32 v1, v3;
	_ =	sdelay $0x1  }
0x125: {  	s26 =	simm.s32 $0x6100  }
0x126: {  	[tilespmem:s26], [sflag:$0x1] =	stream.indirect_vreg.gather [hbm4b:s2+s3], $0x80, v4, vm0, $0xb8;
	[tilespmem:$0x10100] =	vst v63  }
0x127: {  	s26 =	simm.s32 $0x6900  }
0x128: {  	[tilespmem:s26], [sflag:$0x1] =	stream.indirect_vreg.gather [hbm4b:s2+s3], $0x80, v3, vm0, $0xb8;
	[tilespmem:$0x10100] =	vst v63  }
0x129: {  	v3 =	vld [tilespmem:$0x70];
	_ =	sdelay $0x4  }
0x12a: {  	v63 =	vshll.u32 v3, $0x1  }
0x12b: {  	v3 =	vand.u32 $0x7, v3;
	v4 =	vand.u32 $0xFFFFFFF0, v63  }
0x12c: {  	v3 =	vor.u32 v3, v4  }
0x12d: {  	v4 =	vperm.xlane v3, v0;
	_ =	sdelay $0x1  }
0x12e: {  	v3 =	vperm.xlane v3, v2;
	v4 =	vadd.s32 v1, v4;
	_ =	sdelay $0x1  }
0x12f: {  	v3 =	vadd.s32 v1, v3;
	_ =	sdelay $0x2  }
0x130: {  	[tilespmem:s28], [sflag:$0x1] =	stream.indirect_vreg.gather [hbm4b:s2+s3], $0x80, v4, vm0, $0xb8;
	[tilespmem:$0x10100] =	vst v63  }
0x131: {  	_ = 	snop  }
0x132: {  	[tilespmem:s29], [sflag:$0x1] =	stream.indirect_vreg.gather [hbm4b:s2+s3], $0x80, v3, vm0, $0xb8;
	[tilespmem:$0x10100] =	vst v63  }
.LBB2_4:
0x133: {  	_ =	swait.ge [sflag:s23], $0x8000  }
0x134: {  	[sflag:s23] =	ssyncset.done $0x0  }
.Ltmp3:
0x135: {  	s26 =	sadd.s32 s25, s9;
	[sflag:s23] =	ssyncadd.s32 $0xFFFF8000;
	(pc) =	sbr.rel @p0 .LBB2_6-.Ltmp3, $4  }
0x136: {  	[hbm4b:s26+s3] =	stream.linear.scatter [tilespmem:s31], [sflag:$0x3], $0x8000, $0x38;
	[tilespmem:$0x10100] =	vst v63  }
0x137: {  	_ =	swait.ge [sflag:s12], $0x8000  }
0x138: {  	[sflag:s12] =	ssyncset.done $0x0  }
0x139: {  	[sflag:s12] =	ssyncadd.s32 $0xFFFF8000  }
0x13a: {  	s26 =	sshrl.u32 s24, $0x3  }
0x13b: {  	s26 =	sadd.s32 s4, s26  }
0x13c: {  	[tilespmem:s30], [sflag:$0x3] =	stream.linear.gather [hbm4b:s26+s3], $0x80, $0x38;
	[tilespmem:$0x10100] =	vst v63  }
0x13d: {  	_ =	swait.ge [sflag:s12], $0x80  }
0x13e: {  	[sflag:s12] =	ssyncset.done $0x0  }
0x13f: {  	[sflag:s12] =	ssyncadd.s32 $0xFFFFFF80  }
0x140: {  	v3 =	vld [tilespmem:$0x80];
	_ =	sdelay $0x4  }
0x141: {  	v4 =	vshll.u32 v3, $0x1  }
0x142: {  	v3 =	vand.u32 $0x7, v3;
	v4 =	vand.u32 $0xFFFFFFF0, v4  }
0x143: {  	v3 =	vor.u32 v3, v4  }
0x144: {  	v4 =	vperm.xlane v3, v0;
	_ =	sdelay $0x1  }
0x145: {  	v3 =	vperm.xlane v3, v2;
	v4 =	vadd.s32 v1, v4;
	_ =	sdelay $0x1  }
0x146: {  	v3 =	vadd.s32 v1, v3;
	_ =	sdelay $0x2  }
0x147: {  	[tilespmem:s31], [sflag:$0x2] =	stream.indirect_vreg.gather [hbm4b:s2+s3], $0x80, v4, vm0, $0xb8;
	[tilespmem:$0x10100] =	vst v63  }
0x148: {  	_ = 	snop  }
0x149: {  	[tilespmem:s1], [sflag:$0x2] =	stream.indirect_vreg.gather [hbm4b:s2+s3], $0x80, v3, vm0, $0xb8;
	[tilespmem:$0x10100] =	vst v63  }
0x14a: {  	v3 =	vld [tilespmem:$0x90];
	_ =	sdelay $0x4  }
0x14b: {  	v57 =	vshll.u32 v3, $0x1  }
0x14c: {  	v3 =	vand.u32 $0x7, v3;
	v4 =	vand.u32 $0xFFFFFFF0, v57  }
0x14d: {  	v3 =	vor.u32 v3, v4  }
0x14e: {  	v4 =	vperm.xlane v3, v0;
	_ =	sdelay $0x1  }
0x14f: {  	v3 =	vperm.xlane v3, v2;
	v4 =	vadd.s32 v1, v4;
	_ =	sdelay $0x1  }
0x150: {  	v3 =	vadd.s32 v1, v3;
	_ =	sdelay $0x2  }
0x151: {  	[tilespmem:s0], [sflag:$0x2] =	stream.indirect_vreg.gather [hbm4b:s2+s3], $0x80, v4, vm0, $0xb8;
	[tilespmem:$0x10100] =	vst v63  }
0x152: {  	_ = 	snop  }
0x153: {  	[tilespmem:s7], [sflag:$0x2] =	stream.indirect_vreg.gather [hbm4b:s2+s3], $0x80, v3, vm0, $0xb8;
	[tilespmem:$0x10100] =	vst v63  }
0x154: {  	v3 =	vld [tilespmem:$0xA0];
	_ =	sdelay $0x4  }
0x155: {  	v58 =	vshll.u32 v3, $0x1  }
0x156: {  	v3 =	vand.u32 $0x7, v3;
	v4 =	vand.u32 $0xFFFFFFF0, v58  }
0x157: {  	v3 =	vor.u32 v3, v4  }
0x158: {  	v4 =	vperm.xlane v3, v0;
	_ =	sdelay $0x1  }
0x159: {  	v3 =	vperm.xlane v3, v2;
	v4 =	vadd.s32 v1, v4;
	_ =	sdelay $0x1  }
0x15a: {  	v3 =	vadd.s32 v1, v3;
	_ =	sdelay $0x2  }
0x15b: {  	[tilespmem:s8], [sflag:$0x2] =	stream.indirect_vreg.gather [hbm4b:s2+s3], $0x80, v4, vm0, $0xb8;
	[tilespmem:$0x10100] =	vst v63  }
0x15c: {  	_ = 	snop  }
0x15d: {  	[tilespmem:s5], [sflag:$0x2] =	stream.indirect_vreg.gather [hbm4b:s2+s3], $0x80, v3, vm0, $0xb8;
	[tilespmem:$0x10100] =	vst v63  }
0x15e: {  	v3 =	vld [tilespmem:$0xB0];
	_ =	sdelay $0x4  }
0x15f: {  	v59 =	vshll.u32 v3, $0x1  }
0x160: {  	v3 =	vand.u32 $0x7, v3;
	v4 =	vand.u32 $0xFFFFFFF0, v59  }
0x161: {  	v3 =	vor.u32 v3, v4  }
0x162: {  	v4 =	vperm.xlane v3, v0;
	_ =	sdelay $0x1  }
0x163: {  	v3 =	vperm.xlane v3, v2;
	v4 =	vadd.s32 v1, v4;
	_ =	sdelay $0x1  }
0x164: {  	v3 =	vadd.s32 v1, v3;
	_ =	sdelay $0x2  }
0x165: {  	[tilespmem:s11], [sflag:$0x2] =	stream.indirect_vreg.gather [hbm4b:s2+s3], $0x80, v4, vm0, $0xb8;
	[tilespmem:$0x10100] =	vst v63  }
0x166: {  	_ = 	snop  }
0x167: {  	[tilespmem:s14], [sflag:$0x2] =	stream.indirect_vreg.gather [hbm4b:s2+s3], $0x80, v3, vm0, $0xb8;
	[tilespmem:$0x10100] =	vst v63  }
0x168: {  	v3 =	vld [tilespmem:$0xC0];
	_ =	sdelay $0x4  }
0x169: {  	v60 =	vshll.u32 v3, $0x1  }
0x16a: {  	v3 =	vand.u32 $0x7, v3;
	v4 =	vand.u32 $0xFFFFFFF0, v60  }
0x16b: {  	v3 =	vor.u32 v3, v4  }
0x16c: {  	v4 =	vperm.xlane v3, v0;
	_ =	sdelay $0x1  }
0x16d: {  	v3 =	vperm.xlane v3, v2;
	v4 =	vadd.s32 v1, v4;
	_ =	sdelay $0x1  }
0x16e: {  	v3 =	vadd.s32 v1, v3;
	_ =	sdelay $0x2  }
0x16f: {  	[tilespmem:s15], [sflag:$0x2] =	stream.indirect_vreg.gather [hbm4b:s2+s3], $0x80, v4, vm0, $0xb8;
	[tilespmem:$0x10100] =	vst v63  }
0x170: {  	_ = 	snop  }
0x171: {  	[tilespmem:s16], [sflag:$0x2] =	stream.indirect_vreg.gather [hbm4b:s2+s3], $0x80, v3, vm0, $0xb8;
	[tilespmem:$0x10100] =	vst v63  }
0x172: {  	v3 =	vld [tilespmem:$0xD0];
	_ =	sdelay $0x4  }
0x173: {  	v61 =	vshll.u32 v3, $0x1  }
0x174: {  	v3 =	vand.u32 $0x7, v3;
	v4 =	vand.u32 $0xFFFFFFF0, v61  }
0x175: {  	v3 =	vor.u32 v3, v4  }
0x176: {  	v4 =	vperm.xlane v3, v0;
	_ =	sdelay $0x1  }
0x177: {  	v3 =	vperm.xlane v3, v2;
	v4 =	vadd.s32 v1, v4;
	_ =	sdelay $0x1  }
0x178: {  	v3 =	vadd.s32 v1, v3;
	_ =	sdelay $0x2  }
0x179: {  	[tilespmem:s17], [sflag:$0x2] =	stream.indirect_vreg.gather [hbm4b:s2+s3], $0x80, v4, vm0, $0xb8;
	[tilespmem:$0x10100] =	vst v63  }
0x17a: {  	_ = 	snop  }
0x17b: {  	[tilespmem:s18], [sflag:$0x2] =	stream.indirect_vreg.gather [hbm4b:s2+s3], $0x80, v3, vm0, $0xb8;
	[tilespmem:$0x10100] =	vst v63  }
0x17c: {  	v3 =	vld [tilespmem:$0xE0];
	_ =	sdelay $0x4  }
0x17d: {  	v62 =	vshll.u32 v3, $0x1  }
0x17e: {  	v3 =	vand.u32 $0x7, v3;
	v4 =	vand.u32 $0xFFFFFFF0, v62  }
0x17f: {  	v3 =	vor.u32 v3, v4  }
0x180: {  	v4 =	vperm.xlane v3, v0;
	_ =	sdelay $0x1  }
0x181: {  	v3 =	vperm.xlane v3, v2;
	v4 =	vadd.s32 v1, v4;
	_ =	sdelay $0x1  }
0x182: {  	v3 =	vadd.s32 v1, v3;
	_ =	sdelay $0x2  }
0x183: {  	[tilespmem:s19], [sflag:$0x2] =	stream.indirect_vreg.gather [hbm4b:s2+s3], $0x80, v4, vm0, $0xb8;
	[tilespmem:$0x10100] =	vst v63  }
0x184: {  	_ = 	snop  }
0x185: {  	[tilespmem:s20], [sflag:$0x2] =	stream.indirect_vreg.gather [hbm4b:s2+s3], $0x80, v3, vm0, $0xb8;
	[tilespmem:$0x10100] =	vst v63  }
0x186: {  	v3 =	vld [tilespmem:$0xF0];
	_ =	sdelay $0x4  }
0x187: {  	v63 =	vshll.u32 v3, $0x1  }
0x188: {  	v3 =	vand.u32 $0x7, v3;
	v4 =	vand.u32 $0xFFFFFFF0, v63  }
0x189: {  	v3 =	vor.u32 v3, v4  }
0x18a: {  	v4 =	vperm.xlane v3, v0;
	_ =	sdelay $0x1  }
0x18b: {  	v3 =	vperm.xlane v3, v2;
	v4 =	vadd.s32 v1, v4;
	_ =	sdelay $0x1  }
0x18c: {  	v3 =	vadd.s32 v1, v3  }
.Ltmp4:
0x18d: {  	_ = 	snop;
	(pc) =	sbr.rel .LBB2_2-.Ltmp4, $4  }
0x18e: {  	_ = 	snop  }
0x18f: {  	[tilespmem:s21], [sflag:$0x2] =	stream.indirect_vreg.gather [hbm4b:s2+s3], $0x80, v4, vm0, $0xb8;
	[tilespmem:$0x10100] =	vst v63  }
0x190: {  	s25 =	sadd.s32 $0x2000, s25;
	s24 =	sadd.s32 $0x800, s24  }
0x191: {  	[tilespmem:s22], [sflag:$0x2] =	stream.indirect_vreg.gather [hbm4b:s2+s3], $0x80, v3, vm0, $0xb8;
	[tilespmem:$0x10100] =	vst v63  }
.LBB2_7:
0x192: {  	_ =	sfence.sel $0x180000  }
0x193: {  	[bflag:$0x0] =	sbarrier.arrive $0xFFFF  }
0x194: {  	_ =	strace $0x9000004A  }
0x195: {  	s0 =	stileid.u32;
	[bflag:$0x2] =	sbarrier.arrive $0xFFFF  }
0x196: {  	p0 =	sne.s32 s0, $0x0;
	s0 =	rddreg [dreg:$0x2]  }
0x197: {  	s0 =	sadd.s32 @!p0 $0x100000, s0  }
0x198: {  	[sflag:s0] =	ssyncadd.tile.s32 @!p0 $0x1;
	_ =	shalt  }
.Lfunc_end2:
_tile_overlayer_lowered:
.L_overlay_start_2:
0x199: {  	(tag) =	ssettag $0x2  }
0x19a: {  	s0 =	rddreg [dreg:$0x0];
	s2 =	stileid.u32  }
0x19b: {  	s1 =	rddreg [dreg:$0x1];
	p0 =	sne.s32 s2, $0x0  }
0x19c: {  	s3 =	rddreg [dreg:$0x2];
	[bflag:$0x3] =	sbarrier.arrive $0xFFFF;
	s2 =	simm.s32 @!p0 $0x1C03  }
0x19d: {  	[timem:s3], [sflag:s2] =	dma.local @!p0 [hbm:s0], s1  }
0x19e: {  	s0 =	simm.s32 @!p0 $0x3  }
0x19f: {  	_ =	swait.ge @!p0 [sflag:s0], s1  }
0x1a0: {  	s1 =	ssub.s32 @!p0 $0x0, s1;
	[sflag:s0] =	ssyncset.done @!p0 $0x0  }
0x1a1: {  	[sflag:s0] =	ssyncadd.s32 @!p0 s1  }
0x1a2: {  	[bflag:$0x3] =	sbarrier.arrive $0xFFFF  }
0x1a3: {  	_ =	shalt  }

// kernel: kernel.17.cloned.1.call-start
scs
__scs_entry_jumppad:
0x0: {  	(pc) =	sbr.rel $0x88, $3  }
0x1: {  	(tag) =	ssettag $0x0;
	lr =	simm.s32 $0x1  }
0x2: {  	[smem:$0x3F99] =	sst lr;
	_ =	strace $0xD0000000  }
0x3: {  	_ = 	snop  }
0x4: {  	_ = 	snop  }
0x5: {  	_ = 	snop  }
0x6: {  	_ = 	snop  }
0x7: {  	_ = 	snop  }
__scs_overlays_trampoline_lowered:
0x8: {  	[smem:$0x3FA8] =	sst s0  }
0x9: {  	[smem:$0x3FA9] =	sst s1  }
0xa: {  	[smem:$0x3FAA] =	sst s2  }
0xb: {  	[smem:$0x3FAB] =	sst s3  }
0xc: {  	[smem:$0x3FAC] =	sst s4  }
0xd: {  	[smem:$0x3FAD] =	sst s5  }
0xe: {  	[smem:$0x3FAE] =	sst s6  }
0xf: {  	[smem:$0x3FAF] =	sst s7  }
0x10: {  	[smem:$0x3FB0] =	sst s8  }
0x11: {  	[smem:$0x3FB1] =	sst s9;
	s0 =	simm.s32 @!p0 $0x0  }
0x12: {  	s1 =	sld [smem:$0x3F97];
	s0 =	simm.s32 @p0 $0x1  }
0x13: {  	[smem:$0x3FB2] =	sst s0;
	s0 =	simm.s32 @!p1 $0x0  }
0x14: {  	s2 =	sld [smem:$0x3F96];
	s0 =	simm.s32 @p1 $0x1  }
0x15: {  	[smem:$0x3FB3] =	sst s0;
	s0 =	simm.s32 @!p2 $0x0  }
0x16: {  	s3 =	sld [smem:$0x3FDB];
	s0 =	simm.s32 @p2 $0x1  }
0x17: {  	s4 =	simm.s32 $0x1BF5;
	[smem:$0x3FB5] =	sst s0  }
0x18: {  	s0 =	sld [smem:$0x3F98];
	_ =	swait.ge [sflag:s4], $0x0  }
0x19: {  	s7 =	sld [smem:$0x3F99]  }
0x1a: {  	s8 =	sadd.s32 $0xFFFFE003, lr  }
0x1b: {  	s9 =	sadd.s32 $0xFFFFFEF7, lr;
	s5 =	simm.s32 $0xFFFFFFFF;
	p2 =	slt.u32 s8, $0xFFFFF086  }
0x1c: {  	p1 =	slt.u32 s9, $0xF7A;
	s5 =	simm.s32 @!p2 $0x0  }
0x1d: {  	s5 =	simm.s32 @p1 $0x1;
	p0 =	seq.s32 s7, s2  }
0x1e: {  	s7 =	smul.u32 @!p0 $0xF7A, s2;
	p2 =	seq.s32 @!p0 s5, $0x0  }
0x1f: {  	s9 =	smul.u32 $0xF7A, s1;
	s8 =	simm.s32 @!p0 $0x1BF5;
	p2 =	por !p2, p0  }
0x20: {  	[sflag:s8] =	ssyncset.s32 @!p0 $0xFFFFF086;
	s6 =	sadd.s32 @!p0 s3, s7;
	s7 =	simm.s32 @!p0 $0x108  }
0x21: {  	s3 =	sadd.s32 s3, s9;
	s6 =	sadd.s32 @!p0 $0x88, s6;
	s7 =	simm.s32 @p2 $0x1082  }
0x22: {  	[simem:s7], [sflag:s8] =	dma.local @!p0 [hbm:s6], $0xF7A  }
0x23: {  	s9 =	sor.u32 $0xD0000000, s2;
	s6 =	simm.s32 $0x108;
	_ =	swait.ge @!p0 [sflag:s8], $0x0  }
0x24: {  	s3 =	sadd.s32 $0x88, s3;
	s6 =	simm.s32 @!p1 $0x1082;
	[sflag:s4] =	ssyncset.s32 $0xFFFFF086  }
0x25: {  	[simem:s6], [sflag:s4] =	dma.local [hbm:s3], $0xF7A  }
0x26: {  	[smem:$0x3F99] =	sst s1;
	(tag) =	ssettag s2;
	_ =	strace s9  }
0x27: {  	s1 =	sld [smem:$0x3FA9]  }
0x28: {  	s2 =	sld [smem:$0x3FAA]  }
0x29: {  	s4 =	sld [smem:$0x3FAC]  }
0x2a: {  	p0 =	seq.s32 s5, $0x0;
	s5 =	sld [smem:$0x3FAD]  }
0x2b: {  	s6 =	sld [smem:$0x3FAE]  }
0x2c: {  	s7 =	sld [smem:$0x3FAF]  }
0x2d: {  	s3 =	simm.s32 $0x108;
	s8 =	sld [smem:$0x3FB0]  }
0x2e: {  	s3 =	simm.s32 @!p0 $0x1082;
	s9 =	sld [smem:$0x3FB1]  }
0x2f: {  	lr =	sadd.s32 s0, s3;
	s0 =	sld [smem:$0x3FA8]  }
0x30: {  	s3 =	sld [smem:$0x3FAB]  }
0x31: {  	[smem:$0x3FB4] =	sst s10  }
0x32: {  	s10 =	sld [smem:$0x3FB2];
	_ =	sdelay $0x3  }
0x33: {  	p0 =	seq.s32 s10, $0x1;
	s10 =	sld [smem:$0x3FB4];
	_ =	sdelay $0x3  }
0x34: {  	[smem:$0x3FB4] =	sst s10  }
0x35: {  	s10 =	sld [smem:$0x3FB3];
	_ =	sdelay $0x3  }
0x36: {  	p1 =	seq.s32 s10, $0x1;
	s10 =	sld [smem:$0x3FB4];
	_ =	sdelay $0x3  }
0x37: {  	[smem:$0x3FB4] =	sst s10  }
0x38: {  	s10 =	sld [smem:$0x3FB5]  }
0x39: {  	_ = 	snop;
	(pc) =	sbr.ind lr, $3  }
0x3a: {  	_ = 	snop  }
0x3b: {  	_ = 	snop  }
0x3c: {  	p2 =	seq.s32 s10, $0x1;
	s10 =	sld [smem:$0x3FB4]  }
0x3d: {  	_ =	shalt  }
0x3e: {  	_ =	shalt  }
0x3f: {  	_ =	shalt  }
0x40: {  	_ =	shalt  }
0x41: {  	_ =	shalt  }
0x42: {  	_ =	shalt  }
0x43: {  	_ =	shalt  }
0x44: {  	_ =	shalt  }
0x45: {  	_ =	shalt  }
0x46: {  	_ =	shalt  }
0x47: {  	_ =	shalt  }
0x48: {  	_ =	shalt  }
0x49: {  	_ =	shalt  }
0x4a: {  	_ =	shalt  }
0x4b: {  	_ =	shalt  }
0x4c: {  	_ =	shalt  }
0x4d: {  	_ =	shalt  }
0x4e: {  	_ =	shalt  }
0x4f: {  	_ =	shalt  }
0x50: {  	_ =	shalt  }
0x51: {  	_ =	shalt  }
0x52: {  	_ =	shalt  }
0x53: {  	_ =	shalt  }
0x54: {  	_ =	shalt  }
0x55: {  	_ =	shalt  }
0x56: {  	_ =	shalt  }
0x57: {  	_ =	shalt  }
0x58: {  	_ =	shalt  }
0x59: {  	_ =	shalt  }
0x5a: {  	_ =	shalt  }
0x5b: {  	_ =	shalt  }
0x5c: {  	_ =	shalt  }
0x5d: {  	_ =	shalt  }
0x5e: {  	_ =	shalt  }
0x5f: {  	_ =	shalt  }
0x60: {  	_ =	shalt  }
0x61: {  	_ =	shalt  }
0x62: {  	_ =	shalt  }
0x63: {  	_ =	shalt  }
0x64: {  	_ =	shalt  }
0x65: {  	_ =	shalt  }
0x66: {  	_ =	shalt  }
0x67: {  	_ =	shalt  }
0x68: {  	_ =	shalt  }
0x69: {  	_ =	shalt  }
0x6a: {  	_ =	shalt  }
0x6b: {  	_ =	shalt  }
0x6c: {  	_ =	shalt  }
0x6d: {  	_ =	shalt  }
0x6e: {  	_ =	shalt  }
0x6f: {  	_ =	shalt  }
0x70: {  	_ =	shalt  }
0x71: {  	_ =	shalt  }
0x72: {  	_ =	shalt  }
0x73: {  	_ =	shalt  }
0x74: {  	_ =	shalt  }
0x75: {  	_ =	shalt  }
0x76: {  	_ =	shalt  }
0x77: {  	_ =	shalt  }
0x78: {  	_ =	shalt  }
0x79: {  	_ =	shalt  }
0x7a: {  	_ =	shalt  }
0x7b: {  	_ =	shalt  }
0x7c: {  	_ =	shalt  }
0x7d: {  	_ =	shalt  }
0x7e: {  	_ =	shalt  }
0x7f: {  	_ =	shalt  }
0x80: {  	_ =	shalt  }
0x81: {  	_ =	shalt  }
0x82: {  	_ =	shalt  }
0x83: {  	_ =	shalt  }
0x84: {  	_ =	shalt  }
0x85: {  	_ =	shalt  }
0x86: {  	_ =	shalt  }
0x87: {  	_ =	shalt  }
.Lfunc_end0:
.L_simem_size_0:
called_computation.2_lowered:
.L_overlay_start_0:
0x88: {  	s2 =	sld [smem:$0x3FD9]  }
0x89: {  	s3 =	sld [smem:$0x3FFE];
	_ =	sdelay $0x1  }
0x8a: {  	s1 =	srdreg.scid  }
0x8b: {  	s0 =	sand.u32 $0x1, s1  }
0x8c: {  	s17 =	sshll.u32 s0, $0xA;
	s2 =	sadd.s32 s3, s2  }
0x8d: {  	s2 =	sadd.s32 s2, s17  }
0x8e: {  	[smem:$0x3FC0] =	sst s2  }
0x8f: {  	_ = 	snop  }
0x90: {  	s2 =	sld [smem:$0x3FD0];
	(tm) =	ssettm $0x1  }
0x91: {  	s18 =	sld [smem:$0x3FFB];
	_ =	sdelay $0x3  }
0x92: {  	_ =	strace s18  }
0x93: {  	s3 =	sld [smem:$0x3FFC];
	_ =	sdelay $0x3  }
0x94: {  	_ =	strace s3  }
0x95: {  	s3 =	sld [smem:$0x3FFD];
	_ =	sdelay $0x3  }
0x96: {  	_ =	strace s3  }
0x97: {  	_ =	strace $0x8FFFFFFF  }
0x98: {  	s19 =	sld [smem:$0x3FDB];
	_ =	sdelay $0x1  }
0x99: {  	s4 =	simm.s32 $_scs_section_size  }
0x9a: {  	s5 =	simm.s32 $_size__tile_overlayer_lowered;
	s6 =	simm.s32 $_tile_overlayer_lowered  }
0x9b: {  	s22 =	simm.s32 $0x1BFF;
	s21 =	sshll.u32 s6, $0x1;
	s3 =	sadd.s32 s4, s19  }
0x9c: {  	s7 =	simm.s32 $0x0;
	s20 =	sshll.u32 s5, $0x1;
	s5 =	sadd.s32 s21, s3  }
0x9d: {  	[timem:s7], [sflag:s22] =	dma.local [hbm:s5], s20  }
0x9e: {  	_ =	swait.ge [sflag:s22], s20  }
0x9f: {  	s4 =	ssub.s32 $0x0, s20;
	[sflag:s22] =	ssyncset.done $0x0  }
0xa0: {  	[sflag:s22] =	ssyncadd.s32 s4;
	_ =	sdelay $0x1  }
0xa1: {  	s23 =	simm.s32 $0x1B8B  }
0xa2: {  	_ =	swait.ge [sflag:s23], $0x1  }
0xa3: {  	[sflag:s23] =	ssyncset.done $0x0  }
0xa4: {  	s25 =	simm.s32 $0x1B8E;
	s24 =	sld [smem:$0x3FFE];
	[sflag:s23] =	ssyncadd.s32 $0xFFFFFFFF  }
0xa5: {  	s26 =	simm.s32 $execute0_lowered;
	[smem:$0x3FD2] =	sst s25  }
0xa6: {  	s5 =	sshll.u32 s26, $0x1;
	_ =	strace $0x8000004C;
	[dreg:$0x1] =	wrdreg $0xFFFFFFFF  }
0xa7: {  	s28 =	simm.s32 $_size_execute0_lowered;
	s3 =	sadd.s32 s3, s5;
	[dreg:$0x0] =	wrdreg $0x0  }
0xa8: {  	s5 =	sshll.u32 s28, $0x1;
	[dreg:$0x2] =	wrdreg s3  }
0xa9: {  	[dreg:$0x3] =	wrdreg s5  }
0xaa: {  	[dreg:$0x4] =	wrdreg $0xC0  }
0xab: {  	_ =	task [dreg:s7], $0x5FFFF  }
0xac: {  	[dreg:$0x1] =	wrdreg $0xFFFFFFFF  }
0xad: {  	[dreg:$0x0] =	wrdreg $0x60  }
0xae: {  	[dreg:$0x2] =	wrdreg s2  }
0xaf: {  	[dreg:$0x3] =	wrdreg s24  }
0xb0: {  	[dreg:$0x4] =	wrdreg $0x9  }
0xb1: {  	_ =	task.clear_ibuf [dreg:s7], $0x5FFFF;
	_ =	strace $0x9000004C  }
0xb2: {  	s29 =	simm.s32 $0x9;
	_ =	strace $0x8000004E  }
0xb3: {  	_ =	swait.ge [sflag:s29], $0x1  }
0xb4: {  	[sflag:s29] =	ssyncadd.s32 $0xFFFFFFFF  }
0xb5: {  	_ =	strace $0x9000004E  }
0xb6: {  	_ =	sfence  }
0xb7: {  	s30 =	sld [smem:$0x0];
	_ =	sdelay $0x2  }
0xb8: {  	s31 =	sshll.u32 s1, $0xD;
	s1 =	sshrl.u32 s1, $0x2  }
0xb9: {  	s3 =	sand.u32 $0x4000, s31;
	s1 =	sadd.s32 s1, s30  }
0xba: {  	s0 =	sor.u32 s3, s0;
	s1 =	sshll.u32 s1, $0x11  }
0xbb: {  	s0 =	sor.u32 s1, s0  }
0xbc: {  	s0 =	sadd.s32 $0x8F2B, s0  }
0xbd: {  	[sflag:s0] =	ssyncadd.remote.s32 $0x1  }
0xbe: {  	_ =	sfence.sel $0xFFFF  }
0xbf: {  	[dreg:$0x0] =	wrdreg $0xFFFFFFFF;
	(pc) =	sbr.abs _section_cstart, $3  }
0xc0: {  	[dreg:$0x1] =	wrdreg $0xFFFFFFFF  }
0xc1: {  	_ =	task.clear_ibuf [dreg:s7], $0x2FFFF;
	_ =	strace $0x9FFFFFFF  }
0xc2: {  	(tm) =	ssettm $0x7FFFFFFF  }
0xc3: {  	_ =	shalt  }
tec
execute0_lowered:
.L_overlay_start_1:
0x0: {  	(tag) =	ssettag $0x1  }
0x1: {  	s0 =	srdreg.scid;
	s2 =	rddreg [dreg:$0x0]  }
0x2: {  	s5 =	stileid.u32;
	s21 =	rddreg [dreg:$0x1]  }
0x3: {  	s4 =	simm.s32 $0x1;
	s3 =	simm.s32 $0x0;
	s12 =	simm.s32 $0x3  }
0x4: {  	s13 =	simm.s32 $0x100;
	s28 =	simm.s32 $0x7100;
	s29 =	simm.s32 $0x7900  }
0x5: {  	s30 =	simm.s32 $0x80;
	s31 =	simm.s32 $0x8100;
	s11 =	simm.s32 $0xB100  }
0x6: {  	s14 =	simm.s32 $0xB900;
	s15 =	simm.s32 $0xC100;
	s16 =	simm.s32 $0xC900  }
0x7: {  	s17 =	simm.s32 $0xD100;
	s18 =	simm.s32 $0xD900;
	s0 =	sand.u32 $0x1, s0  }
0x8: {  	s19 =	simm.s32 $0xE100;
	s20 =	simm.s32 $0xE900;
	s1 =	sor.u32 s0, s5  }
0x9: {  	[smem:$0x7FF] =	sst s3;
	p1 =	seq.s32 s0, $0x1;
	p0 =	seq.s32 s1, $0x0  }
0xa: {  	_ =	strace $0x8000004D;
	s8 =	sshll.u32 s0, $0xF;
	p0 =	por !p0, !p1  }
0xb: {  	s9 =	ssub.s32 $0x2, s0;
	s0 =	sshll.u32 s0, $0x14;
	p0 =	por !p0, !p0  }
0xc: {  	s1 =	sadd.s32 $0x8600, s21;
	s22 =	sshrl.u32 s9, $0x1;
	s4 =	simm.s32 @!p0 $0x0  }
0xd: {  	s5 =	ssub.s32 s5, s4;
	s4 =	sadd.s32 $0x4600, s21;
	s21 =	simm.s32 $0xF100  }
0xe: {  	s6 =	sshll.u32 s5, $0xD;
	s7 =	sshll.u32 s5, $0x7;
	s5 =	sshll.u32 s5, $0x15  }
0xf: {  	s6 =	sand.u32 $0xFFFF0000, s6;
	s7 =	sand.u32 $0x380, s7;
	s0 =	sor.u32 s0, s5  }
0x10: {  	s6 =	sor.u32 s8, s6;
	s8 =	ssub.s32 s9, s22;
	s25 =	sor.u32 $0x8000, s0  }
0x11: {  	s0 =	sshrl.u32 s0, $0x3;
	s22 =	simm.s32 $0xF900;
	s7 =	sor.u32 s7, s6  }
0x12: {  	s8 =	smax.u32 s8, $0x1;
	s5 =	sshrl.u32 s25, $0x3;
	s10 =	sadd.s32 s0, s1  }
0x13: {  	s0 =	simm.s32 $0x9100;
	s25 =	simm.s32 $0x0;
	s6 =	sshrl.u32 s7, $0x3  }
.Ltmp0:
0x14: {  	[dreg:$0x5] =	wrdreg s8;
	s9 =	sadd.s32 s5, s1;
	(pc) =	sbr.rel .LBB2_1-.Ltmp0, $4  }
0x15: {  	s26 =	sor.u32 $0xC00, s7;
	s1 =	simm.s32 $0x8900;
	s7 =	simm.s32 $0x9900  }
0x16: {  	v2 =	vlaneseq.u32;
	s8 =	simm.s32 $0xA100;
	s23 =	sadd.s32 s4, s6;
	[dreg:$0x6] =	wrdreg s26  }
0x17: {  	vm0 =	vmmov $0xffff;
	v1 =	vshrl.u32 v2, $0x3;
	s5 =	simm.s32 $0xA900;
	[dreg:$0x3] =	wrdreg s23;
	s24 =	sadd.s32 $0x80, s23  }
0x18: {  	v0 =	vand.u32 $0x7, v2;
	v2 =	vor.u32 $0x8, v2;
	v1 =	vmul.u32 $0x8, v1;
	s6 =	simm.s32 $0x1;
	s23 =	simm.s32 $0x2;
	[dreg:$0x4] =	wrdreg s24  }
.LBB2_6:
0x19: {  	s25 =	rddreg [dreg:$0x7]  }
0x1a: {  	s24 =	rddreg [dreg:$0x5];
	s25 =	sadd.s32 $0x1, s25  }
0x1b: {  	p0 =	sne.s32 s25, s24  }
.Ltmp1:
0x1c: {  	_ = 	snop;
	(pc) =	sbr.rel @!p0 .LBB2_7-.Ltmp1, $1  }
0x1d: {  	_ =	sdelay $0x3  }
.LBB2_1:
0x1e: {  	[dreg:$0x7] =	wrdreg s25  }
0x1f: {  	s24 =	rddreg [dreg:$0x3]  }
0x20: {  	[tilespmem:s3], [sflag:$0x3] =	stream.linear.gather [hbm4b:s24+s3], $0x80, $0x38;
	[tilespmem:$0x10100] =	vst v63  }
0x21: {  	_ =	swait.ge [sflag:s12], $0x80  }
0x22: {  	[sflag:s12] =	ssyncset.done $0x0  }
0x23: {  	[sflag:s12] =	ssyncadd.s32 $0xFFFFFF80  }
0x24: {  	v3 =	vld [tilespmem:$0x0];
	_ =	sdelay $0x4  }
0x25: {  	v4 =	vshll.u32 v3, $0x1  }
0x26: {  	v3 =	vand.u32 $0x7, v3;
	v4 =	vand.u32 $0xFFFFFFF0, v4  }
0x27: {  	v3 =	vor.u32 v3, v4  }
0x28: {  	v4 =	vperm.xlane v3, v0;
	_ =	sdelay $0x1  }
0x29: {  	v3 =	vperm.xlane v3, v2;
	v4 =	vadd.s32 v1, v4;
	_ =	sdelay $0x1  }
0x2a: {  	v3 =	vadd.s32 v1, v3;
	_ =	sdelay $0x2  }
0x2b: {  	[tilespmem:s13], [sflag:$0x1] =	stream.indirect_vreg.gather [hbm4b:s2+s3], $0x80, v4, vm0, $0xb8;
	[tilespmem:$0x10100] =	vst v63  }
0x2c: {  	s25 =	simm.s32 $0x900  }
0x2d: {  	[tilespmem:s25], [sflag:$0x1] =	stream.indirect_vreg.gather [hbm4b:s2+s3], $0x80, v3, vm0, $0xb8;
	[tilespmem:$0x10100] =	vst v63  }
0x2e: {  	v3 =	vld [tilespmem:$0x10];
	_ =	sdelay $0x4  }
0x2f: {  	v49 =	vshll.u32 v3, $0x1  }
0x30: {  	v3 =	vand.u32 $0x7, v3;
	v4 =	vand.u32 $0xFFFFFFF0, v49  }
0x31: {  	v3 =	vor.u32 v3, v4  }
0x32: {  	v4 =	vperm.xlane v3, v0;
	_ =	sdelay $0x1  }
0x33: {  	v3 =	vperm.xlane v3, v2;
	v4 =	vadd.s32 v1, v4;
	_ =	sdelay $0x1  }
0x34: {  	v3 =	vadd.s32 v1, v3;
	_ =	sdelay $0x1  }
0x35: {  	s26 =	simm.s32 $0x1100  }
0x36: {  	[tilespmem:s26], [sflag:$0x1] =	stream.indirect_vreg.gather [hbm4b:s2+s3], $0x80, v4, vm0, $0xb8;
	[tilespmem:$0x10100] =	vst v63  }
0x37: {  	s25 =	simm.s32 $0x1900  }
0x38: {  	[tilespmem:s25], [sflag:$0x1] =	stream.indirect_vreg.gather [hbm4b:s2+s3], $0x80, v3, vm0, $0xb8;
	[tilespmem:$0x10100] =	vst v63  }
0x39: {  	v3 =	vld [tilespmem:$0x20];
	_ =	sdelay $0x4  }
0x3a: {  	v50 =	vshll.u32 v3, $0x1  }
0x3b: {  	v3 =	vand.u32 $0x7, v3;
	v4 =	vand.u32 $0xFFFFFFF0, v50  }
0x3c: {  	v3 =	vor.u32 v3, v4  }
0x3d: {  	v4 =	vperm.xlane v3, v0;
	_ =	sdelay $0x1  }
0x3e: {  	v3 =	vperm.xlane v3, v2;
	v4 =	vadd.s32 v1, v4;
	_ =	sdelay $0x1  }
0x3f: {  	v3 =	vadd.s32 v1, v3;
	_ =	sdelay $0x1  }
0x40: {  	s26 =	simm.s32 $0x2100  }
0x41: {  	[tilespmem:s26], [sflag:$0x1] =	stream.indirect_vreg.gather [hbm4b:s2+s3], $0x80, v4, vm0, $0xb8;
	[tilespmem:$0x10100] =	vst v63  }
0x42: {  	s25 =	simm.s32 $0x2900  }
0x43: {  	[tilespmem:s25], [sflag:$0x1] =	stream.indirect_vreg.gather [hbm4b:s2+s3], $0x80, v3, vm0, $0xb8;
	[tilespmem:$0x10100] =	vst v63  }
0x44: {  	v3 =	vld [tilespmem:$0x30];
	_ =	sdelay $0x4  }
0x45: {  	v51 =	vshll.u32 v3, $0x1  }
0x46: {  	v3 =	vand.u32 $0x7, v3;
	v4 =	vand.u32 $0xFFFFFFF0, v51  }
0x47: {  	v3 =	vor.u32 v3, v4  }
0x48: {  	v4 =	vperm.xlane v3, v0;
	_ =	sdelay $0x1  }
0x49: {  	v3 =	vperm.xlane v3, v2;
	v4 =	vadd.s32 v1, v4;
	_ =	sdelay $0x1  }
0x4a: {  	v3 =	vadd.s32 v1, v3;
	_ =	sdelay $0x1  }
0x4b: {  	s26 =	simm.s32 $0x3100  }
0x4c: {  	[tilespmem:s26], [sflag:$0x1] =	stream.indirect_vreg.gather [hbm4b:s2+s3], $0x80, v4, vm0, $0xb8;
	[tilespmem:$0x10100] =	vst v63  }
0x4d: {  	s25 =	simm.s32 $0x3900  }
0x4e: {  	[tilespmem:s25], [sflag:$0x1] =	stream.indirect_vreg.gather [hbm4b:s2+s3], $0x80, v3, vm0, $0xb8;
	[tilespmem:$0x10100] =	vst v63  }
0x4f: {  	v3 =	vld [tilespmem:$0x40];
	_ =	sdelay $0x4  }
0x50: {  	v52 =	vshll.u32 v3, $0x1  }
0x51: {  	v3 =	vand.u32 $0x7, v3;
	v4 =	vand.u32 $0xFFFFFFF0, v52  }
0x52: {  	v3 =	vor.u32 v3, v4  }
0x53: {  	v4 =	vperm.xlane v3, v0;
	_ =	sdelay $0x1  }
0x54: {  	v3 =	vperm.xlane v3, v2;
	v4 =	vadd.s32 v1, v4;
	_ =	sdelay $0x1  }
0x55: {  	v3 =	vadd.s32 v1, v3;
	_ =	sdelay $0x1  }
0x56: {  	s26 =	simm.s32 $0x4100  }
0x57: {  	[tilespmem:s26], [sflag:$0x1] =	stream.indirect_vreg.gather [hbm4b:s2+s3], $0x80, v4, vm0, $0xb8;
	[tilespmem:$0x10100] =	vst v63  }
0x58: {  	s25 =	simm.s32 $0x4900  }
0x59: {  	[tilespmem:s25], [sflag:$0x1] =	stream.indirect_vreg.gather [hbm4b:s2+s3], $0x80, v3, vm0, $0xb8;
	[tilespmem:$0x10100] =	vst v63  }
0x5a: {  	v3 =	vld [tilespmem:$0x50];
	_ =	sdelay $0x4  }
0x5b: {  	v53 =	vshll.u32 v3, $0x1  }
0x5c: {  	v3 =	vand.u32 $0x7, v3;
	v4 =	vand.u32 $0xFFFFFFF0, v53  }
0x5d: {  	v3 =	vor.u32 v3, v4  }
0x5e: {  	v4 =	vperm.xlane v3, v0;
	_ =	sdelay $0x1  }
0x5f: {  	v3 =	vperm.xlane v3, v2;
	v4 =	vadd.s32 v1, v4;
	_ =	sdelay $0x1  }
0x60: {  	v3 =	vadd.s32 v1, v3;
	_ =	sdelay $0x1  }
0x61: {  	s26 =	simm.s32 $0x5100  }
0x62: {  	[tilespmem:s26], [sflag:$0x1] =	stream.indirect_vreg.gather [hbm4b:s2+s3], $0x80, v4, vm0, $0xb8;
	[tilespmem:$0x10100] =	vst v63  }
0x63: {  	s25 =	simm.s32 $0x5900  }
0x64: {  	[tilespmem:s25], [sflag:$0x1] =	stream.indirect_vreg.gather [hbm4b:s2+s3], $0x80, v3, vm0, $0xb8;
	[tilespmem:$0x10100] =	vst v63  }
0x65: {  	v3 =	vld [tilespmem:$0x60];
	_ =	sdelay $0x4  }
0x66: {  	v54 =	vshll.u32 v3, $0x1  }
0x67: {  	v3 =	vand.u32 $0x7, v3;
	v4 =	vand.u32 $0xFFFFFFF0, v54  }
0x68: {  	v3 =	vor.u32 v3, v4  }
0x69: {  	v4 =	vperm.xlane v3, v0;
	_ =	sdelay $0x1  }
0x6a: {  	v3 =	vperm.xlane v3, v2;
	v4 =	vadd.s32 v1, v4;
	_ =	sdelay $0x1  }
0x6b: {  	v3 =	vadd.s32 v1, v3;
	_ =	sdelay $0x1  }
0x6c: {  	s26 =	simm.s32 $0x6100  }
0x6d: {  	[tilespmem:s26], [sflag:$0x1] =	stream.indirect_vreg.gather [hbm4b:s2+s3], $0x80, v4, vm0, $0xb8;
	[tilespmem:$0x10100] =	vst v63  }
0x6e: {  	s25 =	simm.s32 $0x6900  }
0x6f: {  	[tilespmem:s25], [sflag:$0x1] =	stream.indirect_vreg.gather [hbm4b:s2+s3], $0x80, v3, vm0, $0xb8;
	[tilespmem:$0x10100] =	vst v63  }
0x70: {  	v3 =	vld [tilespmem:$0x70];
	_ =	sdelay $0x4  }
0x71: {  	v55 =	vshll.u32 v3, $0x1  }
0x72: {  	v3 =	vand.u32 $0x7, v3;
	v4 =	vand.u32 $0xFFFFFFF0, v55  }
0x73: {  	v3 =	vor.u32 v3, v4  }
0x74: {  	v4 =	vperm.xlane v3, v0;
	_ =	sdelay $0x1  }
0x75: {  	v3 =	vperm.xlane v3, v2;
	v4 =	vadd.s32 v1, v4;
	_ =	sdelay $0x1  }
0x76: {  	v3 =	vadd.s32 v1, v3;
	_ =	sdelay $0x2  }
0x77: {  	[tilespmem:s28], [sflag:$0x1] =	stream.indirect_vreg.gather [hbm4b:s2+s3], $0x80, v4, vm0, $0xb8;
	[tilespmem:$0x10100] =	vst v63  }
0x78: {  	_ = 	snop  }
0x79: {  	[tilespmem:s29], [sflag:$0x1] =	stream.indirect_vreg.gather [hbm4b:s2+s3], $0x80, v3, vm0, $0xb8;
	[tilespmem:$0x10100] =	vst v63  }
0x7a: {  	s26 =	rddreg [dreg:$0x4]  }
0x7b: {  	[tilespmem:s30], [sflag:$0x3] =	stream.linear.gather [hbm4b:s26+s3], $0x80, $0x38;
	[tilespmem:$0x10100] =	vst v63  }
0x7c: {  	_ =	swait.ge [sflag:s12], $0x80  }
0x7d: {  	[sflag:s12] =	ssyncset.done $0x0  }
0x7e: {  	[sflag:s12] =	ssyncadd.s32 $0xFFFFFF80  }
0x7f: {  	v3 =	vld [tilespmem:$0x80];
	_ =	sdelay $0x4  }
0x80: {  	v56 =	vshll.u32 v3, $0x1  }
0x81: {  	v3 =	vand.u32 $0x7, v3;
	v4 =	vand.u32 $0xFFFFFFF0, v56  }
0x82: {  	v3 =	vor.u32 v3, v4  }
0x83: {  	v4 =	vperm.xlane v3, v0;
	_ =	sdelay $0x1  }
0x84: {  	v3 =	vperm.xlane v3, v2;
	v4 =	vadd.s32 v1, v4;
	_ =	sdelay $0x1  }
0x85: {  	v3 =	vadd.s32 v1, v3;
	_ =	sdelay $0x2  }
0x86: {  	[tilespmem:s31], [sflag:$0x2] =	stream.indirect_vreg.gather [hbm4b:s2+s3], $0x80, v4, vm0, $0xb8;
	[tilespmem:$0x10100] =	vst v63  }
0x87: {  	_ = 	snop  }
0x88: {  	[tilespmem:s1], [sflag:$0x2] =	stream.indirect_vreg.gather [hbm4b:s2+s3], $0x80, v3, vm0, $0xb8;
	[tilespmem:$0x10100] =	vst v63  }
0x89: {  	v3 =	vld [tilespmem:$0x90];
	_ =	sdelay $0x4  }
0x8a: {  	v57 =	vshll.u32 v3, $0x1  }
0x8b: {  	v3 =	vand.u32 $0x7, v3;
	v4 =	vand.u32 $0xFFFFFFF0, v57  }
0x8c: {  	v3 =	vor.u32 v3, v4  }
0x8d: {  	v4 =	vperm.xlane v3, v0;
	_ =	sdelay $0x1  }
0x8e: {  	v3 =	vperm.xlane v3, v2;
	v4 =	vadd.s32 v1, v4;
	_ =	sdelay $0x1  }
0x8f: {  	v3 =	vadd.s32 v1, v3;
	_ =	sdelay $0x2  }
0x90: {  	[tilespmem:s0], [sflag:$0x2] =	stream.indirect_vreg.gather [hbm4b:s2+s3], $0x80, v4, vm0, $0xb8;
	[tilespmem:$0x10100] =	vst v63  }
0x91: {  	_ = 	snop  }
0x92: {  	[tilespmem:s7], [sflag:$0x2] =	stream.indirect_vreg.gather [hbm4b:s2+s3], $0x80, v3, vm0, $0xb8;
	[tilespmem:$0x10100] =	vst v63  }
0x93: {  	v3 =	vld [tilespmem:$0xA0];
	_ =	sdelay $0x4  }
0x94: {  	v58 =	vshll.u32 v3, $0x1  }
0x95: {  	v3 =	vand.u32 $0x7, v3;
	v4 =	vand.u32 $0xFFFFFFF0, v58  }
0x96: {  	v3 =	vor.u32 v3, v4  }
0x97: {  	v4 =	vperm.xlane v3, v0;
	_ =	sdelay $0x1  }
0x98: {  	v3 =	vperm.xlane v3, v2;
	v4 =	vadd.s32 v1, v4;
	_ =	sdelay $0x1  }
0x99: {  	v3 =	vadd.s32 v1, v3;
	_ =	sdelay $0x2  }
0x9a: {  	[tilespmem:s8], [sflag:$0x2] =	stream.indirect_vreg.gather [hbm4b:s2+s3], $0x80, v4, vm0, $0xb8;
	[tilespmem:$0x10100] =	vst v63  }
0x9b: {  	_ = 	snop  }
0x9c: {  	[tilespmem:s5], [sflag:$0x2] =	stream.indirect_vreg.gather [hbm4b:s2+s3], $0x80, v3, vm0, $0xb8;
	[tilespmem:$0x10100] =	vst v63  }
0x9d: {  	v3 =	vld [tilespmem:$0xB0];
	_ =	sdelay $0x4  }
0x9e: {  	v59 =	vshll.u32 v3, $0x1  }
0x9f: {  	v3 =	vand.u32 $0x7, v3;
	v4 =	vand.u32 $0xFFFFFFF0, v59  }
0xa0: {  	v3 =	vor.u32 v3, v4  }
0xa1: {  	v4 =	vperm.xlane v3, v0;
	_ =	sdelay $0x1  }
0xa2: {  	v3 =	vperm.xlane v3, v2;
	v4 =	vadd.s32 v1, v4;
	_ =	sdelay $0x1  }
0xa3: {  	v3 =	vadd.s32 v1, v3;
	_ =	sdelay $0x2  }
0xa4: {  	[tilespmem:s11], [sflag:$0x2] =	stream.indirect_vreg.gather [hbm4b:s2+s3], $0x80, v4, vm0, $0xb8;
	[tilespmem:$0x10100] =	vst v63  }
0xa5: {  	_ = 	snop  }
0xa6: {  	[tilespmem:s14], [sflag:$0x2] =	stream.indirect_vreg.gather [hbm4b:s2+s3], $0x80, v3, vm0, $0xb8;
	[tilespmem:$0x10100] =	vst v63  }
0xa7: {  	v3 =	vld [tilespmem:$0xC0];
	_ =	sdelay $0x4  }
0xa8: {  	v60 =	vshll.u32 v3, $0x1  }
0xa9: {  	v3 =	vand.u32 $0x7, v3;
	v4 =	vand.u32 $0xFFFFFFF0, v60  }
0xaa: {  	v3 =	vor.u32 v3, v4  }
0xab: {  	v4 =	vperm.xlane v3, v0;
	_ =	sdelay $0x1  }
0xac: {  	v3 =	vperm.xlane v3, v2;
	v4 =	vadd.s32 v1, v4;
	_ =	sdelay $0x1  }
0xad: {  	v3 =	vadd.s32 v1, v3;
	_ =	sdelay $0x2  }
0xae: {  	[tilespmem:s15], [sflag:$0x2] =	stream.indirect_vreg.gather [hbm4b:s2+s3], $0x80, v4, vm0, $0xb8;
	[tilespmem:$0x10100] =	vst v63  }
0xaf: {  	_ = 	snop  }
0xb0: {  	[tilespmem:s16], [sflag:$0x2] =	stream.indirect_vreg.gather [hbm4b:s2+s3], $0x80, v3, vm0, $0xb8;
	[tilespmem:$0x10100] =	vst v63  }
0xb1: {  	v3 =	vld [tilespmem:$0xD0];
	_ =	sdelay $0x4  }
0xb2: {  	v61 =	vshll.u32 v3, $0x1  }
0xb3: {  	v3 =	vand.u32 $0x7, v3;
	v4 =	vand.u32 $0xFFFFFFF0, v61  }
0xb4: {  	v3 =	vor.u32 v3, v4  }
0xb5: {  	v4 =	vperm.xlane v3, v0;
	_ =	sdelay $0x1  }
0xb6: {  	v3 =	vperm.xlane v3, v2;
	v4 =	vadd.s32 v1, v4;
	_ =	sdelay $0x1  }
0xb7: {  	v3 =	vadd.s32 v1, v3;
	_ =	sdelay $0x2  }
0xb8: {  	[tilespmem:s17], [sflag:$0x2] =	stream.indirect_vreg.gather [hbm4b:s2+s3], $0x80, v4, vm0, $0xb8;
	[tilespmem:$0x10100] =	vst v63  }
0xb9: {  	_ = 	snop  }
0xba: {  	[tilespmem:s18], [sflag:$0x2] =	stream.indirect_vreg.gather [hbm4b:s2+s3], $0x80, v3, vm0, $0xb8;
	[tilespmem:$0x10100] =	vst v63  }
0xbb: {  	v3 =	vld [tilespmem:$0xE0];
	_ =	sdelay $0x4  }
0xbc: {  	v62 =	vshll.u32 v3, $0x1  }
0xbd: {  	v3 =	vand.u32 $0x7, v3;
	v4 =	vand.u32 $0xFFFFFFF0, v62  }
0xbe: {  	v3 =	vor.u32 v3, v4  }
0xbf: {  	v4 =	vperm.xlane v3, v0;
	_ =	sdelay $0x1  }
0xc0: {  	v3 =	vperm.xlane v3, v2;
	v4 =	vadd.s32 v1, v4;
	_ =	sdelay $0x1  }
0xc1: {  	v3 =	vadd.s32 v1, v3;
	_ =	sdelay $0x2  }
0xc2: {  	[tilespmem:s19], [sflag:$0x2] =	stream.indirect_vreg.gather [hbm4b:s2+s3], $0x80, v4, vm0, $0xb8;
	[tilespmem:$0x10100] =	vst v63  }
0xc3: {  	_ = 	snop  }
0xc4: {  	[tilespmem:s20], [sflag:$0x2] =	stream.indirect_vreg.gather [hbm4b:s2+s3], $0x80, v3, vm0, $0xb8;
	[tilespmem:$0x10100] =	vst v63  }
0xc5: {  	v3 =	vld [tilespmem:$0xF0];
	_ =	sdelay $0x4  }
0xc6: {  	v63 =	vshll.u32 v3, $0x1  }
0xc7: {  	v3 =	vand.u32 $0x7, v3;
	v4 =	vand.u32 $0xFFFFFFF0, v63  }
0xc8: {  	v3 =	vor.u32 v3, v4  }
0xc9: {  	v4 =	vperm.xlane v3, v0;
	_ =	sdelay $0x1  }
0xca: {  	v3 =	vperm.xlane v3, v2;
	v4 =	vadd.s32 v1, v4;
	_ =	sdelay $0x1  }
0xcb: {  	v3 =	vadd.s32 v1, v3;
	_ =	sdelay $0x2  }
0xcc: {  	[tilespmem:s21], [sflag:$0x2] =	stream.indirect_vreg.gather [hbm4b:s2+s3], $0x80, v4, vm0, $0xb8;
	[tilespmem:$0x10100] =	vst v63  }
0xcd: {  	s25 =	simm.s32 $0x0;
	s24 =	rddreg [dreg:$0x6]  }
0xce: {  	[tilespmem:s22], [sflag:$0x2] =	stream.indirect_vreg.gather [hbm4b:s2+s3], $0x80, v3, vm0, $0xb8;
	[tilespmem:$0x10100] =	vst v63  }
.LBB2_2:
0xcf: {  	_ =	swait.ge [sflag:s6], $0x8000  }
0xd0: {  	p0 =	seq.s32 s25, $0x1E000;
	[sflag:s6] =	ssyncset.done $0x0  }
.Ltmp2:
0xd1: {  	s26 =	sadd.s32 s25, s10;
	[sflag:s6] =	ssyncadd.s32 $0xFFFF8000;
	(pc) =	sbr.rel @p0 .LBB2_4-.Ltmp2, $4  }
0xd2: {  	[hbm4b:s26+s3] =	stream.linear.scatter [tilespmem:s13], [sflag:$0x3], $0x8000, $0x38;
	[tilespmem:$0x10100] =	vst v63  }
0xd3: {  	_ =	swait.ge [sflag:s12], $0x8000  }
0xd4: {  	[sflag:s12] =	ssyncset.done $0x0  }
0xd5: {  	[sflag:s12] =	ssyncadd.s32 $0xFFFF8000  }
0xd6: {  	s26 =	sadd.s32 $0xFFFFFC00, s24  }
0xd7: {  	s26 =	sshrl.u32 s26, $0x3  }
0xd8: {  	s26 =	sadd.s32 s4, s26  }
0xd9: {  	[tilespmem:s3], [sflag:$0x3] =	stream.linear.gather [hbm4b:s26+s3], $0x80, $0x38;
	[tilespmem:$0x10100] =	vst v63  }
0xda: {  	_ =	swait.ge [sflag:s12], $0x80  }
0xdb: {  	[sflag:s12] =	ssyncset.done $0x0  }
0xdc: {  	[sflag:s12] =	ssyncadd.s32 $0xFFFFFF80  }
0xdd: {  	v3 =	vld [tilespmem:$0x0];
	_ =	sdelay $0x4  }
0xde: {  	v4 =	vshll.u32 v3, $0x1  }
0xdf: {  	v3 =	vand.u32 $0x7, v3;
	v4 =	vand.u32 $0xFFFFFFF0, v4  }
0xe0: {  	v3 =	vor.u32 v3, v4  }
0xe1: {  	v4 =	vperm.xlane v3, v0;
	_ =	sdelay $0x1  }
0xe2: {  	v3 =	vperm.xlane v3, v2;
	v4 =	vadd.s32 v1, v4;
	_ =	sdelay $0x1  }
0xe3: {  	v3 =	vadd.s32 v1, v3;
	_ =	sdelay $0x2  }
0xe4: {  	[tilespmem:s13], [sflag:$0x1] =	stream.indirect_vreg.gather [hbm4b:s2+s3], $0x80, v4, vm0, $0xb8;
	[tilespmem:$0x10100] =	vst v63  }
0xe5: {  	s26 =	simm.s32 $0x900  }
0xe6: {  	[tilespmem:s26], [sflag:$0x1] =	stream.indirect_vreg.gather [hbm4b:s2+s3], $0x80, v3, vm0, $0xb8;
	[tilespmem:$0x10100] =	vst v63  }
0xe7: {  	v3 =	vld [tilespmem:$0x10];
	_ =	sdelay $0x4  }
0xe8: {  	v57 =	vshll.u32 v3, $0x1  }
0xe9: {  	v3 =	vand.u32 $0x7, v3;
	v4 =	vand.u32 $0xFFFFFFF0, v57  }
0xea: {  	v3 =	vor.u32 v3, v4  }
0xeb: {  	v4 =	vperm.xlane v3, v0;
	_ =	sdelay $0x1  }
0xec: {  	v3 =	vperm.xlane v3, v2;
	v4 =	vadd.s32 v1, v4;
	_ =	sdelay $0x1  }
0xed: {  	v3 =	vadd.s32 v1, v3;
	_ =	sdelay $0x1  }
0xee: {  	s26 =	simm.s32 $0x1100  }
0xef: {  	[tilespmem:s26], [sflag:$0x1] =	stream.indirect_vreg.gather [hbm4b:s2+s3], $0x80, v4, vm0, $0xb8;
	[tilespmem:$0x10100] =	vst v63  }
0xf0: {  	s26 =	simm.s32 $0x1900  }
0xf1: {  	[tilespmem:s26], [sflag:$0x1] =	stream.indirect_vreg.gather [hbm4b:s2+s3], $0x80, v3, vm0, $0xb8;
	[tilespmem:$0x10100] =	vst v63  }
0xf2: {  	v3 =	vld [tilespmem:$0x20];
	_ =	sdelay $0x4  }
0xf3: {  	v58 =	vshll.u32 v3, $0x1  }
0xf4: {  	v3 =	vand.u32 $0x7, v3;
	v4 =	vand.u32 $0xFFFFFFF0, v58  }
0xf5: {  	v3 =	vor.u32 v3, v4  }
0xf6: {  	v4 =	vperm.xlane v3, v0;
	_ =	sdelay $0x1  }
0xf7: {  	v3 =	vperm.xlane v3, v2;
	v4 =	vadd.s32 v1, v4;
	_ =	sdelay $0x1  }
0xf8: {  	v3 =	vadd.s32 v1, v3;
	_ =	sdelay $0x1  }
0xf9: {  	s26 =	simm.s32 $0x2100  }
0xfa: {  	[tilespmem:s26], [sflag:$0x1] =	stream.indirect_vreg.gather [hbm4b:s2+s3], $0x80, v4, vm0, $0xb8;
	[tilespmem:$0x10100] =	vst v63  }
0xfb: {  	s26 =	simm.s32 $0x2900  }
0xfc: {  	[tilespmem:s26], [sflag:$0x1] =	stream.indirect_vreg.gather [hbm4b:s2+s3], $0x80, v3, vm0, $0xb8;
	[tilespmem:$0x10100] =	vst v63  }
0xfd: {  	v3 =	vld [tilespmem:$0x30];
	_ =	sdelay $0x4  }
0xfe: {  	v59 =	vshll.u32 v3, $0x1  }
0xff: {  	v3 =	vand.u32 $0x7, v3;
	v4 =	vand.u32 $0xFFFFFFF0, v59  }
0x100: {  	v3 =	vor.u32 v3, v4  }
0x101: {  	v4 =	vperm.xlane v3, v0;
	_ =	sdelay $0x1  }
0x102: {  	v3 =	vperm.xlane v3, v2;
	v4 =	vadd.s32 v1, v4;
	_ =	sdelay $0x1  }
0x103: {  	v3 =	vadd.s32 v1, v3;
	_ =	sdelay $0x1  }
0x104: {  	s26 =	simm.s32 $0x3100  }
0x105: {  	[tilespmem:s26], [sflag:$0x1] =	stream.indirect_vreg.gather [hbm4b:s2+s3], $0x80, v4, vm0, $0xb8;
	[tilespmem:$0x10100] =	vst v63  }
0x106: {  	s26 =	simm.s32 $0x3900  }
0x107: {  	[tilespmem:s26], [sflag:$0x1] =	stream.indirect_vreg.gather [hbm4b:s2+s3], $0x80, v3, vm0, $0xb8;
	[tilespmem:$0x10100] =	vst v63  }
0x108: {  	v3 =	vld [tilespmem:$0x40];
	_ =	sdelay $0x4  }
0x109: {  	v60 =	vshll.u32 v3, $0x1  }
0x10a: {  	v3 =	vand.u32 $0x7, v3;
	v4 =	vand.u32 $0xFFFFFFF0, v60  }
0x10b: {  	v3 =	vor.u32 v3, v4  }
0x10c: {  	v4 =	vperm.xlane v3, v0;
	_ =	sdelay $0x1  }
0x10d: {  	v3 =	vperm.xlane v3, v2;
	v4 =	vadd.s32 v1, v4;
	_ =	sdelay $0x1  }
0x10e: {  	v3 =	vadd.s32 v1, v3;
	_ =	sdelay $0x1  }
0x10f: {  	s26 =	simm.s32 $0x4100  }
0x110: {  	[tilespmem:s26], [sflag:$0x1] =	stream.indirect_vreg.gather [hbm4b:s2+s3], $0x80, v4, vm0, $0xb8;
	[tilespmem:$0x10100] =	vst v63  }
0x111: {  	s26 =	simm.s32 $0x4900  }
0x112: {  	[tilespmem:s26], [sflag:$0x1] =	stream.indirect_vreg.gather [hbm4b:s2+s3], $0x80, v3, vm0, $0xb8;
	[tilespmem:$0x10100] =	vst v63  }
0x113: {  	v3 =	vld [tilespmem:$0x50];
	_ =	sdelay $0x4  }
0x114: {  	v61 =	vshll.u32 v3, $0x1  }
0x115: {  	v3 =	vand.u32 $0x7, v3;
	v4 =	vand.u32 $0xFFFFFFF0, v61  }
0x116: {  	v3 =	vor.u32 v3, v4  }
0x117: {  	v4 =	vperm.xlane v3, v0;
	_ =	sdelay $0x1  }
0x118: {  	v3 =	vperm.xlane v3, v2;
	v4 =	vadd.s32 v1, v4;
	_ =	sdelay $0x1  }
0x119: {  	v3 =	vadd.s32 v1, v3;
	_ =	sdelay $0x1  }
0x11a: {  	s26 =	simm.s32 $0x5100  }
0x11b: {  	[tilespmem:s26], [sflag:$0x1] =	stream.indirect_vreg.gather [hbm4b:s2+s3], $0x80, v4, vm0, $0xb8;
	[tilespmem:$0x10100] =	vst v63  }
0x11c: {  	s26 =	simm.s32 $0x5900  }
0x11d: {  	[tilespmem:s26], [sflag:$0x1] =	stream.indirect_vreg.gather [hbm4b:s2+s3], $0x80, v3, vm0, $0xb8;
	[tilespmem:$0x10100] =	vst v63  }
0x11e: {  	v3 =	vld [tilespmem:$0x60];
	_ =	sdelay $0x4  }
0x11f: {  	v62 =	vshll.u32 v3, $0x1  }
0x120: {  	v3 =	vand.u32 $0x7, v3;
	v4 =	vand.u32 $0xFFFFFFF0, v62  }
0x121: {  	v3 =	vor.u32 v3, v4  }
0x122: {  	v4 =	vperm.xlane v3, v0;
	_ =	sdelay $0x1  }
0x123: {  	v3 =	vperm.xlane v3, v2;
	v4 =	vadd.s32 v1, v4;
	_ =	sdelay $0x1  }
0x124: {  	v3 =	vadd.s32 v1, v3;
	_ =	sdelay $0x1  }
0x125: {  	s26 =	simm.s32 $0x6100  }
0x126: {  	[tilespmem:s26], [sflag:$0x1] =	stream.indirect_vreg.gather [hbm4b:s2+s3], $0x80, v4, vm0, $0xb8;
	[tilespmem:$0x10100] =	vst v63  }
0x127: {  	s26 =	simm.s32 $0x6900  }
0x128: {  	[tilespmem:s26], [sflag:$0x1] =	stream.indirect_vreg.gather [hbm4b:s2+s3], $0x80, v3, vm0, $0xb8;
	[tilespmem:$0x10100] =	vst v63  }
0x129: {  	v3 =	vld [tilespmem:$0x70];
	_ =	sdelay $0x4  }
0x12a: {  	v63 =	vshll.u32 v3, $0x1  }
0x12b: {  	v3 =	vand.u32 $0x7, v3;
	v4 =	vand.u32 $0xFFFFFFF0, v63  }
0x12c: {  	v3 =	vor.u32 v3, v4  }
0x12d: {  	v4 =	vperm.xlane v3, v0;
	_ =	sdelay $0x1  }
0x12e: {  	v3 =	vperm.xlane v3, v2;
	v4 =	vadd.s32 v1, v4;
	_ =	sdelay $0x1  }
0x12f: {  	v3 =	vadd.s32 v1, v3;
	_ =	sdelay $0x2  }
0x130: {  	[tilespmem:s28], [sflag:$0x1] =	stream.indirect_vreg.gather [hbm4b:s2+s3], $0x80, v4, vm0, $0xb8;
	[tilespmem:$0x10100] =	vst v63  }
0x131: {  	_ = 	snop  }
0x132: {  	[tilespmem:s29], [sflag:$0x1] =	stream.indirect_vreg.gather [hbm4b:s2+s3], $0x80, v3, vm0, $0xb8;
	[tilespmem:$0x10100] =	vst v63  }
.LBB2_4:
0x133: {  	_ =	swait.ge [sflag:s23], $0x8000  }
0x134: {  	[sflag:s23] =	ssyncset.done $0x0  }
.Ltmp3:
0x135: {  	s26 =	sadd.s32 s25, s9;
	[sflag:s23] =	ssyncadd.s32 $0xFFFF8000;
	(pc) =	sbr.rel @p0 .LBB2_6-.Ltmp3, $4  }
0x136: {  	[hbm4b:s26+s3] =	stream.linear.scatter [tilespmem:s31], [sflag:$0x3], $0x8000, $0x38;
	[tilespmem:$0x10100] =	vst v63  }
0x137: {  	_ =	swait.ge [sflag:s12], $0x8000  }
0x138: {  	[sflag:s12] =	ssyncset.done $0x0  }
0x139: {  	[sflag:s12] =	ssyncadd.s32 $0xFFFF8000  }
0x13a: {  	s26 =	sshrl.u32 s24, $0x3  }
0x13b: {  	s26 =	sadd.s32 s4, s26  }
0x13c: {  	[tilespmem:s30], [sflag:$0x3] =	stream.linear.gather [hbm4b:s26+s3], $0x80, $0x38;
	[tilespmem:$0x10100] =	vst v63  }
0x13d: {  	_ =	swait.ge [sflag:s12], $0x80  }
0x13e: {  	[sflag:s12] =	ssyncset.done $0x0  }
0x13f: {  	[sflag:s12] =	ssyncadd.s32 $0xFFFFFF80  }
0x140: {  	v3 =	vld [tilespmem:$0x80];
	_ =	sdelay $0x4  }
0x141: {  	v4 =	vshll.u32 v3, $0x1  }
0x142: {  	v3 =	vand.u32 $0x7, v3;
	v4 =	vand.u32 $0xFFFFFFF0, v4  }
0x143: {  	v3 =	vor.u32 v3, v4  }
0x144: {  	v4 =	vperm.xlane v3, v0;
	_ =	sdelay $0x1  }
0x145: {  	v3 =	vperm.xlane v3, v2;
	v4 =	vadd.s32 v1, v4;
	_ =	sdelay $0x1  }
0x146: {  	v3 =	vadd.s32 v1, v3;
	_ =	sdelay $0x2  }
0x147: {  	[tilespmem:s31], [sflag:$0x2] =	stream.indirect_vreg.gather [hbm4b:s2+s3], $0x80, v4, vm0, $0xb8;
	[tilespmem:$0x10100] =	vst v63  }
0x148: {  	_ = 	snop  }
0x149: {  	[tilespmem:s1], [sflag:$0x2] =	stream.indirect_vreg.gather [hbm4b:s2+s3], $0x80, v3, vm0, $0xb8;
	[tilespmem:$0x10100] =	vst v63  }
0x14a: {  	v3 =	vld [tilespmem:$0x90];
	_ =	sdelay $0x4  }
0x14b: {  	v57 =	vshll.u32 v3, $0x1  }
0x14c: {  	v3 =	vand.u32 $0x7, v3;
	v4 =	vand.u32 $0xFFFFFFF0, v57  }
0x14d: {  	v3 =	vor.u32 v3, v4  }
0x14e: {  	v4 =	vperm.xlane v3, v0;
	_ =	sdelay $0x1  }
0x14f: {  	v3 =	vperm.xlane v3, v2;
	v4 =	vadd.s32 v1, v4;
	_ =	sdelay $0x1  }
0x150: {  	v3 =	vadd.s32 v1, v3;
	_ =	sdelay $0x2  }
0x151: {  	[tilespmem:s0], [sflag:$0x2] =	stream.indirect_vreg.gather [hbm4b:s2+s3], $0x80, v4, vm0, $0xb8;
	[tilespmem:$0x10100] =	vst v63  }
0x152: {  	_ = 	snop  }
0x153: {  	[tilespmem:s7], [sflag:$0x2] =	stream.indirect_vreg.gather [hbm4b:s2+s3], $0x80, v3, vm0, $0xb8;
	[tilespmem:$0x10100] =	vst v63  }
0x154: {  	v3 =	vld [tilespmem:$0xA0];
	_ =	sdelay $0x4  }
0x155: {  	v58 =	vshll.u32 v3, $0x1  }
0x156: {  	v3 =	vand.u32 $0x7, v3;
	v4 =	vand.u32 $0xFFFFFFF0, v58  }
0x157: {  	v3 =	vor.u32 v3, v4  }
0x158: {  	v4 =	vperm.xlane v3, v0;
	_ =	sdelay $0x1  }
0x159: {  	v3 =	vperm.xlane v3, v2;
	v4 =	vadd.s32 v1, v4;
	_ =	sdelay $0x1  }
0x15a: {  	v3 =	vadd.s32 v1, v3;
	_ =	sdelay $0x2  }
0x15b: {  	[tilespmem:s8], [sflag:$0x2] =	stream.indirect_vreg.gather [hbm4b:s2+s3], $0x80, v4, vm0, $0xb8;
	[tilespmem:$0x10100] =	vst v63  }
0x15c: {  	_ = 	snop  }
0x15d: {  	[tilespmem:s5], [sflag:$0x2] =	stream.indirect_vreg.gather [hbm4b:s2+s3], $0x80, v3, vm0, $0xb8;
	[tilespmem:$0x10100] =	vst v63  }
0x15e: {  	v3 =	vld [tilespmem:$0xB0];
	_ =	sdelay $0x4  }
0x15f: {  	v59 =	vshll.u32 v3, $0x1  }
0x160: {  	v3 =	vand.u32 $0x7, v3;
	v4 =	vand.u32 $0xFFFFFFF0, v59  }
0x161: {  	v3 =	vor.u32 v3, v4  }
0x162: {  	v4 =	vperm.xlane v3, v0;
	_ =	sdelay $0x1  }
0x163: {  	v3 =	vperm.xlane v3, v2;
	v4 =	vadd.s32 v1, v4;
	_ =	sdelay $0x1  }
0x164: {  	v3 =	vadd.s32 v1, v3;
	_ =	sdelay $0x2  }
0x165: {  	[tilespmem:s11], [sflag:$0x2] =	stream.indirect_vreg.gather [hbm4b:s2+s3], $0x80, v4, vm0, $0xb8;
	[tilespmem:$0x10100] =	vst v63  }
0x166: {  	_ = 	snop  }
0x167: {  	[tilespmem:s14], [sflag:$0x2] =	stream.indirect_vreg.gather [hbm4b:s2+s3], $0x80, v3, vm0, $0xb8;
	[tilespmem:$0x10100] =	vst v63  }
0x168: {  	v3 =	vld [tilespmem:$0xC0];
	_ =	sdelay $0x4  }
0x169: {  	v60 =	vshll.u32 v3, $0x1  }
0x16a: {  	v3 =	vand.u32 $0x7, v3;
	v4 =	vand.u32 $0xFFFFFFF0, v60  }
0x16b: {  	v3 =	vor.u32 v3, v4  }
0x16c: {  	v4 =	vperm.xlane v3, v0;
	_ =	sdelay $0x1  }
0x16d: {  	v3 =	vperm.xlane v3, v2;
	v4 =	vadd.s32 v1, v4;
	_ =	sdelay $0x1  }
0x16e: {  	v3 =	vadd.s32 v1, v3;
	_ =	sdelay $0x2  }
0x16f: {  	[tilespmem:s15], [sflag:$0x2] =	stream.indirect_vreg.gather [hbm4b:s2+s3], $0x80, v4, vm0, $0xb8;
	[tilespmem:$0x10100] =	vst v63  }
0x170: {  	_ = 	snop  }
0x171: {  	[tilespmem:s16], [sflag:$0x2] =	stream.indirect_vreg.gather [hbm4b:s2+s3], $0x80, v3, vm0, $0xb8;
	[tilespmem:$0x10100] =	vst v63  }
0x172: {  	v3 =	vld [tilespmem:$0xD0];
	_ =	sdelay $0x4  }
0x173: {  	v61 =	vshll.u32 v3, $0x1  }
0x174: {  	v3 =	vand.u32 $0x7, v3;
	v4 =	vand.u32 $0xFFFFFFF0, v61  }
0x175: {  	v3 =	vor.u32 v3, v4  }
0x176: {  	v4 =	vperm.xlane v3, v0;
	_ =	sdelay $0x1  }
0x177: {  	v3 =	vperm.xlane v3, v2;
	v4 =	vadd.s32 v1, v4;
	_ =	sdelay $0x1  }
0x178: {  	v3 =	vadd.s32 v1, v3;
	_ =	sdelay $0x2  }
0x179: {  	[tilespmem:s17], [sflag:$0x2] =	stream.indirect_vreg.gather [hbm4b:s2+s3], $0x80, v4, vm0, $0xb8;
	[tilespmem:$0x10100] =	vst v63  }
0x17a: {  	_ = 	snop  }
0x17b: {  	[tilespmem:s18], [sflag:$0x2] =	stream.indirect_vreg.gather [hbm4b:s2+s3], $0x80, v3, vm0, $0xb8;
	[tilespmem:$0x10100] =	vst v63  }
0x17c: {  	v3 =	vld [tilespmem:$0xE0];
	_ =	sdelay $0x4  }
0x17d: {  	v62 =	vshll.u32 v3, $0x1  }
0x17e: {  	v3 =	vand.u32 $0x7, v3;
	v4 =	vand.u32 $0xFFFFFFF0, v62  }
0x17f: {  	v3 =	vor.u32 v3, v4  }
0x180: {  	v4 =	vperm.xlane v3, v0;
	_ =	sdelay $0x1  }
0x181: {  	v3 =	vperm.xlane v3, v2;
	v4 =	vadd.s32 v1, v4;
	_ =	sdelay $0x1  }
0x182: {  	v3 =	vadd.s32 v1, v3;
	_ =	sdelay $0x2  }
0x183: {  	[tilespmem:s19], [sflag:$0x2] =	stream.indirect_vreg.gather [hbm4b:s2+s3], $0x80, v4, vm0, $0xb8;
	[tilespmem:$0x10100] =	vst v63  }
0x184: {  	_ = 	snop  }
0x185: {  	[tilespmem:s20], [sflag:$0x2] =	stream.indirect_vreg.gather [hbm4b:s2+s3], $0x80, v3, vm0, $0xb8;
	[tilespmem:$0x10100] =	vst v63  }
0x186: {  	v3 =	vld [tilespmem:$0xF0];
	_ =	sdelay $0x4  }
0x187: {  	v63 =	vshll.u32 v3, $0x1  }
0x188: {  	v3 =	vand.u32 $0x7, v3;
	v4 =	vand.u32 $0xFFFFFFF0, v63  }
0x189: {  	v3 =	vor.u32 v3, v4  }
0x18a: {  	v4 =	vperm.xlane v3, v0;
	_ =	sdelay $0x1  }
0x18b: {  	v3 =	vperm.xlane v3, v2;
	v4 =	vadd.s32 v1, v4;
	_ =	sdelay $0x1  }
0x18c: {  	v3 =	vadd.s32 v1, v3  }
.Ltmp4:
0x18d: {  	_ = 	snop;
	(pc) =	sbr.rel .LBB2_2-.Ltmp4, $4  }
0x18e: {  	_ = 	snop  }
0x18f: {  	[tilespmem:s21], [sflag:$0x2] =	stream.indirect_vreg.gather [hbm4b:s2+s3], $0x80, v4, vm0, $0xb8;
	[tilespmem:$0x10100] =	vst v63  }
0x190: {  	s25 =	sadd.s32 $0x2000, s25;
	s24 =	sadd.s32 $0x800, s24  }
0x191: {  	[tilespmem:s22], [sflag:$0x2] =	stream.indirect_vreg.gather [hbm4b:s2+s3], $0x80, v3, vm0, $0xb8;
	[tilespmem:$0x10100] =	vst v63  }
.LBB2_7:
0x192: {  	_ =	sfence.sel $0x180000  }
0x193: {  	[bflag:$0x0] =	sbarrier.arrive $0xFFFF  }
0x194: {  	_ =	strace $0x9000004D  }
0x195: {  	s0 =	stileid.u32;
	[bflag:$0x2] =	sbarrier.arrive $0xFFFF  }
0x196: {  	p0 =	sne.s32 s0, $0x0;
	s0 =	rddreg [dreg:$0x2]  }
0x197: {  	s0 =	sadd.s32 @!p0 $0x100000, s0  }
0x198: {  	[sflag:s0] =	ssyncadd.tile.s32 @!p0 $0x1;
	_ =	shalt  }
.Lfunc_end2:
_tile_overlayer_lowered:
.L_overlay_start_2:
0x199: {  	(tag) =	ssettag $0x2  }
0x19a: {  	s0 =	rddreg [dreg:$0x0];
	s2 =	stileid.u32  }
0x19b: {  	s1 =	rddreg [dreg:$0x1];
	p0 =	sne.s32 s2, $0x0  }
0x19c: {  	s3 =	rddreg [dreg:$0x2];
	[bflag:$0x3] =	sbarrier.arrive $0xFFFF;
	s2 =	simm.s32 @!p0 $0x1C03  }
0x19d: {  	[timem:s3], [sflag:s2] =	dma.local @!p0 [hbm:s0], s1  }
0x19e: {  	s0 =	simm.s32 @!p0 $0x3  }
0x19f: {  	_ =	swait.ge @!p0 [sflag:s0], s1  }
0x1a0: {  	s1 =	ssub.s32 @!p0 $0x0, s1;
	[sflag:s0] =	ssyncset.done @!p0 $0x0  }
0x1a1: {  	[sflag:s0] =	ssyncadd.s32 @!p0 s1  }
0x1a2: {  	[bflag:$0x3] =	sbarrier.arrive $0xFFFF  }
0x1a3: {  	_ =	shalt  }

</sc_bundles>
